<compile_context>
chip_gen: v7x
topology: tpu7x:2x2x1
jax: 0.10.2.dev20260603
libtpu: 0.0.44.dev20260713+nightly
codegen_flags: <defaults>
</compile_context>

<pallas_src>
import functools

import jax
import jax.numpy as jnp
from jax import lax
from jax.experimental import pallas as pl
from jax.experimental.pallas import tpu as pltpu
from jax.experimental.pallas import tpu_sc as plsc

N = 10000
E = 320000
D = 128
H = 64

NC = 2
NS = 16
NW = NC * NS
EPW = E // NW
CHUNK = 80
NCHUNKS = EPW // CHUNK
NP = 10240
RPT = NP // NS
DW = 8


def _sc_mesh():
    return plsc.VectorSubcoreMesh(core_axis_name="c", subcore_axis_name="s")


NBUF = 5


def _make_edge_scatter(F):

    @functools.partial(
        pl.kernel,
        out_type=jax.ShapeDtypeStruct((NC * NP, F), jnp.float32),
        mesh=_sc_mesh(),
        compiler_params=pltpu.CompilerParams(use_tc_tiling_on_sc=False),
        scratch_types=[
            pltpu.VMEM((NCHUNKS, CHUNK), jnp.int32),
            pltpu.VMEM((NCHUNKS, CHUNK), jnp.int32),
            pltpu.VMEM((RPT, F), jnp.float32),
            pltpu.VMEM_SHARED((NP, F), jnp.float32),
        ] + [pltpu.VMEM((CHUNK, F), jnp.float32)] * NBUF
          + [pltpu.SemaphoreType.DMA] * NBUF,
    )
    def edge_scatter(y, src3, dst3, zeros, out, src_all, dst_all, bounce_v,
                     acc, *bufs_sems):
        bufs = bufs_sems[:NBUF]
        sems = bufs_sems[NBUF:]
        c = lax.axis_index("c")
        s = lax.axis_index("s")
        row0 = s * RPT
        wid = c * NS + s
        pltpu.sync_copy(zeros.at[pl.ds(row0, RPT)], bounce_v)
        pltpu.sync_copy(bounce_v, acc.at[pl.ds(row0, RPT)])
        pltpu.sync_copy(src3.at[wid], src_all)
        pltpu.sync_copy(dst3.at[wid], dst_all)
        plsc.subcore_barrier()

        for b in range(NBUF):
            pltpu.async_copy(y.at[src_all.at[b]], bufs[b], sems[b])

        def outer(j, carry):
            k0 = j * NBUF
            for b in range(NBUF):
                k = k0 + b
                pltpu.make_async_copy(y.at[src_all.at[0]], bufs[b],
                                      sems[b]).wait()
                pltpu.sync_copy(bufs[b], acc.at[dst_all.at[k]], add=True)
                nk = k + NBUF

                @pl.when(nk < NCHUNKS)
                def _():
                    pltpu.async_copy(y.at[src_all.at[nk]], bufs[b],
                                     sems[b])

            return carry

        lax.fori_loop(0, NCHUNKS // NBUF, outer, 0)
        plsc.subcore_barrier()
        pltpu.sync_copy(acc.at[pl.ds(row0, RPT)], bounce_v)
        pltpu.sync_copy(bounce_v, out.at[pl.ds(c * NP + row0, RPT)])

    return edge_scatter


@functools.partial(
    pl.kernel,
    out_type=jax.ShapeDtypeStruct((NC * NP, DW), jnp.float32),
    mesh=_sc_mesh(),
    compiler_params=pltpu.CompilerParams(use_tc_tiling_on_sc=False),
    scratch_types=[
        pltpu.VMEM((NCHUNKS, CHUNK), jnp.int32),
        pltpu.VMEM((CHUNK, DW), jnp.float32),
        pltpu.VMEM((RPT, DW), jnp.float32),
        pltpu.VMEM_SHARED((NP, DW), jnp.float32),
        pltpu.SemaphoreType.DMA,
    ],
)
def _deg_pass(dst3, ones, zeros, out, dst_all, ones_v, bounce_v, acc, dsem):
    c = lax.axis_index("c")
    s = lax.axis_index("s")
    row0 = s * RPT
    pltpu.sync_copy(zeros.at[pl.ds(row0, RPT)], bounce_v)
    pltpu.sync_copy(bounce_v, acc.at[pl.ds(row0, RPT)])
    pltpu.sync_copy(ones, ones_v)
    wid = c * NS + s
    pltpu.sync_copy(dst3.at[wid], dst_all)
    plsc.subcore_barrier()

    def body(k, carry):
        pltpu.async_copy(ones_v, acc.at[dst_all.at[k]], dsem, add=True)
        return carry

    lax.fori_loop(0, NCHUNKS, body, 0)

    def drain(k, carry):
        pltpu.make_async_copy(ones_v, acc.at[dst_all.at[0]], dsem).wait()
        return carry

    lax.fori_loop(0, NCHUNKS, drain, 0)
    plsc.subcore_barrier()
    pltpu.sync_copy(acc.at[pl.ds(row0, RPT)], bounce_v)
    pltpu.sync_copy(bounce_v, out.at[pl.ds(c * NP + row0, RPT)])


_scat_h = _make_edge_scatter(H)

_BLK = 1000


def _row_spec(f):
    return pl.BlockSpec((_BLK, f), lambda i: (i, 0))


def _full_spec(r, f):
    return pl.BlockSpec((r, f), lambda i: (0, 0))


def _mm0_body(x_ref, w_ref, d0_ref, d1_ref, y_ref, dis_ref):
    deg = d0_ref[...] + d1_ref[...] + 1.0
    dis = lax.rsqrt(deg)
    dis_ref[...] = dis
    y_ref[...] = jnp.dot(x_ref[...], w_ref[...],
                         preferred_element_type=jnp.float32) * dis


_mm0 = pl.pallas_call(
    _mm0_body,
    grid=(N // _BLK,),
    in_specs=[
        _row_spec(D),
        _full_spec(D, H),
        _row_spec(1),
        _row_spec(1),
    ],
    out_specs=[_row_spec(H), _row_spec(1)],
    out_shape=[
        jax.ShapeDtypeStruct((N, H), jnp.float32),
        jax.ShapeDtypeStruct((N, 1), jnp.float32),
    ],
)


def _make_cmb(fin, fout, relu):

    def body(z0_ref, z1_ref, yp_ref, dis_ref, b_ref, w_ref, yo_ref):
        h = (z0_ref[...] + z1_ref[...] + yp_ref[...]) * dis_ref[...] + b_ref[...]
        if relu:
            h = jnp.maximum(h, 0.0)
        yo_ref[...] = jnp.dot(h, w_ref[...],
                              preferred_element_type=jnp.float32) * dis_ref[...]

    return pl.pallas_call(
        body,
        grid=(N // _BLK,),
        in_specs=[
            _row_spec(fin),
            _row_spec(fin),
            _row_spec(fin),
            _row_spec(1),
            _full_spec(1, fin),
            _full_spec(fin, fout),
        ],
        out_specs=_row_spec(fout),
        out_shape=jax.ShapeDtypeStruct((N, fout), jnp.float32),
    )


_cmb_enc = _make_cmb(H, H, True)


def _mid_body(z0_ref, z1_ref, yp_ref, dis_ref, b_ref, hp_ref):
    h = (z0_ref[...] + z1_ref[...] + yp_ref[...]) * dis_ref[...] + b_ref[...]
    hp_ref[...] = h * dis_ref[...]


_cmb_mid = pl.pallas_call(
    _mid_body,
    grid=(N // _BLK,),
    in_specs=[
        _row_spec(H),
        _row_spec(H),
        _row_spec(H),
        _row_spec(1),
        _full_spec(1, H),
    ],
    out_specs=_row_spec(H),
    out_shape=jax.ShapeDtypeStruct((N, H), jnp.float32),
)


def _dec_body(zh0_ref, zh1_ref, hp_ref, dis_ref, b2_ref, b4_ref, w24_ref,
              ap_ref, hs_ref):
    u = zh0_ref[...] + zh1_ref[...] + hp_ref[...]
    v = jnp.dot(u, w24_ref[...], preferred_element_type=jnp.float32)
    a = jnp.maximum(v[:, :H] * dis_ref[...] + b2_ref[...], 0.0)
    ap_ref[...] = a * dis_ref[...]
    hs_ref[...] = (v[:, H:] * dis_ref[...] + b4_ref[...]).astype(jnp.bfloat16)


_dec = pl.pallas_call(
    _dec_body,
    grid=(N // _BLK,),
    in_specs=[
        _row_spec(H),
        _row_spec(H),
        _row_spec(H),
        _row_spec(1),
        _full_spec(1, H),
        _full_spec(1, H),
        _full_spec(H, 2 * H),
    ],
    out_specs=[_row_spec(H), _row_spec(H)],
    out_shape=[
        jax.ShapeDtypeStruct((N, H), jnp.float32),
        jax.ShapeDtypeStruct((N, H), jnp.bfloat16),
    ],
)


def _fin_body(za0_ref, za1_ref, ap_ref, dis_ref, b3_ref, w3_ref, x_ref):
    u = za0_ref[...] + za1_ref[...] + ap_ref[...]
    x_ref[...] = (jnp.dot(u, w3_ref[...], preferred_element_type=jnp.float32)
                  * dis_ref[...] + b3_ref[...])


_fin = pl.pallas_call(
    _fin_body,
    grid=(N // _BLK,),
    in_specs=[
        _row_spec(H),
        _row_spec(H),
        _row_spec(H),
        _row_spec(1),
        _full_spec(1, D),
        _full_spec(H, D),
    ],
    out_specs=_row_spec(D),
    out_shape=jax.ShapeDtypeStruct((N, D), jnp.float32),
)

_BM, _BN = 1024, 512


def _gram_body(a_ref, b_ref, o_ref):
    o_ref[...] = lax.dot_general(a_ref[...], b_ref[...],
                                 (((1,), (1,)), ((), ())),
                                 preferred_element_type=jnp.float32)


_gram = pl.pallas_call(
    _gram_body,
    grid=(pl.cdiv(N, _BM), pl.cdiv(N, _BN)),
    in_specs=[
        pl.BlockSpec((_BM, H), lambda i, j: (i, 0)),
        pl.BlockSpec((_BN, H), lambda i, j: (j, 0)),
    ],
    out_specs=pl.BlockSpec((_BM, _BN), lambda i, j: (i, j)),
    out_shape=jax.ShapeDtypeStruct((N, N), jnp.float32),
)


def kernel(x, edge_index, W0, b0, W1, b1, W2, b2, W3, b3, W4, b4):
    src3 = edge_index[0].reshape(NW, NCHUNKS, CHUNK)
    dst3 = edge_index[1].reshape(NW, NCHUNKS, CHUNK)
    zeros_h = jnp.zeros((NP, H), jnp.float32)
    zeros_w = jnp.zeros((NP, DW), jnp.float32)
    ones_w = jnp.ones((CHUNK, DW), jnp.float32)

    degp = _deg_pass(dst3, ones_w, zeros_w)
    y0, dis = _mm0(x, W0, degp[:N, :1], degp[NP:NP + N, :1])

    z0 = _scat_h(y0, src3, dst3, zeros_h)
    y1 = _cmb_enc(z0[:N], z0[NP:NP + N], y0, dis, b0[None, :], W1)

    z1 = _scat_h(y1, src3, dst3, zeros_h)
    hp = _cmb_mid(z1[:N], z1[NP:NP + N], y1, dis, b1[None, :])

    zh = _scat_h(hp, src3, dst3, zeros_h)
    W24 = jnp.concatenate([W2, W4], axis=1)
    ap, hs = _dec(zh[:N], zh[NP:NP + N], hp, dis, b2[None, :], b4[None, :],
                  W24)

    za = _scat_h(ap, src3, dst3, zeros_h)
    x_ = _fin(za[:N], za[NP:NP + N], ap, dis, b3[None, :], W3)

    s_ = _gram(hs, hs)
    return (x_, s_)

# --- scband reference (transcript-rebuilt; emitter-appended) ---
"""Pipeline reference for scband-dominantbase-58256936403151 (READ-ONLY COPY).

The authoritative reference and input builder live on the scoring server;
editing this copy changes nothing except your own understanding.
"""

import jax, jax.numpy as jnp
import numpy as np

N = 10000
E = 320000
D = 128
H = 64

def _glorot(key, shape):
    fan_in, fan_out = shape[0], shape[1]
    lim = jnp.sqrt(6.0 / (fan_in + fan_out))
    return jax.random.uniform(key, shape, jnp.float32, -lim, lim)

def setup_inputs(seed: int = 0):
    key = jax.random.key(seed)
    ks = jax.random.split(key, 12)
    x = jax.random.normal(ks[0], (N, D), dtype=jnp.float32)
    edge_index = jax.random.randint(ks[1], (2, E), 0, N, dtype=jnp.int32)
    return {
        "x": x,
        "edge_index": edge_index,
        "W0": _glorot(ks[2], (D, H)), "b0": jnp.zeros((H,), jnp.float32),
        "W1": _glorot(ks[3], (H, H)), "b1": jnp.zeros((H,), jnp.float32),
        "W2": _glorot(ks[4], (H, H)), "b2": jnp.zeros((H,), jnp.float32),
        "W3": _glorot(ks[5], (H, D)), "b3": jnp.zeros((D,), jnp.float32),
        "W4": _glorot(ks[6], (H, H)), "b4": jnp.zeros((H,), jnp.float32),
    }

def reference(x, edge_index, W0, b0, W1, b1, W2, b2, W3, b3, W4, b4):
    n = x.shape[0]
    loop = jnp.arange(n, dtype=edge_index.dtype)
    src = jnp.concatenate([edge_index[0], loop])
    dst = jnp.concatenate([edge_index[1], loop])
    # GCN normalization with self-loops: D^{-1/2} A_hat D^{-1/2}
    deg = jnp.zeros((n,), jnp.float32).at[dst].add(1.0)
    dis = jnp.where(deg > 0, jax.lax.rsqrt(deg), 0.0)
    norm = dis[src] * dis[dst]

    def conv(h, W, b):
        hw = h @ W
        agg = jnp.zeros((n, W.shape[1]), jnp.float32).at[dst].add(hw[src] * norm[:, None])
        return agg + b

    # shared encoder: 2-layer GCN (in_dim -> hid -> hid), relu between layers
    h = jax.nn.relu(conv(x, W0, b0))
    h = conv(h, W1, b1)
    # attribute decoder: 2-layer GCN (hid -> hid -> in_dim)
    a = jax.nn.relu(conv(h, W2, b2))
    x_ = conv(a, W3, b3)
    # structure decoder: 1-layer GCN (hid -> hid) then dot-product, sigmoid_s=False
    hs = conv(h, W4, b4)
    s_ = hs @ hs.T
    return (x_, s_)

if __name__ == "__main__":
    import jax
    _d = setup_inputs()
    print(jax.jit(kernel)(*tuple(_d.values())))

</pallas_src>

<mosaic_0001>
#map = affine_map<(d0, d1) -> (0, 0)>
#map1 = affine_map<(d0, d1) -> (0, 0, 0)>
module attributes {stable_mosaic.version = 14 : i64} {
  func.func @edge_scatter(%arg0: i32, %arg1: i32, %arg2: memref<10000x64xf32, #tpu.memory_space<hbm>>, %arg3: memref<32x125x80xi32, #tpu.memory_space<hbm>>, %arg4: memref<32x125x80xi32, #tpu.memory_space<hbm>>, %arg5: memref<10240x64xf32, #tpu.memory_space<hbm>>, %arg6: memref<20480x64xf32, #tpu.memory_space<hbm>>, %arg7: memref<125x80xi32, #tpu.memory_space<vmem>>, %arg8: memref<125x80xi32, #tpu.memory_space<vmem>>, %arg9: memref<640x64xf32, #tpu.memory_space<vmem>>, %arg10: memref<10240x64xf32, #tpu.memory_space<vmem_shared>>, %arg11: memref<80x64xf32, #tpu.memory_space<vmem>>, %arg12: memref<80x64xf32, #tpu.memory_space<vmem>>, %arg13: memref<80x64xf32, #tpu.memory_space<vmem>>, %arg14: memref<80x64xf32, #tpu.memory_space<vmem>>, %arg15: memref<80x64xf32, #tpu.memory_space<vmem>>, %arg16: memref<!tpu.dma_semaphore, #tpu.memory_space<semaphore_mem>>, %arg17: memref<!tpu.dma_semaphore, #tpu.memory_space<semaphore_mem>>, %arg18: memref<!tpu.dma_semaphore, #tpu.memory_space<semaphore_mem>>, %arg19: memref<!tpu.dma_semaphore, #tpu.memory_space<semaphore_mem>>, %arg20: memref<!tpu.dma_semaphore, #tpu.memory_space<semaphore_mem>>) attributes {dimension_semantics = [#tpu.dimension_semantics<core_parallel>, #tpu.dimension_semantics<subcore_parallel>], iteration_bounds = array<i64: 2, 16>, scalar_prefetch = 0 : i64, scratch_operands = 14 : i64, tpu.core_type = #tpu.core_type<sc_vector_subcore>, window_params = [{transform_indices = #map}, {transform_indices = #map1}, {transform_indices = #map1}, {transform_indices = #map}, {transform_indices = #map}]} {
    %mul3A = arith.constant 640 : i32
    %mul3A_0 = arith.muli %arg1, %mul3A : i32
    %mul3A_1 = arith.constant 16 : i32
    %mul3A_2 = arith.muli %arg0, %mul3A_1 : i32
    %add3A = arith.addi %mul3A_2, %arg1 : i32
    "tpu.region"() ({
      %run_scoped3A = tpu.sem_alloc : memref<!tpu.dma_semaphore, #tpu.memory_space<semaphore_mem>>
      %dma_start3A_46 = arith.constant 0 : i32
      %dma_start3A_47 = tpu.memref_slice %arg5[%mul3A_0, %dma_start3A_46] : memref<10240x64xf32, #tpu.memory_space<hbm>> -> memref<640x64xf32, #tpu.memory_space<hbm>>
      %dma_start3A_48 = arith.constant 0 : i32
      %dma_start3A_49 = tpu.memref_slice %arg5[%mul3A_0, %dma_start3A_48] : memref<10240x64xf32, #tpu.memory_space<hbm>> -> memref<640x64xf32, #tpu.memory_space<hbm>>
      tpu.enqueue_dma source(%dma_start3A_49 : memref<640x64xf32, #tpu.memory_space<hbm>>) target(%arg9 : memref<640x64xf32, #tpu.memory_space<vmem>>) target_semaphore(%run_scoped3A : memref<!tpu.dma_semaphore, #tpu.memory_space<semaphore_mem>>)
      %dma_wait3A = arith.constant 0 : i32
      %dma_wait3A_50 = tpu.memref_slice %arg5[%mul3A_0, %dma_wait3A] : memref<10240x64xf32, #tpu.memory_space<hbm>> -> memref<640x64xf32, #tpu.memory_space<hbm>>
      %dma_wait3A_51 = arith.constant 0 : i32
      %dma_wait3A_52 = tpu.memref_slice %arg5[%mul3A_0, %dma_wait3A_51] : memref<10240x64xf32, #tpu.memory_space<hbm>> -> memref<640x64xf32, #tpu.memory_space<hbm>>
      tpu.wait_dma2 semaphore(%run_scoped3A : memref<!tpu.dma_semaphore, #tpu.memory_space<semaphore_mem>>) src(%dma_wait3A_52 : memref<640x64xf32, #tpu.memory_space<hbm>>) dst(%arg9 : memref<640x64xf32, #tpu.memory_space<vmem>>)
      tpu.yield
    }) : () -> ()
    "tpu.region"() ({
      %run_scoped3A = tpu.sem_alloc : memref<!tpu.dma_semaphore, #tpu.memory_space<semaphore_mem>>
      %dma_start3A_46 = arith.constant 0 : i32
      %dma_start3A_47 = tpu.memref_slice %arg10[%mul3A_0, %dma_start3A_46] : memref<10240x64xf32, #tpu.memory_space<vmem_shared>> -> memref<640x64xf32, #tpu.memory_space<vmem_shared>>
      %dma_start3A_48 = arith.constant 0 : i32
      %dma_start3A_49 = tpu.memref_slice %arg10[%mul3A_0, %dma_start3A_48] : memref<10240x64xf32, #tpu.memory_space<vmem_shared>> -> memref<640x64xf32, #tpu.memory_space<vmem_shared>>
      tpu.enqueue_dma source(%arg9 : memref<640x64xf32, #tpu.memory_space<vmem>>) target(%dma_start3A_49 : memref<640x64xf32, #tpu.memory_space<vmem_shared>>) target_semaphore(%run_scoped3A : memref<!tpu.dma_semaphore, #tpu.memory_space<semaphore_mem>>)
      %dma_wait3A = arith.constant 0 : i32
      %dma_wait3A_50 = tpu.memref_slice %arg10[%mul3A_0, %dma_wait3A] : memref<10240x64xf32, #tpu.memory_space<vmem_shared>> -> memref<640x64xf32, #tpu.memory_space<vmem_shared>>
      %dma_wait3A_51 = arith.constant 0 : i32
      %dma_wait3A_52 = tpu.memref_slice %arg10[%mul3A_0, %dma_wait3A_51] : memref<10240x64xf32, #tpu.memory_space<vmem_shared>> -> memref<640x64xf32, #tpu.memory_space<vmem_shared>>
      tpu.wait_dma2 semaphore(%run_scoped3A : memref<!tpu.dma_semaphore, #tpu.memory_space<semaphore_mem>>) src(%arg9 : memref<640x64xf32, #tpu.memory_space<vmem>>) dst(%dma_wait3A_52 : memref<640x64xf32, #tpu.memory_space<vmem_shared>>)
      tpu.yield
    }) : () -> ()
    "tpu.region"() ({
      %run_scoped3A = tpu.sem_alloc : memref<!tpu.dma_semaphore, #tpu.memory_space<semaphore_mem>>
      %dma_start3A_46 = arith.constant 0 : i32
      %dma_start3A_47 = arith.constant 0 : i32
      %dma_start3A_48 = tpu.memref_slice %arg3[%add3A, %dma_start3A_46, %dma_start3A_47] : memref<32x125x80xi32, #tpu.memory_space<hbm>> -> memref<1x125x80xi32, #tpu.memory_space<hbm>>
      %dma_start3A_49 = tpu.memref_squeeze %dma_start3A_48 : memref<1x125x80xi32, #tpu.memory_space<hbm>> -> memref<125x80xi32, #tpu.memory_space<hbm>>
      %dma_start3A_50 = arith.constant 0 : i32
      %dma_start3A_51 = arith.constant 0 : i32
      %dma_start3A_52 = tpu.memref_slice %arg3[%add3A, %dma_start3A_50, %dma_start3A_51] : memref<32x125x80xi32, #tpu.memory_space<hbm>> -> memref<1x125x80xi32, #tpu.memory_space<hbm>>
      %dma_start3A_53 = tpu.memref_squeeze %dma_start3A_52 : memref<1x125x80xi32, #tpu.memory_space<hbm>> -> memref<125x80xi32, #tpu.memory_space<hbm>>
      tpu.enqueue_dma source(%dma_start3A_53 : memref<125x80xi32, #tpu.memory_space<hbm>>) target(%arg7 : memref<125x80xi32, #tpu.memory_space<vmem>>) target_semaphore(%run_scoped3A : memref<!tpu.dma_semaphore, #tpu.memory_space<semaphore_mem>>)
      %dma_wait3A = arith.constant 0 : i32
      %dma_wait3A_54 = arith.constant 0 : i32
      %dma_wait3A_55 = tpu.memref_slice %arg3[%add3A, %dma_wait3A, %dma_wait3A_54] : memref<32x125x80xi32, #tpu.memory_space<hbm>> -> memref<1x125x80xi32, #tpu.memory_space<hbm>>
      %dma_wait3A_56 = tpu.memref_squeeze %dma_wait3A_55 : memref<1x125x80xi32, #tpu.memory_space<hbm>> -> memref<125x80xi32, #tpu.memory_space<hbm>>
      %dma_wait3A_57 = arith.constant 0 : i32
      %dma_wait3A_58 = arith.constant 0 : i32
      %dma_wait3A_59 = tpu.memref_slice %arg3[%add3A, %dma_wait3A_57, %dma_wait3A_58] : memref<32x125x80xi32, #tpu.memory_space<hbm>> -> memref<1x125x80xi32, #tpu.memory_space<hbm>>
      %dma_wait3A_60 = tpu.memref_squeeze %dma_wait3A_59 : memref<1x125x80xi32, #tpu.memory_space<hbm>> -> memref<125x80xi32, #tpu.memory_space<hbm>>
      tpu.wait_dma2 semaphore(%run_scoped3A : memref<!tpu.dma_semaphore, #tpu.memory_space<semaphore_mem>>) src(%dma_wait3A_60 : memref<125x80xi32, #tpu.memory_space<hbm>>) dst(%arg7 : memref<125x80xi32, #tpu.memory_space<vmem>>)
      tpu.yield
    }) : () -> ()
    "tpu.region"() ({
      %run_scoped3A = tpu.sem_alloc : memref<!tpu.dma_semaphore, #tpu.memory_space<semaphore_mem>>
      %dma_start3A_46 = arith.constant 0 : i32
      %dma_start3A_47 = arith.constant 0 : i32
      %dma_start3A_48 = tpu.memref_slice %arg4[%add3A, %dma_start3A_46, %dma_start3A_47] : memref<32x125x80xi32, #tpu.memory_space<hbm>> -> memref<1x125x80xi32, #tpu.memory_space<hbm>>
      %dma_start3A_49 = tpu.memref_squeeze %dma_start3A_48 : memref<1x125x80xi32, #tpu.memory_space<hbm>> -> memref<125x80xi32, #tpu.memory_space<hbm>>
      %dma_start3A_50 = arith.constant 0 : i32
      %dma_start3A_51 = arith.constant 0 : i32
      %dma_start3A_52 = tpu.memref_slice %arg4[%add3A, %dma_start3A_50, %dma_start3A_51] : memref<32x125x80xi32, #tpu.memory_space<hbm>> -> memref<1x125x80xi32, #tpu.memory_space<hbm>>
      %dma_start3A_53 = tpu.memref_squeeze %dma_start3A_52 : memref<1x125x80xi32, #tpu.memory_space<hbm>> -> memref<125x80xi32, #tpu.memory_space<hbm>>
      tpu.enqueue_dma source(%dma_start3A_53 : memref<125x80xi32, #tpu.memory_space<hbm>>) target(%arg8 : memref<125x80xi32, #tpu.memory_space<vmem>>) target_semaphore(%run_scoped3A : memref<!tpu.dma_semaphore, #tpu.memory_space<semaphore_mem>>)
      %dma_wait3A = arith.constant 0 : i32
      %dma_wait3A_54 = arith.constant 0 : i32
      %dma_wait3A_55 = tpu.memref_slice %arg4[%add3A, %dma_wait3A, %dma_wait3A_54] : memref<32x125x80xi32, #tpu.memory_space<hbm>> -> memref<1x125x80xi32, #tpu.memory_space<hbm>>
      %dma_wait3A_56 = tpu.memref_squeeze %dma_wait3A_55 : memref<1x125x80xi32, #tpu.memory_space<hbm>> -> memref<125x80xi32, #tpu.memory_space<hbm>>
      %dma_wait3A_57 = arith.constant 0 : i32
      %dma_wait3A_58 = arith.constant 0 : i32
      %dma_wait3A_59 = tpu.memref_slice %arg4[%add3A, %dma_wait3A_57, %dma_wait3A_58] : memref<32x125x80xi32, #tpu.memory_space<hbm>> -> memref<1x125x80xi32, #tpu.memory_space<hbm>>
      %dma_wait3A_60 = tpu.memref_squeeze %dma_wait3A_59 : memref<1x125x80xi32, #tpu.memory_space<hbm>> -> memref<125x80xi32, #tpu.memory_space<hbm>>
      tpu.wait_dma2 semaphore(%run_scoped3A : memref<!tpu.dma_semaphore, #tpu.memory_space<semaphore_mem>>) src(%dma_wait3A_60 : memref<125x80xi32, #tpu.memory_space<hbm>>) dst(%arg8 : memref<125x80xi32, #tpu.memory_space<vmem>>)
      tpu.yield
    }) : () -> ()
    %barrier3A = arith.constant 0 : index
    tpu.barrier barrier_id(%barrier3A)
    %dma_start3A = arith.constant 0 : i32
    %dma_start3A_3 = arith.constant 0 : i32
    %dma_start3A_4 = tpu.memref_slice %arg7[%dma_start3A, %dma_start3A_3] : memref<125x80xi32, #tpu.memory_space<vmem>> -> memref<1x80xi32, #tpu.memory_space<vmem>>
    %dma_start3A_5 = tpu.memref_squeeze %dma_start3A_4 : memref<1x80xi32, #tpu.memory_space<vmem>> -> memref<80xi32, #tpu.memory_space<vmem>>
    %dma_start3A_6 = arith.constant 0 : i32
    %dma_start3A_7 = arith.constant 0 : i32
    %dma_start3A_8 = tpu.memref_slice %arg2[%dma_start3A_6, %dma_start3A_7] : memref<10000x64xf32, #tpu.memory_space<hbm>> -> memref<10000x64xf32, #tpu.memory_space<hbm>>
    tpu.enqueue_indirect_dma source(%dma_start3A_8 : memref<10000x64xf32, #tpu.memory_space<hbm>>) target(%arg11 : memref<80x64xf32, #tpu.memory_space<vmem>>) offsets(%dma_start3A_5 : memref<80xi32, #tpu.memory_space<vmem>>) semaphore(%arg16 : memref<!tpu.dma_semaphore, #tpu.memory_space<semaphore_mem>>)
    %dma_start3A_9 = arith.constant 1 : i32
    %dma_start3A_10 = arith.constant 0 : i32
    %dma_start3A_11 = tpu.memref_slice %arg7[%dma_start3A_9, %dma_start3A_10] : memref<125x80xi32, #tpu.memory_space<vmem>> -> memref<1x80xi32, #tpu.memory_space<vmem>>
    %dma_start3A_12 = tpu.memref_squeeze %dma_start3A_11 : memref<1x80xi32, #tpu.memory_space<vmem>> -> memref<80xi32, #tpu.memory_space<vmem>>
    %dma_start3A_13 = arith.constant 0 : i32
    %dma_start3A_14 = arith.constant 0 : i32
    %dma_start3A_15 = tpu.memref_slice %arg2[%dma_start3A_13, %dma_start3A_14] : memref<10000x64xf32, #tpu.memory_space<hbm>> -> memref<10000x64xf32, #tpu.memory_space<hbm>>
    tpu.enqueue_indirect_dma source(%dma_start3A_15 : memref<10000x64xf32, #tpu.memory_space<hbm>>) target(%arg12 : memref<80x64xf32, #tpu.memory_space<vmem>>) offsets(%dma_start3A_12 : memref<80xi32, #tpu.memory_space<vmem>>) semaphore(%arg17 : memref<!tpu.dma_semaphore, #tpu.memory_space<semaphore_mem>>)
    %dma_start3A_16 = arith.constant 2 : i32
    %dma_start3A_17 = arith.constant 0 : i32
    %dma_start3A_18 = tpu.memref_slice %arg7[%dma_start3A_16, %dma_start3A_17] : memref<125x80xi32, #tpu.memory_space<vmem>> -> memref<1x80xi32, #tpu.memory_space<vmem>>
    %dma_start3A_19 = tpu.memref_squeeze %dma_start3A_18 : memref<1x80xi32, #tpu.memory_space<vmem>> -> memref<80xi32, #tpu.memory_space<vmem>>
    %dma_start3A_20 = arith.constant 0 : i32
    %dma_start3A_21 = arith.constant 0 : i32
    %dma_start3A_22 = tpu.memref_slice %arg2[%dma_start3A_20, %dma_start3A_21] : memref<10000x64xf32, #tpu.memory_space<hbm>> -> memref<10000x64xf32, #tpu.memory_space<hbm>>
    tpu.enqueue_indirect_dma source(%dma_start3A_22 : memref<10000x64xf32, #tpu.memory_space<hbm>>) target(%arg13 : memref<80x64xf32, #tpu.memory_space<vmem>>) offsets(%dma_start3A_19 : memref<80xi32, #tpu.memory_space<vmem>>) semaphore(%arg18 : memref<!tpu.dma_semaphore, #tpu.memory_space<semaphore_mem>>)
    %dma_start3A_23 = arith.constant 3 : i32
    %dma_start3A_24 = arith.constant 0 : i32
    %dma_start3A_25 = tpu.memref_slice %arg7[%dma_start3A_23, %dma_start3A_24] : memref<125x80xi32, #tpu.memory_space<vmem>> -> memref<1x80xi32, #tpu.memory_space<vmem>>
    %dma_start3A_26 = tpu.memref_squeeze %dma_start3A_25 : memref<1x80xi32, #tpu.memory_space<vmem>> -> memref<80xi32, #tpu.memory_space<vmem>>
    %dma_start3A_27 = arith.constant 0 : i32
    %dma_start3A_28 = arith.constant 0 : i32
    %dma_start3A_29 = tpu.memref_slice %arg2[%dma_start3A_27, %dma_start3A_28] : memref<10000x64xf32, #tpu.memory_space<hbm>> -> memref<10000x64xf32, #tpu.memory_space<hbm>>
    tpu.enqueue_indirect_dma source(%dma_start3A_29 : memref<10000x64xf32, #tpu.memory_space<hbm>>) target(%arg14 : memref<80x64xf32, #tpu.memory_space<vmem>>) offsets(%dma_start3A_26 : memref<80xi32, #tpu.memory_space<vmem>>) semaphore(%arg19 : memref<!tpu.dma_semaphore, #tpu.memory_space<semaphore_mem>>)
    %dma_start3A_30 = arith.constant 4 : i32
    %dma_start3A_31 = arith.constant 0 : i32
    %dma_start3A_32 = tpu.memref_slice %arg7[%dma_start3A_30, %dma_start3A_31] : memref<125x80xi32, #tpu.memory_space<vmem>> -> memref<1x80xi32, #tpu.memory_space<vmem>>
    %dma_start3A_33 = tpu.memref_squeeze %dma_start3A_32 : memref<1x80xi32, #tpu.memory_space<vmem>> -> memref<80xi32, #tpu.memory_space<vmem>>
    %dma_start3A_34 = arith.constant 0 : i32
    %dma_start3A_35 = arith.constant 0 : i32
    %dma_start3A_36 = tpu.memref_slice %arg2[%dma_start3A_34, %dma_start3A_35] : memref<10000x64xf32, #tpu.memory_space<hbm>> -> memref<10000x64xf32, #tpu.memory_space<hbm>>
    tpu.enqueue_indirect_dma source(%dma_start3A_36 : memref<10000x64xf32, #tpu.memory_space<hbm>>) target(%arg15 : memref<80x64xf32, #tpu.memory_space<vmem>>) offsets(%dma_start3A_33 : memref<80xi32, #tpu.memory_space<vmem>>) semaphore(%arg20 : memref<!tpu.dma_semaphore, #tpu.memory_space<semaphore_mem>>)
    %scan3A = arith.constant 0 : i32
    %scan3A_37 = arith.constant 0 : i32
    %scan3A_38 = arith.constant 25 : i32
    %scan3A_39 = arith.addi %scan3A_37, %scan3A_38 : i32
    %scan3A_40 = arith.constant 1 : i32
    scf.for %scan3A_46 = %scan3A_37 to %scan3A_39 step %scan3A_40  : i32 {
      %mul3A_47 = arith.constant 5 : i32
      %mul3A_48 = arith.muli %scan3A_46, %mul3A_47 : i32
      %add3A_49 = arith.constant 0 : i32
      %add3A_50 = arith.addi %mul3A_48, %add3A_49 : i32
      %dma_wait3A = arith.constant 0 : i32
      %dma_wait3A_51 = arith.constant 0 : i32
      %dma_wait3A_52 = tpu.memref_slice %arg7[%dma_wait3A, %dma_wait3A_51] : memref<125x80xi32, #tpu.memory_space<vmem>> -> memref<1x80xi32, #tpu.memory_space<vmem>>
      %dma_wait3A_53 = tpu.memref_squeeze %dma_wait3A_52 : memref<1x80xi32, #tpu.memory_space<vmem>> -> memref<80xi32, #tpu.memory_space<vmem>>
      %dma_wait3A_54 = arith.constant 0 : i32
      %dma_wait3A_55 = arith.constant 0 : i32
      %dma_wait3A_56 = tpu.memref_slice %arg2[%dma_wait3A_54, %dma_wait3A_55] : memref<10000x64xf32, #tpu.memory_space<hbm>> -> memref<10000x64xf32, #tpu.memory_space<hbm>>
      tpu.wait_indirect_dma semaphore(%arg16 : memref<!tpu.dma_semaphore, #tpu.memory_space<semaphore_mem>>) src(%dma_wait3A_56 : memref<10000x64xf32, #tpu.memory_space<hbm>>) dst(%arg11 : memref<80x64xf32, #tpu.memory_space<vmem>>)
      "tpu.region"() ({
        %run_scoped3A = tpu.sem_alloc : memref<!tpu.dma_semaphore, #tpu.memory_space<semaphore_mem>>
        %dma_start3A_125 = arith.constant 0 : i32
        %dma_start3A_126 = tpu.memref_slice %arg8[%add3A_50, %dma_start3A_125] : memref<125x80xi32, #tpu.memory_space<vmem>> -> memref<1x80xi32, #tpu.memory_space<vmem>>
        %dma_start3A_127 = tpu.memref_squeeze %dma_start3A_126 : memref<1x80xi32, #tpu.memory_space<vmem>> -> memref<80xi32, #tpu.memory_space<vmem>>
        %dma_start3A_128 = arith.constant 0 : i32
        %dma_start3A_129 = arith.constant 0 : i32
        %dma_start3A_130 = tpu.memref_slice %arg10[%dma_start3A_128, %dma_start3A_129] : memref<10240x64xf32, #tpu.memory_space<vmem_shared>> -> memref<10240x64xf32, #tpu.memory_space<vmem_shared>>
        tpu.enqueue_indirect_dma source(%arg11 : memref<80x64xf32, #tpu.memory_space<vmem>>) target(%dma_start3A_130 : memref<10240x64xf32, #tpu.memory_space<vmem_shared>>) offsets(%dma_start3A_127 : memref<80xi32, #tpu.memory_space<vmem>>) semaphore(%run_scoped3A : memref<!tpu.dma_semaphore, #tpu.memory_space<semaphore_mem>>) {add = true}
        %dma_wait3A_131 = arith.constant 0 : i32
        %dma_wait3A_132 = tpu.memref_slice %arg8[%add3A_50, %dma_wait3A_131] : memref<125x80xi32, #tpu.memory_space<vmem>> -> memref<1x80xi32, #tpu.memory_space<vmem>>
        %dma_wait3A_133 = tpu.memref_squeeze %dma_wait3A_132 : memref<1x80xi32, #tpu.memory_space<vmem>> -> memref<80xi32, #tpu.memory_space<vmem>>
        %dma_wait3A_134 = arith.constant 0 : i32
        %dma_wait3A_135 = arith.constant 0 : i32
        %dma_wait3A_136 = tpu.memref_slice %arg10[%dma_wait3A_134, %dma_wait3A_135] : memref<10240x64xf32, #tpu.memory_space<vmem_shared>> -> memref<10240x64xf32, #tpu.memory_space<vmem_shared>>
        tpu.wait_indirect_dma semaphore(%run_scoped3A : memref<!tpu.dma_semaphore, #tpu.memory_space<semaphore_mem>>) src(%arg11 : memref<80x64xf32, #tpu.memory_space<vmem>>) dst(%dma_wait3A_136 : memref<10240x64xf32, #tpu.memory_space<vmem_shared>>)
        tpu.yield
      }) : () -> ()
      %add3A_57 = arith.constant 5 : i32
      %add3A_58 = arith.addi %add3A_50, %add3A_57 : i32
      %lt3A = arith.constant 125 : i32
      %lt3A_59 = arith.cmpi slt, %add3A_58, %lt3A : i32
      %convert_element_type3A = arith.extui %lt3A_59 : i1 to i32
      %cond3A = arith.constant 0 : i32
      %cond3A_60 = arith.cmpi ne, %convert_element_type3A, %cond3A : i32
      scf.if %cond3A_60 {
        %dma_start3A_125 = arith.constant 0 : i32
        %dma_start3A_126 = tpu.memref_slice %arg7[%add3A_58, %dma_start3A_125] : memref<125x80xi32, #tpu.memory_space<vmem>> -> memref<1x80xi32, #tpu.memory_space<vmem>>
        %dma_start3A_127 = tpu.memref_squeeze %dma_start3A_126 : memref<1x80xi32, #tpu.memory_space<vmem>> -> memref<80xi32, #tpu.memory_space<vmem>>
        %dma_start3A_128 = arith.constant 0 : i32
        %dma_start3A_129 = arith.constant 0 : i32
        %dma_start3A_130 = tpu.memref_slice %arg2[%dma_start3A_128, %dma_start3A_129] : memref<10000x64xf32, #tpu.memory_space<hbm>> -> memref<10000x64xf32, #tpu.memory_space<hbm>>
        tpu.enqueue_indirect_dma source(%dma_start3A_130 : memref<10000x64xf32, #tpu.memory_space<hbm>>) target(%arg11 : memref<80x64xf32, #tpu.memory_space<vmem>>) offsets(%dma_start3A_127 : memref<80xi32, #tpu.memory_space<vmem>>) semaphore(%arg16 : memref<!tpu.dma_semaphore, #tpu.memory_space<semaphore_mem>>)
      } else {
      }
      %add3A_61 = arith.constant 1 : i32
      %add3A_62 = arith.addi %mul3A_48, %add3A_61 : i32
      %dma_wait3A_63 = arith.constant 0 : i32
      %dma_wait3A_64 = arith.constant 0 : i32
      %dma_wait3A_65 = tpu.memref_slice %arg7[%dma_wait3A_63, %dma_wait3A_64] : memref<125x80xi32, #tpu.memory_space<vmem>> -> memref<1x80xi32, #tpu.memory_space<vmem>>
      %dma_wait3A_66 = tpu.memref_squeeze %dma_wait3A_65 : memref<1x80xi32, #tpu.memory_space<vmem>> -> memref<80xi32, #tpu.memory_space<vmem>>
      %dma_wait3A_67 = arith.constant 0 : i32
      %dma_wait3A_68 = arith.constant 0 : i32
      %dma_wait3A_69 = tpu.memref_slice %arg2[%dma_wait3A_67, %dma_wait3A_68] : memref<10000x64xf32, #tpu.memory_space<hbm>> -> memref<10000x64xf32, #tpu.memory_space<hbm>>
      tpu.wait_indirect_dma semaphore(%arg17 : memref<!tpu.dma_semaphore, #tpu.memory_space<semaphore_mem>>) src(%dma_wait3A_69 : memref<10000x64xf32, #tpu.memory_space<hbm>>) dst(%arg12 : memref<80x64xf32, #tpu.memory_space<vmem>>)
      "tpu.region"() ({
        %run_scoped3A = tpu.sem_alloc : memref<!tpu.dma_semaphore, #tpu.memory_space<semaphore_mem>>
        %dma_start3A_125 = arith.constant 0 : i32
        %dma_start3A_126 = tpu.memref_slice %arg8[%add3A_62, %dma_start3A_125] : memref<125x80xi32, #tpu.memory_space<vmem>> -> memref<1x80xi32, #tpu.memory_space<vmem>>
        %dma_start3A_127 = tpu.memref_squeeze %dma_start3A_126 : memref<1x80xi32, #tpu.memory_space<vmem>> -> memref<80xi32, #tpu.memory_space<vmem>>
        %dma_start3A_128 = arith.constant 0 : i32
        %dma_start3A_129 = arith.constant 0 : i32
        %dma_start3A_130 = tpu.memref_slice %arg10[%dma_start3A_128, %dma_start3A_129] : memref<10240x64xf32, #tpu.memory_space<vmem_shared>> -> memref<10240x64xf32, #tpu.memory_space<vmem_shared>>
        tpu.enqueue_indirect_dma source(%arg12 : memref<80x64xf32, #tpu.memory_space<vmem>>) target(%dma_start3A_130 : memref<10240x64xf32, #tpu.memory_space<vmem_shared>>) offsets(%dma_start3A_127 : memref<80xi32, #tpu.memory_space<vmem>>) semaphore(%run_scoped3A : memref<!tpu.dma_semaphore, #tpu.memory_space<semaphore_mem>>) {add = true}
        %dma_wait3A_131 = arith.constant 0 : i32
        %dma_wait3A_132 = tpu.memref_slice %arg8[%add3A_62, %dma_wait3A_131] : memref<125x80xi32, #tpu.memory_space<vmem>> -> memref<1x80xi32, #tpu.memory_space<vmem>>
        %dma_wait3A_133 = tpu.memref_squeeze %dma_wait3A_132 : memref<1x80xi32, #tpu.memory_space<vmem>> -> memref<80xi32, #tpu.memory_space<vmem>>
        %dma_wait3A_134 = arith.constant 0 : i32
        %dma_wait3A_135 = arith.constant 0 : i32
        %dma_wait3A_136 = tpu.memref_slice %arg10[%dma_wait3A_134, %dma_wait3A_135] : memref<10240x64xf32, #tpu.memory_space<vmem_shared>> -> memref<10240x64xf32, #tpu.memory_space<vmem_shared>>
        tpu.wait_indirect_dma semaphore(%run_scoped3A : memref<!tpu.dma_semaphore, #tpu.memory_space<semaphore_mem>>) src(%arg12 : memref<80x64xf32, #tpu.memory_space<vmem>>) dst(%dma_wait3A_136 : memref<10240x64xf32, #tpu.memory_space<vmem_shared>>)
        tpu.yield
      }) : () -> ()
      %add3A_70 = arith.constant 5 : i32
      %add3A_71 = arith.addi %add3A_62, %add3A_70 : i32
      %lt3A_72 = arith.constant 125 : i32
      %lt3A_73 = arith.cmpi slt, %add3A_71, %lt3A_72 : i32
      %convert_element_type3A_74 = arith.extui %lt3A_73 : i1 to i32
      %cond3A_75 = arith.constant 0 : i32
      %cond3A_76 = arith.cmpi ne, %convert_element_type3A_74, %cond3A_75 : i32
      scf.if %cond3A_76 {
        %dma_start3A_125 = arith.constant 0 : i32
        %dma_start3A_126 = tpu.memref_slice %arg7[%add3A_71, %dma_start3A_125] : memref<125x80xi32, #tpu.memory_space<vmem>> -> memref<1x80xi32, #tpu.memory_space<vmem>>
        %dma_start3A_127 = tpu.memref_squeeze %dma_start3A_126 : memref<1x80xi32, #tpu.memory_space<vmem>> -> memref<80xi32, #tpu.memory_space<vmem>>
        %dma_start3A_128 = arith.constant 0 : i32
        %dma_start3A_129 = arith.constant 0 : i32
        %dma_start3A_130 = tpu.memref_slice %arg2[%dma_start3A_128, %dma_start3A_129] : memref<10000x64xf32, #tpu.memory_space<hbm>> -> memref<10000x64xf32, #tpu.memory_space<hbm>>
        tpu.enqueue_indirect_dma source(%dma_start3A_130 : memref<10000x64xf32, #tpu.memory_space<hbm>>) target(%arg12 : memref<80x64xf32, #tpu.memory_space<vmem>>) offsets(%dma_start3A_127 : memref<80xi32, #tpu.memory_space<vmem>>) semaphore(%arg17 : memref<!tpu.dma_semaphore, #tpu.memory_space<semaphore_mem>>)
      } else {
      }
      %add3A_77 = arith.constant 2 : i32
      %add3A_78 = arith.addi %mul3A_48, %add3A_77 : i32
      %dma_wait3A_79 = arith.constant 0 : i32
      %dma_wait3A_80 = arith.constant 0 : i32
      %dma_wait3A_81 = tpu.memref_slice %arg7[%dma_wait3A_79, %dma_wait3A_80] : memref<125x80xi32, #tpu.memory_space<vmem>> -> memref<1x80xi32, #tpu.memory_space<vmem>>
      %dma_wait3A_82 = tpu.memref_squeeze %dma_wait3A_81 : memref<1x80xi32, #tpu.memory_space<vmem>> -> memref<80xi32, #tpu.memory_space<vmem>>
      %dma_wait3A_83 = arith.constant 0 : i32
      %dma_wait3A_84 = arith.constant 0 : i32
      %dma_wait3A_85 = tpu.memref_slice %arg2[%dma_wait3A_83, %dma_wait3A_84] : memref<10000x64xf32, #tpu.memory_space<hbm>> -> memref<10000x64xf32, #tpu.memory_space<hbm>>
      tpu.wait_indirect_dma semaphore(%arg18 : memref<!tpu.dma_semaphore, #tpu.memory_space<semaphore_mem>>) src(%dma_wait3A_85 : memref<10000x64xf32, #tpu.memory_space<hbm>>) dst(%arg13 : memref<80x64xf32, #tpu.memory_space<vmem>>)
      "tpu.region"() ({
        %run_scoped3A = tpu.sem_alloc : memref<!tpu.dma_semaphore, #tpu.memory_space<semaphore_mem>>
        %dma_start3A_125 = arith.constant 0 : i32
        %dma_start3A_126 = tpu.memref_slice %arg8[%add3A_78, %dma_start3A_125] : memref<125x80xi32, #tpu.memory_space<vmem>> -> memref<1x80xi32, #tpu.memory_space<vmem>>
        %dma_start3A_127 = tpu.memref_squeeze %dma_start3A_126 : memref<1x80xi32, #tpu.memory_space<vmem>> -> memref<80xi32, #tpu.memory_space<vmem>>
        %dma_start3A_128 = arith.constant 0 : i32
        %dma_start3A_129 = arith.constant 0 : i32
        %dma_start3A_130 = tpu.memref_slice %arg10[%dma_start3A_128, %dma_start3A_129] : memref<10240x64xf32, #tpu.memory_space<vmem_shared>> -> memref<10240x64xf32, #tpu.memory_space<vmem_shared>>
        tpu.enqueue_indirect_dma source(%arg13 : memref<80x64xf32, #tpu.memory_space<vmem>>) target(%dma_start3A_130 : memref<10240x64xf32, #tpu.memory_space<vmem_shared>>) offsets(%dma_start3A_127 : memref<80xi32, #tpu.memory_space<vmem>>) semaphore(%run_scoped3A : memref<!tpu.dma_semaphore, #tpu.memory_space<semaphore_mem>>) {add = true}
        %dma_wait3A_131 = arith.constant 0 : i32
        %dma_wait3A_132 = tpu.memref_slice %arg8[%add3A_78, %dma_wait3A_131] : memref<125x80xi32, #tpu.memory_space<vmem>> -> memref<1x80xi32, #tpu.memory_space<vmem>>
        %dma_wait3A_133 = tpu.memref_squeeze %dma_wait3A_132 : memref<1x80xi32, #tpu.memory_space<vmem>> -> memref<80xi32, #tpu.memory_space<vmem>>
        %dma_wait3A_134 = arith.constant 0 : i32
        %dma_wait3A_135 = arith.constant 0 : i32
        %dma_wait3A_136 = tpu.memref_slice %arg10[%dma_wait3A_134, %dma_wait3A_135] : memref<10240x64xf32, #tpu.memory_space<vmem_shared>> -> memref<10240x64xf32, #tpu.memory_space<vmem_shared>>
        tpu.wait_indirect_dma semaphore(%run_scoped3A : memref<!tpu.dma_semaphore, #tpu.memory_space<semaphore_mem>>) src(%arg13 : memref<80x64xf32, #tpu.memory_space<vmem>>) dst(%dma_wait3A_136 : memref<10240x64xf32, #tpu.memory_space<vmem_shared>>)
        tpu.yield
      }) : () -> ()
      %add3A_86 = arith.constant 5 : i32
      %add3A_87 = arith.addi %add3A_78, %add3A_86 : i32
      %lt3A_88 = arith.constant 125 : i32
      %lt3A_89 = arith.cmpi slt, %add3A_87, %lt3A_88 : i32
      %convert_element_type3A_90 = arith.extui %lt3A_89 : i1 to i32
      %cond3A_91 = arith.constant 0 : i32
      %cond3A_92 = arith.cmpi ne, %convert_element_type3A_90, %cond3A_91 : i32
      scf.if %cond3A_92 {
        %dma_start3A_125 = arith.constant 0 : i32
        %dma_start3A_126 = tpu.memref_slice %arg7[%add3A_87, %dma_start3A_125] : memref<125x80xi32, #tpu.memory_space<vmem>> -> memref<1x80xi32, #tpu.memory_space<vmem>>
        %dma_start3A_127 = tpu.memref_squeeze %dma_start3A_126 : memref<1x80xi32, #tpu.memory_space<vmem>> -> memref<80xi32, #tpu.memory_space<vmem>>
        %dma_start3A_128 = arith.constant 0 : i32
        %dma_start3A_129 = arith.constant 0 : i32
        %dma_start3A_130 = tpu.memref_slice %arg2[%dma_start3A_128, %dma_start3A_129] : memref<10000x64xf32, #tpu.memory_space<hbm>> -> memref<10000x64xf32, #tpu.memory_space<hbm>>
        tpu.enqueue_indirect_dma source(%dma_start3A_130 : memref<10000x64xf32, #tpu.memory_space<hbm>>) target(%arg13 : memref<80x64xf32, #tpu.memory_space<vmem>>) offsets(%dma_start3A_127 : memref<80xi32, #tpu.memory_space<vmem>>) semaphore(%arg18 : memref<!tpu.dma_semaphore, #tpu.memory_space<semaphore_mem>>)
      } else {
      }
      %add3A_93 = arith.constant 3 : i32
      %add3A_94 = arith.addi %mul3A_48, %add3A_93 : i32
      %dma_wait3A_95 = arith.constant 0 : i32
      %dma_wait3A_96 = arith.constant 0 : i32
      %dma_wait3A_97 = tpu.memref_slice %arg7[%dma_wait3A_95, %dma_wait3A_96] : memref<125x80xi32, #tpu.memory_space<vmem>> -> memref<1x80xi32, #tpu.memory_space<vmem>>
      %dma_wait3A_98 = tpu.memref_squeeze %dma_wait3A_97 : memref<1x80xi32, #tpu.memory_space<vmem>> -> memref<80xi32, #tpu.memory_space<vmem>>
      %dma_wait3A_99 = arith.constant 0 : i32
      %dma_wait3A_100 = arith.constant 0 : i32
      %dma_wait3A_101 = tpu.memref_slice %arg2[%dma_wait3A_99, %dma_wait3A_100] : memref<10000x64xf32, #tpu.memory_space<hbm>> -> memref<10000x64xf32, #tpu.memory_space<hbm>>
      tpu.wait_indirect_dma semaphore(%arg19 : memref<!tpu.dma_semaphore, #tpu.memory_space<semaphore_mem>>) src(%dma_wait3A_101 : memref<10000x64xf32, #tpu.memory_space<hbm>>) dst(%arg14 : memref<80x64xf32, #tpu.memory_space<vmem>>)
      "tpu.region"() ({
        %run_scoped3A = tpu.sem_alloc : memref<!tpu.dma_semaphore, #tpu.memory_space<semaphore_mem>>
        %dma_start3A_125 = arith.constant 0 : i32
        %dma_start3A_126 = tpu.memref_slice %arg8[%add3A_94, %dma_start3A_125] : memref<125x80xi32, #tpu.memory_space<vmem>> -> memref<1x80xi32, #tpu.memory_space<vmem>>
        %dma_start3A_127 = tpu.memref_squeeze %dma_start3A_126 : memref<1x80xi32, #tpu.memory_space<vmem>> -> memref<80xi32, #tpu.memory_space<vmem>>
        %dma_start3A_128 = arith.constant 0 : i32
        %dma_start3A_129 = arith.constant 0 : i32
        %dma_start3A_130 = tpu.memref_slice %arg10[%dma_start3A_128, %dma_start3A_129] : memref<10240x64xf32, #tpu.memory_space<vmem_shared>> -> memref<10240x64xf32, #tpu.memory_space<vmem_shared>>
        tpu.enqueue_indirect_dma source(%arg14 : memref<80x64xf32, #tpu.memory_space<vmem>>) target(%dma_start3A_130 : memref<10240x64xf32, #tpu.memory_space<vmem_shared>>) offsets(%dma_start3A_127 : memref<80xi32, #tpu.memory_space<vmem>>) semaphore(%run_scoped3A : memref<!tpu.dma_semaphore, #tpu.memory_space<semaphore_mem>>) {add = true}
        %dma_wait3A_131 = arith.constant 0 : i32
        %dma_wait3A_132 = tpu.memref_slice %arg8[%add3A_94, %dma_wait3A_131] : memref<125x80xi32, #tpu.memory_space<vmem>> -> memref<1x80xi32, #tpu.memory_space<vmem>>
        %dma_wait3A_133 = tpu.memref_squeeze %dma_wait3A_132 : memref<1x80xi32, #tpu.memory_space<vmem>> -> memref<80xi32, #tpu.memory_space<vmem>>
        %dma_wait3A_134 = arith.constant 0 : i32
        %dma_wait3A_135 = arith.constant 0 : i32
        %dma_wait3A_136 = tpu.memref_slice %arg10[%dma_wait3A_134, %dma_wait3A_135] : memref<10240x64xf32, #tpu.memory_space<vmem_shared>> -> memref<10240x64xf32, #tpu.memory_space<vmem_shared>>
        tpu.wait_indirect_dma semaphore(%run_scoped3A : memref<!tpu.dma_semaphore, #tpu.memory_space<semaphore_mem>>) src(%arg14 : memref<80x64xf32, #tpu.memory_space<vmem>>) dst(%dma_wait3A_136 : memref<10240x64xf32, #tpu.memory_space<vmem_shared>>)
        tpu.yield
      }) : () -> ()
      %add3A_102 = arith.constant 5 : i32
      %add3A_103 = arith.addi %add3A_94, %add3A_102 : i32
      %lt3A_104 = arith.constant 125 : i32
      %lt3A_105 = arith.cmpi slt, %add3A_103, %lt3A_104 : i32
      %convert_element_type3A_106 = arith.extui %lt3A_105 : i1 to i32
      %cond3A_107 = arith.constant 0 : i32
      %cond3A_108 = arith.cmpi ne, %convert_element_type3A_106, %cond3A_107 : i32
      scf.if %cond3A_108 {
        %dma_start3A_125 = arith.constant 0 : i32
        %dma_start3A_126 = tpu.memref_slice %arg7[%add3A_103, %dma_start3A_125] : memref<125x80xi32, #tpu.memory_space<vmem>> -> memref<1x80xi32, #tpu.memory_space<vmem>>
        %dma_start3A_127 = tpu.memref_squeeze %dma_start3A_126 : memref<1x80xi32, #tpu.memory_space<vmem>> -> memref<80xi32, #tpu.memory_space<vmem>>
        %dma_start3A_128 = arith.constant 0 : i32
        %dma_start3A_129 = arith.constant 0 : i32
        %dma_start3A_130 = tpu.memref_slice %arg2[%dma_start3A_128, %dma_start3A_129] : memref<10000x64xf32, #tpu.memory_space<hbm>> -> memref<10000x64xf32, #tpu.memory_space<hbm>>
        tpu.enqueue_indirect_dma source(%dma_start3A_130 : memref<10000x64xf32, #tpu.memory_space<hbm>>) target(%arg14 : memref<80x64xf32, #tpu.memory_space<vmem>>) offsets(%dma_start3A_127 : memref<80xi32, #tpu.memory_space<vmem>>) semaphore(%arg19 : memref<!tpu.dma_semaphore, #tpu.memory_space<semaphore_mem>>)
      } else {
      }
      %add3A_109 = arith.constant 4 : i32
      %add3A_110 = arith.addi %mul3A_48, %add3A_109 : i32
      %dma_wait3A_111 = arith.constant 0 : i32
      %dma_wait3A_112 = arith.constant 0 : i32
      %dma_wait3A_113 = tpu.memref_slice %arg7[%dma_wait3A_111, %dma_wait3A_112] : memref<125x80xi32, #tpu.memory_space<vmem>> -> memref<1x80xi32, #tpu.memory_space<vmem>>
      %dma_wait3A_114 = tpu.memref_squeeze %dma_wait3A_113 : memref<1x80xi32, #tpu.memory_space<vmem>> -> memref<80xi32, #tpu.memory_space<vmem>>
      %dma_wait3A_115 = arith.constant 0 : i32
      %dma_wait3A_116 = arith.constant 0 : i32
      %dma_wait3A_117 = tpu.memref_slice %arg2[%dma_wait3A_115, %dma_wait3A_116] : memref<10000x64xf32, #tpu.memory_space<hbm>> -> memref<10000x64xf32, #tpu.memory_space<hbm>>
      tpu.wait_indirect_dma semaphore(%arg20 : memref<!tpu.dma_semaphore, #tpu.memory_space<semaphore_mem>>) src(%dma_wait3A_117 : memref<10000x64xf32, #tpu.memory_space<hbm>>) dst(%arg15 : memref<80x64xf32, #tpu.memory_space<vmem>>)
      "tpu.region"() ({
        %run_scoped3A = tpu.sem_alloc : memref<!tpu.dma_semaphore, #tpu.memory_space<semaphore_mem>>
        %dma_start3A_125 = arith.constant 0 : i32
        %dma_start3A_126 = tpu.memref_slice %arg8[%add3A_110, %dma_start3A_125] : memref<125x80xi32, #tpu.memory_space<vmem>> -> memref<1x80xi32, #tpu.memory_space<vmem>>
        %dma_start3A_127 = tpu.memref_squeeze %dma_start3A_126 : memref<1x80xi32, #tpu.memory_space<vmem>> -> memref<80xi32, #tpu.memory_space<vmem>>
        %dma_start3A_128 = arith.constant 0 : i32
        %dma_start3A_129 = arith.constant 0 : i32
        %dma_start3A_130 = tpu.memref_slice %arg10[%dma_start3A_128, %dma_start3A_129] : memref<10240x64xf32, #tpu.memory_space<vmem_shared>> -> memref<10240x64xf32, #tpu.memory_space<vmem_shared>>
        tpu.enqueue_indirect_dma source(%arg15 : memref<80x64xf32, #tpu.memory_space<vmem>>) target(%dma_start3A_130 : memref<10240x64xf32, #tpu.memory_space<vmem_shared>>) offsets(%dma_start3A_127 : memref<80xi32, #tpu.memory_space<vmem>>) semaphore(%run_scoped3A : memref<!tpu.dma_semaphore, #tpu.memory_space<semaphore_mem>>) {add = true}
        %dma_wait3A_131 = arith.constant 0 : i32
        %dma_wait3A_132 = tpu.memref_slice %arg8[%add3A_110, %dma_wait3A_131] : memref<125x80xi32, #tpu.memory_space<vmem>> -> memref<1x80xi32, #tpu.memory_space<vmem>>
        %dma_wait3A_133 = tpu.memref_squeeze %dma_wait3A_132 : memref<1x80xi32, #tpu.memory_space<vmem>> -> memref<80xi32, #tpu.memory_space<vmem>>
        %dma_wait3A_134 = arith.constant 0 : i32
        %dma_wait3A_135 = arith.constant 0 : i32
        %dma_wait3A_136 = tpu.memref_slice %arg10[%dma_wait3A_134, %dma_wait3A_135] : memref<10240x64xf32, #tpu.memory_space<vmem_shared>> -> memref<10240x64xf32, #tpu.memory_space<vmem_shared>>
        tpu.wait_indirect_dma semaphore(%run_scoped3A : memref<!tpu.dma_semaphore, #tpu.memory_space<semaphore_mem>>) src(%arg15 : memref<80x64xf32, #tpu.memory_space<vmem>>) dst(%dma_wait3A_136 : memref<10240x64xf32, #tpu.memory_space<vmem_shared>>)
        tpu.yield
      }) : () -> ()
      %add3A_118 = arith.constant 5 : i32
      %add3A_119 = arith.addi %add3A_110, %add3A_118 : i32
      %lt3A_120 = arith.constant 125 : i32
      %lt3A_121 = arith.cmpi slt, %add3A_119, %lt3A_120 : i32
      %convert_element_type3A_122 = arith.extui %lt3A_121 : i1 to i32
      %cond3A_123 = arith.constant 0 : i32
      %cond3A_124 = arith.cmpi ne, %convert_element_type3A_122, %cond3A_123 : i32
      scf.if %cond3A_124 {
        %dma_start3A_125 = arith.constant 0 : i32
        %dma_start3A_126 = tpu.memref_slice %arg7[%add3A_119, %dma_start3A_125] : memref<125x80xi32, #tpu.memory_space<vmem>> -> memref<1x80xi32, #tpu.memory_space<vmem>>
        %dma_start3A_127 = tpu.memref_squeeze %dma_start3A_126 : memref<1x80xi32, #tpu.memory_space<vmem>> -> memref<80xi32, #tpu.memory_space<vmem>>
        %dma_start3A_128 = arith.constant 0 : i32
        %dma_start3A_129 = arith.constant 0 : i32
        %dma_start3A_130 = tpu.memref_slice %arg2[%dma_start3A_128, %dma_start3A_129] : memref<10000x64xf32, #tpu.memory_space<hbm>> -> memref<10000x64xf32, #tpu.memory_space<hbm>>
        tpu.enqueue_indirect_dma source(%dma_start3A_130 : memref<10000x64xf32, #tpu.memory_space<hbm>>) target(%arg15 : memref<80x64xf32, #tpu.memory_space<vmem>>) offsets(%dma_start3A_127 : memref<80xi32, #tpu.memory_space<vmem>>) semaphore(%arg20 : memref<!tpu.dma_semaphore, #tpu.memory_space<semaphore_mem>>)
      } else {
      }
    }
    %scan3A_41 = arith.constant 25 : i32
    %barrier3A_42 = arith.constant 0 : index
    tpu.barrier barrier_id(%barrier3A_42)
    "tpu.region"() ({
      %run_scoped3A = tpu.sem_alloc : memref<!tpu.dma_semaphore, #tpu.memory_space<semaphore_mem>>
      %dma_start3A_46 = arith.constant 0 : i32
      %dma_start3A_47 = tpu.memref_slice %arg10[%mul3A_0, %dma_start3A_46] : memref<10240x64xf32, #tpu.memory_space<vmem_shared>> -> memref<640x64xf32, #tpu.memory_space<vmem_shared>>
      %dma_start3A_48 = arith.constant 0 : i32
      %dma_start3A_49 = tpu.memref_slice %arg10[%mul3A_0, %dma_start3A_48] : memref<10240x64xf32, #tpu.memory_space<vmem_shared>> -> memref<640x64xf32, #tpu.memory_space<vmem_shared>>
      tpu.enqueue_dma source(%dma_start3A_49 : memref<640x64xf32, #tpu.memory_space<vmem_shared>>) target(%arg9 : memref<640x64xf32, #tpu.memory_space<vmem>>) target_semaphore(%run_scoped3A : memref<!tpu.dma_semaphore, #tpu.memory_space<semaphore_mem>>)
      %dma_wait3A = arith.constant 0 : i32
      %dma_wait3A_50 = tpu.memref_slice %arg10[%mul3A_0, %dma_wait3A] : memref<10240x64xf32, #tpu.memory_space<vmem_shared>> -> memref<640x64xf32, #tpu.memory_space<vmem_shared>>
      %dma_wait3A_51 = arith.constant 0 : i32
      %dma_wait3A_52 = tpu.memref_slice %arg10[%mul3A_0, %dma_wait3A_51] : memref<10240x64xf32, #tpu.memory_space<vmem_shared>> -> memref<640x64xf32, #tpu.memory_space<vmem_shared>>
      tpu.wait_dma2 semaphore(%run_scoped3A : memref<!tpu.dma_semaphore, #tpu.memory_space<semaphore_mem>>) src(%dma_wait3A_52 : memref<640x64xf32, #tpu.memory_space<vmem_shared>>) dst(%arg9 : memref<640x64xf32, #tpu.memory_space<vmem>>)
      tpu.yield
    }) : () -> ()
    %mul3A_43 = arith.constant 10240 : i32
    %mul3A_44 = arith.muli %arg0, %mul3A_43 : i32
    %add3A_45 = arith.addi %mul3A_44, %mul3A_0 : i32
    "tpu.region"() ({
      %run_scoped3A = tpu.sem_alloc : memref<!tpu.dma_semaphore, #tpu.memory_space<semaphore_mem>>
      %dma_start3A_46 = arith.constant 0 : i32
      %dma_start3A_47 = tpu.memref_slice %arg6[%add3A_45, %dma_start3A_46] : memref<20480x64xf32, #tpu.memory_space<hbm>> -> memref<640x64xf32, #tpu.memory_space<hbm>>
      %dma_start3A_48 = arith.constant 0 : i32
      %dma_start3A_49 = tpu.memref_slice %arg6[%add3A_45, %dma_start3A_48] : memref<20480x64xf32, #tpu.memory_space<hbm>> -> memref<640x64xf32, #tpu.memory_space<hbm>>
      tpu.enqueue_dma source(%arg9 : memref<640x64xf32, #tpu.memory_space<vmem>>) target(%dma_start3A_49 : memref<640x64xf32, #tpu.memory_space<hbm>>) target_semaphore(%run_scoped3A : memref<!tpu.dma_semaphore, #tpu.memory_space<semaphore_mem>>)
      %dma_wait3A = arith.constant 0 : i32
      %dma_wait3A_50 = tpu.memref_slice %arg6[%add3A_45, %dma_wait3A] : memref<20480x64xf32, #tpu.memory_space<hbm>> -> memref<640x64xf32, #tpu.memory_space<hbm>>
      %dma_wait3A_51 = arith.constant 0 : i32
      %dma_wait3A_52 = tpu.memref_slice %arg6[%add3A_45, %dma_wait3A_51] : memref<20480x64xf32, #tpu.memory_space<hbm>> -> memref<640x64xf32, #tpu.memory_space<hbm>>
      tpu.wait_dma2 semaphore(%run_scoped3A : memref<!tpu.dma_semaphore, #tpu.memory_space<semaphore_mem>>) src(%arg9 : memref<640x64xf32, #tpu.memory_space<vmem>>) dst(%dma_wait3A_52 : memref<640x64xf32, #tpu.memory_space<hbm>>)
      tpu.yield
    }) : () -> ()
    return
  }
}

#map = affine_map<(d0, d1) -> (0, 0)>
#map1 = affine_map<(d0, d1) -> (0, 0, 0)>
module attributes {stable_mosaic.version = 14 : i64} {
  func.func @edge_scatter(%arg0: i32, %arg1: i32, %arg2: memref<10000x64xf32, #tpu.memory_space<hbm>>, %arg3: memref<32x125x80xi32, #tpu.memory_space<hbm>>, %arg4: memref<32x125x80xi32, #tpu.memory_space<hbm>>, %arg5: memref<10240x64xf32, #tpu.memory_space<hbm>>, %arg6: memref<20480x64xf32, #tpu.memory_space<hbm>>, %arg7: memref<125x80xi32, #tpu.memory_space<vmem>>, %arg8: memref<125x80xi32, #tpu.memory_space<vmem>>, %arg9: memref<640x64xf32, #tpu.memory_space<vmem>>, %arg10: memref<10240x64xf32, #tpu.memory_space<vmem_shared>>, %arg11: memref<80x64xf32, #tpu.memory_space<vmem>>, %arg12: memref<80x64xf32, #tpu.memory_space<vmem>>, %arg13: memref<80x64xf32, #tpu.memory_space<vmem>>, %arg14: memref<80x64xf32, #tpu.memory_space<vmem>>, %arg15: memref<80x64xf32, #tpu.memory_space<vmem>>, %arg16: memref<!tpu.dma_semaphore, #tpu.memory_space<semaphore_mem>>, %arg17: memref<!tpu.dma_semaphore, #tpu.memory_space<semaphore_mem>>, %arg18: memref<!tpu.dma_semaphore, #tpu.memory_space<semaphore_mem>>, %arg19: memref<!tpu.dma_semaphore, #tpu.memory_space<semaphore_mem>>, %arg20: memref<!tpu.dma_semaphore, #tpu.memory_space<semaphore_mem>>) attributes {dimension_semantics = [#tpu.dimension_semantics<core_parallel>, #tpu.dimension_semantics<subcore_parallel>], iteration_bounds = array<i64: 2, 16>, scalar_prefetch = 0 : i64, scratch_operands = 14 : i64, tpu.core_type = #tpu.core_type<sc_vector_subcore>, window_params = [{transform_indices = #map}, {transform_indices = #map1}, {transform_indices = #map1}, {transform_indices = #map}, {transform_indices = #map}]} {
    %mul3A = arith.constant 640 : i32
    %mul3A_0 = arith.muli %arg1, %mul3A : i32
    %mul3A_1 = arith.constant 16 : i32
    %mul3A_2 = arith.muli %arg0, %mul3A_1 : i32
    %add3A = arith.addi %mul3A_2, %arg1 : i32
    "tpu.region"() ({
      %run_scoped3A = tpu.sem_alloc : memref<!tpu.dma_semaphore, #tpu.memory_space<semaphore_mem>>
      %dma_start3A_46 = arith.constant 0 : i32
      %dma_start3A_47 = tpu.memref_slice %arg5[%mul3A_0, %dma_start3A_46] : memref<10240x64xf32, #tpu.memory_space<hbm>> -> memref<640x64xf32, #tpu.memory_space<hbm>>
      %dma_start3A_48 = arith.constant 0 : i32
      %dma_start3A_49 = tpu.memref_slice %arg5[%mul3A_0, %dma_start3A_48] : memref<10240x64xf32, #tpu.memory_space<hbm>> -> memref<640x64xf32, #tpu.memory_space<hbm>>
      tpu.enqueue_dma source(%dma_start3A_49 : memref<640x64xf32, #tpu.memory_space<hbm>>) target(%arg9 : memref<640x64xf32, #tpu.memory_space<vmem>>) target_semaphore(%run_scoped3A : memref<!tpu.dma_semaphore, #tpu.memory_space<semaphore_mem>>)
      %dma_wait3A = arith.constant 0 : i32
      %dma_wait3A_50 = tpu.memref_slice %arg5[%mul3A_0, %dma_wait3A] : memref<10240x64xf32, #tpu.memory_space<hbm>> -> memref<640x64xf32, #tpu.memory_space<hbm>>
      %dma_wait3A_51 = arith.constant 0 : i32
      %dma_wait3A_52 = tpu.memref_slice %arg5[%mul3A_0, %dma_wait3A_51] : memref<10240x64xf32, #tpu.memory_space<hbm>> -> memref<640x64xf32, #tpu.memory_space<hbm>>
      tpu.wait_dma2 semaphore(%run_scoped3A : memref<!tpu.dma_semaphore, #tpu.memory_space<semaphore_mem>>) src(%dma_wait3A_52 : memref<640x64xf32, #tpu.memory_space<hbm>>) dst(%arg9 : memref<640x64xf32, #tpu.memory_space<vmem>>)
      tpu.yield
    }) : () -> ()
    "tpu.region"() ({
      %run_scoped3A = tpu.sem_alloc : memref<!tpu.dma_semaphore, #tpu.memory_space<semaphore_mem>>
      %dma_start3A_46 = arith.constant 0 : i32
      %dma_start3A_47 = tpu.memref_slice %arg10[%mul3A_0, %dma_start3A_46] : memref<10240x64xf32, #tpu.memory_space<vmem_shared>> -> memref<640x64xf32, #tpu.memory_space<vmem_shared>>
      %dma_start3A_48 = arith.constant 0 : i32
      %dma_start3A_49 = tpu.memref_slice %arg10[%mul3A_0, %dma_start3A_48] : memref<10240x64xf32, #tpu.memory_space<vmem_shared>> -> memref<640x64xf32, #tpu.memory_space<vmem_shared>>
      tpu.enqueue_dma source(%arg9 : memref<640x64xf32, #tpu.memory_space<vmem>>) target(%dma_start3A_49 : memref<640x64xf32, #tpu.memory_space<vmem_shared>>) target_semaphore(%run_scoped3A : memref<!tpu.dma_semaphore, #tpu.memory_space<semaphore_mem>>)
      %dma_wait3A = arith.constant 0 : i32
      %dma_wait3A_50 = tpu.memref_slice %arg10[%mul3A_0, %dma_wait3A] : memref<10240x64xf32, #tpu.memory_space<vmem_shared>> -> memref<640x64xf32, #tpu.memory_space<vmem_shared>>
      %dma_wait3A_51 = arith.constant 0 : i32
      %dma_wait3A_52 = tpu.memref_slice %arg10[%mul3A_0, %dma_wait3A_51] : memref<10240x64xf32, #tpu.memory_space<vmem_shared>> -> memref<640x64xf32, #tpu.memory_space<vmem_shared>>
      tpu.wait_dma2 semaphore(%run_scoped3A : memref<!tpu.dma_semaphore, #tpu.memory_space<semaphore_mem>>) src(%arg9 : memref<640x64xf32, #tpu.memory_space<vmem>>) dst(%dma_wait3A_52 : memref<640x64xf32, #tpu.memory_space<vmem_shared>>)
      tpu.yield
    }) : () -> ()
    "tpu.region"() ({
      %run_scoped3A = tpu.sem_alloc : memref<!tpu.dma_semaphore, #tpu.memory_space<semaphore_mem>>
      %dma_start3A_46 = arith.constant 0 : i32
      %dma_start3A_47 = arith.constant 0 : i32
      %dma_start3A_48 = tpu.memref_slice %arg3[%add3A, %dma_start3A_46, %dma_start3A_47] : memref<32x125x80xi32, #tpu.memory_space<hbm>> -> memref<1x125x80xi32, #tpu.memory_space<hbm>>
      %dma_start3A_49 = tpu.memref_squeeze %dma_start3A_48 : memref<1x125x80xi32, #tpu.memory_space<hbm>> -> memref<125x80xi32, #tpu.memory_space<hbm>>
      %dma_start3A_50 = arith.constant 0 : i32
      %dma_start3A_51 = arith.constant 0 : i32
      %dma_start3A_52 = tpu.memref_slice %arg3[%add3A, %dma_start3A_50, %dma_start3A_51] : memref<32x125x80xi32, #tpu.memory_space<hbm>> -> memref<1x125x80xi32, #tpu.memory_space<hbm>>
      %dma_start3A_53 = tpu.memref_squeeze %dma_start3A_52 : memref<1x125x80xi32, #tpu.memory_space<hbm>> -> memref<125x80xi32, #tpu.memory_space<hbm>>
      tpu.enqueue_dma source(%dma_start3A_53 : memref<125x80xi32, #tpu.memory_space<hbm>>) target(%arg7 : memref<125x80xi32, #tpu.memory_space<vmem>>) target_semaphore(%run_scoped3A : memref<!tpu.dma_semaphore, #tpu.memory_space<semaphore_mem>>)
      %dma_wait3A = arith.constant 0 : i32
      %dma_wait3A_54 = arith.constant 0 : i32
      %dma_wait3A_55 = tpu.memref_slice %arg3[%add3A, %dma_wait3A, %dma_wait3A_54] : memref<32x125x80xi32, #tpu.memory_space<hbm>> -> memref<1x125x80xi32, #tpu.memory_space<hbm>>
      %dma_wait3A_56 = tpu.memref_squeeze %dma_wait3A_55 : memref<1x125x80xi32, #tpu.memory_space<hbm>> -> memref<125x80xi32, #tpu.memory_space<hbm>>
      %dma_wait3A_57 = arith.constant 0 : i32
      %dma_wait3A_58 = arith.constant 0 : i32
      %dma_wait3A_59 = tpu.memref_slice %arg3[%add3A, %dma_wait3A_57, %dma_wait3A_58] : memref<32x125x80xi32, #tpu.memory_space<hbm>> -> memref<1x125x80xi32, #tpu.memory_space<hbm>>
      %dma_wait3A_60 = tpu.memref_squeeze %dma_wait3A_59 : memref<1x125x80xi32, #tpu.memory_space<hbm>> -> memref<125x80xi32, #tpu.memory_space<hbm>>
      tpu.wait_dma2 semaphore(%run_scoped3A : memref<!tpu.dma_semaphore, #tpu.memory_space<semaphore_mem>>) src(%dma_wait3A_60 : memref<125x80xi32, #tpu.memory_space<hbm>>) dst(%arg7 : memref<125x80xi32, #tpu.memory_space<vmem>>)
      tpu.yield
    }) : () -> ()
    "tpu.region"() ({
      %run_scoped3A = tpu.sem_alloc : memref<!tpu.dma_semaphore, #tpu.memory_space<semaphore_mem>>
      %dma_start3A_46 = arith.constant 0 : i32
      %dma_start3A_47 = arith.constant 0 : i32
      %dma_start3A_48 = tpu.memref_slice %arg4[%add3A, %dma_start3A_46, %dma_start3A_47] : memref<32x125x80xi32, #tpu.memory_space<hbm>> -> memref<1x125x80xi32, #tpu.memory_space<hbm>>
      %dma_start3A_49 = tpu.memref_squeeze %dma_start3A_48 : memref<1x125x80xi32, #tpu.memory_space<hbm>> -> memref<125x80xi32, #tpu.memory_space<hbm>>
      %dma_start3A_50 = arith.constant 0 : i32
      %dma_start3A_51 = arith.constant 0 : i32
      %dma_start3A_52 = tpu.memref_slice %arg4[%add3A, %dma_start3A_50, %dma_start3A_51] : memref<32x125x80xi32, #tpu.memory_space<hbm>> -> memref<1x125x80xi32, #tpu.memory_space<hbm>>
      %dma_start3A_53 = tpu.memref_squeeze %dma_start3A_52 : memref<1x125x80xi32, #tpu.memory_space<hbm>> -> memref<125x80xi32, #tpu.memory_space<hbm>>
      tpu.enqueue_dma source(%dma_start3A_53 : memref<125x80xi32, #tpu.memory_space<hbm>>) target(%arg8 : memref<125x80xi32, #tpu.memory_space<vmem>>) target_semaphore(%run_scoped3A : memref<!tpu.dma_semaphore, #tpu.memory_space<semaphore_mem>>)
      %dma_wait3A = arith.constant 0 : i32
      %dma_wait3A_54 = arith.constant 0 : i32
      %dma_wait3A_55 = tpu.memref_slice %arg4[%add3A, %dma_wait3A, %dma_wait3A_54] : memref<32x125x80xi32, #tpu.memory_space<hbm>> -> memref<1x125x80xi32, #tpu.memory_space<hbm>>
      %dma_wait3A_56 = tpu.memref_squeeze %dma_wait3A_55 : memref<1x125x80xi32, #tpu.memory_space<hbm>> -> memref<125x80xi32, #tpu.memory_space<hbm>>
      %dma_wait3A_57 = arith.constant 0 : i32
      %dma_wait3A_58 = arith.constant 0 : i32
      %dma_wait3A_59 = tpu.memref_slice %arg4[%add3A, %dma_wait3A_57, %dma_wait3A_58] : memref<32x125x80xi32, #tpu.memory_space<hbm>> -> memref<1x125x80xi32, #tpu.memory_space<hbm>>
      %dma_wait3A_60 = tpu.memref_squeeze %dma_wait3A_59 : memref<1x125x80xi32, #tpu.memory_space<hbm>> -> memref<125x80xi32, #tpu.memory_space<hbm>>
      tpu.wait_dma2 semaphore(%run_scoped3A : memref<!tpu.dma_semaphore, #tpu.memory_space<semaphore_mem>>) src(%dma_wait3A_60 : memref<125x80xi32, #tpu.memory_space<hbm>>) dst(%arg8 : memref<125x80xi32, #tpu.memory_space<vmem>>)
      tpu.yield
    }) : () -> ()
    %barrier3A = arith.constant 0 : index
    tpu.barrier barrier_id(%barrier3A)
    %dma_start3A = arith.constant 0 : i32
    %dma_start3A_3 = arith.constant 0 : i32
    %dma_start3A_4 = tpu.memref_slice %arg7[%dma_start3A, %dma_start3A_3] : memref<125x80xi32, #tpu.memory_space<vmem>> -> memref<1x80xi32, #tpu.memory_space<vmem>>
    %dma_start3A_5 = tpu.memref_squeeze %dma_start3A_4 : memref<1x80xi32, #tpu.memory_space<vmem>> -> memref<80xi32, #tpu.memory_space<vmem>>
    %dma_start3A_6 = arith.constant 0 : i32
    %dma_start3A_7 = arith.constant 0 : i32
    %dma_start3A_8 = tpu.memref_slice %arg2[%dma_start3A_6, %dma_start3A_7] : memref<10000x64xf32, #tpu.memory_space<hbm>> -> memref<10000x64xf32, #tpu.memory_space<hbm>>
    tpu.enqueue_indirect_dma source(%dma_start3A_8 : memref<10000x64xf32, #tpu.memory_space<hbm>>) target(%arg11 : memref<80x64xf32, #tpu.memory_space<vmem>>) offsets(%dma_start3A_5 : memref<80xi32, #tpu.memory_space<vmem>>) semaphore(%arg16 : memref<!tpu.dma_semaphore, #tpu.memory_space<semaphore_mem>>)
    %dma_start3A_9 = arith.constant 1 : i32
    %dma_start3A_10 = arith.constant 0 : i32
    %dma_start3A_11 = tpu.memref_slice %arg7[%dma_start3A_9, %dma_start3A_10] : memref<125x80xi32, #tpu.memory_space<vmem>> -> memref<1x80xi32, #tpu.memory_space<vmem>>
    %dma_start3A_12 = tpu.memref_squeeze %dma_start3A_11 : memref<1x80xi32, #tpu.memory_space<vmem>> -> memref<80xi32, #tpu.memory_space<vmem>>
    %dma_start3A_13 = arith.constant 0 : i32
    %dma_start3A_14 = arith.constant 0 : i32
    %dma_start3A_15 = tpu.memref_slice %arg2[%dma_start3A_13, %dma_start3A_14] : memref<10000x64xf32, #tpu.memory_space<hbm>> -> memref<10000x64xf32, #tpu.memory_space<hbm>>
    tpu.enqueue_indirect_dma source(%dma_start3A_15 : memref<10000x64xf32, #tpu.memory_space<hbm>>) target(%arg12 : memref<80x64xf32, #tpu.memory_space<vmem>>) offsets(%dma_start3A_12 : memref<80xi32, #tpu.memory_space<vmem>>) semaphore(%arg17 : memref<!tpu.dma_semaphore, #tpu.memory_space<semaphore_mem>>)
    %dma_start3A_16 = arith.constant 2 : i32
    %dma_start3A_17 = arith.constant 0 : i32
    %dma_start3A_18 = tpu.memref_slice %arg7[%dma_start3A_16, %dma_start3A_17] : memref<125x80xi32, #tpu.memory_space<vmem>> -> memref<1x80xi32, #tpu.memory_space<vmem>>
    %dma_start3A_19 = tpu.memref_squeeze %dma_start3A_18 : memref<1x80xi32, #tpu.memory_space<vmem>> -> memref<80xi32, #tpu.memory_space<vmem>>
    %dma_start3A_20 = arith.constant 0 : i32
    %dma_start3A_21 = arith.constant 0 : i32
    %dma_start3A_22 = tpu.memref_slice %arg2[%dma_start3A_20, %dma_start3A_21] : memref<10000x64xf32, #tpu.memory_space<hbm>> -> memref<10000x64xf32, #tpu.memory_space<hbm>>
    tpu.enqueue_indirect_dma source(%dma_start3A_22 : memref<10000x64xf32, #tpu.memory_space<hbm>>) target(%arg13 : memref<80x64xf32, #tpu.memory_space<vmem>>) offsets(%dma_start3A_19 : memref<80xi32, #tpu.memory_space<vmem>>) semaphore(%arg18 : memref<!tpu.dma_semaphore, #tpu.memory_space<semaphore_mem>>)
    %dma_start3A_23 = arith.constant 3 : i32
    %dma_start3A_24 = arith.constant 0 : i32
    %dma_start3A_25 = tpu.memref_slice %arg7[%dma_start3A_23, %dma_start3A_24] : memref<125x80xi32, #tpu.memory_space<vmem>> -> memref<1x80xi32, #tpu.memory_space<vmem>>
    %dma_start3A_26 = tpu.memref_squeeze %dma_start3A_25 : memref<1x80xi32, #tpu.memory_space<vmem>> -> memref<80xi32, #tpu.memory_space<vmem>>
    %dma_start3A_27 = arith.constant 0 : i32
    %dma_start3A_28 = arith.constant 0 : i32
    %dma_start3A_29 = tpu.memref_slice %arg2[%dma_start3A_27, %dma_start3A_28] : memref<10000x64xf32, #tpu.memory_space<hbm>> -> memref<10000x64xf32, #tpu.memory_space<hbm>>
    tpu.enqueue_indirect_dma source(%dma_start3A_29 : memref<10000x64xf32, #tpu.memory_space<hbm>>) target(%arg14 : memref<80x64xf32, #tpu.memory_space<vmem>>) offsets(%dma_start3A_26 : memref<80xi32, #tpu.memory_space<vmem>>) semaphore(%arg19 : memref<!tpu.dma_semaphore, #tpu.memory_space<semaphore_mem>>)
    %dma_start3A_30 = arith.constant 4 : i32
    %dma_start3A_31 = arith.constant 0 : i32
    %dma_start3A_32 = tpu.memref_slice %arg7[%dma_start3A_30, %dma_start3A_31] : memref<125x80xi32, #tpu.memory_space<vmem>> -> memref<1x80xi32, #tpu.memory_space<vmem>>
    %dma_start3A_33 = tpu.memref_squeeze %dma_start3A_32 : memref<1x80xi32, #tpu.memory_space<vmem>> -> memref<80xi32, #tpu.memory_space<vmem>>
    %dma_start3A_34 = arith.constant 0 : i32
    %dma_start3A_35 = arith.constant 0 : i32
    %dma_start3A_36 = tpu.memref_slice %arg2[%dma_start3A_34, %dma_start3A_35] : memref<10000x64xf32, #tpu.memory_space<hbm>> -> memref<10000x64xf32, #tpu.memory_space<hbm>>
    tpu.enqueue_indirect_dma source(%dma_start3A_36 : memref<10000x64xf32, #tpu.memory_space<hbm>>) target(%arg15 : memref<80x64xf32, #tpu.memory_space<vmem>>) offsets(%dma_start3A_33 : memref<80xi32, #tpu.memory_space<vmem>>) semaphore(%arg20 : memref<!tpu.dma_semaphore, #tpu.memory_space<semaphore_mem>>)
    %scan3A = arith.constant 0 : i32
    %scan3A_37 = arith.constant 0 : i32
    %scan3A_38 = arith.constant 25 : i32
    %scan3A_39 = arith.addi %scan3A_37, %scan3A_38 : i32
    %scan3A_40 = arith.constant 1 : i32
    scf.for %scan3A_46 = %scan3A_37 to %scan3A_39 step %scan3A_40  : i32 {
      %mul3A_47 = arith.constant 5 : i32
      %mul3A_48 = arith.muli %scan3A_46, %mul3A_47 : i32
      %add3A_49 = arith.constant 0 : i32
      %add3A_50 = arith.addi %mul3A_48, %add3A_49 : i32
      %dma_wait3A = arith.constant 0 : i32
      %dma_wait3A_51 = arith.constant 0 : i32
      %dma_wait3A_52 = tpu.memref_slice %arg7[%dma_wait3A, %dma_wait3A_51] : memref<125x80xi32, #tpu.memory_space<vmem>> -> memref<1x80xi32, #tpu.memory_space<vmem>>
      %dma_wait3A_53 = tpu.memref_squeeze %dma_wait3A_52 : memref<1x80xi32, #tpu.memory_space<vmem>> -> memref<80xi32, #tpu.memory_space<vmem>>
      %dma_wait3A_54 = arith.constant 0 : i32
      %dma_wait3A_55 = arith.constant 0 : i32
      %dma_wait3A_56 = tpu.memref_slice %arg2[%dma_wait3A_54, %dma_wait3A_55] : memref<10000x64xf32, #tpu.memory_space<hbm>> -> memref<10000x64xf32, #tpu.memory_space<hbm>>
      tpu.wait_indirect_dma semaphore(%arg16 : memref<!tpu.dma_semaphore, #tpu.memory_space<semaphore_mem>>) src(%dma_wait3A_56 : memref<10000x64xf32, #tpu.memory_space<hbm>>) dst(%arg11 : memref<80x64xf32, #tpu.memory_space<vmem>>)
      "tpu.region"() ({
        %run_scoped3A = tpu.sem_alloc : memref<!tpu.dma_semaphore, #tpu.memory_space<semaphore_mem>>
        %dma_start3A_125 = arith.constant 0 : i32
        %dma_start3A_126 = tpu.memref_slice %arg8[%add3A_50, %dma_start3A_125] : memref<125x80xi32, #tpu.memory_space<vmem>> -> memref<1x80xi32, #tpu.memory_space<vmem>>
        %dma_start3A_127 = tpu.memref_squeeze %dma_start3A_126 : memref<1x80xi32, #tpu.memory_space<vmem>> -> memref<80xi32, #tpu.memory_space<vmem>>
        %dma_start3A_128 = arith.constant 0 : i32
        %dma_start3A_129 = arith.constant 0 : i32
        %dma_start3A_130 = tpu.memref_slice %arg10[%dma_start3A_128, %dma_start3A_129] : memref<10240x64xf32, #tpu.memory_space<vmem_shared>> -> memref<10240x64xf32, #tpu.memory_space<vmem_shared>>
        tpu.enqueue_indirect_dma source(%arg11 : memref<80x64xf32, #tpu.memory_space<vmem>>) target(%dma_start3A_130 : memref<10240x64xf32, #tpu.memory_space<vmem_shared>>) offsets(%dma_start3A_127 : memref<80xi32, #tpu.memory_space<vmem>>) semaphore(%run_scoped3A : memref<!tpu.dma_semaphore, #tpu.memory_space<semaphore_mem>>) {add = true}
        %dma_wait3A_131 = arith.constant 0 : i32
        %dma_wait3A_132 = tpu.memref_slice %arg8[%add3A_50, %dma_wait3A_131] : memref<125x80xi32, #tpu.memory_space<vmem>> -> memref<1x80xi32, #tpu.memory_space<vmem>>
        %dma_wait3A_133 = tpu.memref_squeeze %dma_wait3A_132 : memref<1x80xi32, #tpu.memory_space<vmem>> -> memref<80xi32, #tpu.memory_space<vmem>>
        %dma_wait3A_134 = arith.constant 0 : i32
        %dma_wait3A_135 = arith.constant 0 : i32
        %dma_wait3A_136 = tpu.memref_slice %arg10[%dma_wait3A_134, %dma_wait3A_135] : memref<10240x64xf32, #tpu.memory_space<vmem_shared>> -> memref<10240x64xf32, #tpu.memory_space<vmem_shared>>
        tpu.wait_indirect_dma semaphore(%run_scoped3A : memref<!tpu.dma_semaphore, #tpu.memory_space<semaphore_mem>>) src(%arg11 : memref<80x64xf32, #tpu.memory_space<vmem>>) dst(%dma_wait3A_136 : memref<10240x64xf32, #tpu.memory_space<vmem_shared>>)
        tpu.yield
      }) : () -> ()
      %add3A_57 = arith.constant 5 : i32
      %add3A_58 = arith.addi %add3A_50, %add3A_57 : i32
      %lt3A = arith.constant 125 : i32
      %lt3A_59 = arith.cmpi slt, %add3A_58, %lt3A : i32
      %convert_element_type3A = arith.extui %lt3A_59 : i1 to i32
      %cond3A = arith.constant 0 : i32
      %cond3A_60 = arith.cmpi ne, %convert_element_type3A, %cond3A : i32
      scf.if %cond3A_60 {
        %dma_start3A_125 = arith.constant 0 : i32
        %dma_start3A_126 = tpu.memref_slice %arg7[%add3A_58, %dma_start3A_125] : memref<125x80xi32, #tpu.memory_space<vmem>> -> memref<1x80xi32, #tpu.memory_space<vmem>>
        %dma_start3A_127 = tpu.memref_squeeze %dma_start3A_126 : memref<1x80xi32, #tpu.memory_space<vmem>> -> memref<80xi32, #tpu.memory_space<vmem>>
        %dma_start3A_128 = arith.constant 0 : i32
        %dma_start3A_129 = arith.constant 0 : i32
        %dma_start3A_130 = tpu.memref_slice %arg2[%dma_start3A_128, %dma_start3A_129] : memref<10000x64xf32, #tpu.memory_space<hbm>> -> memref<10000x64xf32, #tpu.memory_space<hbm>>
        tpu.enqueue_indirect_dma source(%dma_start3A_130 : memref<10000x64xf32, #tpu.memory_space<hbm>>) target(%arg11 : memref<80x64xf32, #tpu.memory_space<vmem>>) offsets(%dma_start3A_127 : memref<80xi32, #tpu.memory_space<vmem>>) semaphore(%arg16 : memref<!tpu.dma_semaphore, #tpu.memory_space<semaphore_mem>>)
      } else {
      }
      %add3A_61 = arith.constant 1 : i32
      %add3A_62 = arith.addi %mul3A_48, %add3A_61 : i32
      %dma_wait3A_63 = arith.constant 0 : i32
      %dma_wait3A_64 = arith.constant 0 : i32
      %dma_wait3A_65 = tpu.memref_slice %arg7[%dma_wait3A_63, %dma_wait3A_64] : memref<125x80xi32, #tpu.memory_space<vmem>> -> memref<1x80xi32, #tpu.memory_space<vmem>>
      %dma_wait3A_66 = tpu.memref_squeeze %dma_wait3A_65 : memref<1x80xi32, #tpu.memory_space<vmem>> -> memref<80xi32, #tpu.memory_space<vmem>>
      %dma_wait3A_67 = arith.constant 0 : i32
      %dma_wait3A_68 = arith.constant 0 : i32
      %dma_wait3A_69 = tpu.memref_slice %arg2[%dma_wait3A_67, %dma_wait3A_68] : memref<10000x64xf32, #tpu.memory_space<hbm>> -> memref<10000x64xf32, #tpu.memory_space<hbm>>
      tpu.wait_indirect_dma semaphore(%arg17 : memref<!tpu.dma_semaphore, #tpu.memory_space<semaphore_mem>>) src(%dma_wait3A_69 : memref<10000x64xf32, #tpu.memory_space<hbm>>) dst(%arg12 : memref<80x64xf32, #tpu.memory_space<vmem>>)
      "tpu.region"() ({
        %run_scoped3A = tpu.sem_alloc : memref<!tpu.dma_semaphore, #tpu.memory_space<semaphore_mem>>
        %dma_start3A_125 = arith.constant 0 : i32
        %dma_start3A_126 = tpu.memref_slice %arg8[%add3A_62, %dma_start3A_125] : memref<125x80xi32, #tpu.memory_space<vmem>> -> memref<1x80xi32, #tpu.memory_space<vmem>>
        %dma_start3A_127 = tpu.memref_squeeze %dma_start3A_126 : memref<1x80xi32, #tpu.memory_space<vmem>> -> memref<80xi32, #tpu.memory_space<vmem>>
        %dma_start3A_128 = arith.constant 0 : i32
        %dma_start3A_129 = arith.constant 0 : i32
        %dma_start3A_130 = tpu.memref_slice %arg10[%dma_start3A_128, %dma_start3A_129] : memref<10240x64xf32, #tpu.memory_space<vmem_shared>> -> memref<10240x64xf32, #tpu.memory_space<vmem_shared>>
        tpu.enqueue_indirect_dma source(%arg12 : memref<80x64xf32, #tpu.memory_space<vmem>>) target(%dma_start3A_130 : memref<10240x64xf32, #tpu.memory_space<vmem_shared>>) offsets(%dma_start3A_127 : memref<80xi32, #tpu.memory_space<vmem>>) semaphore(%run_scoped3A : memref<!tpu.dma_semaphore, #tpu.memory_space<semaphore_mem>>) {add = true}
        %dma_wait3A_131 = arith.constant 0 : i32
        %dma_wait3A_132 = tpu.memref_slice %arg8[%add3A_62, %dma_wait3A_131] : memref<125x80xi32, #tpu.memory_space<vmem>> -> memref<1x80xi32, #tpu.memory_space<vmem>>
        %dma_wait3A_133 = tpu.memref_squeeze %dma_wait3A_132 : memref<1x80xi32, #tpu.memory_space<vmem>> -> memref<80xi32, #tpu.memory_space<vmem>>
        %dma_wait3A_134 = arith.constant 0 : i32
        %dma_wait3A_135 = arith.constant 0 : i32
        %dma_wait3A_136 = tpu.memref_slice %arg10[%dma_wait3A_134, %dma_wait3A_135] : memref<10240x64xf32, #tpu.memory_space<vmem_shared>> -> memref<10240x64xf32, #tpu.memory_space<vmem_shared>>
        tpu.wait_indirect_dma semaphore(%run_scoped3A : memref<!tpu.dma_semaphore, #tpu.memory_space<semaphore_mem>>) src(%arg12 : memref<80x64xf32, #tpu.memory_space<vmem>>) dst(%dma_wait3A_136 : memref<10240x64xf32, #tpu.memory_space<vmem_shared>>)
        tpu.yield
      }) : () -> ()
      %add3A_70 = arith.constant 5 : i32
      %add3A_71 = arith.addi %add3A_62, %add3A_70 : i32
      %lt3A_72 = arith.constant 125 : i32
      %lt3A_73 = arith.cmpi slt, %add3A_71, %lt3A_72 : i32
      %convert_element_type3A_74 = arith.extui %lt3A_73 : i1 to i32
      %cond3A_75 = arith.constant 0 : i32
      %cond3A_76 = arith.cmpi ne, %convert_element_type3A_74, %cond3A_75 : i32
      scf.if %cond3A_76 {
        %dma_start3A_125 = arith.constant 0 : i32
        %dma_start3A_126 = tpu.memref_slice %arg7[%add3A_71, %dma_start3A_125] : memref<125x80xi32, #tpu.memory_space<vmem>> -> memref<1x80xi32, #tpu.memory_space<vmem>>
        %dma_start3A_127 = tpu.memref_squeeze %dma_start3A_126 : memref<1x80xi32, #tpu.memory_space<vmem>> -> memref<80xi32, #tpu.memory_space<vmem>>
        %dma_start3A_128 = arith.constant 0 : i32
        %dma_start3A_129 = arith.constant 0 : i32
        %dma_start3A_130 = tpu.memref_slice %arg2[%dma_start3A_128, %dma_start3A_129] : memref<10000x64xf32, #tpu.memory_space<hbm>> -> memref<10000x64xf32, #tpu.memory_space<hbm>>
        tpu.enqueue_indirect_dma source(%dma_start3A_130 : memref<10000x64xf32, #tpu.memory_space<hbm>>) target(%arg12 : memref<80x64xf32, #tpu.memory_space<vmem>>) offsets(%dma_start3A_127 : memref<80xi32, #tpu.memory_space<vmem>>) semaphore(%arg17 : memref<!tpu.dma_semaphore, #tpu.memory_space<semaphore_mem>>)
      } else {
      }
      %add3A_77 = arith.constant 2 : i32
      %add3A_78 = arith.addi %mul3A_48, %add3A_77 : i32
      %dma_wait3A_79 = arith.constant 0 : i32
      %dma_wait3A_80 = arith.constant 0 : i32
      %dma_wait3A_81 = tpu.memref_slice %arg7[%dma_wait3A_79, %dma_wait3A_80] : memref<125x80xi32, #tpu.memory_space<vmem>> -> memref<1x80xi32, #tpu.memory_space<vmem>>
      %dma_wait3A_82 = tpu.memref_squeeze %dma_wait3A_81 : memref<1x80xi32, #tpu.memory_space<vmem>> -> memref<80xi32, #tpu.memory_space<vmem>>
      %dma_wait3A_83 = arith.constant 0 : i32
      %dma_wait3A_84 = arith.constant 0 : i32
      %dma_wait3A_85 = tpu.memref_slice %arg2[%dma_wait3A_83, %dma_wait3A_84] : memref<10000x64xf32, #tpu.memory_space<hbm>> -> memref<10000x64xf32, #tpu.memory_space<hbm>>
      tpu.wait_indirect_dma semaphore(%arg18 : memref<!tpu.dma_semaphore, #tpu.memory_space<semaphore_mem>>) src(%dma_wait3A_85 : memref<10000x64xf32, #tpu.memory_space<hbm>>) dst(%arg13 : memref<80x64xf32, #tpu.memory_space<vmem>>)
      "tpu.region"() ({
        %run_scoped3A = tpu.sem_alloc : memref<!tpu.dma_semaphore, #tpu.memory_space<semaphore_mem>>
        %dma_start3A_125 = arith.constant 0 : i32
        %dma_start3A_126 = tpu.memref_slice %arg8[%add3A_78, %dma_start3A_125] : memref<125x80xi32, #tpu.memory_space<vmem>> -> memref<1x80xi32, #tpu.memory_space<vmem>>
        %dma_start3A_127 = tpu.memref_squeeze %dma_start3A_126 : memref<1x80xi32, #tpu.memory_space<vmem>> -> memref<80xi32, #tpu.memory_space<vmem>>
        %dma_start3A_128 = arith.constant 0 : i32
        %dma_start3A_129 = arith.constant 0 : i32
        %dma_start3A_130 = tpu.memref_slice %arg10[%dma_start3A_128, %dma_start3A_129] : memref<10240x64xf32, #tpu.memory_space<vmem_shared>> -> memref<10240x64xf32, #tpu.memory_space<vmem_shared>>
        tpu.enqueue_indirect_dma source(%arg13 : memref<80x64xf32, #tpu.memory_space<vmem>>) target(%dma_start3A_130 : memref<10240x64xf32, #tpu.memory_space<vmem_shared>>) offsets(%dma_start3A_127 : memref<80xi32, #tpu.memory_space<vmem>>) semaphore(%run_scoped3A : memref<!tpu.dma_semaphore, #tpu.memory_space<semaphore_mem>>) {add = true}
        %dma_wait3A_131 = arith.constant 0 : i32
        %dma_wait3A_132 = tpu.memref_slice %arg8[%add3A_78, %dma_wait3A_131] : memref<125x80xi32, #tpu.memory_space<vmem>> -> memref<1x80xi32, #tpu.memory_space<vmem>>
        %dma_wait3A_133 = tpu.memref_squeeze %dma_wait3A_132 : memref<1x80xi32, #tpu.memory_space<vmem>> -> memref<80xi32, #tpu.memory_space<vmem>>
        %dma_wait3A_134 = arith.constant 0 : i32
        %dma_wait3A_135 = arith.constant 0 : i32
        %dma_wait3A_136 = tpu.memref_slice %arg10[%dma_wait3A_134, %dma_wait3A_135] : memref<10240x64xf32, #tpu.memory_space<vmem_shared>> -> memref<10240x64xf32, #tpu.memory_space<vmem_shared>>
        tpu.wait_indirect_dma semaphore(%run_scoped3A : memref<!tpu.dma_semaphore, #tpu.memory_space<semaphore_mem>>) src(%arg13 : memref<80x64xf32, #tpu.memory_space<vmem>>) dst(%dma_wait3A_136 : memref<10240x64xf32, #tpu.memory_space<vmem_shared>>)
        tpu.yield
      }) : () -> ()
      %add3A_86 = arith.constant 5 : i32
      %add3A_87 = arith.addi %add3A_78, %add3A_86 : i32
      %lt3A_88 = arith.constant 125 : i32
      %lt3A_89 = arith.cmpi slt, %add3A_87, %lt3A_88 : i32
      %convert_element_type3A_90 = arith.extui %lt3A_89 : i1 to i32
      %cond3A_91 = arith.constant 0 : i32
      %cond3A_92 = arith.cmpi ne, %convert_element_type3A_90, %cond3A_91 : i32
      scf.if %cond3A_92 {
        %dma_start3A_125 = arith.constant 0 : i32
        %dma_start3A_126 = tpu.memref_slice %arg7[%add3A_87, %dma_start3A_125] : memref<125x80xi32, #tpu.memory_space<vmem>> -> memref<1x80xi32, #tpu.memory_space<vmem>>
        %dma_start3A_127 = tpu.memref_squeeze %dma_start3A_126 : memref<1x80xi32, #tpu.memory_space<vmem>> -> memref<80xi32, #tpu.memory_space<vmem>>
        %dma_start3A_128 = arith.constant 0 : i32
        %dma_start3A_129 = arith.constant 0 : i32
        %dma_start3A_130 = tpu.memref_slice %arg2[%dma_start3A_128, %dma_start3A_129] : memref<10000x64xf32, #tpu.memory_space<hbm>> -> memref<10000x64xf32, #tpu.memory_space<hbm>>
        tpu.enqueue_indirect_dma source(%dma_start3A_130 : memref<10000x64xf32, #tpu.memory_space<hbm>>) target(%arg13 : memref<80x64xf32, #tpu.memory_space<vmem>>) offsets(%dma_start3A_127 : memref<80xi32, #tpu.memory_space<vmem>>) semaphore(%arg18 : memref<!tpu.dma_semaphore, #tpu.memory_space<semaphore_mem>>)
      } else {
      }
      %add3A_93 = arith.constant 3 : i32
      %add3A_94 = arith.addi %mul3A_48, %add3A_93 : i32
      %dma_wait3A_95 = arith.constant 0 : i32
      %dma_wait3A_96 = arith.constant 0 : i32
      %dma_wait3A_97 = tpu.memref_slice %arg7[%dma_wait3A_95, %dma_wait3A_96] : memref<125x80xi32, #tpu.memory_space<vmem>> -> memref<1x80xi32, #tpu.memory_space<vmem>>
      %dma_wait3A_98 = tpu.memref_squeeze %dma_wait3A_97 : memref<1x80xi32, #tpu.memory_space<vmem>> -> memref<80xi32, #tpu.memory_space<vmem>>
      %dma_wait3A_99 = arith.constant 0 : i32
      %dma_wait3A_100 = arith.constant 0 : i32
      %dma_wait3A_101 = tpu.memref_slice %arg2[%dma_wait3A_99, %dma_wait3A_100] : memref<10000x64xf32, #tpu.memory_space<hbm>> -> memref<10000x64xf32, #tpu.memory_space<hbm>>
      tpu.wait_indirect_dma semaphore(%arg19 : memref<!tpu.dma_semaphore, #tpu.memory_space<semaphore_mem>>) src(%dma_wait3A_101 : memref<10000x64xf32, #tpu.memory_space<hbm>>) dst(%arg14 : memref<80x64xf32, #tpu.memory_space<vmem>>)
      "tpu.region"() ({
        %run_scoped3A = tpu.sem_alloc : memref<!tpu.dma_semaphore, #tpu.memory_space<semaphore_mem>>
        %dma_start3A_125 = arith.constant 0 : i32
        %dma_start3A_126 = tpu.memref_slice %arg8[%add3A_94, %dma_start3A_125] : memref<125x80xi32, #tpu.memory_space<vmem>> -> memref<1x80xi32, #tpu.memory_space<vmem>>
        %dma_start3A_127 = tpu.memref_squeeze %dma_start3A_126 : memref<1x80xi32, #tpu.memory_space<vmem>> -> memref<80xi32, #tpu.memory_space<vmem>>
        %dma_start3A_128 = arith.constant 0 : i32
        %dma_start3A_129 = arith.constant 0 : i32
        %dma_start3A_130 = tpu.memref_slice %arg10[%dma_start3A_128, %dma_start3A_129] : memref<10240x64xf32, #tpu.memory_space<vmem_shared>> -> memref<10240x64xf32, #tpu.memory_space<vmem_shared>>
        tpu.enqueue_indirect_dma source(%arg14 : memref<80x64xf32, #tpu.memory_space<vmem>>) target(%dma_start3A_130 : memref<10240x64xf32, #tpu.memory_space<vmem_shared>>) offsets(%dma_start3A_127 : memref<80xi32, #tpu.memory_space<vmem>>) semaphore(%run_scoped3A : memref<!tpu.dma_semaphore, #tpu.memory_space<semaphore_mem>>) {add = true}
        %dma_wait3A_131 = arith.constant 0 : i32
        %dma_wait3A_132 = tpu.memref_slice %arg8[%add3A_94, %dma_wait3A_131] : memref<125x80xi32, #tpu.memory_space<vmem>> -> memref<1x80xi32, #tpu.memory_space<vmem>>
        %dma_wait3A_133 = tpu.memref_squeeze %dma_wait3A_132 : memref<1x80xi32, #tpu.memory_space<vmem>> -> memref<80xi32, #tpu.memory_space<vmem>>
        %dma_wait3A_134 = arith.constant 0 : i32
        %dma_wait3A_135 = arith.constant 0 : i32
        %dma_wait3A_136 = tpu.memref_slice %arg10[%dma_wait3A_134, %dma_wait3A_135] : memref<10240x64xf32, #tpu.memory_space<vmem_shared>> -> memref<10240x64xf32, #tpu.memory_space<vmem_shared>>
        tpu.wait_indirect_dma semaphore(%run_scoped3A : memref<!tpu.dma_semaphore, #tpu.memory_space<semaphore_mem>>) src(%arg14 : memref<80x64xf32, #tpu.memory_space<vmem>>) dst(%dma_wait3A_136 : memref<10240x64xf32, #tpu.memory_space<vmem_shared>>)
        tpu.yield
      }) : () -> ()
      %add3A_102 = arith.constant 5 : i32
      %add3A_103 = arith.addi %add3A_94, %add3A_102 : i32
      %lt3A_104 = arith.constant 125 : i32
      %lt3A_105 = arith.cmpi slt, %add3A_103, %lt3A_104 : i32
      %convert_element_type3A_106 = arith.extui %lt3A_105 : i1 to i32
      %cond3A_107 = arith.constant 0 : i32
      %cond3A_108 = arith.cmpi ne, %convert_element_type3A_106, %cond3A_107 : i32
      scf.if %cond3A_108 {
        %dma_start3A_125 = arith.constant 0 : i32
        %dma_start3A_126 = tpu.memref_slice %arg7[%add3A_103, %dma_start3A_125] : memref<125x80xi32, #tpu.memory_space<vmem>> -> memref<1x80xi32, #tpu.memory_space<vmem>>
        %dma_start3A_127 = tpu.memref_squeeze %dma_start3A_126 : memref<1x80xi32, #tpu.memory_space<vmem>> -> memref<80xi32, #tpu.memory_space<vmem>>
        %dma_start3A_128 = arith.constant 0 : i32
        %dma_start3A_129 = arith.constant 0 : i32
        %dma_start3A_130 = tpu.memref_slice %arg2[%dma_start3A_128, %dma_start3A_129] : memref<10000x64xf32, #tpu.memory_space<hbm>> -> memref<10000x64xf32, #tpu.memory_space<hbm>>
        tpu.enqueue_indirect_dma source(%dma_start3A_130 : memref<10000x64xf32, #tpu.memory_space<hbm>>) target(%arg14 : memref<80x64xf32, #tpu.memory_space<vmem>>) offsets(%dma_start3A_127 : memref<80xi32, #tpu.memory_space<vmem>>) semaphore(%arg19 : memref<!tpu.dma_semaphore, #tpu.memory_space<semaphore_mem>>)
      } else {
      }
      %add3A_109 = arith.constant 4 : i32
      %add3A_110 = arith.addi %mul3A_48, %add3A_109 : i32
      %dma_wait3A_111 = arith.constant 0 : i32
      %dma_wait3A_112 = arith.constant 0 : i32
      %dma_wait3A_113 = tpu.memref_slice %arg7[%dma_wait3A_111, %dma_wait3A_112] : memref<125x80xi32, #tpu.memory_space<vmem>> -> memref<1x80xi32, #tpu.memory_space<vmem>>
      %dma_wait3A_114 = tpu.memref_squeeze %dma_wait3A_113 : memref<1x80xi32, #tpu.memory_space<vmem>> -> memref<80xi32, #tpu.memory_space<vmem>>
      %dma_wait3A_115 = arith.constant 0 : i32
      %dma_wait3A_116 = arith.constant 0 : i32
      %dma_wait3A_117 = tpu.memref_slice %arg2[%dma_wait3A_115, %dma_wait3A_116] : memref<10000x64xf32, #tpu.memory_space<hbm>> -> memref<10000x64xf32, #tpu.memory_space<hbm>>
      tpu.wait_indirect_dma semaphore(%arg20 : memref<!tpu.dma_semaphore, #tpu.memory_space<semaphore_mem>>) src(%dma_wait3A_117 : memref<10000x64xf32, #tpu.memory_space<hbm>>) dst(%arg15 : memref<80x64xf32, #tpu.memory_space<vmem>>)
      "tpu.region"() ({
        %run_scoped3A = tpu.sem_alloc : memref<!tpu.dma_semaphore, #tpu.memory_space<semaphore_mem>>
        %dma_start3A_125 = arith.constant 0 : i32
        %dma_start3A_126 = tpu.memref_slice %arg8[%add3A_110, %dma_start3A_125] : memref<125x80xi32, #tpu.memory_space<vmem>> -> memref<1x80xi32, #tpu.memory_space<vmem>>
        %dma_start3A_127 = tpu.memref_squeeze %dma_start3A_126 : memref<1x80xi32, #tpu.memory_space<vmem>> -> memref<80xi32, #tpu.memory_space<vmem>>
        %dma_start3A_128 = arith.constant 0 : i32
        %dma_start3A_129 = arith.constant 0 : i32
        %dma_start3A_130 = tpu.memref_slice %arg10[%dma_start3A_128, %dma_start3A_129] : memref<10240x64xf32, #tpu.memory_space<vmem_shared>> -> memref<10240x64xf32, #tpu.memory_space<vmem_shared>>
        tpu.enqueue_indirect_dma source(%arg15 : memref<80x64xf32, #tpu.memory_space<vmem>>) target(%dma_start3A_130 : memref<10240x64xf32, #tpu.memory_space<vmem_shared>>) offsets(%dma_start3A_127 : memref<80xi32, #tpu.memory_space<vmem>>) semaphore(%run_scoped3A : memref<!tpu.dma_semaphore, #tpu.memory_space<semaphore_mem>>) {add = true}
        %dma_wait3A_131 = arith.constant 0 : i32
        %dma_wait3A_132 = tpu.memref_slice %arg8[%add3A_110, %dma_wait3A_131] : memref<125x80xi32, #tpu.memory_space<vmem>> -> memref<1x80xi32, #tpu.memory_space<vmem>>
        %dma_wait3A_133 = tpu.memref_squeeze %dma_wait3A_132 : memref<1x80xi32, #tpu.memory_space<vmem>> -> memref<80xi32, #tpu.memory_space<vmem>>
        %dma_wait3A_134 = arith.constant 0 : i32
        %dma_wait3A_135 = arith.constant 0 : i32
        %dma_wait3A_136 = tpu.memref_slice %arg10[%dma_wait3A_134, %dma_wait3A_135] : memref<10240x64xf32, #tpu.memory_space<vmem_shared>> -> memref<10240x64xf32, #tpu.memory_space<vmem_shared>>
        tpu.wait_indirect_dma semaphore(%run_scoped3A : memref<!tpu.dma_semaphore, #tpu.memory_space<semaphore_mem>>) src(%arg15 : memref<80x64xf32, #tpu.memory_space<vmem>>) dst(%dma_wait3A_136 : memref<10240x64xf32, #tpu.memory_space<vmem_shared>>)
        tpu.yield
      }) : () -> ()
      %add3A_118 = arith.constant 5 : i32
      %add3A_119 = arith.addi %add3A_110, %add3A_118 : i32
      %lt3A_120 = arith.constant 125 : i32
      %lt3A_121 = arith.cmpi slt, %add3A_119, %lt3A_120 : i32
      %convert_element_type3A_122 = arith.extui %lt3A_121 : i1 to i32
      %cond3A_123 = arith.constant 0 : i32
      %cond3A_124 = arith.cmpi ne, %convert_element_type3A_122, %cond3A_123 : i32
      scf.if %cond3A_124 {
        %dma_start3A_125 = arith.constant 0 : i32
        %dma_start3A_126 = tpu.memref_slice %arg7[%add3A_119, %dma_start3A_125] : memref<125x80xi32, #tpu.memory_space<vmem>> -> memref<1x80xi32, #tpu.memory_space<vmem>>
        %dma_start3A_127 = tpu.memref_squeeze %dma_start3A_126 : memref<1x80xi32, #tpu.memory_space<vmem>> -> memref<80xi32, #tpu.memory_space<vmem>>
        %dma_start3A_128 = arith.constant 0 : i32
        %dma_start3A_129 = arith.constant 0 : i32
        %dma_start3A_130 = tpu.memref_slice %arg2[%dma_start3A_128, %dma_start3A_129] : memref<10000x64xf32, #tpu.memory_space<hbm>> -> memref<10000x64xf32, #tpu.memory_space<hbm>>
        tpu.enqueue_indirect_dma source(%dma_start3A_130 : memref<10000x64xf32, #tpu.memory_space<hbm>>) target(%arg15 : memref<80x64xf32, #tpu.memory_space<vmem>>) offsets(%dma_start3A_127 : memref<80xi32, #tpu.memory_space<vmem>>) semaphore(%arg20 : memref<!tpu.dma_semaphore, #tpu.memory_space<semaphore_mem>>)
      } else {
      }
    }
    %scan3A_41 = arith.constant 25 : i32
    %barrier3A_42 = arith.constant 0 : index
    tpu.barrier barrier_id(%barrier3A_42)
    "tpu.region"() ({
      %run_scoped3A = tpu.sem_alloc : memref<!tpu.dma_semaphore, #tpu.memory_space<semaphore_mem>>
      %dma_start3A_46 = arith.constant 0 : i32
      %dma_start3A_47 = tpu.memref_slice %arg10[%mul3A_0, %dma_start3A_46] : memref<10240x64xf32, #tpu.memory_space<vmem_shared>> -> memref<640x64xf32, #tpu.memory_space<vmem_shared>>
      %dma_start3A_48 = arith.constant 0 : i32
      %dma_start3A_49 = tpu.memref_slice %arg10[%mul3A_0, %dma_start3A_48] : memref<10240x64xf32, #tpu.memory_space<vmem_shared>> -> memref<640x64xf32, #tpu.memory_space<vmem_shared>>
      tpu.enqueue_dma source(%dma_start3A_49 : memref<640x64xf32, #tpu.memory_space<vmem_shared>>) target(%arg9 : memref<640x64xf32, #tpu.memory_space<vmem>>) target_semaphore(%run_scoped3A : memref<!tpu.dma_semaphore, #tpu.memory_space<semaphore_mem>>)
      %dma_wait3A = arith.constant 0 : i32
      %dma_wait3A_50 = tpu.memref_slice %arg10[%mul3A_0, %dma_wait3A] : memref<10240x64xf32, #tpu.memory_space<vmem_shared>> -> memref<640x64xf32, #tpu.memory_space<vmem_shared>>
      %dma_wait3A_51 = arith.constant 0 : i32
      %dma_wait3A_52 = tpu.memref_slice %arg10[%mul3A_0, %dma_wait3A_51] : memref<10240x64xf32, #tpu.memory_space<vmem_shared>> -> memref<640x64xf32, #tpu.memory_space<vmem_shared>>
      tpu.wait_dma2 semaphore(%run_scoped3A : memref<!tpu.dma_semaphore, #tpu.memory_space<semaphore_mem>>) src(%dma_wait3A_52 : memref<640x64xf32, #tpu.memory_space<vmem_shared>>) dst(%arg9 : memref<640x64xf32, #tpu.memory_space<vmem>>)
      tpu.yield
    }) : () -> ()
    %mul3A_43 = arith.constant 10240 : i32
    %mul3A_44 = arith.muli %arg0, %mul3A_43 : i32
    %add3A_45 = arith.addi %mul3A_44, %mul3A_0 : i32
    "tpu.region"() ({
      %run_scoped3A = tpu.sem_alloc : memref<!tpu.dma_semaphore, #tpu.memory_space<semaphore_mem>>
      %dma_start3A_46 = arith.constant 0 : i32
      %dma_start3A_47 = tpu.memref_slice %arg6[%add3A_45, %dma_start3A_46] : memref<20480x64xf32, #tpu.memory_space<hbm>> -> memref<640x64xf32, #tpu.memory_space<hbm>>
      %dma_start3A_48 = arith.constant 0 : i32
      %dma_start3A_49 = tpu.memref_slice %arg6[%add3A_45, %dma_start3A_48] : memref<20480x64xf32, #tpu.memory_space<hbm>> -> memref<640x64xf32, #tpu.memory_space<hbm>>
      tpu.enqueue_dma source(%arg9 : memref<640x64xf32, #tpu.memory_space<vmem>>) target(%dma_start3A_49 : memref<640x64xf32, #tpu.memory_space<hbm>>) target_semaphore(%run_scoped3A : memref<!tpu.dma_semaphore, #tpu.memory_space<semaphore_mem>>)
      %dma_wait3A = arith.constant 0 : i32
      %dma_wait3A_50 = tpu.memref_slice %arg6[%add3A_45, %dma_wait3A] : memref<20480x64xf32, #tpu.memory_space<hbm>> -> memref<640x64xf32, #tpu.memory_space<hbm>>
      %dma_wait3A_51 = arith.constant 0 : i32
      %dma_wait3A_52 = tpu.memref_slice %arg6[%add3A_45, %dma_wait3A_51] : memref<20480x64xf32, #tpu.memory_space<hbm>> -> memref<640x64xf32, #tpu.memory_space<hbm>>
      tpu.wait_dma2 semaphore(%run_scoped3A : memref<!tpu.dma_semaphore, #tpu.memory_space<semaphore_mem>>) src(%arg9 : memref<640x64xf32, #tpu.memory_space<vmem>>) dst(%dma_wait3A_52 : memref<640x64xf32, #tpu.memory_space<hbm>>)
      tpu.yield
    }) : () -> ()
    return
  }
}

#map = affine_map<(d0, d1) -> (0, 0)>
#map1 = affine_map<(d0, d1) -> (0, 0, 0)>
module attributes {stable_mosaic.version = 14 : i64} {
  func.func @edge_scatter(%arg0: i32, %arg1: i32, %arg2: memref<10000x64xf32, #tpu.memory_space<hbm>>, %arg3: memref<32x125x80xi32, #tpu.memory_space<hbm>>, %arg4: memref<32x125x80xi32, #tpu.memory_space<hbm>>, %arg5: memref<10240x64xf32, #tpu.memory_space<hbm>>, %arg6: memref<20480x64xf32, #tpu.memory_space<hbm>>, %arg7: memref<125x80xi32, #tpu.memory_space<vmem>>, %arg8: memref<125x80xi32, #tpu.memory_space<vmem>>, %arg9: memref<640x64xf32, #tpu.memory_space<vmem>>, %arg10: memref<10240x64xf32, #tpu.memory_space<vmem_shared>>, %arg11: memref<80x64xf32, #tpu.memory_space<vmem>>, %arg12: memref<80x64xf32, #tpu.memory_space<vmem>>, %arg13: memref<80x64xf32, #tpu.memory_space<vmem>>, %arg14: memref<80x64xf32, #tpu.memory_space<vmem>>, %arg15: memref<80x64xf32, #tpu.memory_space<vmem>>, %arg16: memref<!tpu.dma_semaphore, #tpu.memory_space<semaphore_mem>>, %arg17: memref<!tpu.dma_semaphore, #tpu.memory_space<semaphore_mem>>, %arg18: memref<!tpu.dma_semaphore, #tpu.memory_space<semaphore_mem>>, %arg19: memref<!tpu.dma_semaphore, #tpu.memory_space<semaphore_mem>>, %arg20: memref<!tpu.dma_semaphore, #tpu.memory_space<semaphore_mem>>) attributes {dimension_semantics = [#tpu.dimension_semantics<core_parallel>, #tpu.dimension_semantics<subcore_parallel>], iteration_bounds = array<i64: 2, 16>, scalar_prefetch = 0 : i64, scratch_operands = 14 : i64, tpu.core_type = #tpu.core_type<sc_vector_subcore>, window_params = [{transform_indices = #map}, {transform_indices = #map1}, {transform_indices = #map1}, {transform_indices = #map}, {transform_indices = #map}]} {
    %mul3A = arith.constant 640 : i32
    %mul3A_0 = arith.muli %arg1, %mul3A : i32
    %mul3A_1 = arith.constant 16 : i32
    %mul3A_2 = arith.muli %arg0, %mul3A_1 : i32
    %add3A = arith.addi %mul3A_2, %arg1 : i32
    "tpu.region"() ({
      %run_scoped3A = tpu.sem_alloc : memref<!tpu.dma_semaphore, #tpu.memory_space<semaphore_mem>>
      %dma_start3A_46 = arith.constant 0 : i32
      %dma_start3A_47 = tpu.memref_slice %arg5[%mul3A_0, %dma_start3A_46] : memref<10240x64xf32, #tpu.memory_space<hbm>> -> memref<640x64xf32, #tpu.memory_space<hbm>>
      %dma_start3A_48 = arith.constant 0 : i32
      %dma_start3A_49 = tpu.memref_slice %arg5[%mul3A_0, %dma_start3A_48] : memref<10240x64xf32, #tpu.memory_space<hbm>> -> memref<640x64xf32, #tpu.memory_space<hbm>>
      tpu.enqueue_dma source(%dma_start3A_49 : memref<640x64xf32, #tpu.memory_space<hbm>>) target(%arg9 : memref<640x64xf32, #tpu.memory_space<vmem>>) target_semaphore(%run_scoped3A : memref<!tpu.dma_semaphore, #tpu.memory_space<semaphore_mem>>)
      %dma_wait3A = arith.constant 0 : i32
      %dma_wait3A_50 = tpu.memref_slice %arg5[%mul3A_0, %dma_wait3A] : memref<10240x64xf32, #tpu.memory_space<hbm>> -> memref<640x64xf32, #tpu.memory_space<hbm>>
      %dma_wait3A_51 = arith.constant 0 : i32
      %dma_wait3A_52 = tpu.memref_slice %arg5[%mul3A_0, %dma_wait3A_51] : memref<10240x64xf32, #tpu.memory_space<hbm>> -> memref<640x64xf32, #tpu.memory_space<hbm>>
      tpu.wait_dma2 semaphore(%run_scoped3A : memref<!tpu.dma_semaphore, #tpu.memory_space<semaphore_mem>>) src(%dma_wait3A_52 : memref<640x64xf32, #tpu.memory_space<hbm>>) dst(%arg9 : memref<640x64xf32, #tpu.memory_space<vmem>>)
      tpu.yield
    }) : () -> ()
    "tpu.region"() ({
      %run_scoped3A = tpu.sem_alloc : memref<!tpu.dma_semaphore, #tpu.memory_space<semaphore_mem>>
      %dma_start3A_46 = arith.constant 0 : i32
      %dma_start3A_47 = tpu.memref_slice %arg10[%mul3A_0, %dma_start3A_46] : memref<10240x64xf32, #tpu.memory_space<vmem_shared>> -> memref<640x64xf32, #tpu.memory_space<vmem_shared>>
      %dma_start3A_48 = arith.constant 0 : i32
      %dma_start3A_49 = tpu.memref_slice %arg10[%mul3A_0, %dma_start3A_48] : memref<10240x64xf32, #tpu.memory_space<vmem_shared>> -> memref<640x64xf32, #tpu.memory_space<vmem_shared>>
      tpu.enqueue_dma source(%arg9 : memref<640x64xf32, #tpu.memory_space<vmem>>) target(%dma_start3A_49 : memref<640x64xf32, #tpu.memory_space<vmem_shared>>) target_semaphore(%run_scoped3A : memref<!tpu.dma_semaphore, #tpu.memory_space<semaphore_mem>>)
      %dma_wait3A = arith.constant 0 : i32
      %dma_wait3A_50 = tpu.memref_slice %arg10[%mul3A_0, %dma_wait3A] : memref<10240x64xf32, #tpu.memory_space<vmem_shared>> -> memref<640x64xf32, #tpu.memory_space<vmem_shared>>
      %dma_wait3A_51 = arith.constant 0 : i32
      %dma_wait3A_52 = tpu.memref_slice %arg10[%mul3A_0, %dma_wait3A_51] : memref<10240x64xf32, #tpu.memory_space<vmem_shared>> -> memref<640x64xf32, #tpu.memory_space<vmem_shared>>
      tpu.wait_dma2 semaphore(%run_scoped3A : memref<!tpu.dma_semaphore, #tpu.memory_space<semaphore_mem>>) src(%arg9 : memref<640x64xf32, #tpu.memory_space<vmem>>) dst(%dma_wait3A_52 : memref<640x64xf32, #tpu.memory_space<vmem_shared>>)
      tpu.yield
    }) : () -> ()
    "tpu.region"() ({
      %run_scoped3A = tpu.sem_alloc : memref<!tpu.dma_semaphore, #tpu.memory_space<semaphore_mem>>
      %dma_start3A_46 = arith.constant 0 : i32
      %dma_start3A_47 = arith.constant 0 : i32
      %dma_start3A_48 = tpu.memref_slice %arg3[%add3A, %dma_start3A_46, %dma_start3A_47] : memref<32x125x80xi32, #tpu.memory_space<hbm>> -> memref<1x125x80xi32, #tpu.memory_space<hbm>>
      %dma_start3A_49 = tpu.memref_squeeze %dma_start3A_48 : memref<1x125x80xi32, #tpu.memory_space<hbm>> -> memref<125x80xi32, #tpu.memory_space<hbm>>
      %dma_start3A_50 = arith.constant 0 : i32
      %dma_start3A_51 = arith.constant 0 : i32
      %dma_start3A_52 = tpu.memref_slice %arg3[%add3A, %dma_start3A_50, %dma_start3A_51] : memref<32x125x80xi32, #tpu.memory_space<hbm>> -> memref<1x125x80xi32, #tpu.memory_space<hbm>>
      %dma_start3A_53 = tpu.memref_squeeze %dma_start3A_52 : memref<1x125x80xi32, #tpu.memory_space<hbm>> -> memref<125x80xi32, #tpu.memory_space<hbm>>
      tpu.enqueue_dma source(%dma_start3A_53 : memref<125x80xi32, #tpu.memory_space<hbm>>) target(%arg7 : memref<125x80xi32, #tpu.memory_space<vmem>>) target_semaphore(%run_scoped3A : memref<!tpu.dma_semaphore, #tpu.memory_space<semaphore_mem>>)
      %dma_wait3A = arith.constant 0 : i32
      %dma_wait3A_54 = arith.constant 0 : i32
      %dma_wait3A_55 = tpu.memref_slice %arg3[%add3A, %dma_wait3A, %dma_wait3A_54] : memref<32x125x80xi32, #tpu.memory_space<hbm>> -> memref<1x125x80xi32, #tpu.memory_space<hbm>>
      %dma_wait3A_56 = tpu.memref_squeeze %dma_wait3A_55 : memref<1x125x80xi32, #tpu.memory_space<hbm>> -> memref<125x80xi32, #tpu.memory_space<hbm>>
      %dma_wait3A_57 = arith.constant 0 : i32
      %dma_wait3A_58 = arith.constant 0 : i32
      %dma_wait3A_59 = tpu.memref_slice %arg3[%add3A, %dma_wait3A_57, %dma_wait3A_58] : memref<32x125x80xi32, #tpu.memory_space<hbm>> -> memref<1x125x80xi32, #tpu.memory_space<hbm>>
      %dma_wait3A_60 = tpu.memref_squeeze %dma_wait3A_59 : memref<1x125x80xi32, #tpu.memory_space<hbm>> -> memref<125x80xi32, #tpu.memory_space<hbm>>
      tpu.wait_dma2 semaphore(%run_scoped3A : memref<!tpu.dma_semaphore, #tpu.memory_space<semaphore_mem>>) src(%dma_wait3A_60 : memref<125x80xi32, #tpu.memory_space<hbm>>) dst(%arg7 : memref<125x80xi32, #tpu.memory_space<vmem>>)
      tpu.yield
    }) : () -> ()
    "tpu.region"() ({
      %run_scoped3A = tpu.sem_alloc : memref<!tpu.dma_semaphore, #tpu.memory_space<semaphore_mem>>
      %dma_start3A_46 = arith.constant 0 : i32
      %dma_start3A_47 = arith.constant 0 : i32
      %dma_start3A_48 = tpu.memref_slice %arg4[%add3A, %dma_start3A_46, %dma_start3A_47] : memref<32x125x80xi32, #tpu.memory_space<hbm>> -> memref<1x125x80xi32, #tpu.memory_space<hbm>>
      %dma_start3A_49 = tpu.memref_squeeze %dma_start3A_48 : memref<1x125x80xi32, #tpu.memory_space<hbm>> -> memref<125x80xi32, #tpu.memory_space<hbm>>
      %dma_start3A_50 = arith.constant 0 : i32
      %dma_start3A_51 = arith.constant 0 : i32
      %dma_start3A_52 = tpu.memref_slice %arg4[%add3A, %dma_start3A_50, %dma_start3A_51] : memref<32x125x80xi32, #tpu.memory_space<hbm>> -> memref<1x125x80xi32, #tpu.memory_space<hbm>>
      %dma_start3A_53 = tpu.memref_squeeze %dma_start3A_52 : memref<1x125x80xi32, #tpu.memory_space<hbm>> -> memref<125x80xi32, #tpu.memory_space<hbm>>
      tpu.enqueue_dma source(%dma_start3A_53 : memref<125x80xi32, #tpu.memory_space<hbm>>) target(%arg8 : memref<125x80xi32, #tpu.memory_space<vmem>>) target_semaphore(%run_scoped3A : memref<!tpu.dma_semaphore, #tpu.memory_space<semaphore_mem>>)
      %dma_wait3A = arith.constant 0 : i32
      %dma_wait3A_54 = arith.constant 0 : i32
      %dma_wait3A_55 = tpu.memref_slice %arg4[%add3A, %dma_wait3A, %dma_wait3A_54] : memref<32x125x80xi32, #tpu.memory_space<hbm>> -> memref<1x125x80xi32, #tpu.memory_space<hbm>>
      %dma_wait3A_56 = tpu.memref_squeeze %dma_wait3A_55 : memref<1x125x80xi32, #tpu.memory_space<hbm>> -> memref<125x80xi32, #tpu.memory_space<hbm>>
      %dma_wait3A_57 = arith.constant 0 : i32
      %dma_wait3A_58 = arith.constant 0 : i32
      %dma_wait3A_59 = tpu.memref_slice %arg4[%add3A, %dma_wait3A_57, %dma_wait3A_58] : memref<32x125x80xi32, #tpu.memory_space<hbm>> -> memref<1x125x80xi32, #tpu.memory_space<hbm>>
      %dma_wait3A_60 = tpu.memref_squeeze %dma_wait3A_59 : memref<1x125x80xi32, #tpu.memory_space<hbm>> -> memref<125x80xi32, #tpu.memory_space<hbm>>
      tpu.wait_dma2 semaphore(%run_scoped3A : memref<!tpu.dma_semaphore, #tpu.memory_space<semaphore_mem>>) src(%dma_wait3A_60 : memref<125x80xi32, #tpu.memory_space<hbm>>) dst(%arg8 : memref<125x80xi32, #tpu.memory_space<vmem>>)
      tpu.yield
    }) : () -> ()
    %barrier3A = arith.constant 0 : index
    tpu.barrier barrier_id(%barrier3A)
    %dma_start3A = arith.constant 0 : i32
    %dma_start3A_3 = arith.constant 0 : i32
    %dma_start3A_4 = tpu.memref_slice %arg7[%dma_start3A, %dma_start3A_3] : memref<125x80xi32, #tpu.memory_space<vmem>> -> memref<1x80xi32, #tpu.memory_space<vmem>>
    %dma_start3A_5 = tpu.memref_squeeze %dma_start3A_4 : memref<1x80xi32, #tpu.memory_space<vmem>> -> memref<80xi32, #tpu.memory_space<vmem>>
    %dma_start3A_6 = arith.constant 0 : i32
    %dma_start3A_7 = arith.constant 0 : i32
    %dma_start3A_8 = tpu.memref_slice %arg2[%dma_start3A_6, %dma_start3A_7] : memref<10000x64xf32, #tpu.memory_space<hbm>> -> memref<10000x64xf32, #tpu.memory_space<hbm>>
    tpu.enqueue_indirect_dma source(%dma_start3A_8 : memref<10000x64xf32, #tpu.memory_space<hbm>>) target(%arg11 : memref<80x64xf32, #tpu.memory_space<vmem>>) offsets(%dma_start3A_5 : memref<80xi32, #tpu.memory_space<vmem>>) semaphore(%arg16 : memref<!tpu.dma_semaphore, #tpu.memory_space<semaphore_mem>>)
    %dma_start3A_9 = arith.constant 1 : i32
    %dma_start3A_10 = arith.constant 0 : i32
    %dma_start3A_11 = tpu.memref_slice %arg7[%dma_start3A_9, %dma_start3A_10] : memref<125x80xi32, #tpu.memory_space<vmem>> -> memref<1x80xi32, #tpu.memory_space<vmem>>
    %dma_start3A_12 = tpu.memref_squeeze %dma_start3A_11 : memref<1x80xi32, #tpu.memory_space<vmem>> -> memref<80xi32, #tpu.memory_space<vmem>>
    %dma_start3A_13 = arith.constant 0 : i32
    %dma_start3A_14 = arith.constant 0 : i32
    %dma_start3A_15 = tpu.memref_slice %arg2[%dma_start3A_13, %dma_start3A_14] : memref<10000x64xf32, #tpu.memory_space<hbm>> -> memref<10000x64xf32, #tpu.memory_space<hbm>>
    tpu.enqueue_indirect_dma source(%dma_start3A_15 : memref<10000x64xf32, #tpu.memory_space<hbm>>) target(%arg12 : memref<80x64xf32, #tpu.memory_space<vmem>>) offsets(%dma_start3A_12 : memref<80xi32, #tpu.memory_space<vmem>>) semaphore(%arg17 : memref<!tpu.dma_semaphore, #tpu.memory_space<semaphore_mem>>)
    %dma_start3A_16 = arith.constant 2 : i32
    %dma_start3A_17 = arith.constant 0 : i32
    %dma_start3A_18 = tpu.memref_slice %arg7[%dma_start3A_16, %dma_start3A_17] : memref<125x80xi32, #tpu.memory_space<vmem>> -> memref<1x80xi32, #tpu.memory_space<vmem>>
    %dma_start3A_19 = tpu.memref_squeeze %dma_start3A_18 : memref<1x80xi32, #tpu.memory_space<vmem>> -> memref<80xi32, #tpu.memory_space<vmem>>
    %dma_start3A_20 = arith.constant 0 : i32
    %dma_start3A_21 = arith.constant 0 : i32
    %dma_start3A_22 = tpu.memref_slice %arg2[%dma_start3A_20, %dma_start3A_21] : memref<10000x64xf32, #tpu.memory_space<hbm>> -> memref<10000x64xf32, #tpu.memory_space<hbm>>
    tpu.enqueue_indirect_dma source(%dma_start3A_22 : memref<10000x64xf32, #tpu.memory_space<hbm>>) target(%arg13 : memref<80x64xf32, #tpu.memory_space<vmem>>) offsets(%dma_start3A_19 : memref<80xi32, #tpu.memory_space<vmem>>) semaphore(%arg18 : memref<!tpu.dma_semaphore, #tpu.memory_space<semaphore_mem>>)
    %dma_start3A_23 = arith.constant 3 : i32
    %dma_start3A_24 = arith.constant 0 : i32
    %dma_start3A_25 = tpu.memref_slice %arg7[%dma_start3A_23, %dma_start3A_24] : memref<125x80xi32, #tpu.memory_space<vmem>> -> memref<1x80xi32, #tpu.memory_space<vmem>>
    %dma_start3A_26 = tpu.memref_squeeze %dma_start3A_25 : memref<1x80xi32, #tpu.memory_space<vmem>> -> memref<80xi32, #tpu.memory_space<vmem>>
    %dma_start3A_27 = arith.constant 0 : i32
    %dma_start3A_28 = arith.constant 0 : i32
    %dma_start3A_29 = tpu.memref_slice %arg2[%dma_start3A_27, %dma_start3A_28] : memref<10000x64xf32, #tpu.memory_space<hbm>> -> memref<10000x64xf32, #tpu.memory_space<hbm>>
    tpu.enqueue_indirect_dma source(%dma_start3A_29 : memref<10000x64xf32, #tpu.memory_space<hbm>>) target(%arg14 : memref<80x64xf32, #tpu.memory_space<vmem>>) offsets(%dma_start3A_26 : memref<80xi32, #tpu.memory_space<vmem>>) semaphore(%arg19 : memref<!tpu.dma_semaphore, #tpu.memory_space<semaphore_mem>>)
    %dma_start3A_30 = arith.constant 4 : i32
    %dma_start3A_31 = arith.constant 0 : i32
    %dma_start3A_32 = tpu.memref_slice %arg7[%dma_start3A_30, %dma_start3A_31] : memref<125x80xi32, #tpu.memory_space<vmem>> -> memref<1x80xi32, #tpu.memory_space<vmem>>
    %dma_start3A_33 = tpu.memref_squeeze %dma_start3A_32 : memref<1x80xi32, #tpu.memory_space<vmem>> -> memref<80xi32, #tpu.memory_space<vmem>>
    %dma_start3A_34 = arith.constant 0 : i32
    %dma_start3A_35 = arith.constant 0 : i32
    %dma_start3A_36 = tpu.memref_slice %arg2[%dma_start3A_34, %dma_start3A_35] : memref<10000x64xf32, #tpu.memory_space<hbm>> -> memref<10000x64xf32, #tpu.memory_space<hbm>>
    tpu.enqueue_indirect_dma source(%dma_start3A_36 : memref<10000x64xf32, #tpu.memory_space<hbm>>) target(%arg15 : memref<80x64xf32, #tpu.memory_space<vmem>>) offsets(%dma_start3A_33 : memref<80xi32, #tpu.memory_space<vmem>>) semaphore(%arg20 : memref<!tpu.dma_semaphore, #tpu.memory_space<semaphore_mem>>)
    %scan3A = arith.constant 0 : i32
    %scan3A_37 = arith.constant 0 : i32
    %scan3A_38 = arith.constant 25 : i32
    %scan3A_39 = arith.addi %scan3A_37, %scan3A_38 : i32
    %scan3A_40 = arith.constant 1 : i32
    scf.for %scan3A_46 = %scan3A_37 to %scan3A_39 step %scan3A_40  : i32 {
      %mul3A_47 = arith.constant 5 : i32
      %mul3A_48 = arith.muli %scan3A_46, %mul3A_47 : i32
      %add3A_49 = arith.constant 0 : i32
      %add3A_50 = arith.addi %mul3A_48, %add3A_49 : i32
      %dma_wait3A = arith.constant 0 : i32
      %dma_wait3A_51 = arith.constant 0 : i32
      %dma_wait3A_52 = tpu.memref_slice %arg7[%dma_wait3A, %dma_wait3A_51] : memref<125x80xi32, #tpu.memory_space<vmem>> -> memref<1x80xi32, #tpu.memory_space<vmem>>
      %dma_wait3A_53 = tpu.memref_squeeze %dma_wait3A_52 : memref<1x80xi32, #tpu.memory_space<vmem>> -> memref<80xi32, #tpu.memory_space<vmem>>
      %dma_wait3A_54 = arith.constant 0 : i32
      %dma_wait3A_55 = arith.constant 0 : i32
      %dma_wait3A_56 = tpu.memref_slice %arg2[%dma_wait3A_54, %dma_wait3A_55] : memref<10000x64xf32, #tpu.memory_space<hbm>> -> memref<10000x64xf32, #tpu.memory_space<hbm>>
      tpu.wait_indirect_dma semaphore(%arg16 : memref<!tpu.dma_semaphore, #tpu.memory_space<semaphore_mem>>) src(%dma_wait3A_56 : memref<10000x64xf32, #tpu.memory_space<hbm>>) dst(%arg11 : memref<80x64xf32, #tpu.memory_space<vmem>>)
      "tpu.region"() ({
        %run_scoped3A = tpu.sem_alloc : memref<!tpu.dma_semaphore, #tpu.memory_space<semaphore_mem>>
        %dma_start3A_125 = arith.constant 0 : i32
        %dma_start3A_126 = tpu.memref_slice %arg8[%add3A_50, %dma_start3A_125] : memref<125x80xi32, #tpu.memory_space<vmem>> -> memref<1x80xi32, #tpu.memory_space<vmem>>
        %dma_start3A_127 = tpu.memref_squeeze %dma_start3A_126 : memref<1x80xi32, #tpu.memory_space<vmem>> -> memref<80xi32, #tpu.memory_space<vmem>>
        %dma_start3A_128 = arith.constant 0 : i32
        %dma_start3A_129 = arith.constant 0 : i32
        %dma_start3A_130 = tpu.memref_slice %arg10[%dma_start3A_128, %dma_start3A_129] : memref<10240x64xf32, #tpu.memory_space<vmem_shared>> -> memref<10240x64xf32, #tpu.memory_space<vmem_shared>>
        tpu.enqueue_indirect_dma source(%arg11 : memref<80x64xf32, #tpu.memory_space<vmem>>) target(%dma_start3A_130 : memref<10240x64xf32, #tpu.memory_space<vmem_shared>>) offsets(%dma_start3A_127 : memref<80xi32, #tpu.memory_space<vmem>>) semaphore(%run_scoped3A : memref<!tpu.dma_semaphore, #tpu.memory_space<semaphore_mem>>) {add = true}
        %dma_wait3A_131 = arith.constant 0 : i32
        %dma_wait3A_132 = tpu.memref_slice %arg8[%add3A_50, %dma_wait3A_131] : memref<125x80xi32, #tpu.memory_space<vmem>> -> memref<1x80xi32, #tpu.memory_space<vmem>>
        %dma_wait3A_133 = tpu.memref_squeeze %dma_wait3A_132 : memref<1x80xi32, #tpu.memory_space<vmem>> -> memref<80xi32, #tpu.memory_space<vmem>>
        %dma_wait3A_134 = arith.constant 0 : i32
        %dma_wait3A_135 = arith.constant 0 : i32
        %dma_wait3A_136 = tpu.memref_slice %arg10[%dma_wait3A_134, %dma_wait3A_135] : memref<10240x64xf32, #tpu.memory_space<vmem_shared>> -> memref<10240x64xf32, #tpu.memory_space<vmem_shared>>
        tpu.wait_indirect_dma semaphore(%run_scoped3A : memref<!tpu.dma_semaphore, #tpu.memory_space<semaphore_mem>>) src(%arg11 : memref<80x64xf32, #tpu.memory_space<vmem>>) dst(%dma_wait3A_136 : memref<10240x64xf32, #tpu.memory_space<vmem_shared>>)
        tpu.yield
      }) : () -> ()
      %add3A_57 = arith.constant 5 : i32
      %add3A_58 = arith.addi %add3A_50, %add3A_57 : i32
      %lt3A = arith.constant 125 : i32
      %lt3A_59 = arith.cmpi slt, %add3A_58, %lt3A : i32
      %convert_element_type3A = arith.extui %lt3A_59 : i1 to i32
      %cond3A = arith.constant 0 : i32
      %cond3A_60 = arith.cmpi ne, %convert_element_type3A, %cond3A : i32
      scf.if %cond3A_60 {
        %dma_start3A_125 = arith.constant 0 : i32
        %dma_start3A_126 = tpu.memref_slice %arg7[%add3A_58, %dma_start3A_125] : memref<125x80xi32, #tpu.memory_space<vmem>> -> memref<1x80xi32, #tpu.memory_space<vmem>>
        %dma_start3A_127 = tpu.memref_squeeze %dma_start3A_126 : memref<1x80xi32, #tpu.memory_space<vmem>> -> memref<80xi32, #tpu.memory_space<vmem>>
        %dma_start3A_128 = arith.constant 0 : i32
        %dma_start3A_129 = arith.constant 0 : i32
        %dma_start3A_130 = tpu.memref_slice %arg2[%dma_start3A_128, %dma_start3A_129] : memref<10000x64xf32, #tpu.memory_space<hbm>> -> memref<10000x64xf32, #tpu.memory_space<hbm>>
        tpu.enqueue_indirect_dma source(%dma_start3A_130 : memref<10000x64xf32, #tpu.memory_space<hbm>>) target(%arg11 : memref<80x64xf32, #tpu.memory_space<vmem>>) offsets(%dma_start3A_127 : memref<80xi32, #tpu.memory_space<vmem>>) semaphore(%arg16 : memref<!tpu.dma_semaphore, #tpu.memory_space<semaphore_mem>>)
      } else {
      }
      %add3A_61 = arith.constant 1 : i32
      %add3A_62 = arith.addi %mul3A_48, %add3A_61 : i32
      %dma_wait3A_63 = arith.constant 0 : i32
      %dma_wait3A_64 = arith.constant 0 : i32
      %dma_wait3A_65 = tpu.memref_slice %arg7[%dma_wait3A_63, %dma_wait3A_64] : memref<125x80xi32, #tpu.memory_space<vmem>> -> memref<1x80xi32, #tpu.memory_space<vmem>>
      %dma_wait3A_66 = tpu.memref_squeeze %dma_wait3A_65 : memref<1x80xi32, #tpu.memory_space<vmem>> -> memref<80xi32, #tpu.memory_space<vmem>>
      %dma_wait3A_67 = arith.constant 0 : i32
      %dma_wait3A_68 = arith.constant 0 : i32
      %dma_wait3A_69 = tpu.memref_slice %arg2[%dma_wait3A_67, %dma_wait3A_68] : memref<10000x64xf32, #tpu.memory_space<hbm>> -> memref<10000x64xf32, #tpu.memory_space<hbm>>
      tpu.wait_indirect_dma semaphore(%arg17 : memref<!tpu.dma_semaphore, #tpu.memory_space<semaphore_mem>>) src(%dma_wait3A_69 : memref<10000x64xf32, #tpu.memory_space<hbm>>) dst(%arg12 : memref<80x64xf32, #tpu.memory_space<vmem>>)
      "tpu.region"() ({
        %run_scoped3A = tpu.sem_alloc : memref<!tpu.dma_semaphore, #tpu.memory_space<semaphore_mem>>
        %dma_start3A_125 = arith.constant 0 : i32
        %dma_start3A_126 = tpu.memref_slice %arg8[%add3A_62, %dma_start3A_125] : memref<125x80xi32, #tpu.memory_space<vmem>> -> memref<1x80xi32, #tpu.memory_space<vmem>>
        %dma_start3A_127 = tpu.memref_squeeze %dma_start3A_126 : memref<1x80xi32, #tpu.memory_space<vmem>> -> memref<80xi32, #tpu.memory_space<vmem>>
        %dma_start3A_128 = arith.constant 0 : i32
        %dma_start3A_129 = arith.constant 0 : i32
        %dma_start3A_130 = tpu.memref_slice %arg10[%dma_start3A_128, %dma_start3A_129] : memref<10240x64xf32, #tpu.memory_space<vmem_shared>> -> memref<10240x64xf32, #tpu.memory_space<vmem_shared>>
        tpu.enqueue_indirect_dma source(%arg12 : memref<80x64xf32, #tpu.memory_space<vmem>>) target(%dma_start3A_130 : memref<10240x64xf32, #tpu.memory_space<vmem_shared>>) offsets(%dma_start3A_127 : memref<80xi32, #tpu.memory_space<vmem>>) semaphore(%run_scoped3A : memref<!tpu.dma_semaphore, #tpu.memory_space<semaphore_mem>>) {add = true}
        %dma_wait3A_131 = arith.constant 0 : i32
        %dma_wait3A_132 = tpu.memref_slice %arg8[%add3A_62, %dma_wait3A_131] : memref<125x80xi32, #tpu.memory_space<vmem>> -> memref<1x80xi32, #tpu.memory_space<vmem>>
        %dma_wait3A_133 = tpu.memref_squeeze %dma_wait3A_132 : memref<1x80xi32, #tpu.memory_space<vmem>> -> memref<80xi32, #tpu.memory_space<vmem>>
        %dma_wait3A_134 = arith.constant 0 : i32
        %dma_wait3A_135 = arith.constant 0 : i32
        %dma_wait3A_136 = tpu.memref_slice %arg10[%dma_wait3A_134, %dma_wait3A_135] : memref<10240x64xf32, #tpu.memory_space<vmem_shared>> -> memref<10240x64xf32, #tpu.memory_space<vmem_shared>>
        tpu.wait_indirect_dma semaphore(%run_scoped3A : memref<!tpu.dma_semaphore, #tpu.memory_space<semaphore_mem>>) src(%arg12 : memref<80x64xf32, #tpu.memory_space<vmem>>) dst(%dma_wait3A_136 : memref<10240x64xf32, #tpu.memory_space<vmem_shared>>)
        tpu.yield
      }) : () -> ()
      %add3A_70 = arith.constant 5 : i32
      %add3A_71 = arith.addi %add3A_62, %add3A_70 : i32
      %lt3A_72 = arith.constant 125 : i32
      %lt3A_73 = arith.cmpi slt, %add3A_71, %lt3A_72 : i32
      %convert_element_type3A_74 = arith.extui %lt3A_73 : i1 to i32
      %cond3A_75 = arith.constant 0 : i32
      %cond3A_76 = arith.cmpi ne, %convert_element_type3A_74, %cond3A_75 : i32
      scf.if %cond3A_76 {
        %dma_start3A_125 = arith.constant 0 : i32
        %dma_start3A_126 = tpu.memref_slice %arg7[%add3A_71, %dma_start3A_125] : memref<125x80xi32, #tpu.memory_space<vmem>> -> memref<1x80xi32, #tpu.memory_space<vmem>>
        %dma_start3A_127 = tpu.memref_squeeze %dma_start3A_126 : memref<1x80xi32, #tpu.memory_space<vmem>> -> memref<80xi32, #tpu.memory_space<vmem>>
        %dma_start3A_128 = arith.constant 0 : i32
        %dma_start3A_129 = arith.constant 0 : i32
        %dma_start3A_130 = tpu.memref_slice %arg2[%dma_start3A_128, %dma_start3A_129] : memref<10000x64xf32, #tpu.memory_space<hbm>> -> memref<10000x64xf32, #tpu.memory_space<hbm>>
        tpu.enqueue_indirect_dma source(%dma_start3A_130 : memref<10000x64xf32, #tpu.memory_space<hbm>>) target(%arg12 : memref<80x64xf32, #tpu.memory_space<vmem>>) offsets(%dma_start3A_127 : memref<80xi32, #tpu.memory_space<vmem>>) semaphore(%arg17 : memref<!tpu.dma_semaphore, #tpu.memory_space<semaphore_mem>>)
      } else {
      }
      %add3A_77 = arith.constant 2 : i32
      %add3A_78 = arith.addi %mul3A_48, %add3A_77 : i32
      %dma_wait3A_79 = arith.constant 0 : i32
      %dma_wait3A_80 = arith.constant 0 : i32
      %dma_wait3A_81 = tpu.memref_slice %arg7[%dma_wait3A_79, %dma_wait3A_80] : memref<125x80xi32, #tpu.memory_space<vmem>> -> memref<1x80xi32, #tpu.memory_space<vmem>>
      %dma_wait3A_82 = tpu.memref_squeeze %dma_wait3A_81 : memref<1x80xi32, #tpu.memory_space<vmem>> -> memref<80xi32, #tpu.memory_space<vmem>>
      %dma_wait3A_83 = arith.constant 0 : i32
      %dma_wait3A_84 = arith.constant 0 : i32
      %dma_wait3A_85 = tpu.memref_slice %arg2[%dma_wait3A_83, %dma_wait3A_84] : memref<10000x64xf32, #tpu.memory_space<hbm>> -> memref<10000x64xf32, #tpu.memory_space<hbm>>
      tpu.wait_indirect_dma semaphore(%arg18 : memref<!tpu.dma_semaphore, #tpu.memory_space<semaphore_mem>>) src(%dma_wait3A_85 : memref<10000x64xf32, #tpu.memory_space<hbm>>) dst(%arg13 : memref<80x64xf32, #tpu.memory_space<vmem>>)
      "tpu.region"() ({
        %run_scoped3A = tpu.sem_alloc : memref<!tpu.dma_semaphore, #tpu.memory_space<semaphore_mem>>
        %dma_start3A_125 = arith.constant 0 : i32
        %dma_start3A_126 = tpu.memref_slice %arg8[%add3A_78, %dma_start3A_125] : memref<125x80xi32, #tpu.memory_space<vmem>> -> memref<1x80xi32, #tpu.memory_space<vmem>>
        %dma_start3A_127 = tpu.memref_squeeze %dma_start3A_126 : memref<1x80xi32, #tpu.memory_space<vmem>> -> memref<80xi32, #tpu.memory_space<vmem>>
        %dma_start3A_128 = arith.constant 0 : i32
        %dma_start3A_129 = arith.constant 0 : i32
        %dma_start3A_130 = tpu.memref_slice %arg10[%dma_start3A_128, %dma_start3A_129] : memref<10240x64xf32, #tpu.memory_space<vmem_shared>> -> memref<10240x64xf32, #tpu.memory_space<vmem_shared>>
        tpu.enqueue_indirect_dma source(%arg13 : memref<80x64xf32, #tpu.memory_space<vmem>>) target(%dma_start3A_130 : memref<10240x64xf32, #tpu.memory_space<vmem_shared>>) offsets(%dma_start3A_127 : memref<80xi32, #tpu.memory_space<vmem>>) semaphore(%run_scoped3A : memref<!tpu.dma_semaphore, #tpu.memory_space<semaphore_mem>>) {add = true}
        %dma_wait3A_131 = arith.constant 0 : i32
        %dma_wait3A_132 = tpu.memref_slice %arg8[%add3A_78, %dma_wait3A_131] : memref<125x80xi32, #tpu.memory_space<vmem>> -> memref<1x80xi32, #tpu.memory_space<vmem>>
        %dma_wait3A_133 = tpu.memref_squeeze %dma_wait3A_132 : memref<1x80xi32, #tpu.memory_space<vmem>> -> memref<80xi32, #tpu.memory_space<vmem>>
        %dma_wait3A_134 = arith.constant 0 : i32
        %dma_wait3A_135 = arith.constant 0 : i32
        %dma_wait3A_136 = tpu.memref_slice %arg10[%dma_wait3A_134, %dma_wait3A_135] : memref<10240x64xf32, #tpu.memory_space<vmem_shared>> -> memref<10240x64xf32, #tpu.memory_space<vmem_shared>>
        tpu.wait_indirect_dma semaphore(%run_scoped3A : memref<!tpu.dma_semaphore, #tpu.memory_space<semaphore_mem>>) src(%arg13 : memref<80x64xf32, #tpu.memory_space<vmem>>) dst(%dma_wait3A_136 : memref<10240x64xf32, #tpu.memory_space<vmem_shared>>)
        tpu.yield
      }) : () -> ()
      %add3A_86 = arith.constant 5 : i32
      %add3A_87 = arith.addi %add3A_78, %add3A_86 : i32
      %lt3A_88 = arith.constant 125 : i32
      %lt3A_89 = arith.cmpi slt, %add3A_87, %lt3A_88 : i32
      %convert_element_type3A_90 = arith.extui %lt3A_89 : i1 to i32
      %cond3A_91 = arith.constant 0 : i32
      %cond3A_92 = arith.cmpi ne, %convert_element_type3A_90, %cond3A_91 : i32
      scf.if %cond3A_92 {
        %dma_start3A_125 = arith.constant 0 : i32
        %dma_start3A_126 = tpu.memref_slice %arg7[%add3A_87, %dma_start3A_125] : memref<125x80xi32, #tpu.memory_space<vmem>> -> memref<1x80xi32, #tpu.memory_space<vmem>>
        %dma_start3A_127 = tpu.memref_squeeze %dma_start3A_126 : memref<1x80xi32, #tpu.memory_space<vmem>> -> memref<80xi32, #tpu.memory_space<vmem>>
        %dma_start3A_128 = arith.constant 0 : i32
        %dma_start3A_129 = arith.constant 0 : i32
        %dma_start3A_130 = tpu.memref_slice %arg2[%dma_start3A_128, %dma_start3A_129] : memref<10000x64xf32, #tpu.memory_space<hbm>> -> memref<10000x64xf32, #tpu.memory_space<hbm>>
        tpu.enqueue_indirect_dma source(%dma_start3A_130 : memref<10000x64xf32, #tpu.memory_space<hbm>>) target(%arg13 : memref<80x64xf32, #tpu.memory_space<vmem>>) offsets(%dma_start3A_127 : memref<80xi32, #tpu.memory_space<vmem>>) semaphore(%arg18 : memref<!tpu.dma_semaphore, #tpu.memory_space<semaphore_mem>>)
      } else {
      }
      %add3A_93 = arith.constant 3 : i32
      %add3A_94 = arith.addi %mul3A_48, %add3A_93 : i32
      %dma_wait3A_95 = arith.constant 0 : i32
      %dma_wait3A_96 = arith.constant 0 : i32
      %dma_wait3A_97 = tpu.memref_slice %arg7[%dma_wait3A_95, %dma_wait3A_96] : memref<125x80xi32, #tpu.memory_space<vmem>> -> memref<1x80xi32, #tpu.memory_space<vmem>>
      %dma_wait3A_98 = tpu.memref_squeeze %dma_wait3A_97 : memref<1x80xi32, #tpu.memory_space<vmem>> -> memref<80xi32, #tpu.memory_space<vmem>>
      %dma_wait3A_99 = arith.constant 0 : i32
      %dma_wait3A_100 = arith.constant 0 : i32
      %dma_wait3A_101 = tpu.memref_slice %arg2[%dma_wait3A_99, %dma_wait3A_100] : memref<10000x64xf32, #tpu.memory_space<hbm>> -> memref<10000x64xf32, #tpu.memory_space<hbm>>
      tpu.wait_indirect_dma semaphore(%arg19 : memref<!tpu.dma_semaphore, #tpu.memory_space<semaphore_mem>>) src(%dma_wait3A_101 : memref<10000x64xf32, #tpu.memory_space<hbm>>) dst(%arg14 : memref<80x64xf32, #tpu.memory_space<vmem>>)
      "tpu.region"() ({
        %run_scoped3A = tpu.sem_alloc : memref<!tpu.dma_semaphore, #tpu.memory_space<semaphore_mem>>
        %dma_start3A_125 = arith.constant 0 : i32
        %dma_start3A_126 = tpu.memref_slice %arg8[%add3A_94, %dma_start3A_125] : memref<125x80xi32, #tpu.memory_space<vmem>> -> memref<1x80xi32, #tpu.memory_space<vmem>>
        %dma_start3A_127 = tpu.memref_squeeze %dma_start3A_126 : memref<1x80xi32, #tpu.memory_space<vmem>> -> memref<80xi32, #tpu.memory_space<vmem>>
        %dma_start3A_128 = arith.constant 0 : i32
        %dma_start3A_129 = arith.constant 0 : i32
        %dma_start3A_130 = tpu.memref_slice %arg10[%dma_start3A_128, %dma_start3A_129] : memref<10240x64xf32, #tpu.memory_space<vmem_shared>> -> memref<10240x64xf32, #tpu.memory_space<vmem_shared>>
        tpu.enqueue_indirect_dma source(%arg14 : memref<80x64xf32, #tpu.memory_space<vmem>>) target(%dma_start3A_130 : memref<10240x64xf32, #tpu.memory_space<vmem_shared>>) offsets(%dma_start3A_127 : memref<80xi32, #tpu.memory_space<vmem>>) semaphore(%run_scoped3A : memref<!tpu.dma_semaphore, #tpu.memory_space<semaphore_mem>>) {add = true}
        %dma_wait3A_131 = arith.constant 0 : i32
        %dma_wait3A_132 = tpu.memref_slice %arg8[%add3A_94, %dma_wait3A_131] : memref<125x80xi32, #tpu.memory_space<vmem>> -> memref<1x80xi32, #tpu.memory_space<vmem>>
        %dma_wait3A_133 = tpu.memref_squeeze %dma_wait3A_132 : memref<1x80xi32, #tpu.memory_space<vmem>> -> memref<80xi32, #tpu.memory_space<vmem>>
        %dma_wait3A_134 = arith.constant 0 : i32
        %dma_wait3A_135 = arith.constant 0 : i32
        %dma_wait3A_136 = tpu.memref_slice %arg10[%dma_wait3A_134, %dma_wait3A_135] : memref<10240x64xf32, #tpu.memory_space<vmem_shared>> -> memref<10240x64xf32, #tpu.memory_space<vmem_shared>>
        tpu.wait_indirect_dma semaphore(%run_scoped3A : memref<!tpu.dma_semaphore, #tpu.memory_space<semaphore_mem>>) src(%arg14 : memref<80x64xf32, #tpu.memory_space<vmem>>) dst(%dma_wait3A_136 : memref<10240x64xf32, #tpu.memory_space<vmem_shared>>)
        tpu.yield
      }) : () -> ()
      %add3A_102 = arith.constant 5 : i32
      %add3A_103 = arith.addi %add3A_94, %add3A_102 : i32
      %lt3A_104 = arith.constant 125 : i32
      %lt3A_105 = arith.cmpi slt, %add3A_103, %lt3A_104 : i32
      %convert_element_type3A_106 = arith.extui %lt3A_105 : i1 to i32
      %cond3A_107 = arith.constant 0 : i32
      %cond3A_108 = arith.cmpi ne, %convert_element_type3A_106, %cond3A_107 : i32
      scf.if %cond3A_108 {
        %dma_start3A_125 = arith.constant 0 : i32
        %dma_start3A_126 = tpu.memref_slice %arg7[%add3A_103, %dma_start3A_125] : memref<125x80xi32, #tpu.memory_space<vmem>> -> memref<1x80xi32, #tpu.memory_space<vmem>>
        %dma_start3A_127 = tpu.memref_squeeze %dma_start3A_126 : memref<1x80xi32, #tpu.memory_space<vmem>> -> memref<80xi32, #tpu.memory_space<vmem>>
        %dma_start3A_128 = arith.constant 0 : i32
        %dma_start3A_129 = arith.constant 0 : i32
        %dma_start3A_130 = tpu.memref_slice %arg2[%dma_start3A_128, %dma_start3A_129] : memref<10000x64xf32, #tpu.memory_space<hbm>> -> memref<10000x64xf32, #tpu.memory_space<hbm>>
        tpu.enqueue_indirect_dma source(%dma_start3A_130 : memref<10000x64xf32, #tpu.memory_space<hbm>>) target(%arg14 : memref<80x64xf32, #tpu.memory_space<vmem>>) offsets(%dma_start3A_127 : memref<80xi32, #tpu.memory_space<vmem>>) semaphore(%arg19 : memref<!tpu.dma_semaphore, #tpu.memory_space<semaphore_mem>>)
      } else {
      }
      %add3A_109 = arith.constant 4 : i32
      %add3A_110 = arith.addi %mul3A_48, %add3A_109 : i32
      %dma_wait3A_111 = arith.constant 0 : i32
      %dma_wait3A_112 = arith.constant 0 : i32
      %dma_wait3A_113 = tpu.memref_slice %arg7[%dma_wait3A_111, %dma_wait3A_112] : memref<125x80xi32, #tpu.memory_space<vmem>> -> memref<1x80xi32, #tpu.memory_space<vmem>>
      %dma_wait3A_114 = tpu.memref_squeeze %dma_wait3A_113 : memref<1x80xi32, #tpu.memory_space<vmem>> -> memref<80xi32, #tpu.memory_space<vmem>>
      %dma_wait3A_115 = arith.constant 0 : i32
      %dma_wait3A_116 = arith.constant 0 : i32
      %dma_wait3A_117 = tpu.memref_slice %arg2[%dma_wait3A_115, %dma_wait3A_116] : memref<10000x64xf32, #tpu.memory_space<hbm>> -> memref<10000x64xf32, #tpu.memory_space<hbm>>
      tpu.wait_indirect_dma semaphore(%arg20 : memref<!tpu.dma_semaphore, #tpu.memory_space<semaphore_mem>>) src(%dma_wait3A_117 : memref<10000x64xf32, #tpu.memory_space<hbm>>) dst(%arg15 : memref<80x64xf32, #tpu.memory_space<vmem>>)
      "tpu.region"() ({
        %run_scoped3A = tpu.sem_alloc : memref<!tpu.dma_semaphore, #tpu.memory_space<semaphore_mem>>
        %dma_start3A_125 = arith.constant 0 : i32
        %dma_start3A_126 = tpu.memref_slice %arg8[%add3A_110, %dma_start3A_125] : memref<125x80xi32, #tpu.memory_space<vmem>> -> memref<1x80xi32, #tpu.memory_space<vmem>>
        %dma_start3A_127 = tpu.memref_squeeze %dma_start3A_126 : memref<1x80xi32, #tpu.memory_space<vmem>> -> memref<80xi32, #tpu.memory_space<vmem>>
        %dma_start3A_128 = arith.constant 0 : i32
        %dma_start3A_129 = arith.constant 0 : i32
        %dma_start3A_130 = tpu.memref_slice %arg10[%dma_start3A_128, %dma_start3A_129] : memref<10240x64xf32, #tpu.memory_space<vmem_shared>> -> memref<10240x64xf32, #tpu.memory_space<vmem_shared>>
        tpu.enqueue_indirect_dma source(%arg15 : memref<80x64xf32, #tpu.memory_space<vmem>>) target(%dma_start3A_130 : memref<10240x64xf32, #tpu.memory_space<vmem_shared>>) offsets(%dma_start3A_127 : memref<80xi32, #tpu.memory_space<vmem>>) semaphore(%run_scoped3A : memref<!tpu.dma_semaphore, #tpu.memory_space<semaphore_mem>>) {add = true}
        %dma_wait3A_131 = arith.constant 0 : i32
        %dma_wait3A_132 = tpu.memref_slice %arg8[%add3A_110, %dma_wait3A_131] : memref<125x80xi32, #tpu.memory_space<vmem>> -> memref<1x80xi32, #tpu.memory_space<vmem>>
        %dma_wait3A_133 = tpu.memref_squeeze %dma_wait3A_132 : memref<1x80xi32, #tpu.memory_space<vmem>> -> memref<80xi32, #tpu.memory_space<vmem>>
        %dma_wait3A_134 = arith.constant 0 : i32
        %dma_wait3A_135 = arith.constant 0 : i32
        %dma_wait3A_136 = tpu.memref_slice %arg10[%dma_wait3A_134, %dma_wait3A_135] : memref<10240x64xf32, #tpu.memory_space<vmem_shared>> -> memref<10240x64xf32, #tpu.memory_space<vmem_shared>>
        tpu.wait_indirect_dma semaphore(%run_scoped3A : memref<!tpu.dma_semaphore, #tpu.memory_space<semaphore_mem>>) src(%arg15 : memref<80x64xf32, #tpu.memory_space<vmem>>) dst(%dma_wait3A_136 : memref<10240x64xf32, #tpu.memory_space<vmem_shared>>)
        tpu.yield
      }) : () -> ()
      %add3A_118 = arith.constant 5 : i32
      %add3A_119 = arith.addi %add3A_110, %add3A_118 : i32
      %lt3A_120 = arith.constant 125 : i32
      %lt3A_121 = arith.cmpi slt, %add3A_119, %lt3A_120 : i32
      %convert_element_type3A_122 = arith.extui %lt3A_121 : i1 to i32
      %cond3A_123 = arith.constant 0 : i32
      %cond3A_124 = arith.cmpi ne, %convert_element_type3A_122, %cond3A_123 : i32
      scf.if %cond3A_124 {
        %dma_start3A_125 = arith.constant 0 : i32
        %dma_start3A_126 = tpu.memref_slice %arg7[%add3A_119, %dma_start3A_125] : memref<125x80xi32, #tpu.memory_space<vmem>> -> memref<1x80xi32, #tpu.memory_space<vmem>>
        %dma_start3A_127 = tpu.memref_squeeze %dma_start3A_126 : memref<1x80xi32, #tpu.memory_space<vmem>> -> memref<80xi32, #tpu.memory_space<vmem>>
        %dma_start3A_128 = arith.constant 0 : i32
        %dma_start3A_129 = arith.constant 0 : i32
        %dma_start3A_130 = tpu.memref_slice %arg2[%dma_start3A_128, %dma_start3A_129] : memref<10000x64xf32, #tpu.memory_space<hbm>> -> memref<10000x64xf32, #tpu.memory_space<hbm>>
        tpu.enqueue_indirect_dma source(%dma_start3A_130 : memref<10000x64xf32, #tpu.memory_space<hbm>>) target(%arg15 : memref<80x64xf32, #tpu.memory_space<vmem>>) offsets(%dma_start3A_127 : memref<80xi32, #tpu.memory_space<vmem>>) semaphore(%arg20 : memref<!tpu.dma_semaphore, #tpu.memory_space<semaphore_mem>>)
      } else {
      }
    }
    %scan3A_41 = arith.constant 25 : i32
    %barrier3A_42 = arith.constant 0 : index
    tpu.barrier barrier_id(%barrier3A_42)
    "tpu.region"() ({
      %run_scoped3A = tpu.sem_alloc : memref<!tpu.dma_semaphore, #tpu.memory_space<semaphore_mem>>
      %dma_start3A_46 = arith.constant 0 : i32
      %dma_start3A_47 = tpu.memref_slice %arg10[%mul3A_0, %dma_start3A_46] : memref<10240x64xf32, #tpu.memory_space<vmem_shared>> -> memref<640x64xf32, #tpu.memory_space<vmem_shared>>
      %dma_start3A_48 = arith.constant 0 : i32
      %dma_start3A_49 = tpu.memref_slice %arg10[%mul3A_0, %dma_start3A_48] : memref<10240x64xf32, #tpu.memory_space<vmem_shared>> -> memref<640x64xf32, #tpu.memory_space<vmem_shared>>
      tpu.enqueue_dma source(%dma_start3A_49 : memref<640x64xf32, #tpu.memory_space<vmem_shared>>) target(%arg9 : memref<640x64xf32, #tpu.memory_space<vmem>>) target_semaphore(%run_scoped3A : memref<!tpu.dma_semaphore, #tpu.memory_space<semaphore_mem>>)
      %dma_wait3A = arith.constant 0 : i32
      %dma_wait3A_50 = tpu.memref_slice %arg10[%mul3A_0, %dma_wait3A] : memref<10240x64xf32, #tpu.memory_space<vmem_shared>> -> memref<640x64xf32, #tpu.memory_space<vmem_shared>>
      %dma_wait3A_51 = arith.constant 0 : i32
      %dma_wait3A_52 = tpu.memref_slice %arg10[%mul3A_0, %dma_wait3A_51] : memref<10240x64xf32, #tpu.memory_space<vmem_shared>> -> memref<640x64xf32, #tpu.memory_space<vmem_shared>>
      tpu.wait_dma2 semaphore(%run_scoped3A : memref<!tpu.dma_semaphore, #tpu.memory_space<semaphore_mem>>) src(%dma_wait3A_52 : memref<640x64xf32, #tpu.memory_space<vmem_shared>>) dst(%arg9 : memref<640x64xf32, #tpu.memory_space<vmem>>)
      tpu.yield
    }) : () -> ()
    %mul3A_43 = arith.constant 10240 : i32
    %mul3A_44 = arith.muli %arg0, %mul3A_43 : i32
    %add3A_45 = arith.addi %mul3A_44, %mul3A_0 : i32
    "tpu.region"() ({
      %run_scoped3A = tpu.sem_alloc : memref<!tpu.dma_semaphore, #tpu.memory_space<semaphore_mem>>
      %dma_start3A_46 = arith.constant 0 : i32
      %dma_start3A_47 = tpu.memref_slice %arg6[%add3A_45, %dma_start3A_46] : memref<20480x64xf32, #tpu.memory_space<hbm>> -> memref<640x64xf32, #tpu.memory_space<hbm>>
      %dma_start3A_48 = arith.constant 0 : i32
      %dma_start3A_49 = tpu.memref_slice %arg6[%add3A_45, %dma_start3A_48] : memref<20480x64xf32, #tpu.memory_space<hbm>> -> memref<640x64xf32, #tpu.memory_space<hbm>>
      tpu.enqueue_dma source(%arg9 : memref<640x64xf32, #tpu.memory_space<vmem>>) target(%dma_start3A_49 : memref<640x64xf32, #tpu.memory_space<hbm>>) target_semaphore(%run_scoped3A : memref<!tpu.dma_semaphore, #tpu.memory_space<semaphore_mem>>)
      %dma_wait3A = arith.constant 0 : i32
      %dma_wait3A_50 = tpu.memref_slice %arg6[%add3A_45, %dma_wait3A] : memref<20480x64xf32, #tpu.memory_space<hbm>> -> memref<640x64xf32, #tpu.memory_space<hbm>>
      %dma_wait3A_51 = arith.constant 0 : i32
      %dma_wait3A_52 = tpu.memref_slice %arg6[%add3A_45, %dma_wait3A_51] : memref<20480x64xf32, #tpu.memory_space<hbm>> -> memref<640x64xf32, #tpu.memory_space<hbm>>
      tpu.wait_dma2 semaphore(%run_scoped3A : memref<!tpu.dma_semaphore, #tpu.memory_space<semaphore_mem>>) src(%arg9 : memref<640x64xf32, #tpu.memory_space<vmem>>) dst(%dma_wait3A_52 : memref<640x64xf32, #tpu.memory_space<hbm>>)
      tpu.yield
    }) : () -> ()
    return
  }
}

#map = affine_map<(d0, d1) -> (0, 0, 0)>
#map1 = affine_map<(d0, d1) -> (0, 0)>
module attributes {stable_mosaic.version = 14 : i64} {
  func.func @_deg_pass(%arg0: i32, %arg1: i32, %arg2: memref<32x125x80xi32, #tpu.memory_space<hbm>>, %arg3: memref<80x8xf32, #tpu.memory_space<hbm>>, %arg4: memref<10240x8xf32, #tpu.memory_space<hbm>>, %arg5: memref<20480x8xf32, #tpu.memory_space<hbm>>, %arg6: memref<125x80xi32, #tpu.memory_space<vmem>>, %arg7: memref<80x8xf32, #tpu.memory_space<vmem>>, %arg8: memref<640x8xf32, #tpu.memory_space<vmem>>, %arg9: memref<10240x8xf32, #tpu.memory_space<vmem_shared>>, %arg10: memref<!tpu.dma_semaphore, #tpu.memory_space<semaphore_mem>>) attributes {dimension_semantics = [#tpu.dimension_semantics<core_parallel>, #tpu.dimension_semantics<subcore_parallel>], iteration_bounds = array<i64: 2, 16>, scalar_prefetch = 0 : i64, scratch_operands = 5 : i64, tpu.core_type = #tpu.core_type<sc_vector_subcore>, window_params = [{transform_indices = #map}, {transform_indices = #map1}, {transform_indices = #map1}, {transform_indices = #map1}]} {
    %mul3A = arith.constant 640 : i32
    %mul3A_0 = arith.muli %arg1, %mul3A : i32
    "tpu.region"() ({
      %run_scoped3A = tpu.sem_alloc : memref<!tpu.dma_semaphore, #tpu.memory_space<semaphore_mem>>
      %dma_start3A = arith.constant 0 : i32
      %dma_start3A_18 = tpu.memref_slice %arg4[%mul3A_0, %dma_start3A] : memref<10240x8xf32, #tpu.memory_space<hbm>> -> memref<640x8xf32, #tpu.memory_space<hbm>>
      %dma_start3A_19 = arith.constant 0 : i32
      %dma_start3A_20 = tpu.memref_slice %arg4[%mul3A_0, %dma_start3A_19] : memref<10240x8xf32, #tpu.memory_space<hbm>> -> memref<640x8xf32, #tpu.memory_space<hbm>>
      tpu.enqueue_dma source(%dma_start3A_20 : memref<640x8xf32, #tpu.memory_space<hbm>>) target(%arg8 : memref<640x8xf32, #tpu.memory_space<vmem>>) target_semaphore(%run_scoped3A : memref<!tpu.dma_semaphore, #tpu.memory_space<semaphore_mem>>)
      %dma_wait3A = arith.constant 0 : i32
      %dma_wait3A_21 = tpu.memref_slice %arg4[%mul3A_0, %dma_wait3A] : memref<10240x8xf32, #tpu.memory_space<hbm>> -> memref<640x8xf32, #tpu.memory_space<hbm>>
      %dma_wait3A_22 = arith.constant 0 : i32
      %dma_wait3A_23 = tpu.memref_slice %arg4[%mul3A_0, %dma_wait3A_22] : memref<10240x8xf32, #tpu.memory_space<hbm>> -> memref<640x8xf32, #tpu.memory_space<hbm>>
      tpu.wait_dma2 semaphore(%run_scoped3A : memref<!tpu.dma_semaphore, #tpu.memory_space<semaphore_mem>>) src(%dma_wait3A_23 : memref<640x8xf32, #tpu.memory_space<hbm>>) dst(%arg8 : memref<640x8xf32, #tpu.memory_space<vmem>>)
      tpu.yield
    }) : () -> ()
    "tpu.region"() ({
      %run_scoped3A = tpu.sem_alloc : memref<!tpu.dma_semaphore, #tpu.memory_space<semaphore_mem>>
      %dma_start3A = arith.constant 0 : i32
      %dma_start3A_18 = tpu.memref_slice %arg9[%mul3A_0, %dma_start3A] : memref<10240x8xf32, #tpu.memory_space<vmem_shared>> -> memref<640x8xf32, #tpu.memory_space<vmem_shared>>
      %dma_start3A_19 = arith.constant 0 : i32
      %dma_start3A_20 = tpu.memref_slice %arg9[%mul3A_0, %dma_start3A_19] : memref<10240x8xf32, #tpu.memory_space<vmem_shared>> -> memref<640x8xf32, #tpu.memory_space<vmem_shared>>
      tpu.enqueue_dma source(%arg8 : memref<640x8xf32, #tpu.memory_space<vmem>>) target(%dma_start3A_20 : memref<640x8xf32, #tpu.memory_space<vmem_shared>>) target_semaphore(%run_scoped3A : memref<!tpu.dma_semaphore, #tpu.memory_space<semaphore_mem>>)
      %dma_wait3A = arith.constant 0 : i32
      %dma_wait3A_21 = tpu.memref_slice %arg9[%mul3A_0, %dma_wait3A] : memref<10240x8xf32, #tpu.memory_space<vmem_shared>> -> memref<640x8xf32, #tpu.memory_space<vmem_shared>>
      %dma_wait3A_22 = arith.constant 0 : i32
      %dma_wait3A_23 = tpu.memref_slice %arg9[%mul3A_0, %dma_wait3A_22] : memref<10240x8xf32, #tpu.memory_space<vmem_shared>> -> memref<640x8xf32, #tpu.memory_space<vmem_shared>>
      tpu.wait_dma2 semaphore(%run_scoped3A : memref<!tpu.dma_semaphore, #tpu.memory_space<semaphore_mem>>) src(%arg8 : memref<640x8xf32, #tpu.memory_space<vmem>>) dst(%dma_wait3A_23 : memref<640x8xf32, #tpu.memory_space<vmem_shared>>)
      tpu.yield
    }) : () -> ()
    "tpu.region"() ({
      %run_scoped3A = tpu.sem_alloc : memref<!tpu.dma_semaphore, #tpu.memory_space<semaphore_mem>>
      tpu.enqueue_dma source(%arg3 : memref<80x8xf32, #tpu.memory_space<hbm>>) target(%arg7 : memref<80x8xf32, #tpu.memory_space<vmem>>) target_semaphore(%run_scoped3A : memref<!tpu.dma_semaphore, #tpu.memory_space<semaphore_mem>>)
      tpu.wait_dma2 semaphore(%run_scoped3A : memref<!tpu.dma_semaphore, #tpu.memory_space<semaphore_mem>>) src(%arg3 : memref<80x8xf32, #tpu.memory_space<hbm>>) dst(%arg7 : memref<80x8xf32, #tpu.memory_space<vmem>>)
      tpu.yield
    }) : () -> ()
    %mul3A_1 = arith.constant 16 : i32
    %mul3A_2 = arith.muli %arg0, %mul3A_1 : i32
    %add3A = arith.addi %mul3A_2, %arg1 : i32
    "tpu.region"() ({
      %run_scoped3A = tpu.sem_alloc : memref<!tpu.dma_semaphore, #tpu.memory_space<semaphore_mem>>
      %dma_start3A = arith.constant 0 : i32
      %dma_start3A_18 = arith.constant 0 : i32
      %dma_start3A_19 = tpu.memref_slice %arg2[%add3A, %dma_start3A, %dma_start3A_18] : memref<32x125x80xi32, #tpu.memory_space<hbm>> -> memref<1x125x80xi32, #tpu.memory_space<hbm>>
      %dma_start3A_20 = tpu.memref_squeeze %dma_start3A_19 : memref<1x125x80xi32, #tpu.memory_space<hbm>> -> memref<125x80xi32, #tpu.memory_space<hbm>>
      %dma_start3A_21 = arith.constant 0 : i32
      %dma_start3A_22 = arith.constant 0 : i32
      %dma_start3A_23 = tpu.memref_slice %arg2[%add3A, %dma_start3A_21, %dma_start3A_22] : memref<32x125x80xi32, #tpu.memory_space<hbm>> -> memref<1x125x80xi32, #tpu.memory_space<hbm>>
      %dma_start3A_24 = tpu.memref_squeeze %dma_start3A_23 : memref<1x125x80xi32, #tpu.memory_space<hbm>> -> memref<125x80xi32, #tpu.memory_space<hbm>>
      tpu.enqueue_dma source(%dma_start3A_24 : memref<125x80xi32, #tpu.memory_space<hbm>>) target(%arg6 : memref<125x80xi32, #tpu.memory_space<vmem>>) target_semaphore(%run_scoped3A : memref<!tpu.dma_semaphore, #tpu.memory_space<semaphore_mem>>)
      %dma_wait3A = arith.constant 0 : i32
      %dma_wait3A_25 = arith.constant 0 : i32
      %dma_wait3A_26 = tpu.memref_slice %arg2[%add3A, %dma_wait3A, %dma_wait3A_25] : memref<32x125x80xi32, #tpu.memory_space<hbm>> -> memref<1x125x80xi32, #tpu.memory_space<hbm>>
      %dma_wait3A_27 = tpu.memref_squeeze %dma_wait3A_26 : memref<1x125x80xi32, #tpu.memory_space<hbm>> -> memref<125x80xi32, #tpu.memory_space<hbm>>
      %dma_wait3A_28 = arith.constant 0 : i32
      %dma_wait3A_29 = arith.constant 0 : i32
      %dma_wait3A_30 = tpu.memref_slice %arg2[%add3A, %dma_wait3A_28, %dma_wait3A_29] : memref<32x125x80xi32, #tpu.memory_space<hbm>> -> memref<1x125x80xi32, #tpu.memory_space<hbm>>
      %dma_wait3A_31 = tpu.memref_squeeze %dma_wait3A_30 : memref<1x125x80xi32, #tpu.memory_space<hbm>> -> memref<125x80xi32, #tpu.memory_space<hbm>>
      tpu.wait_dma2 semaphore(%run_scoped3A : memref<!tpu.dma_semaphore, #tpu.memory_space<semaphore_mem>>) src(%dma_wait3A_31 : memref<125x80xi32, #tpu.memory_space<hbm>>) dst(%arg6 : memref<125x80xi32, #tpu.memory_space<vmem>>)
      tpu.yield
    }) : () -> ()
    %barrier3A = arith.constant 0 : index
    tpu.barrier barrier_id(%barrier3A)
    %scan3A = arith.constant 0 : i32
    %scan3A_3 = arith.constant 0 : i32
    %scan3A_4 = arith.constant 125 : i32
    %scan3A_5 = arith.addi %scan3A_3, %scan3A_4 : i32
    %scan3A_6 = arith.constant 1 : i32
    scf.for %scan3A_18 = %scan3A_3 to %scan3A_5 step %scan3A_6  : i32 {
      %dma_start3A = arith.constant 0 : i32
      %dma_start3A_19 = tpu.memref_slice %arg6[%scan3A_18, %dma_start3A] : memref<125x80xi32, #tpu.memory_space<vmem>> -> memref<1x80xi32, #tpu.memory_space<vmem>>
      %dma_start3A_20 = tpu.memref_squeeze %dma_start3A_19 : memref<1x80xi32, #tpu.memory_space<vmem>> -> memref<80xi32, #tpu.memory_space<vmem>>
      %dma_start3A_21 = arith.constant 0 : i32
      %dma_start3A_22 = arith.constant 0 : i32
      %dma_start3A_23 = tpu.memref_slice %arg9[%dma_start3A_21, %dma_start3A_22] : memref<10240x8xf32, #tpu.memory_space<vmem_shared>> -> memref<10240x8xf32, #tpu.memory_space<vmem_shared>>
      tpu.enqueue_indirect_dma source(%arg7 : memref<80x8xf32, #tpu.memory_space<vmem>>) target(%dma_start3A_23 : memref<10240x8xf32, #tpu.memory_space<vmem_shared>>) offsets(%dma_start3A_20 : memref<80xi32, #tpu.memory_space<vmem>>) semaphore(%arg10 : memref<!tpu.dma_semaphore, #tpu.memory_space<semaphore_mem>>) {add = true}
    }
    %scan3A_7 = arith.constant 125 : i32
    %scan3A_8 = arith.constant 0 : i32
    %scan3A_9 = arith.constant 0 : i32
    %scan3A_10 = arith.constant 125 : i32
    %scan3A_11 = arith.addi %scan3A_9, %scan3A_10 : i32
    %scan3A_12 = arith.constant 1 : i32
    scf.for %scan3A_18 = %scan3A_9 to %scan3A_11 step %scan3A_12  : i32 {
      %dma_wait3A = arith.constant 0 : i32
      %dma_wait3A_19 = arith.constant 0 : i32
      %dma_wait3A_20 = tpu.memref_slice %arg6[%dma_wait3A, %dma_wait3A_19] : memref<125x80xi32, #tpu.memory_space<vmem>> -> memref<1x80xi32, #tpu.memory_space<vmem>>
      %dma_wait3A_21 = tpu.memref_squeeze %dma_wait3A_20 : memref<1x80xi32, #tpu.memory_space<vmem>> -> memref<80xi32, #tpu.memory_space<vmem>>
      %dma_wait3A_22 = arith.constant 0 : i32
      %dma_wait3A_23 = arith.constant 0 : i32
      %dma_wait3A_24 = tpu.memref_slice %arg9[%dma_wait3A_22, %dma_wait3A_23] : memref<10240x8xf32, #tpu.memory_space<vmem_shared>> -> memref<10240x8xf32, #tpu.memory_space<vmem_shared>>
      tpu.wait_indirect_dma semaphore(%arg10 : memref<!tpu.dma_semaphore, #tpu.memory_space<semaphore_mem>>) src(%arg7 : memref<80x8xf32, #tpu.memory_space<vmem>>) dst(%dma_wait3A_24 : memref<10240x8xf32, #tpu.memory_space<vmem_shared>>)
    }
    %scan3A_13 = arith.constant 125 : i32
    %barrier3A_14 = arith.constant 0 : index
    tpu.barrier barrier_id(%barrier3A_14)
    "tpu.region"() ({
      %run_scoped3A = tpu.sem_alloc : memref<!tpu.dma_semaphore, #tpu.memory_space<semaphore_mem>>
      %dma_start3A = arith.constant 0 : i32
      %dma_start3A_18 = tpu.memref_slice %arg9[%mul3A_0, %dma_start3A] : memref<10240x8xf32, #tpu.memory_space<vmem_shared>> -> memref<640x8xf32, #tpu.memory_space<vmem_shared>>
      %dma_start3A_19 = arith.constant 0 : i32
      %dma_start3A_20 = tpu.memref_slice %arg9[%mul3A_0, %dma_start3A_19] : memref<10240x8xf32, #tpu.memory_space<vmem_shared>> -> memref<640x8xf32, #tpu.memory_space<vmem_shared>>
      tpu.enqueue_dma source(%dma_start3A_20 : memref<640x8xf32, #tpu.memory_space<vmem_shared>>) target(%arg8 : memref<640x8xf32, #tpu.memory_space<vmem>>) target_semaphore(%run_scoped3A : memref<!tpu.dma_semaphore, #tpu.memory_space<semaphore_mem>>)
      %dma_wait3A = arith.constant 0 : i32
      %dma_wait3A_21 = tpu.memref_slice %arg9[%mul3A_0, %dma_wait3A] : memref<10240x8xf32, #tpu.memory_space<vmem_shared>> -> memref<640x8xf32, #tpu.memory_space<vmem_shared>>
      %dma_wait3A_22 = arith.constant 0 : i32
      %dma_wait3A_23 = tpu.memref_slice %arg9[%mul3A_0, %dma_wait3A_22] : memref<10240x8xf32, #tpu.memory_space<vmem_shared>> -> memref<640x8xf32, #tpu.memory_space<vmem_shared>>
      tpu.wait_dma2 semaphore(%run_scoped3A : memref<!tpu.dma_semaphore, #tpu.memory_space<semaphore_mem>>) src(%dma_wait3A_23 : memref<640x8xf32, #tpu.memory_space<vmem_shared>>) dst(%arg8 : memref<640x8xf32, #tpu.memory_space<vmem>>)
      tpu.yield
    }) : () -> ()
    %mul3A_15 = arith.constant 10240 : i32
    %mul3A_16 = arith.muli %arg0, %mul3A_15 : i32
    %add3A_17 = arith.addi %mul3A_16, %mul3A_0 : i32
    "tpu.region"() ({
      %run_scoped3A = tpu.sem_alloc : memref<!tpu.dma_semaphore, #tpu.memory_space<semaphore_mem>>
      %dma_start3A = arith.constant 0 : i32
      %dma_start3A_18 = tpu.memref_slice %arg5[%add3A_17, %dma_start3A] : memref<20480x8xf32, #tpu.memory_space<hbm>> -> memref<640x8xf32, #tpu.memory_space<hbm>>
      %dma_start3A_19 = arith.constant 0 : i32
      %dma_start3A_20 = tpu.memref_slice %arg5[%add3A_17, %dma_start3A_19] : memref<20480x8xf32, #tpu.memory_space<hbm>> -> memref<640x8xf32, #tpu.memory_space<hbm>>
      tpu.enqueue_dma source(%arg8 : memref<640x8xf32, #tpu.memory_space<vmem>>) target(%dma_start3A_20 : memref<640x8xf32, #tpu.memory_space<hbm>>) target_semaphore(%run_scoped3A : memref<!tpu.dma_semaphore, #tpu.memory_space<semaphore_mem>>)
      %dma_wait3A = arith.constant 0 : i32
      %dma_wait3A_21 = tpu.memref_slice %arg5[%add3A_17, %dma_wait3A] : memref<20480x8xf32, #tpu.memory_space<hbm>> -> memref<640x8xf32, #tpu.memory_space<hbm>>
      %dma_wait3A_22 = arith.constant 0 : i32
      %dma_wait3A_23 = tpu.memref_slice %arg5[%add3A_17, %dma_wait3A_22] : memref<20480x8xf32, #tpu.memory_space<hbm>> -> memref<640x8xf32, #tpu.memory_space<hbm>>
      tpu.wait_dma2 semaphore(%run_scoped3A : memref<!tpu.dma_semaphore, #tpu.memory_space<semaphore_mem>>) src(%arg8 : memref<640x8xf32, #tpu.memory_space<vmem>>) dst(%dma_wait3A_23 : memref<640x8xf32, #tpu.memory_space<hbm>>)
      tpu.yield
    }) : () -> ()
    return
  }
}

#map = affine_map<(d0, d1) -> (0, 0)>
#map1 = affine_map<(d0, d1) -> (0, 0, 0)>
module attributes {stable_mosaic.version = 14 : i64} {
  func.func @edge_scatter(%arg0: i32, %arg1: i32, %arg2: memref<10000x64xf32, #tpu.memory_space<hbm>>, %arg3: memref<32x125x80xi32, #tpu.memory_space<hbm>>, %arg4: memref<32x125x80xi32, #tpu.memory_space<hbm>>, %arg5: memref<10240x64xf32, #tpu.memory_space<hbm>>, %arg6: memref<20480x64xf32, #tpu.memory_space<hbm>>, %arg7: memref<125x80xi32, #tpu.memory_space<vmem>>, %arg8: memref<125x80xi32, #tpu.memory_space<vmem>>, %arg9: memref<640x64xf32, #tpu.memory_space<vmem>>, %arg10: memref<10240x64xf32, #tpu.memory_space<vmem_shared>>, %arg11: memref<80x64xf32, #tpu.memory_space<vmem>>, %arg12: memref<80x64xf32, #tpu.memory_space<vmem>>, %arg13: memref<80x64xf32, #tpu.memory_space<vmem>>, %arg14: memref<80x64xf32, #tpu.memory_space<vmem>>, %arg15: memref<80x64xf32, #tpu.memory_space<vmem>>, %arg16: memref<!tpu.dma_semaphore, #tpu.memory_space<semaphore_mem>>, %arg17: memref<!tpu.dma_semaphore, #tpu.memory_space<semaphore_mem>>, %arg18: memref<!tpu.dma_semaphore, #tpu.memory_space<semaphore_mem>>, %arg19: memref<!tpu.dma_semaphore, #tpu.memory_space<semaphore_mem>>, %arg20: memref<!tpu.dma_semaphore, #tpu.memory_space<semaphore_mem>>) attributes {dimension_semantics = [#tpu.dimension_semantics<core_parallel>, #tpu.dimension_semantics<subcore_parallel>], iteration_bounds = array<i64: 2, 16>, scalar_prefetch = 0 : i64, scratch_operands = 14 : i64, tpu.core_type = #tpu.core_type<sc_vector_subcore>, window_params = [{transform_indices = #map}, {transform_indices = #map1}, {transform_indices = #map1}, {transform_indices = #map}, {transform_indices = #map}]} {
    %mul3A = arith.constant 640 : i32
    %mul3A_0 = arith.muli %arg1, %mul3A : i32
    %mul3A_1 = arith.constant 16 : i32
    %mul3A_2 = arith.muli %arg0, %mul3A_1 : i32
    %add3A = arith.addi %mul3A_2, %arg1 : i32
    "tpu.region"() ({
      %run_scoped3A = tpu.sem_alloc : memref<!tpu.dma_semaphore, #tpu.memory_space<semaphore_mem>>
      %dma_start3A_46 = arith.constant 0 : i32
      %dma_start3A_47 = tpu.memref_slice %arg5[%mul3A_0, %dma_start3A_46] : memref<10240x64xf32, #tpu.memory_space<hbm>> -> memref<640x64xf32, #tpu.memory_space<hbm>>
      %dma_start3A_48 = arith.constant 0 : i32
      %dma_start3A_49 = tpu.memref_slice %arg5[%mul3A_0, %dma_start3A_48] : memref<10240x64xf32, #tpu.memory_space<hbm>> -> memref<640x64xf32, #tpu.memory_space<hbm>>
      tpu.enqueue_dma source(%dma_start3A_49 : memref<640x64xf32, #tpu.memory_space<hbm>>) target(%arg9 : memref<640x64xf32, #tpu.memory_space<vmem>>) target_semaphore(%run_scoped3A : memref<!tpu.dma_semaphore, #tpu.memory_space<semaphore_mem>>)
      %dma_wait3A = arith.constant 0 : i32
      %dma_wait3A_50 = tpu.memref_slice %arg5[%mul3A_0, %dma_wait3A] : memref<10240x64xf32, #tpu.memory_space<hbm>> -> memref<640x64xf32, #tpu.memory_space<hbm>>
      %dma_wait3A_51 = arith.constant 0 : i32
      %dma_wait3A_52 = tpu.memref_slice %arg5[%mul3A_0, %dma_wait3A_51] : memref<10240x64xf32, #tpu.memory_space<hbm>> -> memref<640x64xf32, #tpu.memory_space<hbm>>
      tpu.wait_dma2 semaphore(%run_scoped3A : memref<!tpu.dma_semaphore, #tpu.memory_space<semaphore_mem>>) src(%dma_wait3A_52 : memref<640x64xf32, #tpu.memory_space<hbm>>) dst(%arg9 : memref<640x64xf32, #tpu.memory_space<vmem>>)
      tpu.yield
    }) : () -> ()
    "tpu.region"() ({
      %run_scoped3A = tpu.sem_alloc : memref<!tpu.dma_semaphore, #tpu.memory_space<semaphore_mem>>
      %dma_start3A_46 = arith.constant 0 : i32
      %dma_start3A_47 = tpu.memref_slice %arg10[%mul3A_0, %dma_start3A_46] : memref<10240x64xf32, #tpu.memory_space<vmem_shared>> -> memref<640x64xf32, #tpu.memory_space<vmem_shared>>
      %dma_start3A_48 = arith.constant 0 : i32
      %dma_start3A_49 = tpu.memref_slice %arg10[%mul3A_0, %dma_start3A_48] : memref<10240x64xf32, #tpu.memory_space<vmem_shared>> -> memref<640x64xf32, #tpu.memory_space<vmem_shared>>
      tpu.enqueue_dma source(%arg9 : memref<640x64xf32, #tpu.memory_space<vmem>>) target(%dma_start3A_49 : memref<640x64xf32, #tpu.memory_space<vmem_shared>>) target_semaphore(%run_scoped3A : memref<!tpu.dma_semaphore, #tpu.memory_space<semaphore_mem>>)
      %dma_wait3A = arith.constant 0 : i32
      %dma_wait3A_50 = tpu.memref_slice %arg10[%mul3A_0, %dma_wait3A] : memref<10240x64xf32, #tpu.memory_space<vmem_shared>> -> memref<640x64xf32, #tpu.memory_space<vmem_shared>>
      %dma_wait3A_51 = arith.constant 0 : i32
      %dma_wait3A_52 = tpu.memref_slice %arg10[%mul3A_0, %dma_wait3A_51] : memref<10240x64xf32, #tpu.memory_space<vmem_shared>> -> memref<640x64xf32, #tpu.memory_space<vmem_shared>>
      tpu.wait_dma2 semaphore(%run_scoped3A : memref<!tpu.dma_semaphore, #tpu.memory_space<semaphore_mem>>) src(%arg9 : memref<640x64xf32, #tpu.memory_space<vmem>>) dst(%dma_wait3A_52 : memref<640x64xf32, #tpu.memory_space<vmem_shared>>)
      tpu.yield
    }) : () -> ()
    "tpu.region"() ({
      %run_scoped3A = tpu.sem_alloc : memref<!tpu.dma_semaphore, #tpu.memory_space<semaphore_mem>>
      %dma_start3A_46 = arith.constant 0 : i32
      %dma_start3A_47 = arith.constant 0 : i32
      %dma_start3A_48 = tpu.memref_slice %arg3[%add3A, %dma_start3A_46, %dma_start3A_47] : memref<32x125x80xi32, #tpu.memory_space<hbm>> -> memref<1x125x80xi32, #tpu.memory_space<hbm>>
      %dma_start3A_49 = tpu.memref_squeeze %dma_start3A_48 : memref<1x125x80xi32, #tpu.memory_space<hbm>> -> memref<125x80xi32, #tpu.memory_space<hbm>>
      %dma_start3A_50 = arith.constant 0 : i32
      %dma_start3A_51 = arith.constant 0 : i32
      %dma_start3A_52 = tpu.memref_slice %arg3[%add3A, %dma_start3A_50, %dma_start3A_51] : memref<32x125x80xi32, #tpu.memory_space<hbm>> -> memref<1x125x80xi32, #tpu.memory_space<hbm>>
      %dma_start3A_53 = tpu.memref_squeeze %dma_start3A_52 : memref<1x125x80xi32, #tpu.memory_space<hbm>> -> memref<125x80xi32, #tpu.memory_space<hbm>>
      tpu.enqueue_dma source(%dma_start3A_53 : memref<125x80xi32, #tpu.memory_space<hbm>>) target(%arg7 : memref<125x80xi32, #tpu.memory_space<vmem>>) target_semaphore(%run_scoped3A : memref<!tpu.dma_semaphore, #tpu.memory_space<semaphore_mem>>)
      %dma_wait3A = arith.constant 0 : i32
      %dma_wait3A_54 = arith.constant 0 : i32
      %dma_wait3A_55 = tpu.memref_slice %arg3[%add3A, %dma_wait3A, %dma_wait3A_54] : memref<32x125x80xi32, #tpu.memory_space<hbm>> -> memref<1x125x80xi32, #tpu.memory_space<hbm>>
      %dma_wait3A_56 = tpu.memref_squeeze %dma_wait3A_55 : memref<1x125x80xi32, #tpu.memory_space<hbm>> -> memref<125x80xi32, #tpu.memory_space<hbm>>
      %dma_wait3A_57 = arith.constant 0 : i32
      %dma_wait3A_58 = arith.constant 0 : i32
      %dma_wait3A_59 = tpu.memref_slice %arg3[%add3A, %dma_wait3A_57, %dma_wait3A_58] : memref<32x125x80xi32, #tpu.memory_space<hbm>> -> memref<1x125x80xi32, #tpu.memory_space<hbm>>
      %dma_wait3A_60 = tpu.memref_squeeze %dma_wait3A_59 : memref<1x125x80xi32, #tpu.memory_space<hbm>> -> memref<125x80xi32, #tpu.memory_space<hbm>>
      tpu.wait_dma2 semaphore(%run_scoped3A : memref<!tpu.dma_semaphore, #tpu.memory_space<semaphore_mem>>) src(%dma_wait3A_60 : memref<125x80xi32, #tpu.memory_space<hbm>>) dst(%arg7 : memref<125x80xi32, #tpu.memory_space<vmem>>)
      tpu.yield
    }) : () -> ()
    "tpu.region"() ({
      %run_scoped3A = tpu.sem_alloc : memref<!tpu.dma_semaphore, #tpu.memory_space<semaphore_mem>>
      %dma_start3A_46 = arith.constant 0 : i32
      %dma_start3A_47 = arith.constant 0 : i32
      %dma_start3A_48 = tpu.memref_slice %arg4[%add3A, %dma_start3A_46, %dma_start3A_47] : memref<32x125x80xi32, #tpu.memory_space<hbm>> -> memref<1x125x80xi32, #tpu.memory_space<hbm>>
      %dma_start3A_49 = tpu.memref_squeeze %dma_start3A_48 : memref<1x125x80xi32, #tpu.memory_space<hbm>> -> memref<125x80xi32, #tpu.memory_space<hbm>>
      %dma_start3A_50 = arith.constant 0 : i32
      %dma_start3A_51 = arith.constant 0 : i32
      %dma_start3A_52 = tpu.memref_slice %arg4[%add3A, %dma_start3A_50, %dma_start3A_51] : memref<32x125x80xi32, #tpu.memory_space<hbm>> -> memref<1x125x80xi32, #tpu.memory_space<hbm>>
      %dma_start3A_53 = tpu.memref_squeeze %dma_start3A_52 : memref<1x125x80xi32, #tpu.memory_space<hbm>> -> memref<125x80xi32, #tpu.memory_space<hbm>>
      tpu.enqueue_dma source(%dma_start3A_53 : memref<125x80xi32, #tpu.memory_space<hbm>>) target(%arg8 : memref<125x80xi32, #tpu.memory_space<vmem>>) target_semaphore(%run_scoped3A : memref<!tpu.dma_semaphore, #tpu.memory_space<semaphore_mem>>)
      %dma_wait3A = arith.constant 0 : i32
      %dma_wait3A_54 = arith.constant 0 : i32
      %dma_wait3A_55 = tpu.memref_slice %arg4[%add3A, %dma_wait3A, %dma_wait3A_54] : memref<32x125x80xi32, #tpu.memory_space<hbm>> -> memref<1x125x80xi32, #tpu.memory_space<hbm>>
      %dma_wait3A_56 = tpu.memref_squeeze %dma_wait3A_55 : memref<1x125x80xi32, #tpu.memory_space<hbm>> -> memref<125x80xi32, #tpu.memory_space<hbm>>
      %dma_wait3A_57 = arith.constant 0 : i32
      %dma_wait3A_58 = arith.constant 0 : i32
      %dma_wait3A_59 = tpu.memref_slice %arg4[%add3A, %dma_wait3A_57, %dma_wait3A_58] : memref<32x125x80xi32, #tpu.memory_space<hbm>> -> memref<1x125x80xi32, #tpu.memory_space<hbm>>
      %dma_wait3A_60 = tpu.memref_squeeze %dma_wait3A_59 : memref<1x125x80xi32, #tpu.memory_space<hbm>> -> memref<125x80xi32, #tpu.memory_space<hbm>>
      tpu.wait_dma2 semaphore(%run_scoped3A : memref<!tpu.dma_semaphore, #tpu.memory_space<semaphore_mem>>) src(%dma_wait3A_60 : memref<125x80xi32, #tpu.memory_space<hbm>>) dst(%arg8 : memref<125x80xi32, #tpu.memory_space<vmem>>)
      tpu.yield
    }) : () -> ()
    %barrier3A = arith.constant 0 : index
    tpu.barrier barrier_id(%barrier3A)
    %dma_start3A = arith.constant 0 : i32
    %dma_start3A_3 = arith.constant 0 : i32
    %dma_start3A_4 = tpu.memref_slice %arg7[%dma_start3A, %dma_start3A_3] : memref<125x80xi32, #tpu.memory_space<vmem>> -> memref<1x80xi32, #tpu.memory_space<vmem>>
    %dma_start3A_5 = tpu.memref_squeeze %dma_start3A_4 : memref<1x80xi32, #tpu.memory_space<vmem>> -> memref<80xi32, #tpu.memory_space<vmem>>
    %dma_start3A_6 = arith.constant 0 : i32
    %dma_start3A_7 = arith.constant 0 : i32
    %dma_start3A_8 = tpu.memref_slice %arg2[%dma_start3A_6, %dma_start3A_7] : memref<10000x64xf32, #tpu.memory_space<hbm>> -> memref<10000x64xf32, #tpu.memory_space<hbm>>
    tpu.enqueue_indirect_dma source(%dma_start3A_8 : memref<10000x64xf32, #tpu.memory_space<hbm>>) target(%arg11 : memref<80x64xf32, #tpu.memory_space<vmem>>) offsets(%dma_start3A_5 : memref<80xi32, #tpu.memory_space<vmem>>) semaphore(%arg16 : memref<!tpu.dma_semaphore, #tpu.memory_space<semaphore_mem>>)
    %dma_start3A_9 = arith.constant 1 : i32
    %dma_start3A_10 = arith.constant 0 : i32
    %dma_start3A_11 = tpu.memref_slice %arg7[%dma_start3A_9, %dma_start3A_10] : memref<125x80xi32, #tpu.memory_space<vmem>> -> memref<1x80xi32, #tpu.memory_space<vmem>>
    %dma_start3A_12 = tpu.memref_squeeze %dma_start3A_11 : memref<1x80xi32, #tpu.memory_space<vmem>> -> memref<80xi32, #tpu.memory_space<vmem>>
    %dma_start3A_13 = arith.constant 0 : i32
    %dma_start3A_14 = arith.constant 0 : i32
    %dma_start3A_15 = tpu.memref_slice %arg2[%dma_start3A_13, %dma_start3A_14] : memref<10000x64xf32, #tpu.memory_space<hbm>> -> memref<10000x64xf32, #tpu.memory_space<hbm>>
    tpu.enqueue_indirect_dma source(%dma_start3A_15 : memref<10000x64xf32, #tpu.memory_space<hbm>>) target(%arg12 : memref<80x64xf32, #tpu.memory_space<vmem>>) offsets(%dma_start3A_12 : memref<80xi32, #tpu.memory_space<vmem>>) semaphore(%arg17 : memref<!tpu.dma_semaphore, #tpu.memory_space<semaphore_mem>>)
    %dma_start3A_16 = arith.constant 2 : i32
    %dma_start3A_17 = arith.constant 0 : i32
    %dma_start3A_18 = tpu.memref_slice %arg7[%dma_start3A_16, %dma_start3A_17] : memref<125x80xi32, #tpu.memory_space<vmem>> -> memref<1x80xi32, #tpu.memory_space<vmem>>
    %dma_start3A_19 = tpu.memref_squeeze %dma_start3A_18 : memref<1x80xi32, #tpu.memory_space<vmem>> -> memref<80xi32, #tpu.memory_space<vmem>>
    %dma_start3A_20 = arith.constant 0 : i32
    %dma_start3A_21 = arith.constant 0 : i32
    %dma_start3A_22 = tpu.memref_slice %arg2[%dma_start3A_20, %dma_start3A_21] : memref<10000x64xf32, #tpu.memory_space<hbm>> -> memref<10000x64xf32, #tpu.memory_space<hbm>>
    tpu.enqueue_indirect_dma source(%dma_start3A_22 : memref<10000x64xf32, #tpu.memory_space<hbm>>) target(%arg13 : memref<80x64xf32, #tpu.memory_space<vmem>>) offsets(%dma_start3A_19 : memref<80xi32, #tpu.memory_space<vmem>>) semaphore(%arg18 : memref<!tpu.dma_semaphore, #tpu.memory_space<semaphore_mem>>)
    %dma_start3A_23 = arith.constant 3 : i32
    %dma_start3A_24 = arith.constant 0 : i32
    %dma_start3A_25 = tpu.memref_slice %arg7[%dma_start3A_23, %dma_start3A_24] : memref<125x80xi32, #tpu.memory_space<vmem>> -> memref<1x80xi32, #tpu.memory_space<vmem>>
    %dma_start3A_26 = tpu.memref_squeeze %dma_start3A_25 : memref<1x80xi32, #tpu.memory_space<vmem>> -> memref<80xi32, #tpu.memory_space<vmem>>
    %dma_start3A_27 = arith.constant 0 : i32
    %dma_start3A_28 = arith.constant 0 : i32
    %dma_start3A_29 = tpu.memref_slice %arg2[%dma_start3A_27, %dma_start3A_28] : memref<10000x64xf32, #tpu.memory_space<hbm>> -> memref<10000x64xf32, #tpu.memory_space<hbm>>
    tpu.enqueue_indirect_dma source(%dma_start3A_29 : memref<10000x64xf32, #tpu.memory_space<hbm>>) target(%arg14 : memref<80x64xf32, #tpu.memory_space<vmem>>) offsets(%dma_start3A_26 : memref<80xi32, #tpu.memory_space<vmem>>) semaphore(%arg19 : memref<!tpu.dma_semaphore, #tpu.memory_space<semaphore_mem>>)
    %dma_start3A_30 = arith.constant 4 : i32
    %dma_start3A_31 = arith.constant 0 : i32
    %dma_start3A_32 = tpu.memref_slice %arg7[%dma_start3A_30, %dma_start3A_31] : memref<125x80xi32, #tpu.memory_space<vmem>> -> memref<1x80xi32, #tpu.memory_space<vmem>>
    %dma_start3A_33 = tpu.memref_squeeze %dma_start3A_32 : memref<1x80xi32, #tpu.memory_space<vmem>> -> memref<80xi32, #tpu.memory_space<vmem>>
    %dma_start3A_34 = arith.constant 0 : i32
    %dma_start3A_35 = arith.constant 0 : i32
    %dma_start3A_36 = tpu.memref_slice %arg2[%dma_start3A_34, %dma_start3A_35] : memref<10000x64xf32, #tpu.memory_space<hbm>> -> memref<10000x64xf32, #tpu.memory_space<hbm>>
    tpu.enqueue_indirect_dma source(%dma_start3A_36 : memref<10000x64xf32, #tpu.memory_space<hbm>>) target(%arg15 : memref<80x64xf32, #tpu.memory_space<vmem>>) offsets(%dma_start3A_33 : memref<80xi32, #tpu.memory_space<vmem>>) semaphore(%arg20 : memref<!tpu.dma_semaphore, #tpu.memory_space<semaphore_mem>>)
    %scan3A = arith.constant 0 : i32
    %scan3A_37 = arith.constant 0 : i32
    %scan3A_38 = arith.constant 25 : i32
    %scan3A_39 = arith.addi %scan3A_37, %scan3A_38 : i32
    %scan3A_40 = arith.constant 1 : i32
    scf.for %scan3A_46 = %scan3A_37 to %scan3A_39 step %scan3A_40  : i32 {
      %mul3A_47 = arith.constant 5 : i32
      %mul3A_48 = arith.muli %scan3A_46, %mul3A_47 : i32
      %add3A_49 = arith.constant 0 : i32
      %add3A_50 = arith.addi %mul3A_48, %add3A_49 : i32
      %dma_wait3A = arith.constant 0 : i32
      %dma_wait3A_51 = arith.constant 0 : i32
      %dma_wait3A_52 = tpu.memref_slice %arg7[%dma_wait3A, %dma_wait3A_51] : memref<125x80xi32, #tpu.memory_space<vmem>> -> memref<1x80xi32, #tpu.memory_space<vmem>>
      %dma_wait3A_53 = tpu.memref_squeeze %dma_wait3A_52 : memref<1x80xi32, #tpu.memory_space<vmem>> -> memref<80xi32, #tpu.memory_space<vmem>>
      %dma_wait3A_54 = arith.constant 0 : i32
      %dma_wait3A_55 = arith.constant 0 : i32
      %dma_wait3A_56 = tpu.memref_slice %arg2[%dma_wait3A_54, %dma_wait3A_55] : memref<10000x64xf32, #tpu.memory_space<hbm>> -> memref<10000x64xf32, #tpu.memory_space<hbm>>
      tpu.wait_indirect_dma semaphore(%arg16 : memref<!tpu.dma_semaphore, #tpu.memory_space<semaphore_mem>>) src(%dma_wait3A_56 : memref<10000x64xf32, #tpu.memory_space<hbm>>) dst(%arg11 : memref<80x64xf32, #tpu.memory_space<vmem>>)
      "tpu.region"() ({
        %run_scoped3A = tpu.sem_alloc : memref<!tpu.dma_semaphore, #tpu.memory_space<semaphore_mem>>
        %dma_start3A_125 = arith.constant 0 : i32
        %dma_start3A_126 = tpu.memref_slice %arg8[%add3A_50, %dma_start3A_125] : memref<125x80xi32, #tpu.memory_space<vmem>> -> memref<1x80xi32, #tpu.memory_space<vmem>>
        %dma_start3A_127 = tpu.memref_squeeze %dma_start3A_126 : memref<1x80xi32, #tpu.memory_space<vmem>> -> memref<80xi32, #tpu.memory_space<vmem>>
        %dma_start3A_128 = arith.constant 0 : i32
        %dma_start3A_129 = arith.constant 0 : i32
        %dma_start3A_130 = tpu.memref_slice %arg10[%dma_start3A_128, %dma_start3A_129] : memref<10240x64xf32, #tpu.memory_space<vmem_shared>> -> memref<10240x64xf32, #tpu.memory_space<vmem_shared>>
        tpu.enqueue_indirect_dma source(%arg11 : memref<80x64xf32, #tpu.memory_space<vmem>>) target(%dma_start3A_130 : memref<10240x64xf32, #tpu.memory_space<vmem_shared>>) offsets(%dma_start3A_127 : memref<80xi32, #tpu.memory_space<vmem>>) semaphore(%run_scoped3A : memref<!tpu.dma_semaphore, #tpu.memory_space<semaphore_mem>>) {add = true}
        %dma_wait3A_131 = arith.constant 0 : i32
        %dma_wait3A_132 = tpu.memref_slice %arg8[%add3A_50, %dma_wait3A_131] : memref<125x80xi32, #tpu.memory_space<vmem>> -> memref<1x80xi32, #tpu.memory_space<vmem>>
        %dma_wait3A_133 = tpu.memref_squeeze %dma_wait3A_132 : memref<1x80xi32, #tpu.memory_space<vmem>> -> memref<80xi32, #tpu.memory_space<vmem>>
        %dma_wait3A_134 = arith.constant 0 : i32
        %dma_wait3A_135 = arith.constant 0 : i32
        %dma_wait3A_136 = tpu.memref_slice %arg10[%dma_wait3A_134, %dma_wait3A_135] : memref<10240x64xf32, #tpu.memory_space<vmem_shared>> -> memref<10240x64xf32, #tpu.memory_space<vmem_shared>>
        tpu.wait_indirect_dma semaphore(%run_scoped3A : memref<!tpu.dma_semaphore, #tpu.memory_space<semaphore_mem>>) src(%arg11 : memref<80x64xf32, #tpu.memory_space<vmem>>) dst(%dma_wait3A_136 : memref<10240x64xf32, #tpu.memory_space<vmem_shared>>)
        tpu.yield
      }) : () -> ()
      %add3A_57 = arith.constant 5 : i32
      %add3A_58 = arith.addi %add3A_50, %add3A_57 : i32
      %lt3A = arith.constant 125 : i32
      %lt3A_59 = arith.cmpi slt, %add3A_58, %lt3A : i32
      %convert_element_type3A = arith.extui %lt3A_59 : i1 to i32
      %cond3A = arith.constant 0 : i32
      %cond3A_60 = arith.cmpi ne, %convert_element_type3A, %cond3A : i32
      scf.if %cond3A_60 {
        %dma_start3A_125 = arith.constant 0 : i32
        %dma_start3A_126 = tpu.memref_slice %arg7[%add3A_58, %dma_start3A_125] : memref<125x80xi32, #tpu.memory_space<vmem>> -> memref<1x80xi32, #tpu.memory_space<vmem>>
        %dma_start3A_127 = tpu.memref_squeeze %dma_start3A_126 : memref<1x80xi32, #tpu.memory_space<vmem>> -> memref<80xi32, #tpu.memory_space<vmem>>
        %dma_start3A_128 = arith.constant 0 : i32
        %dma_start3A_129 = arith.constant 0 : i32
        %dma_start3A_130 = tpu.memref_slice %arg2[%dma_start3A_128, %dma_start3A_129] : memref<10000x64xf32, #tpu.memory_space<hbm>> -> memref<10000x64xf32, #tpu.memory_space<hbm>>
        tpu.enqueue_indirect_dma source(%dma_start3A_130 : memref<10000x64xf32, #tpu.memory_space<hbm>>) target(%arg11 : memref<80x64xf32, #tpu.memory_space<vmem>>) offsets(%dma_start3A_127 : memref<80xi32, #tpu.memory_space<vmem>>) semaphore(%arg16 : memref<!tpu.dma_semaphore, #tpu.memory_space<semaphore_mem>>)
      } else {
      }
      %add3A_61 = arith.constant 1 : i32
      %add3A_62 = arith.addi %mul3A_48, %add3A_61 : i32
      %dma_wait3A_63 = arith.constant 0 : i32
      %dma_wait3A_64 = arith.constant 0 : i32
      %dma_wait3A_65 = tpu.memref_slice %arg7[%dma_wait3A_63, %dma_wait3A_64] : memref<125x80xi32, #tpu.memory_space<vmem>> -> memref<1x80xi32, #tpu.memory_space<vmem>>
      %dma_wait3A_66 = tpu.memref_squeeze %dma_wait3A_65 : memref<1x80xi32, #tpu.memory_space<vmem>> -> memref<80xi32, #tpu.memory_space<vmem>>
      %dma_wait3A_67 = arith.constant 0 : i32
      %dma_wait3A_68 = arith.constant 0 : i32
      %dma_wait3A_69 = tpu.memref_slice %arg2[%dma_wait3A_67, %dma_wait3A_68] : memref<10000x64xf32, #tpu.memory_space<hbm>> -> memref<10000x64xf32, #tpu.memory_space<hbm>>
      tpu.wait_indirect_dma semaphore(%arg17 : memref<!tpu.dma_semaphore, #tpu.memory_space<semaphore_mem>>) src(%dma_wait3A_69 : memref<10000x64xf32, #tpu.memory_space<hbm>>) dst(%arg12 : memref<80x64xf32, #tpu.memory_space<vmem>>)
      "tpu.region"() ({
        %run_scoped3A = tpu.sem_alloc : memref<!tpu.dma_semaphore, #tpu.memory_space<semaphore_mem>>
        %dma_start3A_125 = arith.constant 0 : i32
        %dma_start3A_126 = tpu.memref_slice %arg8[%add3A_62, %dma_start3A_125] : memref<125x80xi32, #tpu.memory_space<vmem>> -> memref<1x80xi32, #tpu.memory_space<vmem>>
        %dma_start3A_127 = tpu.memref_squeeze %dma_start3A_126 : memref<1x80xi32, #tpu.memory_space<vmem>> -> memref<80xi32, #tpu.memory_space<vmem>>
        %dma_start3A_128 = arith.constant 0 : i32
        %dma_start3A_129 = arith.constant 0 : i32
        %dma_start3A_130 = tpu.memref_slice %arg10[%dma_start3A_128, %dma_start3A_129] : memref<10240x64xf32, #tpu.memory_space<vmem_shared>> -> memref<10240x64xf32, #tpu.memory_space<vmem_shared>>
        tpu.enqueue_indirect_dma source(%arg12 : memref<80x64xf32, #tpu.memory_space<vmem>>) target(%dma_start3A_130 : memref<10240x64xf32, #tpu.memory_space<vmem_shared>>) offsets(%dma_start3A_127 : memref<80xi32, #tpu.memory_space<vmem>>) semaphore(%run_scoped3A : memref<!tpu.dma_semaphore, #tpu.memory_space<semaphore_mem>>) {add = true}
        %dma_wait3A_131 = arith.constant 0 : i32
        %dma_wait3A_132 = tpu.memref_slice %arg8[%add3A_62, %dma_wait3A_131] : memref<125x80xi32, #tpu.memory_space<vmem>> -> memref<1x80xi32, #tpu.memory_space<vmem>>
        %dma_wait3A_133 = tpu.memref_squeeze %dma_wait3A_132 : memref<1x80xi32, #tpu.memory_space<vmem>> -> memref<80xi32, #tpu.memory_space<vmem>>
        %dma_wait3A_134 = arith.constant 0 : i32
        %dma_wait3A_135 = arith.constant 0 : i32
        %dma_wait3A_136 = tpu.memref_slice %arg10[%dma_wait3A_134, %dma_wait3A_135] : memref<10240x64xf32, #tpu.memory_space<vmem_shared>> -> memref<10240x64xf32, #tpu.memory_space<vmem_shared>>
        tpu.wait_indirect_dma semaphore(%run_scoped3A : memref<!tpu.dma_semaphore, #tpu.memory_space<semaphore_mem>>) src(%arg12 : memref<80x64xf32, #tpu.memory_space<vmem>>) dst(%dma_wait3A_136 : memref<10240x64xf32, #tpu.memory_space<vmem_shared>>)
        tpu.yield
      }) : () -> ()
      %add3A_70 = arith.constant 5 : i32
      %add3A_71 = arith.addi %add3A_62, %add3A_70 : i32
      %lt3A_72 = arith.constant 125 : i32
      %lt3A_73 = arith.cmpi slt, %add3A_71, %lt3A_72 : i32
      %convert_element_type3A_74 = arith.extui %lt3A_73 : i1 to i32
      %cond3A_75 = arith.constant 0 : i32
      %cond3A_76 = arith.cmpi ne, %convert_element_type3A_74, %cond3A_75 : i32
      scf.if %cond3A_76 {
        %dma_start3A_125 = arith.constant 0 : i32
        %dma_start3A_126 = tpu.memref_slice %arg7[%add3A_71, %dma_start3A_125] : memref<125x80xi32, #tpu.memory_space<vmem>> -> memref<1x80xi32, #tpu.memory_space<vmem>>
        %dma_start3A_127 = tpu.memref_squeeze %dma_start3A_126 : memref<1x80xi32, #tpu.memory_space<vmem>> -> memref<80xi32, #tpu.memory_space<vmem>>
        %dma_start3A_128 = arith.constant 0 : i32
        %dma_start3A_129 = arith.constant 0 : i32
        %dma_start3A_130 = tpu.memref_slice %arg2[%dma_start3A_128, %dma_start3A_129] : memref<10000x64xf32, #tpu.memory_space<hbm>> -> memref<10000x64xf32, #tpu.memory_space<hbm>>
        tpu.enqueue_indirect_dma source(%dma_start3A_130 : memref<10000x64xf32, #tpu.memory_space<hbm>>) target(%arg12 : memref<80x64xf32, #tpu.memory_space<vmem>>) offsets(%dma_start3A_127 : memref<80xi32, #tpu.memory_space<vmem>>) semaphore(%arg17 : memref<!tpu.dma_semaphore, #tpu.memory_space<semaphore_mem>>)
      } else {
      }
      %add3A_77 = arith.constant 2 : i32
      %add3A_78 = arith.addi %mul3A_48, %add3A_77 : i32
      %dma_wait3A_79 = arith.constant 0 : i32
      %dma_wait3A_80 = arith.constant 0 : i32
      %dma_wait3A_81 = tpu.memref_slice %arg7[%dma_wait3A_79, %dma_wait3A_80] : memref<125x80xi32, #tpu.memory_space<vmem>> -> memref<1x80xi32, #tpu.memory_space<vmem>>
      %dma_wait3A_82 = tpu.memref_squeeze %dma_wait3A_81 : memref<1x80xi32, #tpu.memory_space<vmem>> -> memref<80xi32, #tpu.memory_space<vmem>>
      %dma_wait3A_83 = arith.constant 0 : i32
      %dma_wait3A_84 = arith.constant 0 : i32
      %dma_wait3A_85 = tpu.memref_slice %arg2[%dma_wait3A_83, %dma_wait3A_84] : memref<10000x64xf32, #tpu.memory_space<hbm>> -> memref<10000x64xf32, #tpu.memory_space<hbm>>
      tpu.wait_indirect_dma semaphore(%arg18 : memref<!tpu.dma_semaphore, #tpu.memory_space<semaphore_mem>>) src(%dma_wait3A_85 : memref<10000x64xf32, #tpu.memory_space<hbm>>) dst(%arg13 : memref<80x64xf32, #tpu.memory_space<vmem>>)
      "tpu.region"() ({
        %run_scoped3A = tpu.sem_alloc : memref<!tpu.dma_semaphore, #tpu.memory_space<semaphore_mem>>
        %dma_start3A_125 = arith.constant 0 : i32
        %dma_start3A_126 = tpu.memref_slice %arg8[%add3A_78, %dma_start3A_125] : memref<125x80xi32, #tpu.memory_space<vmem>> -> memref<1x80xi32, #tpu.memory_space<vmem>>
        %dma_start3A_127 = tpu.memref_squeeze %dma_start3A_126 : memref<1x80xi32, #tpu.memory_space<vmem>> -> memref<80xi32, #tpu.memory_space<vmem>>
        %dma_start3A_128 = arith.constant 0 : i32
        %dma_start3A_129 = arith.constant 0 : i32
        %dma_start3A_130 = tpu.memref_slice %arg10[%dma_start3A_128, %dma_start3A_129] : memref<10240x64xf32, #tpu.memory_space<vmem_shared>> -> memref<10240x64xf32, #tpu.memory_space<vmem_shared>>
        tpu.enqueue_indirect_dma source(%arg13 : memref<80x64xf32, #tpu.memory_space<vmem>>) target(%dma_start3A_130 : memref<10240x64xf32, #tpu.memory_space<vmem_shared>>) offsets(%dma_start3A_127 : memref<80xi32, #tpu.memory_space<vmem>>) semaphore(%run_scoped3A : memref<!tpu.dma_semaphore, #tpu.memory_space<semaphore_mem>>) {add = true}
        %dma_wait3A_131 = arith.constant 0 : i32
        %dma_wait3A_132 = tpu.memref_slice %arg8[%add3A_78, %dma_wait3A_131] : memref<125x80xi32, #tpu.memory_space<vmem>> -> memref<1x80xi32, #tpu.memory_space<vmem>>
        %dma_wait3A_133 = tpu.memref_squeeze %dma_wait3A_132 : memref<1x80xi32, #tpu.memory_space<vmem>> -> memref<80xi32, #tpu.memory_space<vmem>>
        %dma_wait3A_134 = arith.constant 0 : i32
        %dma_wait3A_135 = arith.constant 0 : i32
        %dma_wait3A_136 = tpu.memref_slice %arg10[%dma_wait3A_134, %dma_wait3A_135] : memref<10240x64xf32, #tpu.memory_space<vmem_shared>> -> memref<10240x64xf32, #tpu.memory_space<vmem_shared>>
        tpu.wait_indirect_dma semaphore(%run_scoped3A : memref<!tpu.dma_semaphore, #tpu.memory_space<semaphore_mem>>) src(%arg13 : memref<80x64xf32, #tpu.memory_space<vmem>>) dst(%dma_wait3A_136 : memref<10240x64xf32, #tpu.memory_space<vmem_shared>>)
        tpu.yield
      }) : () -> ()
      %add3A_86 = arith.constant 5 : i32
      %add3A_87 = arith.addi %add3A_78, %add3A_86 : i32
      %lt3A_88 = arith.constant 125 : i32
      %lt3A_89 = arith.cmpi slt, %add3A_87, %lt3A_88 : i32
      %convert_element_type3A_90 = arith.extui %lt3A_89 : i1 to i32
      %cond3A_91 = arith.constant 0 : i32
      %cond3A_92 = arith.cmpi ne, %convert_element_type3A_90, %cond3A_91 : i32
      scf.if %cond3A_92 {
        %dma_start3A_125 = arith.constant 0 : i32
        %dma_start3A_126 = tpu.memref_slice %arg7[%add3A_87, %dma_start3A_125] : memref<125x80xi32, #tpu.memory_space<vmem>> -> memref<1x80xi32, #tpu.memory_space<vmem>>
        %dma_start3A_127 = tpu.memref_squeeze %dma_start3A_126 : memref<1x80xi32, #tpu.memory_space<vmem>> -> memref<80xi32, #tpu.memory_space<vmem>>
        %dma_start3A_128 = arith.constant 0 : i32
        %dma_start3A_129 = arith.constant 0 : i32
        %dma_start3A_130 = tpu.memref_slice %arg2[%dma_start3A_128, %dma_start3A_129] : memref<10000x64xf32, #tpu.memory_space<hbm>> -> memref<10000x64xf32, #tpu.memory_space<hbm>>
        tpu.enqueue_indirect_dma source(%dma_start3A_130 : memref<10000x64xf32, #tpu.memory_space<hbm>>) target(%arg13 : memref<80x64xf32, #tpu.memory_space<vmem>>) offsets(%dma_start3A_127 : memref<80xi32, #tpu.memory_space<vmem>>) semaphore(%arg18 : memref<!tpu.dma_semaphore, #tpu.memory_space<semaphore_mem>>)
      } else {
      }
      %add3A_93 = arith.constant 3 : i32
      %add3A_94 = arith.addi %mul3A_48, %add3A_93 : i32
      %dma_wait3A_95 = arith.constant 0 : i32
      %dma_wait3A_96 = arith.constant 0 : i32
      %dma_wait3A_97 = tpu.memref_slice %arg7[%dma_wait3A_95, %dma_wait3A_96] : memref<125x80xi32, #tpu.memory_space<vmem>> -> memref<1x80xi32, #tpu.memory_space<vmem>>
      %dma_wait3A_98 = tpu.memref_squeeze %dma_wait3A_97 : memref<1x80xi32, #tpu.memory_space<vmem>> -> memref<80xi32, #tpu.memory_space<vmem>>
      %dma_wait3A_99 = arith.constant 0 : i32
      %dma_wait3A_100 = arith.constant 0 : i32
      %dma_wait3A_101 = tpu.memref_slice %arg2[%dma_wait3A_99, %dma_wait3A_100] : memref<10000x64xf32, #tpu.memory_space<hbm>> -> memref<10000x64xf32, #tpu.memory_space<hbm>>
      tpu.wait_indirect_dma semaphore(%arg19 : memref<!tpu.dma_semaphore, #tpu.memory_space<semaphore_mem>>) src(%dma_wait3A_101 : memref<10000x64xf32, #tpu.memory_space<hbm>>) dst(%arg14 : memref<80x64xf32, #tpu.memory_space<vmem>>)
      "tpu.region"() ({
        %run_scoped3A = tpu.sem_alloc : memref<!tpu.dma_semaphore, #tpu.memory_space<semaphore_mem>>
        %dma_start3A_125 = arith.constant 0 : i32
        %dma_start3A_126 = tpu.memref_slice %arg8[%add3A_94, %dma_start3A_125] : memref<125x80xi32, #tpu.memory_space<vmem>> -> memref<1x80xi32, #tpu.memory_space<vmem>>
        %dma_start3A_127 = tpu.memref_squeeze %dma_start3A_126 : memref<1x80xi32, #tpu.memory_space<vmem>> -> memref<80xi32, #tpu.memory_space<vmem>>
        %dma_start3A_128 = arith.constant 0 : i32
        %dma_start3A_129 = arith.constant 0 : i32
        %dma_start3A_130 = tpu.memref_slice %arg10[%dma_start3A_128, %dma_start3A_129] : memref<10240x64xf32, #tpu.memory_space<vmem_shared>> -> memref<10240x64xf32, #tpu.memory_space<vmem_shared>>
        tpu.enqueue_indirect_dma source(%arg14 : memref<80x64xf32, #tpu.memory_space<vmem>>) target(%dma_start3A_130 : memref<10240x64xf32, #tpu.memory_space<vmem_shared>>) offsets(%dma_start3A_127 : memref<80xi32, #tpu.memory_space<vmem>>) semaphore(%run_scoped3A : memref<!tpu.dma_semaphore, #tpu.memory_space<semaphore_mem>>) {add = true}
        %dma_wait3A_131 = arith.constant 0 : i32
        %dma_wait3A_132 = tpu.memref_slice %arg8[%add3A_94, %dma_wait3A_131] : memref<125x80xi32, #tpu.memory_space<vmem>> -> memref<1x80xi32, #tpu.memory_space<vmem>>
        %dma_wait3A_133 = tpu.memref_squeeze %dma_wait3A_132 : memref<1x80xi32, #tpu.memory_space<vmem>> -> memref<80xi32, #tpu.memory_space<vmem>>
        %dma_wait3A_134 = arith.constant 0 : i32
        %dma_wait3A_135 = arith.constant 0 : i32
        %dma_wait3A_136 = tpu.memref_slice %arg10[%dma_wait3A_134, %dma_wait3A_135] : memref<10240x64xf32, #tpu.memory_space<vmem_shared>> -> memref<10240x64xf32, #tpu.memory_space<vmem_shared>>
        tpu.wait_indirect_dma semaphore(%run_scoped3A : memref<!tpu.dma_semaphore, #tpu.memory_space<semaphore_mem>>) src(%arg14 : memref<80x64xf32, #tpu.memory_space<vmem>>) dst(%dma_wait3A_136 : memref<10240x64xf32, #tpu.memory_space<vmem_shared>>)
        tpu.yield
      }) : () -> ()
      %add3A_102 = arith.constant 5 : i32
      %add3A_103 = arith.addi %add3A_94, %add3A_102 : i32
      %lt3A_104 = arith.constant 125 : i32
      %lt3A_105 = arith.cmpi slt, %add3A_103, %lt3A_104 : i32
      %convert_element_type3A_106 = arith.extui %lt3A_105 : i1 to i32
      %cond3A_107 = arith.constant 0 : i32
      %cond3A_108 = arith.cmpi ne, %convert_element_type3A_106, %cond3A_107 : i32
      scf.if %cond3A_108 {
        %dma_start3A_125 = arith.constant 0 : i32
        %dma_start3A_126 = tpu.memref_slice %arg7[%add3A_103, %dma_start3A_125] : memref<125x80xi32, #tpu.memory_space<vmem>> -> memref<1x80xi32, #tpu.memory_space<vmem>>
        %dma_start3A_127 = tpu.memref_squeeze %dma_start3A_126 : memref<1x80xi32, #tpu.memory_space<vmem>> -> memref<80xi32, #tpu.memory_space<vmem>>
        %dma_start3A_128 = arith.constant 0 : i32
        %dma_start3A_129 = arith.constant 0 : i32
        %dma_start3A_130 = tpu.memref_slice %arg2[%dma_start3A_128, %dma_start3A_129] : memref<10000x64xf32, #tpu.memory_space<hbm>> -> memref<10000x64xf32, #tpu.memory_space<hbm>>
        tpu.enqueue_indirect_dma source(%dma_start3A_130 : memref<10000x64xf32, #tpu.memory_space<hbm>>) target(%arg14 : memref<80x64xf32, #tpu.memory_space<vmem>>) offsets(%dma_start3A_127 : memref<80xi32, #tpu.memory_space<vmem>>) semaphore(%arg19 : memref<!tpu.dma_semaphore, #tpu.memory_space<semaphore_mem>>)
      } else {
      }
      %add3A_109 = arith.constant 4 : i32
      %add3A_110 = arith.addi %mul3A_48, %add3A_109 : i32
      %dma_wait3A_111 = arith.constant 0 : i32
      %dma_wait3A_112 = arith.constant 0 : i32
      %dma_wait3A_113 = tpu.memref_slice %arg7[%dma_wait3A_111, %dma_wait3A_112] : memref<125x80xi32, #tpu.memory_space<vmem>> -> memref<1x80xi32, #tpu.memory_space<vmem>>
      %dma_wait3A_114 = tpu.memref_squeeze %dma_wait3A_113 : memref<1x80xi32, #tpu.memory_space<vmem>> -> memref<80xi32, #tpu.memory_space<vmem>>
      %dma_wait3A_115 = arith.constant 0 : i32
      %dma_wait3A_116 = arith.constant 0 : i32
      %dma_wait3A_117 = tpu.memref_slice %arg2[%dma_wait3A_115, %dma_wait3A_116] : memref<10000x64xf32, #tpu.memory_space<hbm>> -> memref<10000x64xf32, #tpu.memory_space<hbm>>
      tpu.wait_indirect_dma semaphore(%arg20 : memref<!tpu.dma_semaphore, #tpu.memory_space<semaphore_mem>>) src(%dma_wait3A_117 : memref<10000x64xf32, #tpu.memory_space<hbm>>) dst(%arg15 : memref<80x64xf32, #tpu.memory_space<vmem>>)
      "tpu.region"() ({
        %run_scoped3A = tpu.sem_alloc : memref<!tpu.dma_semaphore, #tpu.memory_space<semaphore_mem>>
        %dma_start3A_125 = arith.constant 0 : i32
        %dma_start3A_126 = tpu.memref_slice %arg8[%add3A_110, %dma_start3A_125] : memref<125x80xi32, #tpu.memory_space<vmem>> -> memref<1x80xi32, #tpu.memory_space<vmem>>
        %dma_start3A_127 = tpu.memref_squeeze %dma_start3A_126 : memref<1x80xi32, #tpu.memory_space<vmem>> -> memref<80xi32, #tpu.memory_space<vmem>>
        %dma_start3A_128 = arith.constant 0 : i32
        %dma_start3A_129 = arith.constant 0 : i32
        %dma_start3A_130 = tpu.memref_slice %arg10[%dma_start3A_128, %dma_start3A_129] : memref<10240x64xf32, #tpu.memory_space<vmem_shared>> -> memref<10240x64xf32, #tpu.memory_space<vmem_shared>>
        tpu.enqueue_indirect_dma source(%arg15 : memref<80x64xf32, #tpu.memory_space<vmem>>) target(%dma_start3A_130 : memref<10240x64xf32, #tpu.memory_space<vmem_shared>>) offsets(%dma_start3A_127 : memref<80xi32, #tpu.memory_space<vmem>>) semaphore(%run_scoped3A : memref<!tpu.dma_semaphore, #tpu.memory_space<semaphore_mem>>) {add = true}
        %dma_wait3A_131 = arith.constant 0 : i32
        %dma_wait3A_132 = tpu.memref_slice %arg8[%add3A_110, %dma_wait3A_131] : memref<125x80xi32, #tpu.memory_space<vmem>> -> memref<1x80xi32, #tpu.memory_space<vmem>>
        %dma_wait3A_133 = tpu.memref_squeeze %dma_wait3A_132 : memref<1x80xi32, #tpu.memory_space<vmem>> -> memref<80xi32, #tpu.memory_space<vmem>>
        %dma_wait3A_134 = arith.constant 0 : i32
        %dma_wait3A_135 = arith.constant 0 : i32
        %dma_wait3A_136 = tpu.memref_slice %arg10[%dma_wait3A_134, %dma_wait3A_135] : memref<10240x64xf32, #tpu.memory_space<vmem_shared>> -> memref<10240x64xf32, #tpu.memory_space<vmem_shared>>
        tpu.wait_indirect_dma semaphore(%run_scoped3A : memref<!tpu.dma_semaphore, #tpu.memory_space<semaphore_mem>>) src(%arg15 : memref<80x64xf32, #tpu.memory_space<vmem>>) dst(%dma_wait3A_136 : memref<10240x64xf32, #tpu.memory_space<vmem_shared>>)
        tpu.yield
      }) : () -> ()
      %add3A_118 = arith.constant 5 : i32
      %add3A_119 = arith.addi %add3A_110, %add3A_118 : i32
      %lt3A_120 = arith.constant 125 : i32
      %lt3A_121 = arith.cmpi slt, %add3A_119, %lt3A_120 : i32
      %convert_element_type3A_122 = arith.extui %lt3A_121 : i1 to i32
      %cond3A_123 = arith.constant 0 : i32
      %cond3A_124 = arith.cmpi ne, %convert_element_type3A_122, %cond3A_123 : i32
      scf.if %cond3A_124 {
        %dma_start3A_125 = arith.constant 0 : i32
        %dma_start3A_126 = tpu.memref_slice %arg7[%add3A_119, %dma_start3A_125] : memref<125x80xi32, #tpu.memory_space<vmem>> -> memref<1x80xi32, #tpu.memory_space<vmem>>
        %dma_start3A_127 = tpu.memref_squeeze %dma_start3A_126 : memref<1x80xi32, #tpu.memory_space<vmem>> -> memref<80xi32, #tpu.memory_space<vmem>>
        %dma_start3A_128 = arith.constant 0 : i32
        %dma_start3A_129 = arith.constant 0 : i32
        %dma_start3A_130 = tpu.memref_slice %arg2[%dma_start3A_128, %dma_start3A_129] : memref<10000x64xf32, #tpu.memory_space<hbm>> -> memref<10000x64xf32, #tpu.memory_space<hbm>>
        tpu.enqueue_indirect_dma source(%dma_start3A_130 : memref<10000x64xf32, #tpu.memory_space<hbm>>) target(%arg15 : memref<80x64xf32, #tpu.memory_space<vmem>>) offsets(%dma_start3A_127 : memref<80xi32, #tpu.memory_space<vmem>>) semaphore(%arg20 : memref<!tpu.dma_semaphore, #tpu.memory_space<semaphore_mem>>)
      } else {
      }
    }
    %scan3A_41 = arith.constant 25 : i32
    %barrier3A_42 = arith.constant 0 : index
    tpu.barrier barrier_id(%barrier3A_42)
    "tpu.region"() ({
      %run_scoped3A = tpu.sem_alloc : memref<!tpu.dma_semaphore, #tpu.memory_space<semaphore_mem>>
      %dma_start3A_46 = arith.constant 0 : i32
      %dma_start3A_47 = tpu.memref_slice %arg10[%mul3A_0, %dma_start3A_46] : memref<10240x64xf32, #tpu.memory_space<vmem_shared>> -> memref<640x64xf32, #tpu.memory_space<vmem_shared>>
      %dma_start3A_48 = arith.constant 0 : i32
      %dma_start3A_49 = tpu.memref_slice %arg10[%mul3A_0, %dma_start3A_48] : memref<10240x64xf32, #tpu.memory_space<vmem_shared>> -> memref<640x64xf32, #tpu.memory_space<vmem_shared>>
      tpu.enqueue_dma source(%dma_start3A_49 : memref<640x64xf32, #tpu.memory_space<vmem_shared>>) target(%arg9 : memref<640x64xf32, #tpu.memory_space<vmem>>) target_semaphore(%run_scoped3A : memref<!tpu.dma_semaphore, #tpu.memory_space<semaphore_mem>>)
      %dma_wait3A = arith.constant 0 : i32
      %dma_wait3A_50 = tpu.memref_slice %arg10[%mul3A_0, %dma_wait3A] : memref<10240x64xf32, #tpu.memory_space<vmem_shared>> -> memref<640x64xf32, #tpu.memory_space<vmem_shared>>
      %dma_wait3A_51 = arith.constant 0 : i32
      %dma_wait3A_52 = tpu.memref_slice %arg10[%mul3A_0, %dma_wait3A_51] : memref<10240x64xf32, #tpu.memory_space<vmem_shared>> -> memref<640x64xf32, #tpu.memory_space<vmem_shared>>
      tpu.wait_dma2 semaphore(%run_scoped3A : memref<!tpu.dma_semaphore, #tpu.memory_space<semaphore_mem>>) src(%dma_wait3A_52 : memref<640x64xf32, #tpu.memory_space<vmem_shared>>) dst(%arg9 : memref<640x64xf32, #tpu.memory_space<vmem>>)
      tpu.yield
    }) : () -> ()
    %mul3A_43 = arith.constant 10240 : i32
    %mul3A_44 = arith.muli %arg0, %mul3A_43 : i32
    %add3A_45 = arith.addi %mul3A_44, %mul3A_0 : i32
    "tpu.region"() ({
      %run_scoped3A = tpu.sem_alloc : memref<!tpu.dma_semaphore, #tpu.memory_space<semaphore_mem>>
      %dma_start3A_46 = arith.constant 0 : i32
      %dma_start3A_47 = tpu.memref_slice %arg6[%add3A_45, %dma_start3A_46] : memref<20480x64xf32, #tpu.memory_space<hbm>> -> memref<640x64xf32, #tpu.memory_space<hbm>>
      %dma_start3A_48 = arith.constant 0 : i32
      %dma_start3A_49 = tpu.memref_slice %arg6[%add3A_45, %dma_start3A_48] : memref<20480x64xf32, #tpu.memory_space<hbm>> -> memref<640x64xf32, #tpu.memory_space<hbm>>
      tpu.enqueue_dma source(%arg9 : memref<640x64xf32, #tpu.memory_space<vmem>>) target(%dma_start3A_49 : memref<640x64xf32, #tpu.memory_space<hbm>>) target_semaphore(%run_scoped3A : memref<!tpu.dma_semaphore, #tpu.memory_space<semaphore_mem>>)
      %dma_wait3A = arith.constant 0 : i32
      %dma_wait3A_50 = tpu.memref_slice %arg6[%add3A_45, %dma_wait3A] : memref<20480x64xf32, #tpu.memory_space<hbm>> -> memref<640x64xf32, #tpu.memory_space<hbm>>
      %dma_wait3A_51 = arith.constant 0 : i32
      %dma_wait3A_52 = tpu.memref_slice %arg6[%add3A_45, %dma_wait3A_51] : memref<20480x64xf32, #tpu.memory_space<hbm>> -> memref<640x64xf32, #tpu.memory_space<hbm>>
      tpu.wait_dma2 semaphore(%run_scoped3A : memref<!tpu.dma_semaphore, #tpu.memory_space<semaphore_mem>>) src(%arg9 : memref<640x64xf32, #tpu.memory_space<vmem>>) dst(%dma_wait3A_52 : memref<640x64xf32, #tpu.memory_space<hbm>>)
      tpu.yield
    }) : () -> ()
    return
  }
}

module attributes {stable_mosaic.version = 14 : i64} {
  func.func @_mm0_body(%arg0: i32, %arg1: memref<1000x128xf32, #tpu.memory_space<vmem>>, %arg2: memref<128x64xf32, #tpu.memory_space<vmem>>, %arg3: memref<1000x1xf32, #tpu.memory_space<vmem>>, %arg4: memref<1000x1xf32, #tpu.memory_space<vmem>>, %arg5: memref<1000x64xf32, #tpu.memory_space<vmem>>, %arg6: memref<1000x1xf32, #tpu.memory_space<vmem>>) attributes {dimension_semantics = [#tpu.dimension_semantics<arbitrary>], iteration_bounds = array<i64: 10>, scalar_prefetch = 0 : i64, scratch_operands = 0 : i64, tpu.core_type = #tpu.core_type<tc>, window_params = [{transform_indices = @transform_0, window_bounds = array<i64: 1000, 128>}, {pipeline_mode = #tpu.pipeline_mode<synchronous>, transform_indices = @transform_1, window_bounds = array<i64: 128, 64>}, {transform_indices = @transform_2, window_bounds = array<i64: 1000, 1>}, {transform_indices = @transform_3, window_bounds = array<i64: 1000, 1>}, {transform_indices = @transform_4, window_bounds = array<i64: 1000, 64>}, {transform_indices = @transform_5, window_bounds = array<i64: 1000, 1>}]} {
    %get3A = arith.constant 0 : index
    %get3A_0 = arith.constant 0 : index
    %get3A_1 = vector.load %arg3[%get3A, %get3A_0] : memref<1000x1xf32, #tpu.memory_space<vmem>>, vector<1000x1xf32>
    %get3A_2 = arith.constant 0 : index
    %get3A_3 = arith.constant 0 : index
    %get3A_4 = vector.load %arg4[%get3A_2, %get3A_3] : memref<1000x1xf32, #tpu.memory_space<vmem>>, vector<1000x1xf32>
    %add3A = arith.addf %get3A_1, %get3A_4 : vector<1000x1xf32>
    %add3A_5 = arith.constant 1.000000e+00 : f32
    %add3A_6 = vector.broadcast %add3A_5 : f32 to vector<1000x1xf32>
    %add3A_7 = arith.addf %add3A, %add3A_6 : vector<1000x1xf32>
    %rsqrt3A = math.rsqrt %add3A_7 : vector<1000x1xf32>
    %swap3A = arith.constant 0 : index
    %swap3A_8 = arith.constant 0 : index
    %swap3A_9 = vector.load %arg6[%swap3A, %swap3A_8] : memref<1000x1xf32, #tpu.memory_space<vmem>>, vector<1000x1xf32>
    tpu.vector_store %arg6[%swap3A, %swap3A_8], %rsqrt3A {strides = array<i32>} : memref<1000x1xf32, #tpu.memory_space<vmem>>, vector<1000x1xf32>,
    %get3A_10 = arith.constant 0 : index
    %get3A_11 = arith.constant 0 : index
    %get3A_12 = vector.load %arg1[%get3A_10, %get3A_11] : memref<1000x128xf32, #tpu.memory_space<vmem>>, vector<1000x128xf32>
    %get3A_13 = arith.constant 0 : index
    %get3A_14 = arith.constant 0 : index
    %get3A_15 = vector.load %arg2[%get3A_13, %get3A_14] : memref<128x64xf32, #tpu.memory_space<vmem>>, vector<128x64xf32>
    %dot_general3A = arith.constant dense<0.000000e+00> : vector<1000x64xf32>
    %dot_general3A_16 = tpu.matmul %get3A_12, %get3A_15, %dot_general3A {dimension_numbers = #tpu.dot_dimension_numbers<[1], [0], [0], [1], [0, 0, 1, 1], [], []>, transpose_lhs_hint = false} : vector<1000x128xf32>, vector<128x64xf32>, vector<1000x64xf32> -> vector<1000x64xf32>
    %mul3A = vector.broadcast %rsqrt3A : vector<1000x1xf32> to vector<1000x64xf32>
    %mul3A_17 = arith.mulf %dot_general3A_16, %mul3A : vector<1000x64xf32>
    %swap3A_18 = arith.constant 0 : index
    %swap3A_19 = arith.constant 0 : index
    %swap3A_20 = vector.load %arg5[%swap3A_18, %swap3A_19] : memref<1000x64xf32, #tpu.memory_space<vmem>>, vector<1000x64xf32>
    tpu.vector_store %arg5[%swap3A_18, %swap3A_19], %mul3A_17 {strides = array<i32>} : memref<1000x64xf32, #tpu.memory_space<vmem>>, vector<1000x64xf32>,
    return
  }
  func.func @transform_0(%arg0: i32) -> (i32, i32) {
    %c0_i32 = arith.constant 0 : i32
    %c0_i32_0 = arith.constant 0 : i32
    return %arg0, %c0_i32 : i32, i32
  }
  func.func @transform_1(%arg0: i32) -> (i32, i32) {
    %c0_i32 = arith.constant 0 : i32
    %c0_i32_0 = arith.constant 0 : i32
    %c0_i32_1 = arith.constant 0 : i32
    return %c0_i32, %c0_i32_0 : i32, i32
  }
  func.func @transform_2(%arg0: i32) -> (i32, i32) {
    %c0_i32 = arith.constant 0 : i32
    %c0_i32_0 = arith.constant 0 : i32
    return %arg0, %c0_i32 : i32, i32
  }
  func.func @transform_3(%arg0: i32) -> (i32, i32) {
    %c0_i32 = arith.constant 0 : i32
    %c0_i32_0 = arith.constant 0 : i32
    return %arg0, %c0_i32 : i32, i32
  }
  func.func @transform_4(%arg0: i32) -> (i32, i32) {
    %c0_i32 = arith.constant 0 : i32
    %c0_i32_0 = arith.constant 0 : i32
    return %arg0, %c0_i32 : i32, i32
  }
  func.func @transform_5(%arg0: i32) -> (i32, i32) {
    %c0_i32 = arith.constant 0 : i32
    %c0_i32_0 = arith.constant 0 : i32
    return %arg0, %c0_i32 : i32, i32
  }
}

module attributes {stable_mosaic.version = 14 : i64} {
  func.func @body(%arg0: i32, %arg1: memref<1000x64xf32, #tpu.memory_space<vmem>>, %arg2: memref<1000x64xf32, #tpu.memory_space<vmem>>, %arg3: memref<1000x64xf32, #tpu.memory_space<vmem>>, %arg4: memref<1000x1xf32, #tpu.memory_space<vmem>>, %arg5: memref<1x64xf32, #tpu.memory_space<vmem>>, %arg6: memref<64x64xf32, #tpu.memory_space<vmem>>, %arg7: memref<1000x64xf32, #tpu.memory_space<vmem>>) attributes {dimension_semantics = [#tpu.dimension_semantics<arbitrary>], iteration_bounds = array<i64: 10>, scalar_prefetch = 0 : i64, scratch_operands = 0 : i64, tpu.core_type = #tpu.core_type<tc>, window_params = [{transform_indices = @transform_0, window_bounds = array<i64: 1000, 64>}, {transform_indices = @transform_1, window_bounds = array<i64: 1000, 64>}, {transform_indices = @transform_2, window_bounds = array<i64: 1000, 64>}, {transform_indices = @transform_3, window_bounds = array<i64: 1000, 1>}, {pipeline_mode = #tpu.pipeline_mode<synchronous>, transform_indices = @transform_4, window_bounds = array<i64: 1, 64>}, {pipeline_mode = #tpu.pipeline_mode<synchronous>, transform_indices = @transform_5, window_bounds = array<i64: 64, 64>}, {transform_indices = @transform_6, window_bounds = array<i64: 1000, 64>}]} {
    %get3A = arith.constant 0 : index
    %get3A_0 = arith.constant 0 : index
    %get3A_1 = vector.load %arg1[%get3A, %get3A_0] : memref<1000x64xf32, #tpu.memory_space<vmem>>, vector<1000x64xf32>
    %get3A_2 = arith.constant 0 : index
    %get3A_3 = arith.constant 0 : index
    %get3A_4 = vector.load %arg2[%get3A_2, %get3A_3] : memref<1000x64xf32, #tpu.memory_space<vmem>>, vector<1000x64xf32>
    %add3A = arith.addf %get3A_1, %get3A_4 : vector<1000x64xf32>
    %get3A_5 = arith.constant 0 : index
    %get3A_6 = arith.constant 0 : index
    %get3A_7 = vector.load %arg3[%get3A_5, %get3A_6] : memref<1000x64xf32, #tpu.memory_space<vmem>>, vector<1000x64xf32>
    %add3A_8 = arith.addf %add3A, %get3A_7 : vector<1000x64xf32>
    %get3A_9 = arith.constant 0 : index
    %get3A_10 = arith.constant 0 : index
    %get3A_11 = vector.load %arg4[%get3A_9, %get3A_10] : memref<1000x1xf32, #tpu.memory_space<vmem>>, vector<1000x1xf32>
    %mul3A = vector.broadcast %get3A_11 : vector<1000x1xf32> to vector<1000x64xf32>
    %mul3A_12 = arith.mulf %add3A_8, %mul3A : vector<1000x64xf32>
    %get3A_13 = arith.constant 0 : index
    %get3A_14 = arith.constant 0 : index
    %get3A_15 = vector.load %arg5[%get3A_13, %get3A_14] : memref<1x64xf32, #tpu.memory_space<vmem>>, vector<1x64xf32>
    %add3A_16 = vector.broadcast %get3A_15 : vector<1x64xf32> to vector<1000x64xf32>
    %add3A_17 = arith.addf %mul3A_12, %add3A_16 : vector<1000x64xf32>
    %max3A = arith.constant 0.000000e+00 : f32
    %max3A_18 = vector.broadcast %max3A : f32 to vector<1000x64xf32>
    %max3A_19 = arith.maximumf %add3A_17, %max3A_18 : vector<1000x64xf32>
    %get3A_20 = arith.constant 0 : index
    %get3A_21 = arith.constant 0 : index
    %get3A_22 = vector.load %arg6[%get3A_20, %get3A_21] : memref<64x64xf32, #tpu.memory_space<vmem>>, vector<64x64xf32>
    %dot_general3A = arith.constant dense<0.000000e+00> : vector<1000x64xf32>
    %dot_general3A_23 = tpu.matmul %max3A_19, %get3A_22, %dot_general3A {dimension_numbers = #tpu.dot_dimension_numbers<[1], [0], [0], [1], [0, 0, 1, 1], [], []>, transpose_lhs_hint = false} : vector<1000x64xf32>, vector<64x64xf32>, vector<1000x64xf32> -> vector<1000x64xf32>
    %get3A_24 = arith.constant 0 : index
    %get3A_25 = arith.constant 0 : index
    %get3A_26 = vector.load %arg4[%get3A_24, %get3A_25] : memref<1000x1xf32, #tpu.memory_space<vmem>>, vector<1000x1xf32>
    %mul3A_27 = vector.broadcast %get3A_26 : vector<1000x1xf32> to vector<1000x64xf32>
    %mul3A_28 = arith.mulf %dot_general3A_23, %mul3A_27 : vector<1000x64xf32>
    %swap3A = arith.constant 0 : index
    %swap3A_29 = arith.constant 0 : index
    %swap3A_30 = vector.load %arg7[%swap3A, %swap3A_29] : memref<1000x64xf32, #tpu.memory_space<vmem>>, vector<1000x64xf32>
    tpu.vector_store %arg7[%swap3A, %swap3A_29], %mul3A_28 {strides = array<i32>} : memref<1000x64xf32, #tpu.memory_space<vmem>>, vector<1000x64xf32>,
    return
  }
  func.func @transform_0(%arg0: i32) -> (i32, i32) {
    %c0_i32 = arith.constant 0 : i32
    %c0_i32_0 = arith.constant 0 : i32
    return %arg0, %c0_i32 : i32, i32
  }
  func.func @transform_1(%arg0: i32) -> (i32, i32) {
    %c0_i32 = arith.constant 0 : i32
    %c0_i32_0 = arith.constant 0 : i32
    return %arg0, %c0_i32 : i32, i32
  }
  func.func @transform_2(%arg0: i32) -> (i32, i32) {
    %c0_i32 = arith.constant 0 : i32
    %c0_i32_0 = arith.constant 0 : i32
    return %arg0, %c0_i32 : i32, i32
  }
  func.func @transform_3(%arg0: i32) -> (i32, i32) {
    %c0_i32 = arith.constant 0 : i32
    %c0_i32_0 = arith.constant 0 : i32
    return %arg0, %c0_i32 : i32, i32
  }
  func.func @transform_4(%arg0: i32) -> (i32, i32) {
    %c0_i32 = arith.constant 0 : i32
    %c0_i32_0 = arith.constant 0 : i32
    %c0_i32_1 = arith.constant 0 : i32
    return %c0_i32, %c0_i32_0 : i32, i32
  }
  func.func @transform_5(%arg0: i32) -> (i32, i32) {
    %c0_i32 = arith.constant 0 : i32
    %c0_i32_0 = arith.constant 0 : i32
    %c0_i32_1 = arith.constant 0 : i32
    return %c0_i32, %c0_i32_0 : i32, i32
  }
  func.func @transform_6(%arg0: i32) -> (i32, i32) {
    %c0_i32 = arith.constant 0 : i32
    %c0_i32_0 = arith.constant 0 : i32
    return %arg0, %c0_i32 : i32, i32
  }
}

module attributes {stable_mosaic.version = 14 : i64} {
  func.func @_mid_body(%arg0: i32, %arg1: memref<1000x64xf32, #tpu.memory_space<vmem>>, %arg2: memref<1000x64xf32, #tpu.memory_space<vmem>>, %arg3: memref<1000x64xf32, #tpu.memory_space<vmem>>, %arg4: memref<1000x1xf32, #tpu.memory_space<vmem>>, %arg5: memref<1x64xf32, #tpu.memory_space<vmem>>, %arg6: memref<1000x64xf32, #tpu.memory_space<vmem>>) attributes {dimension_semantics = [#tpu.dimension_semantics<arbitrary>], iteration_bounds = array<i64: 10>, scalar_prefetch = 0 : i64, scratch_operands = 0 : i64, tpu.core_type = #tpu.core_type<tc>, window_params = [{transform_indices = @transform_0, window_bounds = array<i64: 1000, 64>}, {transform_indices = @transform_1, window_bounds = array<i64: 1000, 64>}, {transform_indices = @transform_2, window_bounds = array<i64: 1000, 64>}, {transform_indices = @transform_3, window_bounds = array<i64: 1000, 1>}, {pipeline_mode = #tpu.pipeline_mode<synchronous>, transform_indices = @transform_4, window_bounds = array<i64: 1, 64>}, {transform_indices = @transform_5, window_bounds = array<i64: 1000, 64>}]} {
    %get3A = arith.constant 0 : index
    %get3A_0 = arith.constant 0 : index
    %get3A_1 = vector.load %arg1[%get3A, %get3A_0] : memref<1000x64xf32, #tpu.memory_space<vmem>>, vector<1000x64xf32>
    %get3A_2 = arith.constant 0 : index
    %get3A_3 = arith.constant 0 : index
    %get3A_4 = vector.load %arg2[%get3A_2, %get3A_3] : memref<1000x64xf32, #tpu.memory_space<vmem>>, vector<1000x64xf32>
    %add3A = arith.addf %get3A_1, %get3A_4 : vector<1000x64xf32>
    %get3A_5 = arith.constant 0 : index
    %get3A_6 = arith.constant 0 : index
    %get3A_7 = vector.load %arg3[%get3A_5, %get3A_6] : memref<1000x64xf32, #tpu.memory_space<vmem>>, vector<1000x64xf32>
    %add3A_8 = arith.addf %add3A, %get3A_7 : vector<1000x64xf32>
    %get3A_9 = arith.constant 0 : index
    %get3A_10 = arith.constant 0 : index
    %get3A_11 = vector.load %arg4[%get3A_9, %get3A_10] : memref<1000x1xf32, #tpu.memory_space<vmem>>, vector<1000x1xf32>
    %mul3A = vector.broadcast %get3A_11 : vector<1000x1xf32> to vector<1000x64xf32>
    %mul3A_12 = arith.mulf %add3A_8, %mul3A : vector<1000x64xf32>
    %get3A_13 = arith.constant 0 : index
    %get3A_14 = arith.constant 0 : index
    %get3A_15 = vector.load %arg5[%get3A_13, %get3A_14] : memref<1x64xf32, #tpu.memory_space<vmem>>, vector<1x64xf32>
    %add3A_16 = vector.broadcast %get3A_15 : vector<1x64xf32> to vector<1000x64xf32>
    %add3A_17 = arith.addf %mul3A_12, %add3A_16 : vector<1000x64xf32>
    %get3A_18 = arith.constant 0 : index
    %get3A_19 = arith.constant 0 : index
    %get3A_20 = vector.load %arg4[%get3A_18, %get3A_19] : memref<1000x1xf32, #tpu.memory_space<vmem>>, vector<1000x1xf32>
    %mul3A_21 = vector.broadcast %get3A_20 : vector<1000x1xf32> to vector<1000x64xf32>
    %mul3A_22 = arith.mulf %add3A_17, %mul3A_21 : vector<1000x64xf32>
    %swap3A = arith.constant 0 : index
    %swap3A_23 = arith.constant 0 : index
    %swap3A_24 = vector.load %arg6[%swap3A, %swap3A_23] : memref<1000x64xf32, #tpu.memory_space<vmem>>, vector<1000x64xf32>
    tpu.vector_store %arg6[%swap3A, %swap3A_23], %mul3A_22 {strides = array<i32>} : memref<1000x64xf32, #tpu.memory_space<vmem>>, vector<1000x64xf32>,
    return
  }
  func.func @transform_0(%arg0: i32) -> (i32, i32) {
    %c0_i32 = arith.constant 0 : i32
    %c0_i32_0 = arith.constant 0 : i32
    return %arg0, %c0_i32 : i32, i32
  }
  func.func @transform_1(%arg0: i32) -> (i32, i32) {
    %c0_i32 = arith.constant 0 : i32
    %c0_i32_0 = arith.constant 0 : i32
    return %arg0, %c0_i32 : i32, i32
  }
  func.func @transform_2(%arg0: i32) -> (i32, i32) {
    %c0_i32 = arith.constant 0 : i32
    %c0_i32_0 = arith.constant 0 : i32
    return %arg0, %c0_i32 : i32, i32
  }
  func.func @transform_3(%arg0: i32) -> (i32, i32) {
    %c0_i32 = arith.constant 0 : i32
    %c0_i32_0 = arith.constant 0 : i32
    return %arg0, %c0_i32 : i32, i32
  }
  func.func @transform_4(%arg0: i32) -> (i32, i32) {
    %c0_i32 = arith.constant 0 : i32
    %c0_i32_0 = arith.constant 0 : i32
    %c0_i32_1 = arith.constant 0 : i32
    return %c0_i32, %c0_i32_0 : i32, i32
  }
  func.func @transform_5(%arg0: i32) -> (i32, i32) {
    %c0_i32 = arith.constant 0 : i32
    %c0_i32_0 = arith.constant 0 : i32
    return %arg0, %c0_i32 : i32, i32
  }
}

module attributes {stable_mosaic.version = 14 : i64} {
  func.func @_dec_body(%arg0: i32, %arg1: memref<1000x64xf32, #tpu.memory_space<vmem>>, %arg2: memref<1000x64xf32, #tpu.memory_space<vmem>>, %arg3: memref<1000x64xf32, #tpu.memory_space<vmem>>, %arg4: memref<1000x1xf32, #tpu.memory_space<vmem>>, %arg5: memref<1x64xf32, #tpu.memory_space<vmem>>, %arg6: memref<1x64xf32, #tpu.memory_space<vmem>>, %arg7: memref<64x128xf32, #tpu.memory_space<vmem>>, %arg8: memref<1000x64xf32, #tpu.memory_space<vmem>>, %arg9: memref<1000x64xbf16, #tpu.memory_space<vmem>>) attributes {dimension_semantics = [#tpu.dimension_semantics<arbitrary>], iteration_bounds = array<i64: 10>, scalar_prefetch = 0 : i64, scratch_operands = 0 : i64, tpu.core_type = #tpu.core_type<tc>, window_params = [{transform_indices = @transform_0, window_bounds = array<i64: 1000, 64>}, {transform_indices = @transform_1, window_bounds = array<i64: 1000, 64>}, {transform_indices = @transform_2, window_bounds = array<i64: 1000, 64>}, {transform_indices = @transform_3, window_bounds = array<i64: 1000, 1>}, {pipeline_mode = #tpu.pipeline_mode<synchronous>, transform_indices = @transform_4, window_bounds = array<i64: 1, 64>}, {pipeline_mode = #tpu.pipeline_mode<synchronous>, transform_indices = @transform_5, window_bounds = array<i64: 1, 64>}, {pipeline_mode = #tpu.pipeline_mode<synchronous>, transform_indices = @transform_6, window_bounds = array<i64: 64, 128>}, {transform_indices = @transform_7, window_bounds = array<i64: 1000, 64>}, {transform_indices = @transform_8, window_bounds = array<i64: 1000, 64>}]} {
    %get3A = arith.constant 0 : index
    %get3A_0 = arith.constant 0 : index
    %get3A_1 = vector.load %arg1[%get3A, %get3A_0] : memref<1000x64xf32, #tpu.memory_space<vmem>>, vector<1000x64xf32>
    %get3A_2 = arith.constant 0 : index
    %get3A_3 = arith.constant 0 : index
    %get3A_4 = vector.load %arg2[%get3A_2, %get3A_3] : memref<1000x64xf32, #tpu.memory_space<vmem>>, vector<1000x64xf32>
    %add3A = arith.addf %get3A_1, %get3A_4 : vector<1000x64xf32>
    %get3A_5 = arith.constant 0 : index
    %get3A_6 = arith.constant 0 : index
    %get3A_7 = vector.load %arg3[%get3A_5, %get3A_6] : memref<1000x64xf32, #tpu.memory_space<vmem>>, vector<1000x64xf32>
    %add3A_8 = arith.addf %add3A, %get3A_7 : vector<1000x64xf32>
    %get3A_9 = arith.constant 0 : index
    %get3A_10 = arith.constant 0 : index
    %get3A_11 = vector.load %arg7[%get3A_9, %get3A_10] : memref<64x128xf32, #tpu.memory_space<vmem>>, vector<64x128xf32>
    %dot_general3A = arith.constant dense<0.000000e+00> : vector<1000x128xf32>
    %dot_general3A_12 = tpu.matmul %add3A_8, %get3A_11, %dot_general3A {dimension_numbers = #tpu.dot_dimension_numbers<[1], [0], [0], [1], [0, 0, 1, 1], [], []>, transpose_lhs_hint = false} : vector<1000x64xf32>, vector<64x128xf32>, vector<1000x128xf32> -> vector<1000x128xf32>
    %slice3A = vector.extract_strided_slice %dot_general3A_12 {offsets = [0, 0], sizes = [1000, 64], strides = [1, 1]} : vector<1000x128xf32> to vector<1000x64xf32>
    %get3A_13 = arith.constant 0 : index
    %get3A_14 = arith.constant 0 : index
    %get3A_15 = vector.load %arg4[%get3A_13, %get3A_14] : memref<1000x1xf32, #tpu.memory_space<vmem>>, vector<1000x1xf32>
    %mul3A = vector.broadcast %get3A_15 : vector<1000x1xf32> to vector<1000x64xf32>
    %mul3A_16 = arith.mulf %slice3A, %mul3A : vector<1000x64xf32>
    %get3A_17 = arith.constant 0 : index
    %get3A_18 = arith.constant 0 : index
    %get3A_19 = vector.load %arg5[%get3A_17, %get3A_18] : memref<1x64xf32, #tpu.memory_space<vmem>>, vector<1x64xf32>
    %add3A_20 = vector.broadcast %get3A_19 : vector<1x64xf32> to vector<1000x64xf32>
    %add3A_21 = arith.addf %mul3A_16, %add3A_20 : vector<1000x64xf32>
    %max3A = arith.constant 0.000000e+00 : f32
    %max3A_22 = vector.broadcast %max3A : f32 to vector<1000x64xf32>
    %max3A_23 = arith.maximumf %add3A_21, %max3A_22 : vector<1000x64xf32>
    %get3A_24 = arith.constant 0 : index
    %get3A_25 = arith.constant 0 : index
    %get3A_26 = vector.load %arg4[%get3A_24, %get3A_25] : memref<1000x1xf32, #tpu.memory_space<vmem>>, vector<1000x1xf32>
    %mul3A_27 = vector.broadcast %get3A_26 : vector<1000x1xf32> to vector<1000x64xf32>
    %mul3A_28 = arith.mulf %max3A_23, %mul3A_27 : vector<1000x64xf32>
    %swap3A = arith.constant 0 : index
    %swap3A_29 = arith.constant 0 : index
    %swap3A_30 = vector.load %arg8[%swap3A, %swap3A_29] : memref<1000x64xf32, #tpu.memory_space<vmem>>, vector<1000x64xf32>
    tpu.vector_store %arg8[%swap3A, %swap3A_29], %mul3A_28 {strides = array<i32>} : memref<1000x64xf32, #tpu.memory_space<vmem>>, vector<1000x64xf32>,
    %slice3A_31 = vector.extract_strided_slice %dot_general3A_12 {offsets = [0, 64], sizes = [1000, 64], strides = [1, 1]} : vector<1000x128xf32> to vector<1000x64xf32>
    %get3A_32 = arith.constant 0 : index
    %get3A_33 = arith.constant 0 : index
    %get3A_34 = vector.load %arg4[%get3A_32, %get3A_33] : memref<1000x1xf32, #tpu.memory_space<vmem>>, vector<1000x1xf32>
    %mul3A_35 = vector.broadcast %get3A_34 : vector<1000x1xf32> to vector<1000x64xf32>
    %mul3A_36 = arith.mulf %slice3A_31, %mul3A_35 : vector<1000x64xf32>
    %get3A_37 = arith.constant 0 : index
    %get3A_38 = arith.constant 0 : index
    %get3A_39 = vector.load %arg6[%get3A_37, %get3A_38] : memref<1x64xf32, #tpu.memory_space<vmem>>, vector<1x64xf32>
    %add3A_40 = vector.broadcast %get3A_39 : vector<1x64xf32> to vector<1000x64xf32>
    %add3A_41 = arith.addf %mul3A_36, %add3A_40 : vector<1000x64xf32>
    %convert_element_type3A = arith.truncf %add3A_41 : vector<1000x64xf32> to vector<1000x64xbf16>
    %swap3A_42 = arith.constant 0 : index
    %swap3A_43 = arith.constant 0 : index
    %swap3A_44 = vector.load %arg9[%swap3A_42, %swap3A_43] : memref<1000x64xbf16, #tpu.memory_space<vmem>>, vector<1000x64xbf16>
    tpu.vector_store %arg9[%swap3A_42, %swap3A_43], %convert_element_type3A {strides = array<i32>} : memref<1000x64xbf16, #tpu.memory_space<vmem>>, vector<1000x64xbf16>,
    return
  }
  func.func @transform_0(%arg0: i32) -> (i32, i32) {
    %c0_i32 = arith.constant 0 : i32
    %c0_i32_0 = arith.constant 0 : i32
    return %arg0, %c0_i32 : i32, i32
  }
  func.func @transform_1(%arg0: i32) -> (i32, i32) {
    %c0_i32 = arith.constant 0 : i32
    %c0_i32_0 = arith.constant 0 : i32
    return %arg0, %c0_i32 : i32, i32
  }
  func.func @transform_2(%arg0: i32) -> (i32, i32) {
    %c0_i32 = arith.constant 0 : i32
    %c0_i32_0 = arith.constant 0 : i32
    return %arg0, %c0_i32 : i32, i32
  }
  func.func @transform_3(%arg0: i32) -> (i32, i32) {
    %c0_i32 = arith.constant 0 : i32
    %c0_i32_0 = arith.constant 0 : i32
    return %arg0, %c0_i32 : i32, i32
  }
  func.func @transform_4(%arg0: i32) -> (i32, i32) {
    %c0_i32 = arith.constant 0 : i32
    %c0_i32_0 = arith.constant 0 : i32
    %c0_i32_1 = arith.constant 0 : i32
    return %c0_i32, %c0_i32_0 : i32, i32
  }
  func.func @transform_5(%arg0: i32) -> (i32, i32) {
    %c0_i32 = arith.constant 0 : i32
    %c0_i32_0 = arith.constant 0 : i32
    %c0_i32_1 = arith.constant 0 : i32
    return %c0_i32, %c0_i32_0 : i32, i32
  }
  func.func @transform_6(%arg0: i32) -> (i32, i32) {
    %c0_i32 = arith.constant 0 : i32
    %c0_i32_0 = arith.constant 0 : i32
    %c0_i32_1 = arith.constant 0 : i32
    return %c0_i32, %c0_i32_0 : i32, i32
  }
  func.func @transform_7(%arg0: i32) -> (i32, i32) {
    %c0_i32 = arith.constant 0 : i32
    %c0_i32_0 = arith.constant 0 : i32
    return %arg0, %c0_i32 : i32, i32
  }
  func.func @transform_8(%arg0: i32) -> (i32, i32) {
    %c0_i32 = arith.constant 0 : i32
    %c0_i32_0 = arith.constant 0 : i32
    return %arg0, %c0_i32 : i32, i32
  }
}

module attributes {stable_mosaic.version = 14 : i64} {
  func.func @_gram_body(%arg0: i32, %arg1: i32, %arg2: memref<1024x64xbf16, #tpu.memory_space<vmem>>, %arg3: memref<512x64xbf16, #tpu.memory_space<vmem>>, %arg4: memref<1024x512xf32, #tpu.memory_space<vmem>>) attributes {dimension_semantics = [#tpu.dimension_semantics<arbitrary>, #tpu.dimension_semantics<arbitrary>], iteration_bounds = array<i64: 10, 20>, scalar_prefetch = 0 : i64, scratch_operands = 0 : i64, tpu.core_type = #tpu.core_type<tc>, window_params = [{transform_indices = @transform_0, window_bounds = array<i64: 1024, 64>}, {transform_indices = @transform_1, window_bounds = array<i64: 512, 64>}, {transform_indices = @transform_2, window_bounds = array<i64: 1024, 512>}]} {
    %get3A = arith.constant 0 : index
    %get3A_0 = arith.constant 0 : index
    %get3A_1 = vector.load %arg2[%get3A, %get3A_0] : memref<1024x64xbf16, #tpu.memory_space<vmem>>, vector<1024x64xbf16>
    %get3A_2 = arith.constant 0 : index
    %get3A_3 = arith.constant 0 : index
    %get3A_4 = vector.load %arg3[%get3A_2, %get3A_3] : memref<512x64xbf16, #tpu.memory_space<vmem>>, vector<512x64xbf16>
    %dot_general3A = arith.constant dense<0.000000e+00> : vector<1024x512xf32>
    %dot_general3A_5 = tpu.matmul %get3A_1, %get3A_4, %dot_general3A {dimension_numbers = #tpu.dot_dimension_numbers<[1], [1], [0], [0], [0, 0, 1, 0], [], []>, transpose_lhs_hint = false} : vector<1024x64xbf16>, vector<512x64xbf16>, vector<1024x512xf32> -> vector<1024x512xf32>
    %swap3A = arith.constant 0 : index
    %swap3A_6 = arith.constant 0 : index
    %swap3A_7 = vector.load %arg4[%swap3A, %swap3A_6] : memref<1024x512xf32, #tpu.memory_space<vmem>>, vector<1024x512xf32>
    tpu.vector_store %arg4[%swap3A, %swap3A_6], %dot_general3A_5 {strides = array<i32>} : memref<1024x512xf32, #tpu.memory_space<vmem>>, vector<1024x512xf32>,
    return
  }
  func.func @transform_0(%arg0: i32, %arg1: i32) -> (i32, i32) {
    %c0_i32 = arith.constant 0 : i32
    %c0_i32_0 = arith.constant 0 : i32
    return %arg0, %c0_i32 : i32, i32
  }
  func.func @transform_1(%arg0: i32, %arg1: i32) -> (i32, i32) {
    %c0_i32 = arith.constant 0 : i32
    %c0_i32_0 = arith.constant 0 : i32
    return %arg1, %c0_i32 : i32, i32
  }
  func.func @transform_2(%arg0: i32, %arg1: i32) -> (i32, i32) {
    %c0_i32 = arith.constant 0 : i32
    return %arg0, %arg1 : i32, i32
  }
}

module attributes {stable_mosaic.version = 14 : i64} {
  func.func @_fin_body(%arg0: i32, %arg1: memref<1000x64xf32, #tpu.memory_space<vmem>>, %arg2: memref<1000x64xf32, #tpu.memory_space<vmem>>, %arg3: memref<1000x64xf32, #tpu.memory_space<vmem>>, %arg4: memref<1000x1xf32, #tpu.memory_space<vmem>>, %arg5: memref<1x128xf32, #tpu.memory_space<vmem>>, %arg6: memref<64x128xf32, #tpu.memory_space<vmem>>, %arg7: memref<1000x128xf32, #tpu.memory_space<vmem>>) attributes {dimension_semantics = [#tpu.dimension_semantics<arbitrary>], iteration_bounds = array<i64: 10>, scalar_prefetch = 0 : i64, scratch_operands = 0 : i64, tpu.core_type = #tpu.core_type<tc>, window_params = [{transform_indices = @transform_0, window_bounds = array<i64: 1000, 64>}, {transform_indices = @transform_1, window_bounds = array<i64: 1000, 64>}, {transform_indices = @transform_2, window_bounds = array<i64: 1000, 64>}, {transform_indices = @transform_3, window_bounds = array<i64: 1000, 1>}, {pipeline_mode = #tpu.pipeline_mode<synchronous>, transform_indices = @transform_4, window_bounds = array<i64: 1, 128>}, {pipeline_mode = #tpu.pipeline_mode<synchronous>, transform_indices = @transform_5, window_bounds = array<i64: 64, 128>}, {transform_indices = @transform_6, window_bounds = array<i64: 1000, 128>}]} {
    %get3A = arith.constant 0 : index
    %get3A_0 = arith.constant 0 : index
    %get3A_1 = vector.load %arg1[%get3A, %get3A_0] : memref<1000x64xf32, #tpu.memory_space<vmem>>, vector<1000x64xf32>
    %get3A_2 = arith.constant 0 : index
    %get3A_3 = arith.constant 0 : index
    %get3A_4 = vector.load %arg2[%get3A_2, %get3A_3] : memref<1000x64xf32, #tpu.memory_space<vmem>>, vector<1000x64xf32>
    %add3A = arith.addf %get3A_1, %get3A_4 : vector<1000x64xf32>
    %get3A_5 = arith.constant 0 : index
    %get3A_6 = arith.constant 0 : index
    %get3A_7 = vector.load %arg3[%get3A_5, %get3A_6] : memref<1000x64xf32, #tpu.memory_space<vmem>>, vector<1000x64xf32>
    %add3A_8 = arith.addf %add3A, %get3A_7 : vector<1000x64xf32>
    %get3A_9 = arith.constant 0 : index
    %get3A_10 = arith.constant 0 : index
    %get3A_11 = vector.load %arg6[%get3A_9, %get3A_10] : memref<64x128xf32, #tpu.memory_space<vmem>>, vector<64x128xf32>
    %dot_general3A = arith.constant dense<0.000000e+00> : vector<1000x128xf32>
    %dot_general3A_12 = tpu.matmul %add3A_8, %get3A_11, %dot_general3A {dimension_numbers = #tpu.dot_dimension_numbers<[1], [0], [0], [1], [0, 0, 1, 1], [], []>, transpose_lhs_hint = false} : vector<1000x64xf32>, vector<64x128xf32>, vector<1000x128xf32> -> vector<1000x128xf32>
    %get3A_13 = arith.constant 0 : index
    %get3A_14 = arith.constant 0 : index
    %get3A_15 = vector.load %arg4[%get3A_13, %get3A_14] : memref<1000x1xf32, #tpu.memory_space<vmem>>, vector<1000x1xf32>
    %mul3A = vector.broadcast %get3A_15 : vector<1000x1xf32> to vector<1000x128xf32>
    %mul3A_16 = arith.mulf %dot_general3A_12, %mul3A : vector<1000x128xf32>
    %get3A_17 = arith.constant 0 : index
    %get3A_18 = arith.constant 0 : index
    %get3A_19 = vector.load %arg5[%get3A_17, %get3A_18] : memref<1x128xf32, #tpu.memory_space<vmem>>, vector<1x128xf32>
    %add3A_20 = vector.broadcast %get3A_19 : vector<1x128xf32> to vector<1000x128xf32>
    %add3A_21 = arith.addf %mul3A_16, %add3A_20 : vector<1000x128xf32>
    %swap3A = arith.constant 0 : index
    %swap3A_22 = arith.constant 0 : index
    %swap3A_23 = vector.load %arg7[%swap3A, %swap3A_22] : memref<1000x128xf32, #tpu.memory_space<vmem>>, vector<1000x128xf32>
    tpu.vector_store %arg7[%swap3A, %swap3A_22], %add3A_21 {strides = array<i32>} : memref<1000x128xf32, #tpu.memory_space<vmem>>, vector<1000x128xf32>,
    return
  }
  func.func @transform_0(%arg0: i32) -> (i32, i32) {
    %c0_i32 = arith.constant 0 : i32
    %c0_i32_0 = arith.constant 0 : i32
    return %arg0, %c0_i32 : i32, i32
  }
  func.func @transform_1(%arg0: i32) -> (i32, i32) {
    %c0_i32 = arith.constant 0 : i32
    %c0_i32_0 = arith.constant 0 : i32
    return %arg0, %c0_i32 : i32, i32
  }
  func.func @transform_2(%arg0: i32) -> (i32, i32) {
    %c0_i32 = arith.constant 0 : i32
    %c0_i32_0 = arith.constant 0 : i32
    return %arg0, %c0_i32 : i32, i32
  }
  func.func @transform_3(%arg0: i32) -> (i32, i32) {
    %c0_i32 = arith.constant 0 : i32
    %c0_i32_0 = arith.constant 0 : i32
    return %arg0, %c0_i32 : i32, i32
  }
  func.func @transform_4(%arg0: i32) -> (i32, i32) {
    %c0_i32 = arith.constant 0 : i32
    %c0_i32_0 = arith.constant 0 : i32
    %c0_i32_1 = arith.constant 0 : i32
    return %c0_i32, %c0_i32_0 : i32, i32
  }
  func.func @transform_5(%arg0: i32) -> (i32, i32) {
    %c0_i32 = arith.constant 0 : i32
    %c0_i32_0 = arith.constant 0 : i32
    %c0_i32_1 = arith.constant 0 : i32
    return %c0_i32, %c0_i32_0 : i32, i32
  }
  func.func @transform_6(%arg0: i32) -> (i32, i32) {
    %c0_i32 = arith.constant 0 : i32
    %c0_i32_0 = arith.constant 0 : i32
    return %arg0, %c0_i32 : i32, i32
  }
}

</mosaic_0001>

<sc_bundles>
// kernel: kernel.13.cloned.1.call-start
scs
__scs_entry_jumppad:
0x0: {  	(pc) =	sbr.rel $0x88, $3  }
0x1: {  	(tag) =	ssettag $0x0;
	lr =	simm.s32 $0x1  }
0x2: {  	[smem:$0x3F95] =	sst lr;
	_ =	strace $0xD0000000  }
0x3: {  	_ = 	snop  }
0x4: {  	_ = 	snop  }
0x5: {  	_ = 	snop  }
0x6: {  	_ = 	snop  }
0x7: {  	_ = 	snop  }
__scs_overlays_trampoline_lowered:
0x8: {  	[smem:$0x3FA4] =	sst s0  }
0x9: {  	[smem:$0x3FA5] =	sst s1  }
0xa: {  	[smem:$0x3FA6] =	sst s2  }
0xb: {  	[smem:$0x3FA7] =	sst s3  }
0xc: {  	[smem:$0x3FA8] =	sst s4  }
0xd: {  	[smem:$0x3FA9] =	sst s5  }
0xe: {  	[smem:$0x3FAA] =	sst s6  }
0xf: {  	[smem:$0x3FAB] =	sst s7  }
0x10: {  	[smem:$0x3FAC] =	sst s8  }
0x11: {  	[smem:$0x3FAD] =	sst s9;
	s0 =	simm.s32 @!p0 $0x0  }
0x12: {  	s1 =	sld [smem:$0x3F93];
	s0 =	simm.s32 @p0 $0x1  }
0x13: {  	[smem:$0x3FAE] =	sst s0;
	s0 =	simm.s32 @!p1 $0x0  }
0x14: {  	s2 =	sld [smem:$0x3F92];
	s0 =	simm.s32 @p1 $0x1  }
0x15: {  	[smem:$0x3FAF] =	sst s0;
	s0 =	simm.s32 @!p2 $0x0  }
0x16: {  	s3 =	sld [smem:$0x3FDB];
	s0 =	simm.s32 @p2 $0x1  }
0x17: {  	s4 =	simm.s32 $0x1BF5;
	[smem:$0x3FB1] =	sst s0  }
0x18: {  	s0 =	sld [smem:$0x3F94];
	_ =	swait.ge [sflag:s4], $0x0  }
0x19: {  	s7 =	sld [smem:$0x3F95]  }
0x1a: {  	s8 =	sadd.s32 $0xFFFFE003, lr  }
0x1b: {  	s9 =	sadd.s32 $0xFFFFFEF7, lr;
	s5 =	simm.s32 $0xFFFFFFFF;
	p2 =	slt.u32 s8, $0xFFFFF086  }
0x1c: {  	p1 =	slt.u32 s9, $0xF7A;
	s5 =	simm.s32 @!p2 $0x0  }
0x1d: {  	s5 =	simm.s32 @p1 $0x1;
	p0 =	seq.s32 s7, s2  }
0x1e: {  	s7 =	smul.u32 @!p0 $0xF7A, s2;
	p2 =	seq.s32 @!p0 s5, $0x0  }
0x1f: {  	s9 =	smul.u32 $0xF7A, s1;
	s8 =	simm.s32 @!p0 $0x1BF5;
	p2 =	por !p2, p0  }
0x20: {  	[sflag:s8] =	ssyncset.s32 @!p0 $0xFFFFF086;
	s6 =	sadd.s32 @!p0 s3, s7;
	s7 =	simm.s32 @!p0 $0x108  }
0x21: {  	s3 =	sadd.s32 s3, s9;
	s6 =	sadd.s32 @!p0 $0x88, s6;
	s7 =	simm.s32 @p2 $0x1082  }
0x22: {  	[simem:s7], [sflag:s8] =	dma.local @!p0 [hbm:s6], $0xF7A  }
0x23: {  	s9 =	sor.u32 $0xD0000000, s2;
	s6 =	simm.s32 $0x108;
	_ =	swait.ge @!p0 [sflag:s8], $0x0  }
0x24: {  	s3 =	sadd.s32 $0x88, s3;
	s6 =	simm.s32 @!p1 $0x1082;
	[sflag:s4] =	ssyncset.s32 $0xFFFFF086  }
0x25: {  	[simem:s6], [sflag:s4] =	dma.local [hbm:s3], $0xF7A  }
0x26: {  	[smem:$0x3F95] =	sst s1;
	(tag) =	ssettag s2;
	_ =	strace s9  }
0x27: {  	s1 =	sld [smem:$0x3FA5]  }
0x28: {  	s2 =	sld [smem:$0x3FA6]  }
0x29: {  	s4 =	sld [smem:$0x3FA8]  }
0x2a: {  	p0 =	seq.s32 s5, $0x0;
	s5 =	sld [smem:$0x3FA9]  }
0x2b: {  	s6 =	sld [smem:$0x3FAA]  }
0x2c: {  	s7 =	sld [smem:$0x3FAB]  }
0x2d: {  	s3 =	simm.s32 $0x108;
	s8 =	sld [smem:$0x3FAC]  }
0x2e: {  	s3 =	simm.s32 @!p0 $0x1082;
	s9 =	sld [smem:$0x3FAD]  }
0x2f: {  	lr =	sadd.s32 s0, s3;
	s0 =	sld [smem:$0x3FA4]  }
0x30: {  	s3 =	sld [smem:$0x3FA7]  }
0x31: {  	[smem:$0x3FB0] =	sst s10  }
0x32: {  	s10 =	sld [smem:$0x3FAE];
	_ =	sdelay $0x3  }
0x33: {  	p0 =	seq.s32 s10, $0x1;
	s10 =	sld [smem:$0x3FB0];
	_ =	sdelay $0x3  }
0x34: {  	[smem:$0x3FB0] =	sst s10  }
0x35: {  	s10 =	sld [smem:$0x3FAF];
	_ =	sdelay $0x3  }
0x36: {  	p1 =	seq.s32 s10, $0x1;
	s10 =	sld [smem:$0x3FB0];
	_ =	sdelay $0x3  }
0x37: {  	[smem:$0x3FB0] =	sst s10  }
0x38: {  	s10 =	sld [smem:$0x3FB1]  }
0x39: {  	_ = 	snop;
	(pc) =	sbr.ind lr, $3  }
0x3a: {  	_ = 	snop  }
0x3b: {  	_ = 	snop  }
0x3c: {  	p2 =	seq.s32 s10, $0x1;
	s10 =	sld [smem:$0x3FB0]  }
0x3d: {  	_ =	shalt  }
0x3e: {  	_ =	shalt  }
0x3f: {  	_ =	shalt  }
0x40: {  	_ =	shalt  }
0x41: {  	_ =	shalt  }
0x42: {  	_ =	shalt  }
0x43: {  	_ =	shalt  }
0x44: {  	_ =	shalt  }
0x45: {  	_ =	shalt  }
0x46: {  	_ =	shalt  }
0x47: {  	_ =	shalt  }
0x48: {  	_ =	shalt  }
0x49: {  	_ =	shalt  }
0x4a: {  	_ =	shalt  }
0x4b: {  	_ =	shalt  }
0x4c: {  	_ =	shalt  }
0x4d: {  	_ =	shalt  }
0x4e: {  	_ =	shalt  }
0x4f: {  	_ =	shalt  }
0x50: {  	_ =	shalt  }
0x51: {  	_ =	shalt  }
0x52: {  	_ =	shalt  }
0x53: {  	_ =	shalt  }
0x54: {  	_ =	shalt  }
0x55: {  	_ =	shalt  }
0x56: {  	_ =	shalt  }
0x57: {  	_ =	shalt  }
0x58: {  	_ =	shalt  }
0x59: {  	_ =	shalt  }
0x5a: {  	_ =	shalt  }
0x5b: {  	_ =	shalt  }
0x5c: {  	_ =	shalt  }
0x5d: {  	_ =	shalt  }
0x5e: {  	_ =	shalt  }
0x5f: {  	_ =	shalt  }
0x60: {  	_ =	shalt  }
0x61: {  	_ =	shalt  }
0x62: {  	_ =	shalt  }
0x63: {  	_ =	shalt  }
0x64: {  	_ =	shalt  }
0x65: {  	_ =	shalt  }
0x66: {  	_ =	shalt  }
0x67: {  	_ =	shalt  }
0x68: {  	_ =	shalt  }
0x69: {  	_ =	shalt  }
0x6a: {  	_ =	shalt  }
0x6b: {  	_ =	shalt  }
0x6c: {  	_ =	shalt  }
0x6d: {  	_ =	shalt  }
0x6e: {  	_ =	shalt  }
0x6f: {  	_ =	shalt  }
0x70: {  	_ =	shalt  }
0x71: {  	_ =	shalt  }
0x72: {  	_ =	shalt  }
0x73: {  	_ =	shalt  }
0x74: {  	_ =	shalt  }
0x75: {  	_ =	shalt  }
0x76: {  	_ =	shalt  }
0x77: {  	_ =	shalt  }
0x78: {  	_ =	shalt  }
0x79: {  	_ =	shalt  }
0x7a: {  	_ =	shalt  }
0x7b: {  	_ =	shalt  }
0x7c: {  	_ =	shalt  }
0x7d: {  	_ =	shalt  }
0x7e: {  	_ =	shalt  }
0x7f: {  	_ =	shalt  }
0x80: {  	_ =	shalt  }
0x81: {  	_ =	shalt  }
0x82: {  	_ =	shalt  }
0x83: {  	_ =	shalt  }
0x84: {  	_ =	shalt  }
0x85: {  	_ =	shalt  }
0x86: {  	_ =	shalt  }
0x87: {  	_ =	shalt  }
.Lfunc_end0:
.L_simem_size_0:
called_computation_lowered:
.L_overlay_start_0:
0x88: {  	s2 =	sld [smem:$0x3FD9]  }
0x89: {  	s3 =	sld [smem:$0x3FFE];
	_ =	sdelay $0x1  }
0x8a: {  	s1 =	srdreg.scid  }
0x8b: {  	s0 =	sand.u32 $0x1, s1  }
0x8c: {  	s14 =	sshll.u32 s0, $0xA;
	s2 =	sadd.s32 s3, s2  }
0x8d: {  	s2 =	sadd.s32 s2, s14  }
0x8e: {  	[smem:$0x3FBC] =	sst s2  }
0x8f: {  	_ = 	snop  }
0x90: {  	s2 =	sld [smem:$0x3FD0];
	_ =	sdelay $0x2  }
0x91: {  	s15 =	simm.s32 $0xA;
	s4 =	simm.s32 $0x10  }
0x92: {  	[smem:s4], [sflag:s15] =	dma.local [hbm:s2], $0x1  }
0x93: {  	_ =	swait.eq [sflag:s15], $0x1  }
0x94: {  	[sflag:s15] =	ssyncset.done $0x0  }
0x95: {  	s16 =	sld [smem:$0x10];
	[sflag:s15] =	ssyncadd.s32 $0xFFFFFFFF  }
0x96: {  	s17 =	sld [smem:$0x11];
	(tm) =	ssettm $0x1  }
0x97: {  	s18 =	sld [smem:$0x3FFB];
	_ =	sdelay $0x3  }
0x98: {  	_ =	strace s18  }
0x99: {  	s4 =	sld [smem:$0x3FFC];
	_ =	sdelay $0x3  }
0x9a: {  	_ =	strace s4  }
0x9b: {  	s4 =	sld [smem:$0x3FFD];
	_ =	sdelay $0x3  }
0x9c: {  	_ =	strace s4  }
0x9d: {  	_ =	strace $0x8FFFFFFF  }
0x9e: {  	s19 =	sld [smem:$0x3FDB];
	_ =	sdelay $0x1  }
0x9f: {  	s5 =	simm.s32 $_scs_section_size  }
0xa0: {  	s6 =	simm.s32 $_size__tile_overlayer_lowered;
	s7 =	simm.s32 $_tile_overlayer_lowered  }
0xa1: {  	s22 =	simm.s32 $0x1BFF;
	s21 =	sshll.u32 s7, $0x1;
	s4 =	sadd.s32 s5, s19  }
0xa2: {  	s8 =	simm.s32 $0x0;
	s20 =	sshll.u32 s6, $0x1;
	s6 =	sadd.s32 s21, s4  }
0xa3: {  	[timem:s8], [sflag:s22] =	dma.local [hbm:s6], s20  }
0xa4: {  	_ =	swait.ge [sflag:s22], s20  }
0xa5: {  	s5 =	ssub.s32 $0x0, s20;
	[sflag:s22] =	ssyncset.done $0x0  }
0xa6: {  	[sflag:s22] =	ssyncadd.s32 s5;
	_ =	sdelay $0x1  }
0xa7: {  	s23 =	simm.s32 $0x1B8B  }
0xa8: {  	_ =	swait.ge [sflag:s23], $0x1  }
0xa9: {  	[sflag:s23] =	ssyncset.done $0x0  }
0xaa: {  	s25 =	simm.s32 $0x1B8E;
	s24 =	sld [smem:$0x3FFE];
	[sflag:s23] =	ssyncadd.s32 $0xFFFFFFFF  }
0xab: {  	s26 =	simm.s32 $execute0_lowered;
	[smem:$0x3FD2] =	sst s25  }
0xac: {  	s6 =	sshll.u32 s26, $0x1;
	_ =	strace $0x80000046;
	[dreg:$0x1] =	wrdreg $0xFFFFFFFF  }
0xad: {  	s28 =	simm.s32 $_size_execute0_lowered;
	s4 =	sadd.s32 s4, s6;
	[dreg:$0x0] =	wrdreg $0x0  }
0xae: {  	s6 =	sshll.u32 s28, $0x1;
	[dreg:$0x2] =	wrdreg s4  }
0xaf: {  	[dreg:$0x3] =	wrdreg s6  }
0xb0: {  	[dreg:$0x4] =	wrdreg $0xC0  }
0xb1: {  	_ =	task [dreg:s8], $0x5FFFF  }
0xb2: {  	[dreg:$0x1] =	wrdreg $0xFFFFFFFF  }
0xb3: {  	[dreg:$0x0] =	wrdreg $0x60  }
0xb4: {  	[dreg:$0x2] =	wrdreg s24  }
0xb5: {  	[dreg:$0x3] =	wrdreg s17  }
0xb6: {  	[dreg:$0x4] =	wrdreg s16  }
0xb7: {  	[dreg:$0x5] =	wrdreg $0x3D900  }
0xb8: {  	[dreg:$0x6] =	wrdreg $0x9  }
0xb9: {  	_ =	task.clear_ibuf [dreg:s8], $0x7FFFF;
	_ =	strace $0x90000046  }
0xba: {  	s29 =	simm.s32 $0x9;
	_ =	strace $0x80000048  }
0xbb: {  	_ =	swait.ge [sflag:s29], $0x1  }
0xbc: {  	[sflag:s29] =	ssyncadd.s32 $0xFFFFFFFF  }
0xbd: {  	_ =	strace $0x90000048  }
0xbe: {  	_ =	sfence  }
0xbf: {  	s30 =	sld [smem:$0x0];
	_ =	sdelay $0x2  }
0xc0: {  	s31 =	sshll.u32 s1, $0xD;
	s1 =	sshrl.u32 s1, $0x2  }
0xc1: {  	s3 =	sand.u32 $0x4000, s31;
	s1 =	sadd.s32 s1, s30  }
0xc2: {  	s0 =	sor.u32 s3, s0;
	s1 =	sshll.u32 s1, $0x11  }
0xc3: {  	s0 =	sor.u32 s1, s0  }
0xc4: {  	s0 =	sadd.s32 $0x8F2B, s0  }
0xc5: {  	[sflag:s0] =	ssyncadd.remote.s32 $0x1  }
0xc6: {  	_ =	sfence.sel $0xFFFF  }
0xc7: {  	[dreg:$0x0] =	wrdreg $0xFFFFFFFF;
	(pc) =	sbr.abs _section_cstart, $3  }
0xc8: {  	[dreg:$0x1] =	wrdreg $0xFFFFFFFF  }
0xc9: {  	_ =	task.clear_ibuf [dreg:s8], $0x2FFFF;
	_ =	strace $0x9FFFFFFF  }
0xca: {  	(tm) =	ssettm $0x7FFFFFFF  }
0xcb: {  	_ =	shalt  }
tec
execute0_lowered:
.L_overlay_start_1:
0x0: {  	(tag) =	ssettag $0x1  }
0x1: {  	s4 =	rddreg [dreg:$0x0]  }
0x2: {  	s5 =	rddreg [dreg:$0x1]  }
0x3: {  	s7 =	rddreg [dreg:$0x2]  }
0x4: {  	s0 =	srdreg.scid;
	s2 =	rddreg [dreg:$0x3]  }
0x5: {  	s1 =	stileid.u32;
	s3 =	simm.s32 $0x0;
	s14 =	simm.s32 $0x1  }
0x6: {  	s6 =	sand.u32 $0x1, s0;
	s0 =	rddreg [dreg:$0x4];
	s10 =	smul.u32 $0x1400, s1  }
0x7: {  	s15 =	simm.s32 $0x0;
	[smem:$0x7FF] =	sst s3;
	s12 =	smul.u32 $0x280, s1  }
0x8: {  	s8 =	sshll.u32 s6, $0x4;
	_ =	strace $0x80000047;
	s9 =	ssub.s32 $0x2, s6  }
0x9: {  	s13 =	smul.u32 $0x2800, s6;
	s8 =	sor.u32 s1, s8;
	s11 =	sshrl.u32 s9, $0x1  }
0xa: {  	s30 =	sshrl.u32 s10, $0x3;
	s6 =	sadd.s32 s10, s2;
	s31 =	sadd.s32 s7, s12  }
0xb: {  	s10 =	simm.s32 $0x2990;
	s12 =	simm.s32 $0x2710;
	s8 =	smul.u32 $0x4E2, s8  }
0xc: {  	s9 =	ssub.s32 s9, s11;
	s5 =	sadd.s32 s5, s30;
	s11 =	simm.s32 $0x2  }
0xd: {  	s9 =	smax.u32 s9, $0x1;
	s8 =	sadd.s32 s8, s4;
	s4 =	sadd.s32 $0x17E00, s4  }
0xe: {  	s7 =	sadd.s32 $0xE000, s8;
	s8 =	sadd.s32 s13, s31;
	s13 =	simm.s32 $0x50  }
.LBB2_1:
0xf: {  	[tilespmem:s10], [sflag:$0x2] =	stream.linear.gather [hbm4b:s5+s3], $0x1400, $0x38;
	[tilespmem:$0x5190] =	vst v63  }
0x10: {  	_ =	swait.ge [sflag:s11], $0x1400  }
0x11: {  	[sflag:s11] =	ssyncset.done $0x0  }
0x12: {  	[sflag:s11] =	ssyncadd.s32 $0xFFFFEC00  }
0x13: {  	[spmem:s6] =	stream.linear.scatter [tilespmem:s10], [sflag:$0x2], $0x1400, $0x38;
	[tilespmem:$0x5190] =	vst v63  }
0x14: {  	_ =	swait.ge [sflag:s11], $0x1400  }
0x15: {  	[sflag:s11] =	ssyncset.done $0x0  }
0x16: {  	[sflag:s11] =	ssyncadd.s32 $0xFFFFEC00  }
0x17: {  	[tilespmem:s12], [sflag:$0x2] =	stream.linear.gather [hbm4b:s4+s3], $0x280, $0x38;
	[tilespmem:$0x5190] =	vst v63  }
0x18: {  	_ =	swait.ge [sflag:s11], $0x280  }
0x19: {  	[sflag:s11] =	ssyncset.done $0x0  }
0x1a: {  	[sflag:s11] =	ssyncadd.s32 $0xFFFFFD80  }
0x1b: {  	[tilespmem:s3], [sflag:$0x2] =	stream.linear.gather [hbm4b:s7+s3], $0x2710, $0x38;
	[tilespmem:$0x5190] =	vst v63  }
0x1c: {  	_ =	swait.ge [sflag:s11], $0x2710  }
0x1d: {  	[sflag:s11] =	ssyncset.done $0x0  }
0x1e: {  	[sflag:s11] =	ssyncadd.s32 $0xFFFFD8F0  }
0x1f: {  	s16 =	simm.s32 $0x0;
	[bflag:$0x0] =	sbarrier.arrive $0xFFFF  }
.LBB2_2:
0x20: {  	p0 =	sne.s32 s16, $0x9B00  }
.Ltmp0:
0x21: {  	_ = 	snop;
	(pc) =	sbr.rel @p0 .LBB2_2-.Ltmp0, $3  }
0x22: {  	_ =	sdelay $0x1  }
0x23: {  	s17 =	sshra.s32 s16, $0x2;
	s16 =	sadd.s32 $0x140, s16  }
0x24: {  	[spmem:s2] =	stream.indirect.scatter.add.f32 [tilespmem:s12], [sflag:$0x1], $0x8, s17, s13, $0xb8;
	[tilespmem:$0x5190] =	vst v63  }
0x25: {  	_ =	swait.ge [sflag:s14], $0x280  }
0x26: {  	s16 =	simm.s32 $0x7C;
	[sflag:s14] =	ssyncset.done $0x0  }
.LBB2_4:
0x27: {  	p0 =	sne.s32 s16, $0x1;
	s16 =	sadd.s32 $0xFFFFFFFF, s16;
	[sflag:s14] =	ssyncadd.s32 $0xFFFFFD80  }
.Ltmp1:
0x28: {  	(pc) =	sbr.rel @p0 .LBB2_4-.Ltmp1, $3  }
0x29: {  	_ =	sdelay $0x1  }
0x2a: {  	_ =	swait.ge [sflag:s14], $0x280  }
0x2b: {  	[sflag:s14] =	ssyncset.done $0x0  }
0x2c: {  	[sflag:s14] =	ssyncadd.s32 $0xFFFFFD80  }
0x2d: {  	[bflag:$0x0] =	sbarrier.arrive $0xFFFF  }
0x2e: {  	[tilespmem:s10], [sflag:$0x2] =	stream.linear.gather [spmem:s6], $0x1400, $0x38;
	[tilespmem:$0x5190] =	vst v63  }
0x2f: {  	s15 =	sadd.s32 $0x1, s15;
	_ =	swait.ge [sflag:s11], $0x1400  }
0x30: {  	p0 =	sne.s32 s15, s9;
	[sflag:s11] =	ssyncset.done $0x0  }
.Ltmp2:
0x31: {  	[sflag:s11] =	ssyncadd.s32 $0xFFFFEC00;
	(pc) =	sbr.rel @p0 .LBB2_1-.Ltmp2, $4  }
0x32: {  	[hbm4b:s8+s3] =	stream.linear.scatter [tilespmem:s10], [sflag:$0x2], $0x1400, $0x38;
	[tilespmem:$0x5190] =	vst v63  }
0x33: {  	_ =	swait.ge [sflag:s11], $0x1400  }
0x34: {  	[sflag:s11] =	ssyncset.done $0x0  }
0x35: {  	[sflag:s11] =	ssyncadd.s32 $0xFFFFEC00  }
0x36: {  	_ =	sfence.sel $0x180000  }
0x37: {  	[bflag:$0x0] =	sbarrier.arrive $0xFFFF  }
0x38: {  	p0 =	sne.s32 s1, $0x0;
	_ =	strace $0x90000047  }
0x39: {  	s0 =	sadd.s32 @!p0 $0x100000, s0;
	[bflag:$0x2] =	sbarrier.arrive $0xFFFF  }
0x3a: {  	[sflag:s0] =	ssyncadd.tile.s32 @!p0 $0x1;
	_ =	shalt  }
.Lfunc_end2:
_tile_overlayer_lowered:
.L_overlay_start_2:
0x3b: {  	(tag) =	ssettag $0x2  }
0x3c: {  	s0 =	rddreg [dreg:$0x0];
	s2 =	stileid.u32  }
0x3d: {  	s1 =	rddreg [dreg:$0x1];
	p0 =	sne.s32 s2, $0x0  }
0x3e: {  	s3 =	rddreg [dreg:$0x2];
	[bflag:$0x3] =	sbarrier.arrive $0xFFFF;
	s2 =	simm.s32 @!p0 $0x1C02  }
0x3f: {  	[timem:s3], [sflag:s2] =	dma.local @!p0 [hbm:s0], s1  }
0x40: {  	s0 =	simm.s32 @!p0 $0x2  }
0x41: {  	_ =	swait.ge @!p0 [sflag:s0], s1  }
0x42: {  	s1 =	ssub.s32 @!p0 $0x0, s1;
	[sflag:s0] =	ssyncset.done @!p0 $0x0  }
0x43: {  	[sflag:s0] =	ssyncadd.s32 @!p0 s1  }
0x44: {  	[bflag:$0x3] =	sbarrier.arrive $0xFFFF  }
0x45: {  	_ =	shalt  }

// kernel: kernel.16.cloned.1.call-start
scs
__scs_entry_jumppad:
0x0: {  	(pc) =	sbr.rel $0x88, $3  }
0x1: {  	(tag) =	ssettag $0x0;
	lr =	simm.s32 $0x1  }
0x2: {  	[smem:$0x3F95] =	sst lr;
	_ =	strace $0xD0000000  }
0x3: {  	_ = 	snop  }
0x4: {  	_ = 	snop  }
0x5: {  	_ = 	snop  }
0x6: {  	_ = 	snop  }
0x7: {  	_ = 	snop  }
__scs_overlays_trampoline_lowered:
0x8: {  	[smem:$0x3FA4] =	sst s0  }
0x9: {  	[smem:$0x3FA5] =	sst s1  }
0xa: {  	[smem:$0x3FA6] =	sst s2  }
0xb: {  	[smem:$0x3FA7] =	sst s3  }
0xc: {  	[smem:$0x3FA8] =	sst s4  }
0xd: {  	[smem:$0x3FA9] =	sst s5  }
0xe: {  	[smem:$0x3FAA] =	sst s6  }
0xf: {  	[smem:$0x3FAB] =	sst s7  }
0x10: {  	[smem:$0x3FAC] =	sst s8  }
0x11: {  	[smem:$0x3FAD] =	sst s9;
	s0 =	simm.s32 @!p0 $0x0  }
0x12: {  	s1 =	sld [smem:$0x3F93];
	s0 =	simm.s32 @p0 $0x1  }
0x13: {  	[smem:$0x3FAE] =	sst s0;
	s0 =	simm.s32 @!p1 $0x0  }
0x14: {  	s2 =	sld [smem:$0x3F92];
	s0 =	simm.s32 @p1 $0x1  }
0x15: {  	[smem:$0x3FAF] =	sst s0;
	s0 =	simm.s32 @!p2 $0x0  }
0x16: {  	s3 =	sld [smem:$0x3FDB];
	s0 =	simm.s32 @p2 $0x1  }
0x17: {  	s4 =	simm.s32 $0x1BF5;
	[smem:$0x3FB1] =	sst s0  }
0x18: {  	s0 =	sld [smem:$0x3F94];
	_ =	swait.ge [sflag:s4], $0x0  }
0x19: {  	s7 =	sld [smem:$0x3F95]  }
0x1a: {  	s8 =	sadd.s32 $0xFFFFE003, lr  }
0x1b: {  	s9 =	sadd.s32 $0xFFFFFEF7, lr;
	s5 =	simm.s32 $0xFFFFFFFF;
	p2 =	slt.u32 s8, $0xFFFFF086  }
0x1c: {  	p1 =	slt.u32 s9, $0xF7A;
	s5 =	simm.s32 @!p2 $0x0  }
0x1d: {  	s5 =	simm.s32 @p1 $0x1;
	p0 =	seq.s32 s7, s2  }
0x1e: {  	s7 =	smul.u32 @!p0 $0xF7A, s2;
	p2 =	seq.s32 @!p0 s5, $0x0  }
0x1f: {  	s9 =	smul.u32 $0xF7A, s1;
	s8 =	simm.s32 @!p0 $0x1BF5;
	p2 =	por !p2, p0  }
0x20: {  	[sflag:s8] =	ssyncset.s32 @!p0 $0xFFFFF086;
	s6 =	sadd.s32 @!p0 s3, s7;
	s7 =	simm.s32 @!p0 $0x108  }
0x21: {  	s3 =	sadd.s32 s3, s9;
	s6 =	sadd.s32 @!p0 $0x88, s6;
	s7 =	simm.s32 @p2 $0x1082  }
0x22: {  	[simem:s7], [sflag:s8] =	dma.local @!p0 [hbm:s6], $0xF7A  }
0x23: {  	s9 =	sor.u32 $0xD0000000, s2;
	s6 =	simm.s32 $0x108;
	_ =	swait.ge @!p0 [sflag:s8], $0x0  }
0x24: {  	s3 =	sadd.s32 $0x88, s3;
	s6 =	simm.s32 @!p1 $0x1082;
	[sflag:s4] =	ssyncset.s32 $0xFFFFF086  }
0x25: {  	[simem:s6], [sflag:s4] =	dma.local [hbm:s3], $0xF7A  }
0x26: {  	[smem:$0x3F95] =	sst s1;
	(tag) =	ssettag s2;
	_ =	strace s9  }
0x27: {  	s1 =	sld [smem:$0x3FA5]  }
0x28: {  	s2 =	sld [smem:$0x3FA6]  }
0x29: {  	s4 =	sld [smem:$0x3FA8]  }
0x2a: {  	p0 =	seq.s32 s5, $0x0;
	s5 =	sld [smem:$0x3FA9]  }
0x2b: {  	s6 =	sld [smem:$0x3FAA]  }
0x2c: {  	s7 =	sld [smem:$0x3FAB]  }
0x2d: {  	s3 =	simm.s32 $0x108;
	s8 =	sld [smem:$0x3FAC]  }
0x2e: {  	s3 =	simm.s32 @!p0 $0x1082;
	s9 =	sld [smem:$0x3FAD]  }
0x2f: {  	lr =	sadd.s32 s0, s3;
	s0 =	sld [smem:$0x3FA4]  }
0x30: {  	s3 =	sld [smem:$0x3FA7]  }
0x31: {  	[smem:$0x3FB0] =	sst s10  }
0x32: {  	s10 =	sld [smem:$0x3FAE];
	_ =	sdelay $0x3  }
0x33: {  	p0 =	seq.s32 s10, $0x1;
	s10 =	sld [smem:$0x3FB0];
	_ =	sdelay $0x3  }
0x34: {  	[smem:$0x3FB0] =	sst s10  }
0x35: {  	s10 =	sld [smem:$0x3FAF];
	_ =	sdelay $0x3  }
0x36: {  	p1 =	seq.s32 s10, $0x1;
	s10 =	sld [smem:$0x3FB0];
	_ =	sdelay $0x3  }
0x37: {  	[smem:$0x3FB0] =	sst s10  }
0x38: {  	s10 =	sld [smem:$0x3FB1]  }
0x39: {  	_ = 	snop;
	(pc) =	sbr.ind lr, $3  }
0x3a: {  	_ = 	snop  }
0x3b: {  	_ = 	snop  }
0x3c: {  	p2 =	seq.s32 s10, $0x1;
	s10 =	sld [smem:$0x3FB0]  }
0x3d: {  	_ =	shalt  }
0x3e: {  	_ =	shalt  }
0x3f: {  	_ =	shalt  }
0x40: {  	_ =	shalt  }
0x41: {  	_ =	shalt  }
0x42: {  	_ =	shalt  }
0x43: {  	_ =	shalt  }
0x44: {  	_ =	shalt  }
0x45: {  	_ =	shalt  }
0x46: {  	_ =	shalt  }
0x47: {  	_ =	shalt  }
0x48: {  	_ =	shalt  }
0x49: {  	_ =	shalt  }
0x4a: {  	_ =	shalt  }
0x4b: {  	_ =	shalt  }
0x4c: {  	_ =	shalt  }
0x4d: {  	_ =	shalt  }
0x4e: {  	_ =	shalt  }
0x4f: {  	_ =	shalt  }
0x50: {  	_ =	shalt  }
0x51: {  	_ =	shalt  }
0x52: {  	_ =	shalt  }
0x53: {  	_ =	shalt  }
0x54: {  	_ =	shalt  }
0x55: {  	_ =	shalt  }
0x56: {  	_ =	shalt  }
0x57: {  	_ =	shalt  }
0x58: {  	_ =	shalt  }
0x59: {  	_ =	shalt  }
0x5a: {  	_ =	shalt  }
0x5b: {  	_ =	shalt  }
0x5c: {  	_ =	shalt  }
0x5d: {  	_ =	shalt  }
0x5e: {  	_ =	shalt  }
0x5f: {  	_ =	shalt  }
0x60: {  	_ =	shalt  }
0x61: {  	_ =	shalt  }
0x62: {  	_ =	shalt  }
0x63: {  	_ =	shalt  }
0x64: {  	_ =	shalt  }
0x65: {  	_ =	shalt  }
0x66: {  	_ =	shalt  }
0x67: {  	_ =	shalt  }
0x68: {  	_ =	shalt  }
0x69: {  	_ =	shalt  }
0x6a: {  	_ =	shalt  }
0x6b: {  	_ =	shalt  }
0x6c: {  	_ =	shalt  }
0x6d: {  	_ =	shalt  }
0x6e: {  	_ =	shalt  }
0x6f: {  	_ =	shalt  }
0x70: {  	_ =	shalt  }
0x71: {  	_ =	shalt  }
0x72: {  	_ =	shalt  }
0x73: {  	_ =	shalt  }
0x74: {  	_ =	shalt  }
0x75: {  	_ =	shalt  }
0x76: {  	_ =	shalt  }
0x77: {  	_ =	shalt  }
0x78: {  	_ =	shalt  }
0x79: {  	_ =	shalt  }
0x7a: {  	_ =	shalt  }
0x7b: {  	_ =	shalt  }
0x7c: {  	_ =	shalt  }
0x7d: {  	_ =	shalt  }
0x7e: {  	_ =	shalt  }
0x7f: {  	_ =	shalt  }
0x80: {  	_ =	shalt  }
0x81: {  	_ =	shalt  }
0x82: {  	_ =	shalt  }
0x83: {  	_ =	shalt  }
0x84: {  	_ =	shalt  }
0x85: {  	_ =	shalt  }
0x86: {  	_ =	shalt  }
0x87: {  	_ =	shalt  }
.Lfunc_end0:
.L_simem_size_0:
called_computation.1_lowered:
.L_overlay_start_0:
0x88: {  	s2 =	sld [smem:$0x3FD9]  }
0x89: {  	s3 =	sld [smem:$0x3FFE];
	_ =	sdelay $0x1  }
0x8a: {  	s1 =	srdreg.scid  }
0x8b: {  	s0 =	sand.u32 $0x1, s1  }
0x8c: {  	s14 =	sshll.u32 s0, $0xA;
	s2 =	sadd.s32 s3, s2  }
0x8d: {  	s2 =	sadd.s32 s2, s14  }
0x8e: {  	[smem:$0x3FBC] =	sst s2  }
0x8f: {  	_ = 	snop  }
0x90: {  	s2 =	sld [smem:$0x3FD0];
	_ =	sdelay $0x2  }
0x91: {  	s15 =	simm.s32 $0xA;
	s4 =	simm.s32 $0x10  }
0x92: {  	[smem:s4], [sflag:s15] =	dma.local [hbm:s2], $0x1  }
0x93: {  	_ =	swait.eq [sflag:s15], $0x1  }
0x94: {  	[sflag:s15] =	ssyncset.done $0x0  }
0x95: {  	[sflag:s15] =	ssyncadd.s32 $0xFFFFFFFF  }
0x96: {  	s16 =	sld [smem:$0x11];
	(tm) =	ssettm $0x1  }
0x97: {  	s17 =	sld [smem:$0x3FFB];
	_ =	sdelay $0x3  }
0x98: {  	_ =	strace s17  }
0x99: {  	s3 =	sld [smem:$0x3FFC];
	_ =	sdelay $0x3  }
0x9a: {  	_ =	strace s3  }
0x9b: {  	s3 =	sld [smem:$0x3FFD];
	_ =	sdelay $0x3  }
0x9c: {  	_ =	strace s3  }
0x9d: {  	_ =	strace $0x8FFFFFFF  }
0x9e: {  	s18 =	sld [smem:$0x3FDB];
	_ =	sdelay $0x1  }
0x9f: {  	s19 =	simm.s32 $_scs_section_size  }
0xa0: {  	s5 =	simm.s32 $_size__tile_overlayer_lowered;
	s6 =	simm.s32 $_tile_overlayer_lowered  }
0xa1: {  	s22 =	simm.s32 $0x1BFF;
	s21 =	sshll.u32 s6, $0x1;
	s3 =	sadd.s32 s19, s18  }
0xa2: {  	s7 =	simm.s32 $0x0;
	s20 =	sshll.u32 s5, $0x1;
	s5 =	sadd.s32 s21, s3  }
0xa3: {  	[timem:s7], [sflag:s22] =	dma.local [hbm:s5], s20  }
0xa4: {  	_ =	swait.ge [sflag:s22], s20  }
0xa5: {  	s4 =	ssub.s32 $0x0, s20;
	[sflag:s22] =	ssyncset.done $0x0  }
0xa6: {  	[sflag:s22] =	ssyncadd.s32 s4;
	_ =	sdelay $0x1  }
0xa7: {  	s23 =	simm.s32 $0x1B8B  }
0xa8: {  	_ =	swait.ge [sflag:s23], $0x1  }
0xa9: {  	[sflag:s23] =	ssyncset.done $0x0  }
0xaa: {  	s25 =	simm.s32 $0x1B8E;
	s24 =	sld [smem:$0x3FFE];
	[sflag:s23] =	ssyncadd.s32 $0xFFFFFFFF  }
0xab: {  	s26 =	simm.s32 $execute0_lowered;
	[smem:$0x3FD2] =	sst s25  }
0xac: {  	s5 =	sshll.u32 s26, $0x1;
	_ =	strace $0x80000049;
	[dreg:$0x1] =	wrdreg $0xFFFFFFFF  }
0xad: {  	s28 =	simm.s32 $_size_execute0_lowered;
	s3 =	sadd.s32 s3, s5;
	[dreg:$0x0] =	wrdreg $0x0  }
0xae: {  	s5 =	sshll.u32 s28, $0x1;
	[dreg:$0x2] =	wrdreg s3  }
0xaf: {  	[dreg:$0x3] =	wrdreg s5  }
0xb0: {  	[dreg:$0x4] =	wrdreg $0xC0  }
0xb1: {  	_ =	task [dreg:s7], $0x5FFFF  }
0xb2: {  	[dreg:$0x1] =	wrdreg $0xFFFFFFFF  }
0xb3: {  	[dreg:$0x0] =	wrdreg $0x60  }
0xb4: {  	[dreg:$0x2] =	wrdreg s24  }
0xb5: {  	[dreg:$0x3] =	wrdreg s16  }
0xb6: {  	[dreg:$0x4] =	wrdreg $0xEE200  }
0xb7: {  	[dreg:$0x5] =	wrdreg $0x9  }
0xb8: {  	_ =	task.clear_ibuf [dreg:s7], $0x6FFFF;
	_ =	strace $0x90000049  }
0xb9: {  	s29 =	simm.s32 $0x9;
	_ =	strace $0x8000004B  }
0xba: {  	_ =	swait.ge [sflag:s29], $0x1  }
0xbb: {  	[sflag:s29] =	ssyncadd.s32 $0xFFFFFFFF  }
0xbc: {  	_ =	strace $0x9000004B  }
0xbd: {  	_ =	sfence  }
0xbe: {  	s30 =	sld [smem:$0x0];
	_ =	sdelay $0x2  }
0xbf: {  	s31 =	sshll.u32 s1, $0xD;
	s1 =	sshrl.u32 s1, $0x2  }
0xc0: {  	s3 =	sand.u32 $0x4000, s31;
	s1 =	sadd.s32 s1, s30  }
0xc1: {  	s0 =	sor.u32 s3, s0;
	s1 =	sshll.u32 s1, $0x11  }
0xc2: {  	s0 =	sor.u32 s1, s0  }
0xc3: {  	s0 =	sadd.s32 $0x8F2B, s0  }
0xc4: {  	[sflag:s0] =	ssyncadd.remote.s32 $0x1  }
0xc5: {  	_ =	sfence.sel $0xFFFF  }
0xc6: {  	[dreg:$0x0] =	wrdreg $0xFFFFFFFF;
	(pc) =	sbr.abs _section_cstart, $3  }
0xc7: {  	[dreg:$0x1] =	wrdreg $0xFFFFFFFF  }
0xc8: {  	_ =	task.clear_ibuf [dreg:s7], $0x2FFFF;
	_ =	strace $0x9FFFFFFF  }
0xc9: {  	(tm) =	ssettm $0x7FFFFFFF  }
tec
execute0_lowered:
.L_overlay_start_1:
0x0: {  	(tag) =	ssettag $0x1  }
0x1: {  	s0 =	rddreg [dreg:$0x0]  }
0x2: {  	s1 =	srdreg.scid;
	s9 =	rddreg [dreg:$0x1]  }
0x3: {  	s2 =	rddreg [dreg:$0x2];
	s8 =	stileid.u32;
	s3 =	simm.s32 $0x0  }
0x4: {  	s14 =	simm.s32 $0x50;
	s15 =	simm.s32 $0x18E20;
	s16 =	simm.s32 $0x1A220  }
0x5: {  	s18 =	simm.s32 $0x1B620;
	s20 =	simm.s32 $0x1CA20;
	s22 =	simm.s32 $0x1DE20  }
0x6: {  	s23 =	simm.s32 $0x1;
	s24 =	simm.s32 $0x2;
	s28 =	simm.s32 $0x5  }
0x7: {  	s29 =	simm.s32 $0x4C90;
	s30 =	simm.s32 $0x4CE0;
	s31 =	simm.s32 $0x4D30  }
0x8: {  	s13 =	simm.s32 $0x0;
	s1 =	sand.u32 $0x1, s1;
	[smem:$0x7FF] =	sst s3  }
0x9: {  	s6 =	smul.u32 $0xA000, s8;
	s4 =	sshll.u32 s1, $0x4;
	_ =	strace $0x8000004A  }
0xa: {  	s7 =	ssub.s32 $0x2, s1;
	s1 =	smul.u32 $0x14000, s1;
	s4 =	sor.u32 s8, s4  }
0xb: {  	s8 =	smul.u32 $0x1400, s8;
	s10 =	sshrl.u32 s6, $0x3;
	s11 =	sshrl.u32 s7, $0x1  }
0xc: {  	s6 =	sadd.s32 s6, s2;
	s5 =	smul.u32 $0x4E2, s4;
	s4 =	sadd.s32 $0x17E00, s0  }
0xd: {  	s25 =	ssub.s32 s7, s11;
	s11 =	simm.s32 $0x4E20;
	s26 =	sadd.s32 s8, s1  }
0xe: {  	s1 =	simm.s32 $0x4DD0;
	s12 =	sadd.s32 s5, s0;
	s0 =	sadd.s32 s10, s0  }
0xf: {  	s9 =	sadd.s32 s9, s26;
	s10 =	smax.u32 s25, $0x1;
	s25 =	simm.s32 $0x3  }
0x10: {  	s26 =	simm.s32 $0x4;
	s5 =	sadd.s32 $0x2B800, s0;
	s7 =	sadd.s32 $0x4200, s12  }
0x11: {  	s8 =	sadd.s32 $0xE000, s12;
	s12 =	simm.s32 $0x6;
	s0 =	simm.s32 $0x4D80  }
.LBB2_1:
0x12: {  	[tilespmem:s11], [sflag:$0x6] =	stream.linear.gather [hbm4b:s5+s3], $0xA000, $0x38;
	[tilespmem:$0x1F220] =	vst v63  }
0x13: {  	_ =	swait.ge [sflag:s12], $0xA000  }
0x14: {  	[sflag:s12] =	ssyncset.done $0x0  }
0x15: {  	[sflag:s12] =	ssyncadd.s32 $0xFFFF6000  }
0x16: {  	[spmem:s6] =	stream.linear.scatter [tilespmem:s11], [sflag:$0x6], $0xA000, $0x38;
	[tilespmem:$0x1F220] =	vst v63  }
0x17: {  	_ =	swait.ge [sflag:s12], $0xA000  }
0x18: {  	[sflag:s12] =	ssyncset.done $0x0  }
0x19: {  	[sflag:s12] =	ssyncadd.s32 $0xFFFF6000  }
0x1a: {  	[tilespmem:s3], [sflag:$0x6] =	stream.linear.gather [hbm4b:s7+s3], $0x2710, $0x38;
	[tilespmem:$0x1F220] =	vst v63  }
0x1b: {  	_ =	swait.ge [sflag:s12], $0x2710  }
0x1c: {  	[sflag:s12] =	ssyncset.done $0x0  }
0x1d: {  	s17 =	simm.s32 $0x2710;
	[sflag:s12] =	ssyncadd.s32 $0xFFFFD8F0  }
0x1e: {  	[tilespmem:s17], [sflag:$0x6] =	stream.linear.gather [hbm4b:s8+s3], $0x2710, $0x38;
	[tilespmem:$0x1F220] =	vst v63  }
0x1f: {  	_ =	swait.ge [sflag:s12], $0x2710  }
0x20: {  	[sflag:s12] =	ssyncset.done $0x0  }
0x21: {  	[sflag:s12] =	ssyncadd.s32 $0xFFFFD8F0  }
0x22: {  	[bflag:$0x0] =	sbarrier.arrive $0xFFFF  }
0x23: {  	[tilespmem:s15], [sflag:$0x1] =	stream.indirect.gather [hbm4b:s4+s14], $0x40, s3, s14, $0xb8;
	[tilespmem:$0x1F220] =	vst v63  }
0x24: {  	_ = 	snop  }
0x25: {  	[tilespmem:s16], [sflag:$0x2] =	stream.indirect.gather [hbm4b:s4+s14], $0x40, s14, s14, $0xb8;
	[tilespmem:$0x1F220] =	vst v63  }
0x26: {  	s19 =	simm.s32 $0xA0  }
0x27: {  	[tilespmem:s18], [sflag:$0x3] =	stream.indirect.gather [hbm4b:s4+s14], $0x40, s19, s14, $0xb8;
	[tilespmem:$0x1F220] =	vst v63  }
0x28: {  	s21 =	simm.s32 $0xF0  }
0x29: {  	[tilespmem:s20], [sflag:$0x4] =	stream.indirect.gather [hbm4b:s4+s14], $0x40, s21, s14, $0xb8;
	[tilespmem:$0x1F220] =	vst v63  }
0x2a: {  	s19 =	simm.s32 $0x140  }
0x2b: {  	[tilespmem:s22], [sflag:$0x5] =	stream.indirect.gather [hbm4b:s4+s14], $0x40, s19, s14, $0xb8;
	[tilespmem:$0x1F220] =	vst v63  }
0x2c: {  	_ =	swait.ge [sflag:s23], $0x1400  }
0x2d: {  	[sflag:s23] =	ssyncset.done $0x0  }
0x2e: {  	s21 =	simm.s32 $0x2710;
	[sflag:s23] =	ssyncadd.s32 $0xFFFFEC00  }
0x2f: {  	[spmem:s2] =	stream.indirect.scatter.add.f32 [tilespmem:s15], [sflag:$0x6], $0x40, s21, s14, $0xb8;
	[tilespmem:$0x1F220] =	vst v63  }
0x30: {  	_ =	swait.ge [sflag:s12], $0x1400  }
0x31: {  	[sflag:s12] =	ssyncset.done $0x0  }
0x32: {  	s19 =	simm.s32 $0x190;
	[sflag:s12] =	ssyncadd.s32 $0xFFFFEC00  }
0x33: {  	[tilespmem:s15], [sflag:$0x1] =	stream.indirect.gather [hbm4b:s4+s14], $0x40, s19, s14, $0xb8;
	[tilespmem:$0x1F220] =	vst v63  }
0x34: {  	_ =	swait.ge [sflag:s24], $0x1400  }
0x35: {  	[sflag:s24] =	ssyncset.done $0x0  }
0x36: {  	s21 =	simm.s32 $0x2760;
	[sflag:s24] =	ssyncadd.s32 $0xFFFFEC00  }
0x37: {  	[spmem:s2] =	stream.indirect.scatter.add.f32 [tilespmem:s16], [sflag:$0x6], $0x40, s21, s14, $0xb8;
	[tilespmem:$0x1F220] =	vst v63  }
0x38: {  	_ =	swait.ge [sflag:s12], $0x1400  }
0x39: {  	[sflag:s12] =	ssyncset.done $0x0  }
0x3a: {  	s19 =	simm.s32 $0x1E0;
	[sflag:s12] =	ssyncadd.s32 $0xFFFFEC00  }
0x3b: {  	[tilespmem:s16], [sflag:$0x2] =	stream.indirect.gather [hbm4b:s4+s14], $0x40, s19, s14, $0xb8;
	[tilespmem:$0x1F220] =	vst v63  }
0x3c: {  	_ =	swait.ge [sflag:s25], $0x1400  }
0x3d: {  	[sflag:s25] =	ssyncset.done $0x0  }
0x3e: {  	s21 =	simm.s32 $0x27B0;
	[sflag:s25] =	ssyncadd.s32 $0xFFFFEC00  }
0x3f: {  	[spmem:s2] =	stream.indirect.scatter.add.f32 [tilespmem:s18], [sflag:$0x6], $0x40, s21, s14, $0xb8;
	[tilespmem:$0x1F220] =	vst v63  }
0x40: {  	_ =	swait.ge [sflag:s12], $0x1400  }
0x41: {  	[sflag:s12] =	ssyncset.done $0x0  }
0x42: {  	s19 =	simm.s32 $0x230;
	[sflag:s12] =	ssyncadd.s32 $0xFFFFEC00  }
0x43: {  	[tilespmem:s18], [sflag:$0x3] =	stream.indirect.gather [hbm4b:s4+s14], $0x40, s19, s14, $0xb8;
	[tilespmem:$0x1F220] =	vst v63  }
0x44: {  	_ =	swait.ge [sflag:s26], $0x1400  }
0x45: {  	[sflag:s26] =	ssyncset.done $0x0  }
0x46: {  	s21 =	simm.s32 $0x2800;
	[sflag:s26] =	ssyncadd.s32 $0xFFFFEC00  }
0x47: {  	[spmem:s2] =	stream.indirect.scatter.add.f32 [tilespmem:s20], [sflag:$0x6], $0x40, s21, s14, $0xb8;
	[tilespmem:$0x1F220] =	vst v63  }
0x48: {  	_ =	swait.ge [sflag:s12], $0x1400  }
0x49: {  	[sflag:s12] =	ssyncset.done $0x0  }
0x4a: {  	s19 =	simm.s32 $0x280;
	[sflag:s12] =	ssyncadd.s32 $0xFFFFEC00  }
0x4b: {  	[tilespmem:s20], [sflag:$0x4] =	stream.indirect.gather [hbm4b:s4+s14], $0x40, s19, s14, $0xb8;
	[tilespmem:$0x1F220] =	vst v63  }
0x4c: {  	_ =	swait.ge [sflag:s28], $0x1400  }
0x4d: {  	[sflag:s28] =	ssyncset.done $0x0  }
0x4e: {  	s21 =	simm.s32 $0x2850;
	[sflag:s28] =	ssyncadd.s32 $0xFFFFEC00  }
0x4f: {  	[spmem:s2] =	stream.indirect.scatter.add.f32 [tilespmem:s22], [sflag:$0x6], $0x40, s21, s14, $0xb8;
	[tilespmem:$0x1F220] =	vst v63  }
0x50: {  	_ =	swait.ge [sflag:s12], $0x1400  }
0x51: {  	[sflag:s12] =	ssyncset.done $0x0  }
0x52: {  	s17 =	simm.s32 $0x640;
	s19 =	simm.s32 $0x2D0;
	[sflag:s12] =	ssyncadd.s32 $0xFFFFEC00  }
.LBB2_2:
0x53: {  	[tilespmem:s22], [sflag:$0x5] =	stream.indirect.gather [hbm4b:s4+s14], $0x40, s19, s14, $0xb8;
	[tilespmem:$0x1F220] =	vst v63  }
0x54: {  	s19 =	smov.u32 s17  }
0x55: {  	p0 =	sne.s32 s17, $0x8FC0;
	s17 =	sadd.s32 $0x640, s17;
	_ =	swait.ge [sflag:s23], $0x1400  }
0x56: {  	s19 =	sshra.s32 s19, $0x2;
	[sflag:s23] =	ssyncset.done $0x0  }
0x57: {  	s21 =	sadd.s32 $0x2710, s19;
	[sflag:s23] =	ssyncadd.s32 $0xFFFFEC00  }
0x58: {  	[spmem:s2] =	stream.indirect.scatter.add.f32 [tilespmem:s15], [sflag:$0x6], $0x40, s21, s14, $0xb8;
	[tilespmem:$0x1F220] =	vst v63  }
0x59: {  	_ =	swait.ge [sflag:s12], $0x1400  }
0x5a: {  	[sflag:s12] =	ssyncset.done $0x0  }
0x5b: {  	s21 =	sadd.s32 $0x190, s19;
	[sflag:s12] =	ssyncadd.s32 $0xFFFFEC00  }
0x5c: {  	[tilespmem:s15], [sflag:$0x1] =	stream.indirect.gather [hbm4b:s4+s14], $0x40, s21, s14, $0xb8;
	[tilespmem:$0x1F220] =	vst v63  }
0x5d: {  	_ =	swait.ge [sflag:s24], $0x1400  }
0x5e: {  	[sflag:s24] =	ssyncset.done $0x0  }
0x5f: {  	s21 =	sadd.s32 $0x2760, s19;
	[sflag:s24] =	ssyncadd.s32 $0xFFFFEC00  }
0x60: {  	[spmem:s2] =	stream.indirect.scatter.add.f32 [tilespmem:s16], [sflag:$0x6], $0x40, s21, s14, $0xb8;
	[tilespmem:$0x1F220] =	vst v63  }
0x61: {  	_ =	swait.ge [sflag:s12], $0x1400  }
0x62: {  	[sflag:s12] =	ssyncset.done $0x0  }
0x63: {  	s21 =	sadd.s32 $0x1E0, s19;
	[sflag:s12] =	ssyncadd.s32 $0xFFFFEC00  }
0x64: {  	[tilespmem:s16], [sflag:$0x2] =	stream.indirect.gather [hbm4b:s4+s14], $0x40, s21, s14, $0xb8;
	[tilespmem:$0x1F220] =	vst v63  }
0x65: {  	_ =	swait.ge [sflag:s25], $0x1400  }
0x66: {  	[sflag:s25] =	ssyncset.done $0x0  }
0x67: {  	s21 =	sadd.s32 $0x27B0, s19;
	[sflag:s25] =	ssyncadd.s32 $0xFFFFEC00  }
0x68: {  	[spmem:s2] =	stream.indirect.scatter.add.f32 [tilespmem:s18], [sflag:$0x6], $0x40, s21, s14, $0xb8;
	[tilespmem:$0x1F220] =	vst v63  }
0x69: {  	_ =	swait.ge [sflag:s12], $0x1400  }
0x6a: {  	[sflag:s12] =	ssyncset.done $0x0  }
0x6b: {  	s21 =	sadd.s32 $0x230, s19;
	[sflag:s12] =	ssyncadd.s32 $0xFFFFEC00  }
0x6c: {  	[tilespmem:s18], [sflag:$0x3] =	stream.indirect.gather [hbm4b:s4+s14], $0x40, s21, s14, $0xb8;
	[tilespmem:$0x1F220] =	vst v63  }
0x6d: {  	_ =	swait.ge [sflag:s26], $0x1400  }
0x6e: {  	[sflag:s26] =	ssyncset.done $0x0  }
0x6f: {  	s21 =	sadd.s32 $0x2800, s19;
	[sflag:s26] =	ssyncadd.s32 $0xFFFFEC00  }
0x70: {  	[spmem:s2] =	stream.indirect.scatter.add.f32 [tilespmem:s20], [sflag:$0x6], $0x40, s21, s14, $0xb8;
	[tilespmem:$0x1F220] =	vst v63  }
0x71: {  	_ =	swait.ge [sflag:s12], $0x1400  }
0x72: {  	[sflag:s12] =	ssyncset.done $0x0  }
0x73: {  	s21 =	sadd.s32 $0x280, s19;
	[sflag:s12] =	ssyncadd.s32 $0xFFFFEC00  }
0x74: {  	[tilespmem:s20], [sflag:$0x4] =	stream.indirect.gather [hbm4b:s4+s14], $0x40, s21, s14, $0xb8;
	[tilespmem:$0x1F220] =	vst v63  }
0x75: {  	_ =	swait.ge [sflag:s28], $0x1400  }
0x76: {  	[sflag:s28] =	ssyncset.done $0x0  }
.Ltmp0:
0x77: {  	s21 =	sadd.s32 $0x2850, s19;
	[sflag:s28] =	ssyncadd.s32 $0xFFFFEC00;
	(pc) =	sbr.rel @p0 .LBB2_2-.Ltmp0, $4  }
0x78: {  	[spmem:s2] =	stream.indirect.scatter.add.f32 [tilespmem:s22], [sflag:$0x6], $0x40, s21, s14, $0xb8;
	[tilespmem:$0x1F220] =	vst v63  }
0x79: {  	_ =	swait.ge [sflag:s12], $0x1400  }
0x7a: {  	[sflag:s12] =	ssyncset.done $0x0  }
0x7b: {  	s19 =	sadd.s32 $0x2D0, s19;
	[sflag:s12] =	ssyncadd.s32 $0xFFFFEC00  }
0x7c: {  	[tilespmem:s22], [sflag:$0x5] =	stream.indirect.gather [hbm4b:s4+s14], $0x40, s19, s14, $0xb8;
	[tilespmem:$0x1F220] =	vst v63  }
0x7d: {  	_ =	swait.ge [sflag:s23], $0x1400  }
0x7e: {  	[sflag:s23] =	ssyncset.done $0x0  }
0x7f: {  	[sflag:s23] =	ssyncadd.s32 $0xFFFFEC00  }
0x80: {  	[spmem:s2] =	stream.indirect.scatter.add.f32 [tilespmem:s15], [sflag:$0x6], $0x40, s29, s14, $0xb8;
	[tilespmem:$0x1F220] =	vst v63  }
0x81: {  	_ =	swait.ge [sflag:s12], $0x1400  }
0x82: {  	[sflag:s12] =	ssyncset.done $0x0  }
0x83: {  	[sflag:s12] =	ssyncadd.s32 $0xFFFFEC00  }
0x84: {  	_ =	swait.ge [sflag:s24], $0x1400  }
0x85: {  	[sflag:s24] =	ssyncset.done $0x0  }
0x86: {  	[sflag:s24] =	ssyncadd.s32 $0xFFFFEC00  }
0x87: {  	[spmem:s2] =	stream.indirect.scatter.add.f32 [tilespmem:s16], [sflag:$0x6], $0x40, s30, s14, $0xb8;
	[tilespmem:$0x1F220] =	vst v63  }
0x88: {  	_ =	swait.ge [sflag:s12], $0x1400  }
0x89: {  	[sflag:s12] =	ssyncset.done $0x0  }
0x8a: {  	[sflag:s12] =	ssyncadd.s32 $0xFFFFEC00  }
0x8b: {  	_ =	swait.ge [sflag:s25], $0x1400  }
0x8c: {  	[sflag:s25] =	ssyncset.done $0x0  }
0x8d: {  	[sflag:s25] =	ssyncadd.s32 $0xFFFFEC00  }
0x8e: {  	[spmem:s2] =	stream.indirect.scatter.add.f32 [tilespmem:s18], [sflag:$0x6], $0x40, s31, s14, $0xb8;
	[tilespmem:$0x1F220] =	vst v63  }
0x8f: {  	_ =	swait.ge [sflag:s12], $0x1400  }
0x90: {  	[sflag:s12] =	ssyncset.done $0x0  }
0x91: {  	[sflag:s12] =	ssyncadd.s32 $0xFFFFEC00  }
0x92: {  	_ =	swait.ge [sflag:s26], $0x1400  }
0x93: {  	[sflag:s26] =	ssyncset.done $0x0  }
0x94: {  	[sflag:s26] =	ssyncadd.s32 $0xFFFFEC00  }
0x95: {  	[spmem:s2] =	stream.indirect.scatter.add.f32 [tilespmem:s20], [sflag:$0x6], $0x40, s0, s14, $0xb8;
	[tilespmem:$0x1F220] =	vst v63  }
0x96: {  	_ =	swait.ge [sflag:s12], $0x1400  }
0x97: {  	[sflag:s12] =	ssyncset.done $0x0  }
0x98: {  	[sflag:s12] =	ssyncadd.s32 $0xFFFFEC00  }
0x99: {  	_ =	swait.ge [sflag:s28], $0x1400  }
0x9a: {  	[sflag:s28] =	ssyncset.done $0x0  }
0x9b: {  	[sflag:s28] =	ssyncadd.s32 $0xFFFFEC00  }
0x9c: {  	[spmem:s2] =	stream.indirect.scatter.add.f32 [tilespmem:s22], [sflag:$0x6], $0x40, s1, s14, $0xb8;
	[tilespmem:$0x1F220] =	vst v63  }
0x9d: {  	_ =	swait.ge [sflag:s12], $0x1400  }
0x9e: {  	[sflag:s12] =	ssyncset.done $0x0  }
0x9f: {  	[sflag:s12] =	ssyncadd.s32 $0xFFFFEC00  }
0xa0: {  	[bflag:$0x0] =	sbarrier.arrive $0xFFFF  }
0xa1: {  	[tilespmem:s11], [sflag:$0x6] =	stream.linear.gather [spmem:s6], $0xA000, $0x38;
	[tilespmem:$0x1F220] =	vst v63  }
0xa2: {  	s13 =	sadd.s32 $0x1, s13;
	_ =	swait.ge [sflag:s12], $0xA000  }
0xa3: {  	p0 =	sne.s32 s13, s10;
	[sflag:s12] =	ssyncset.done $0x0  }
.Ltmp1:
0xa4: {  	[sflag:s12] =	ssyncadd.s32 $0xFFFF6000;
	(pc) =	sbr.rel @p0 .LBB2_1-.Ltmp1, $4  }
0xa5: {  	[hbm4b:s9+s3] =	stream.linear.scatter [tilespmem:s11], [sflag:$0x6], $0xA000, $0x38;
	[tilespmem:$0x1F220] =	vst v63  }
0xa6: {  	_ =	swait.ge [sflag:s12], $0xA000  }
0xa7: {  	[sflag:s12] =	ssyncset.done $0x0  }
0xa8: {  	[sflag:s12] =	ssyncadd.s32 $0xFFFF6000  }
0xa9: {  	_ =	sfence.sel $0x180000  }
0xaa: {  	[bflag:$0x0] =	sbarrier.arrive $0xFFFF  }
0xab: {  	_ =	strace $0x9000004A  }
0xac: {  	s0 =	stileid.u32;
	[bflag:$0x2] =	sbarrier.arrive $0xFFFF  }
0xad: {  	p0 =	sne.s32 s0, $0x0;
	s0 =	rddreg [dreg:$0x3]  }
0xae: {  	s0 =	sadd.s32 @!p0 $0x100000, s0  }
0xaf: {  	[sflag:s0] =	ssyncadd.tile.s32 @!p0 $0x1;
	_ =	shalt  }
.Lfunc_end2:
_tile_overlayer_lowered:
.L_overlay_start_2:
0xb0: {  	(tag) =	ssettag $0x2  }
0xb1: {  	s0 =	rddreg [dreg:$0x0];
	s2 =	stileid.u32  }
0xb2: {  	s1 =	rddreg [dreg:$0x1];
	p0 =	sne.s32 s2, $0x0  }
0xb3: {  	s3 =	rddreg [dreg:$0x2];
	[bflag:$0x3] =	sbarrier.arrive $0xFFFF;
	s2 =	simm.s32 @!p0 $0x1C06  }
0xb4: {  	[timem:s3], [sflag:s2] =	dma.local @!p0 [hbm:s0], s1  }
0xb5: {  	s0 =	simm.s32 @!p0 $0x6  }
0xb6: {  	_ =	swait.ge @!p0 [sflag:s0], s1  }
0xb7: {  	s1 =	ssub.s32 @!p0 $0x0, s1;
	[sflag:s0] =	ssyncset.done @!p0 $0x0  }
0xb8: {  	[sflag:s0] =	ssyncadd.s32 @!p0 s1  }
0xb9: {  	[bflag:$0x3] =	sbarrier.arrive $0xFFFF  }
0xba: {  	_ =	shalt  }

// kernel: kernel.19.cloned.1.call-start
scs
__scs_entry_jumppad:
0x0: {  	(pc) =	sbr.rel $0x88, $3  }
0x1: {  	(tag) =	ssettag $0x0;
	lr =	simm.s32 $0x1  }
0x2: {  	[smem:$0x3F95] =	sst lr;
	_ =	strace $0xD0000000  }
0x3: {  	_ = 	snop  }
0x4: {  	_ = 	snop  }
0x5: {  	_ = 	snop  }
0x6: {  	_ = 	snop  }
0x7: {  	_ = 	snop  }
__scs_overlays_trampoline_lowered:
0x8: {  	[smem:$0x3FA4] =	sst s0  }
0x9: {  	[smem:$0x3FA5] =	sst s1  }
0xa: {  	[smem:$0x3FA6] =	sst s2  }
0xb: {  	[smem:$0x3FA7] =	sst s3  }
0xc: {  	[smem:$0x3FA8] =	sst s4  }
0xd: {  	[smem:$0x3FA9] =	sst s5  }
0xe: {  	[smem:$0x3FAA] =	sst s6  }
0xf: {  	[smem:$0x3FAB] =	sst s7  }
0x10: {  	[smem:$0x3FAC] =	sst s8  }
0x11: {  	[smem:$0x3FAD] =	sst s9;
	s0 =	simm.s32 @!p0 $0x0  }
0x12: {  	s1 =	sld [smem:$0x3F93];
	s0 =	simm.s32 @p0 $0x1  }
0x13: {  	[smem:$0x3FAE] =	sst s0;
	s0 =	simm.s32 @!p1 $0x0  }
0x14: {  	s2 =	sld [smem:$0x3F92];
	s0 =	simm.s32 @p1 $0x1  }
0x15: {  	[smem:$0x3FAF] =	sst s0;
	s0 =	simm.s32 @!p2 $0x0  }
0x16: {  	s3 =	sld [smem:$0x3FDB];
	s0 =	simm.s32 @p2 $0x1  }
0x17: {  	s4 =	simm.s32 $0x1BF5;
	[smem:$0x3FB1] =	sst s0  }
0x18: {  	s0 =	sld [smem:$0x3F94];
	_ =	swait.ge [sflag:s4], $0x0  }
0x19: {  	s7 =	sld [smem:$0x3F95]  }
0x1a: {  	s8 =	sadd.s32 $0xFFFFE003, lr  }
0x1b: {  	s9 =	sadd.s32 $0xFFFFFEF7, lr;
	s5 =	simm.s32 $0xFFFFFFFF;
	p2 =	slt.u32 s8, $0xFFFFF086  }
0x1c: {  	p1 =	slt.u32 s9, $0xF7A;
	s5 =	simm.s32 @!p2 $0x0  }
0x1d: {  	s5 =	simm.s32 @p1 $0x1;
	p0 =	seq.s32 s7, s2  }
0x1e: {  	s7 =	smul.u32 @!p0 $0xF7A, s2;
	p2 =	seq.s32 @!p0 s5, $0x0  }
0x1f: {  	s9 =	smul.u32 $0xF7A, s1;
	s8 =	simm.s32 @!p0 $0x1BF5;
	p2 =	por !p2, p0  }
0x20: {  	[sflag:s8] =	ssyncset.s32 @!p0 $0xFFFFF086;
	s6 =	sadd.s32 @!p0 s3, s7;
	s7 =	simm.s32 @!p0 $0x108  }
0x21: {  	s3 =	sadd.s32 s3, s9;
	s6 =	sadd.s32 @!p0 $0x88, s6;
	s7 =	simm.s32 @p2 $0x1082  }
0x22: {  	[simem:s7], [sflag:s8] =	dma.local @!p0 [hbm:s6], $0xF7A  }
0x23: {  	s9 =	sor.u32 $0xD0000000, s2;
	s6 =	simm.s32 $0x108;
	_ =	swait.ge @!p0 [sflag:s8], $0x0  }
0x24: {  	s3 =	sadd.s32 $0x88, s3;
	s6 =	simm.s32 @!p1 $0x1082;
	[sflag:s4] =	ssyncset.s32 $0xFFFFF086  }
0x25: {  	[simem:s6], [sflag:s4] =	dma.local [hbm:s3], $0xF7A  }
0x26: {  	[smem:$0x3F95] =	sst s1;
	(tag) =	ssettag s2;
	_ =	strace s9  }
0x27: {  	s1 =	sld [smem:$0x3FA5]  }
0x28: {  	s2 =	sld [smem:$0x3FA6]  }
0x29: {  	s4 =	sld [smem:$0x3FA8]  }
0x2a: {  	p0 =	seq.s32 s5, $0x0;
	s5 =	sld [smem:$0x3FA9]  }
0x2b: {  	s6 =	sld [smem:$0x3FAA]  }
0x2c: {  	s7 =	sld [smem:$0x3FAB]  }
0x2d: {  	s3 =	simm.s32 $0x108;
	s8 =	sld [smem:$0x3FAC]  }
0x2e: {  	s3 =	simm.s32 @!p0 $0x1082;
	s9 =	sld [smem:$0x3FAD]  }
0x2f: {  	lr =	sadd.s32 s0, s3;
	s0 =	sld [smem:$0x3FA4]  }
0x30: {  	s3 =	sld [smem:$0x3FA7]  }
0x31: {  	[smem:$0x3FB0] =	sst s10  }
0x32: {  	s10 =	sld [smem:$0x3FAE];
	_ =	sdelay $0x3  }
0x33: {  	p0 =	seq.s32 s10, $0x1;
	s10 =	sld [smem:$0x3FB0];
	_ =	sdelay $0x3  }
0x34: {  	[smem:$0x3FB0] =	sst s10  }
0x35: {  	s10 =	sld [smem:$0x3FAF];
	_ =	sdelay $0x3  }
0x36: {  	p1 =	seq.s32 s10, $0x1;
	s10 =	sld [smem:$0x3FB0];
	_ =	sdelay $0x3  }
0x37: {  	[smem:$0x3FB0] =	sst s10  }
0x38: {  	s10 =	sld [smem:$0x3FB1]  }
0x39: {  	_ = 	snop;
	(pc) =	sbr.ind lr, $3  }
0x3a: {  	_ = 	snop  }
0x3b: {  	_ = 	snop  }
0x3c: {  	p2 =	seq.s32 s10, $0x1;
	s10 =	sld [smem:$0x3FB0]  }
0x3d: {  	_ =	shalt  }
0x3e: {  	_ =	shalt  }
0x3f: {  	_ =	shalt  }
0x40: {  	_ =	shalt  }
0x41: {  	_ =	shalt  }
0x42: {  	_ =	shalt  }
0x43: {  	_ =	shalt  }
0x44: {  	_ =	shalt  }
0x45: {  	_ =	shalt  }
0x46: {  	_ =	shalt  }
0x47: {  	_ =	shalt  }
0x48: {  	_ =	shalt  }
0x49: {  	_ =	shalt  }
0x4a: {  	_ =	shalt  }
0x4b: {  	_ =	shalt  }
0x4c: {  	_ =	shalt  }
0x4d: {  	_ =	shalt  }
0x4e: {  	_ =	shalt  }
0x4f: {  	_ =	shalt  }
0x50: {  	_ =	shalt  }
0x51: {  	_ =	shalt  }
0x52: {  	_ =	shalt  }
0x53: {  	_ =	shalt  }
0x54: {  	_ =	shalt  }
0x55: {  	_ =	shalt  }
0x56: {  	_ =	shalt  }
0x57: {  	_ =	shalt  }
0x58: {  	_ =	shalt  }
0x59: {  	_ =	shalt  }
0x5a: {  	_ =	shalt  }
0x5b: {  	_ =	shalt  }
0x5c: {  	_ =	shalt  }
0x5d: {  	_ =	shalt  }
0x5e: {  	_ =	shalt  }
0x5f: {  	_ =	shalt  }
0x60: {  	_ =	shalt  }
0x61: {  	_ =	shalt  }
0x62: {  	_ =	shalt  }
0x63: {  	_ =	shalt  }
0x64: {  	_ =	shalt  }
0x65: {  	_ =	shalt  }
0x66: {  	_ =	shalt  }
0x67: {  	_ =	shalt  }
0x68: {  	_ =	shalt  }
0x69: {  	_ =	shalt  }
0x6a: {  	_ =	shalt  }
0x6b: {  	_ =	shalt  }
0x6c: {  	_ =	shalt  }
0x6d: {  	_ =	shalt  }
0x6e: {  	_ =	shalt  }
0x6f: {  	_ =	shalt  }
0x70: {  	_ =	shalt  }
0x71: {  	_ =	shalt  }
0x72: {  	_ =	shalt  }
0x73: {  	_ =	shalt  }
0x74: {  	_ =	shalt  }
0x75: {  	_ =	shalt  }
0x76: {  	_ =	shalt  }
0x77: {  	_ =	shalt  }
0x78: {  	_ =	shalt  }
0x79: {  	_ =	shalt  }
0x7a: {  	_ =	shalt  }
0x7b: {  	_ =	shalt  }
0x7c: {  	_ =	shalt  }
0x7d: {  	_ =	shalt  }
0x7e: {  	_ =	shalt  }
0x7f: {  	_ =	shalt  }
0x80: {  	_ =	shalt  }
0x81: {  	_ =	shalt  }
0x82: {  	_ =	shalt  }
0x83: {  	_ =	shalt  }
0x84: {  	_ =	shalt  }
0x85: {  	_ =	shalt  }
0x86: {  	_ =	shalt  }
0x87: {  	_ =	shalt  }
.Lfunc_end0:
.L_simem_size_0:
called_computation.2_lowered:
.L_overlay_start_0:
0x88: {  	s2 =	sld [smem:$0x3FD9]  }
0x89: {  	s3 =	sld [smem:$0x3FFE];
	_ =	sdelay $0x1  }
0x8a: {  	s1 =	srdreg.scid  }
0x8b: {  	s0 =	sand.u32 $0x1, s1  }
0x8c: {  	s14 =	sshll.u32 s0, $0xA;
	s2 =	sadd.s32 s3, s2  }
0x8d: {  	s2 =	sadd.s32 s2, s14  }
0x8e: {  	[smem:$0x3FBC] =	sst s2  }
0x8f: {  	_ = 	snop  }
0x90: {  	s2 =	sld [smem:$0x3FD0];
	_ =	sdelay $0x2  }
0x91: {  	s15 =	simm.s32 $0xA;
	s4 =	simm.s32 $0x10  }
0x92: {  	[smem:s4], [sflag:s15] =	dma.local [hbm:s2], $0x1  }
0x93: {  	_ =	swait.eq [sflag:s15], $0x1  }
0x94: {  	[sflag:s15] =	ssyncset.done $0x0  }
0x95: {  	[sflag:s15] =	ssyncadd.s32 $0xFFFFFFFF  }
0x96: {  	s16 =	sld [smem:$0x11];
	(tm) =	ssettm $0x1  }
0x97: {  	s17 =	sld [smem:$0x3FFB];
	_ =	sdelay $0x3  }
0x98: {  	_ =	strace s17  }
0x99: {  	s3 =	sld [smem:$0x3FFC];
	_ =	sdelay $0x3  }
0x9a: {  	_ =	strace s3  }
0x9b: {  	s3 =	sld [smem:$0x3FFD];
	_ =	sdelay $0x3  }
0x9c: {  	_ =	strace s3  }
0x9d: {  	_ =	strace $0x8FFFFFFF  }
0x9e: {  	s18 =	sld [smem:$0x3FDB];
	_ =	sdelay $0x1  }
0x9f: {  	s19 =	simm.s32 $_scs_section_size  }
0xa0: {  	s5 =	simm.s32 $_size__tile_overlayer_lowered;
	s6 =	simm.s32 $_tile_overlayer_lowered  }
0xa1: {  	s22 =	simm.s32 $0x1BFF;
	s21 =	sshll.u32 s6, $0x1;
	s3 =	sadd.s32 s19, s18  }
0xa2: {  	s7 =	simm.s32 $0x0;
	s20 =	sshll.u32 s5, $0x1;
	s5 =	sadd.s32 s21, s3  }
0xa3: {  	[timem:s7], [sflag:s22] =	dma.local [hbm:s5], s20  }
0xa4: {  	_ =	swait.ge [sflag:s22], s20  }
0xa5: {  	s4 =	ssub.s32 $0x0, s20;
	[sflag:s22] =	ssyncset.done $0x0  }
0xa6: {  	[sflag:s22] =	ssyncadd.s32 s4;
	_ =	sdelay $0x1  }
0xa7: {  	s23 =	simm.s32 $0x1B8B  }
0xa8: {  	_ =	swait.ge [sflag:s23], $0x1  }
0xa9: {  	[sflag:s23] =	ssyncset.done $0x0  }
0xaa: {  	s25 =	simm.s32 $0x1B8E;
	s24 =	sld [smem:$0x3FFE];
	[sflag:s23] =	ssyncadd.s32 $0xFFFFFFFF  }
0xab: {  	s26 =	simm.s32 $execute0_lowered;
	[smem:$0x3FD2] =	sst s25  }
0xac: {  	s5 =	sshll.u32 s26, $0x1;
	_ =	strace $0x8000004C;
	[dreg:$0x1] =	wrdreg $0xFFFFFFFF  }
0xad: {  	s28 =	simm.s32 $_size_execute0_lowered;
	s3 =	sadd.s32 s3, s5;
	[dreg:$0x0] =	wrdreg $0x0  }
0xae: {  	s5 =	sshll.u32 s28, $0x1;
	[dreg:$0x2] =	wrdreg s3  }
0xaf: {  	[dreg:$0x3] =	wrdreg s5  }
0xb0: {  	[dreg:$0x4] =	wrdreg $0xC0  }
0xb1: {  	_ =	task [dreg:s7], $0x5FFFF  }
0xb2: {  	[dreg:$0x1] =	wrdreg $0xFFFFFFFF  }
0xb3: {  	[dreg:$0x0] =	wrdreg $0x60  }
0xb4: {  	[dreg:$0x2] =	wrdreg s24  }
0xb5: {  	[dreg:$0x3] =	wrdreg s16  }
0xb6: {  	[dreg:$0x4] =	wrdreg $0xEE200  }
0xb7: {  	[dreg:$0x5] =	wrdreg $0x9  }
0xb8: {  	_ =	task.clear_ibuf [dreg:s7], $0x6FFFF;
	_ =	strace $0x9000004C  }
0xb9: {  	s29 =	simm.s32 $0x9;
	_ =	strace $0x8000004E  }
0xba: {  	_ =	swait.ge [sflag:s29], $0x1  }
0xbb: {  	[sflag:s29] =	ssyncadd.s32 $0xFFFFFFFF  }
0xbc: {  	_ =	strace $0x9000004E  }
0xbd: {  	_ =	sfence  }
0xbe: {  	s30 =	sld [smem:$0x0];
	_ =	sdelay $0x2  }
0xbf: {  	s31 =	sshll.u32 s1, $0xD;
	s1 =	sshrl.u32 s1, $0x2  }
0xc0: {  	s3 =	sand.u32 $0x4000, s31;
	s1 =	sadd.s32 s1, s30  }
0xc1: {  	s0 =	sor.u32 s3, s0;
	s1 =	sshll.u32 s1, $0x11  }
0xc2: {  	s0 =	sor.u32 s1, s0  }
0xc3: {  	s0 =	sadd.s32 $0x8F2B, s0  }
0xc4: {  	[sflag:s0] =	ssyncadd.remote.s32 $0x1  }
0xc5: {  	_ =	sfence.sel $0xFFFF  }
0xc6: {  	[dreg:$0x0] =	wrdreg $0xFFFFFFFF;
	(pc) =	sbr.abs _section_cstart, $3  }
0xc7: {  	[dreg:$0x1] =	wrdreg $0xFFFFFFFF  }
0xc8: {  	_ =	task.clear_ibuf [dreg:s7], $0x2FFFF;
	_ =	strace $0x9FFFFFFF  }
0xc9: {  	(tm) =	ssettm $0x7FFFFFFF  }
tec
execute0_lowered:
.L_overlay_start_1:
0x0: {  	(tag) =	ssettag $0x1  }
0x1: {  	s0 =	rddreg [dreg:$0x0]  }
0x2: {  	s1 =	srdreg.scid;
	s9 =	rddreg [dreg:$0x1]  }
0x3: {  	s2 =	rddreg [dreg:$0x2];
	s8 =	stileid.u32;
	s3 =	simm.s32 $0x0  }
0x4: {  	s14 =	simm.s32 $0x50;
	s15 =	simm.s32 $0x18E20;
	s16 =	simm.s32 $0x1A220  }
0x5: {  	s18 =	simm.s32 $0x1B620;
	s20 =	simm.s32 $0x1CA20;
	s22 =	simm.s32 $0x1DE20  }
0x6: {  	s23 =	simm.s32 $0x1;
	s24 =	simm.s32 $0x2;
	s28 =	simm.s32 $0x5  }
0x7: {  	s29 =	simm.s32 $0x4C90;
	s30 =	simm.s32 $0x4CE0;
	s31 =	simm.s32 $0x4D30  }
0x8: {  	s13 =	simm.s32 $0x0;
	s1 =	sand.u32 $0x1, s1;
	[smem:$0x7FF] =	sst s3  }
0x9: {  	s6 =	smul.u32 $0xA000, s8;
	s4 =	sshll.u32 s1, $0x4;
	_ =	strace $0x8000004D  }
0xa: {  	s7 =	ssub.s32 $0x2, s1;
	s1 =	smul.u32 $0x14000, s1;
	s4 =	sor.u32 s8, s4  }
0xb: {  	s8 =	smul.u32 $0x1400, s8;
	s10 =	sshrl.u32 s6, $0x3;
	s11 =	sshrl.u32 s7, $0x1  }
0xc: {  	s6 =	sadd.s32 s6, s2;
	s5 =	smul.u32 $0x4E2, s4;
	s4 =	sadd.s32 $0x17E00, s0  }
0xd: {  	s25 =	ssub.s32 s7, s11;
	s11 =	simm.s32 $0x4E20;
	s26 =	sadd.s32 s8, s1  }
0xe: {  	s1 =	simm.s32 $0x4DD0;
	s12 =	sadd.s32 s5, s0;
	s0 =	sadd.s32 s10, s0  }
0xf: {  	s9 =	sadd.s32 s9, s26;
	s10 =	smax.u32 s25, $0x1;
	s25 =	simm.s32 $0x3  }
0x10: {  	s26 =	simm.s32 $0x4;
	s5 =	sadd.s32 $0x2B800, s0;
	s7 =	sadd.s32 $0x4200, s12  }
0x11: {  	s8 =	sadd.s32 $0xE000, s12;
	s12 =	simm.s32 $0x6;
	s0 =	simm.s32 $0x4D80  }
.LBB2_1:
0x12: {  	[tilespmem:s11], [sflag:$0x6] =	stream.linear.gather [hbm4b:s5+s3], $0xA000, $0x38;
	[tilespmem:$0x1F220] =	vst v63  }
0x13: {  	_ =	swait.ge [sflag:s12], $0xA000  }
0x14: {  	[sflag:s12] =	ssyncset.done $0x0  }
0x15: {  	[sflag:s12] =	ssyncadd.s32 $0xFFFF6000  }
0x16: {  	[spmem:s6] =	stream.linear.scatter [tilespmem:s11], [sflag:$0x6], $0xA000, $0x38;
	[tilespmem:$0x1F220] =	vst v63  }
0x17: {  	_ =	swait.ge [sflag:s12], $0xA000  }
0x18: {  	[sflag:s12] =	ssyncset.done $0x0  }
0x19: {  	[sflag:s12] =	ssyncadd.s32 $0xFFFF6000  }
0x1a: {  	[tilespmem:s3], [sflag:$0x6] =	stream.linear.gather [hbm4b:s7+s3], $0x2710, $0x38;
	[tilespmem:$0x1F220] =	vst v63  }
0x1b: {  	_ =	swait.ge [sflag:s12], $0x2710  }
0x1c: {  	[sflag:s12] =	ssyncset.done $0x0  }
0x1d: {  	s17 =	simm.s32 $0x2710;
	[sflag:s12] =	ssyncadd.s32 $0xFFFFD8F0  }
0x1e: {  	[tilespmem:s17], [sflag:$0x6] =	stream.linear.gather [hbm4b:s8+s3], $0x2710, $0x38;
	[tilespmem:$0x1F220] =	vst v63  }
0x1f: {  	_ =	swait.ge [sflag:s12], $0x2710  }
0x20: {  	[sflag:s12] =	ssyncset.done $0x0  }
0x21: {  	[sflag:s12] =	ssyncadd.s32 $0xFFFFD8F0  }
0x22: {  	[bflag:$0x0] =	sbarrier.arrive $0xFFFF  }
0x23: {  	[tilespmem:s15], [sflag:$0x1] =	stream.indirect.gather [hbm4b:s4+s14], $0x40, s3, s14, $0xb8;
	[tilespmem:$0x1F220] =	vst v63  }
0x24: {  	_ = 	snop  }
0x25: {  	[tilespmem:s16], [sflag:$0x2] =	stream.indirect.gather [hbm4b:s4+s14], $0x40, s14, s14, $0xb8;
	[tilespmem:$0x1F220] =	vst v63  }
0x26: {  	s19 =	simm.s32 $0xA0  }
0x27: {  	[tilespmem:s18], [sflag:$0x3] =	stream.indirect.gather [hbm4b:s4+s14], $0x40, s19, s14, $0xb8;
	[tilespmem:$0x1F220] =	vst v63  }
0x28: {  	s21 =	simm.s32 $0xF0  }
0x29: {  	[tilespmem:s20], [sflag:$0x4] =	stream.indirect.gather [hbm4b:s4+s14], $0x40, s21, s14, $0xb8;
	[tilespmem:$0x1F220] =	vst v63  }
0x2a: {  	s19 =	simm.s32 $0x140  }
0x2b: {  	[tilespmem:s22], [sflag:$0x5] =	stream.indirect.gather [hbm4b:s4+s14], $0x40, s19, s14, $0xb8;
	[tilespmem:$0x1F220] =	vst v63  }
0x2c: {  	_ =	swait.ge [sflag:s23], $0x1400  }
0x2d: {  	[sflag:s23] =	ssyncset.done $0x0  }
0x2e: {  	s21 =	simm.s32 $0x2710;
	[sflag:s23] =	ssyncadd.s32 $0xFFFFEC00  }
0x2f: {  	[spmem:s2] =	stream.indirect.scatter.add.f32 [tilespmem:s15], [sflag:$0x6], $0x40, s21, s14, $0xb8;
	[tilespmem:$0x1F220] =	vst v63  }
0x30: {  	_ =	swait.ge [sflag:s12], $0x1400  }
0x31: {  	[sflag:s12] =	ssyncset.done $0x0  }
0x32: {  	s19 =	simm.s32 $0x190;
	[sflag:s12] =	ssyncadd.s32 $0xFFFFEC00  }
0x33: {  	[tilespmem:s15], [sflag:$0x1] =	stream.indirect.gather [hbm4b:s4+s14], $0x40, s19, s14, $0xb8;
	[tilespmem:$0x1F220] =	vst v63  }
0x34: {  	_ =	swait.ge [sflag:s24], $0x1400  }
0x35: {  	[sflag:s24] =	ssyncset.done $0x0  }
0x36: {  	s21 =	simm.s32 $0x2760;
	[sflag:s24] =	ssyncadd.s32 $0xFFFFEC00  }
0x37: {  	[spmem:s2] =	stream.indirect.scatter.add.f32 [tilespmem:s16], [sflag:$0x6], $0x40, s21, s14, $0xb8;
	[tilespmem:$0x1F220] =	vst v63  }
0x38: {  	_ =	swait.ge [sflag:s12], $0x1400  }
0x39: {  	[sflag:s12] =	ssyncset.done $0x0  }
0x3a: {  	s19 =	simm.s32 $0x1E0;
	[sflag:s12] =	ssyncadd.s32 $0xFFFFEC00  }
0x3b: {  	[tilespmem:s16], [sflag:$0x2] =	stream.indirect.gather [hbm4b:s4+s14], $0x40, s19, s14, $0xb8;
	[tilespmem:$0x1F220] =	vst v63  }
0x3c: {  	_ =	swait.ge [sflag:s25], $0x1400  }
0x3d: {  	[sflag:s25] =	ssyncset.done $0x0  }
0x3e: {  	s21 =	simm.s32 $0x27B0;
	[sflag:s25] =	ssyncadd.s32 $0xFFFFEC00  }
0x3f: {  	[spmem:s2] =	stream.indirect.scatter.add.f32 [tilespmem:s18], [sflag:$0x6], $0x40, s21, s14, $0xb8;
	[tilespmem:$0x1F220] =	vst v63  }
0x40: {  	_ =	swait.ge [sflag:s12], $0x1400  }
0x41: {  	[sflag:s12] =	ssyncset.done $0x0  }
0x42: {  	s19 =	simm.s32 $0x230;
	[sflag:s12] =	ssyncadd.s32 $0xFFFFEC00  }
0x43: {  	[tilespmem:s18], [sflag:$0x3] =	stream.indirect.gather [hbm4b:s4+s14], $0x40, s19, s14, $0xb8;
	[tilespmem:$0x1F220] =	vst v63  }
0x44: {  	_ =	swait.ge [sflag:s26], $0x1400  }
0x45: {  	[sflag:s26] =	ssyncset.done $0x0  }
0x46: {  	s21 =	simm.s32 $0x2800;
	[sflag:s26] =	ssyncadd.s32 $0xFFFFEC00  }
0x47: {  	[spmem:s2] =	stream.indirect.scatter.add.f32 [tilespmem:s20], [sflag:$0x6], $0x40, s21, s14, $0xb8;
	[tilespmem:$0x1F220] =	vst v63  }
0x48: {  	_ =	swait.ge [sflag:s12], $0x1400  }
0x49: {  	[sflag:s12] =	ssyncset.done $0x0  }
0x4a: {  	s19 =	simm.s32 $0x280;
	[sflag:s12] =	ssyncadd.s32 $0xFFFFEC00  }
0x4b: {  	[tilespmem:s20], [sflag:$0x4] =	stream.indirect.gather [hbm4b:s4+s14], $0x40, s19, s14, $0xb8;
	[tilespmem:$0x1F220] =	vst v63  }
0x4c: {  	_ =	swait.ge [sflag:s28], $0x1400  }
0x4d: {  	[sflag:s28] =	ssyncset.done $0x0  }
0x4e: {  	s21 =	simm.s32 $0x2850;
	[sflag:s28] =	ssyncadd.s32 $0xFFFFEC00  }
0x4f: {  	[spmem:s2] =	stream.indirect.scatter.add.f32 [tilespmem:s22], [sflag:$0x6], $0x40, s21, s14, $0xb8;
	[tilespmem:$0x1F220] =	vst v63  }
0x50: {  	_ =	swait.ge [sflag:s12], $0x1400  }
0x51: {  	[sflag:s12] =	ssyncset.done $0x0  }
0x52: {  	s17 =	simm.s32 $0x640;
	s19 =	simm.s32 $0x2D0;
	[sflag:s12] =	ssyncadd.s32 $0xFFFFEC00  }
.LBB2_2:
0x53: {  	[tilespmem:s22], [sflag:$0x5] =	stream.indirect.gather [hbm4b:s4+s14], $0x40, s19, s14, $0xb8;
	[tilespmem:$0x1F220] =	vst v63  }
0x54: {  	s19 =	smov.u32 s17  }
0x55: {  	p0 =	sne.s32 s17, $0x8FC0;
	s17 =	sadd.s32 $0x640, s17;
	_ =	swait.ge [sflag:s23], $0x1400  }
0x56: {  	s19 =	sshra.s32 s19, $0x2;
	[sflag:s23] =	ssyncset.done $0x0  }
0x57: {  	s21 =	sadd.s32 $0x2710, s19;
	[sflag:s23] =	ssyncadd.s32 $0xFFFFEC00  }
0x58: {  	[spmem:s2] =	stream.indirect.scatter.add.f32 [tilespmem:s15], [sflag:$0x6], $0x40, s21, s14, $0xb8;
	[tilespmem:$0x1F220] =	vst v63  }
0x59: {  	_ =	swait.ge [sflag:s12], $0x1400  }
0x5a: {  	[sflag:s12] =	ssyncset.done $0x0  }
0x5b: {  	s21 =	sadd.s32 $0x190, s19;
	[sflag:s12] =	ssyncadd.s32 $0xFFFFEC00  }
0x5c: {  	[tilespmem:s15], [sflag:$0x1] =	stream.indirect.gather [hbm4b:s4+s14], $0x40, s21, s14, $0xb8;
	[tilespmem:$0x1F220] =	vst v63  }
0x5d: {  	_ =	swait.ge [sflag:s24], $0x1400  }
0x5e: {  	[sflag:s24] =	ssyncset.done $0x0  }
0x5f: {  	s21 =	sadd.s32 $0x2760, s19;
	[sflag:s24] =	ssyncadd.s32 $0xFFFFEC00  }
0x60: {  	[spmem:s2] =	stream.indirect.scatter.add.f32 [tilespmem:s16], [sflag:$0x6], $0x40, s21, s14, $0xb8;
	[tilespmem:$0x1F220] =	vst v63  }
0x61: {  	_ =	swait.ge [sflag:s12], $0x1400  }
0x62: {  	[sflag:s12] =	ssyncset.done $0x0  }
0x63: {  	s21 =	sadd.s32 $0x1E0, s19;
	[sflag:s12] =	ssyncadd.s32 $0xFFFFEC00  }
0x64: {  	[tilespmem:s16], [sflag:$0x2] =	stream.indirect.gather [hbm4b:s4+s14], $0x40, s21, s14, $0xb8;
	[tilespmem:$0x1F220] =	vst v63  }
0x65: {  	_ =	swait.ge [sflag:s25], $0x1400  }
0x66: {  	[sflag:s25] =	ssyncset.done $0x0  }
0x67: {  	s21 =	sadd.s32 $0x27B0, s19;
	[sflag:s25] =	ssyncadd.s32 $0xFFFFEC00  }
0x68: {  	[spmem:s2] =	stream.indirect.scatter.add.f32 [tilespmem:s18], [sflag:$0x6], $0x40, s21, s14, $0xb8;
	[tilespmem:$0x1F220] =	vst v63  }
0x69: {  	_ =	swait.ge [sflag:s12], $0x1400  }
0x6a: {  	[sflag:s12] =	ssyncset.done $0x0  }
0x6b: {  	s21 =	sadd.s32 $0x230, s19;
	[sflag:s12] =	ssyncadd.s32 $0xFFFFEC00  }
0x6c: {  	[tilespmem:s18], [sflag:$0x3] =	stream.indirect.gather [hbm4b:s4+s14], $0x40, s21, s14, $0xb8;
	[tilespmem:$0x1F220] =	vst v63  }
0x6d: {  	_ =	swait.ge [sflag:s26], $0x1400  }
0x6e: {  	[sflag:s26] =	ssyncset.done $0x0  }
0x6f: {  	s21 =	sadd.s32 $0x2800, s19;
	[sflag:s26] =	ssyncadd.s32 $0xFFFFEC00  }
0x70: {  	[spmem:s2] =	stream.indirect.scatter.add.f32 [tilespmem:s20], [sflag:$0x6], $0x40, s21, s14, $0xb8;
	[tilespmem:$0x1F220] =	vst v63  }
0x71: {  	_ =	swait.ge [sflag:s12], $0x1400  }
0x72: {  	[sflag:s12] =	ssyncset.done $0x0  }
0x73: {  	s21 =	sadd.s32 $0x280, s19;
	[sflag:s12] =	ssyncadd.s32 $0xFFFFEC00  }
0x74: {  	[tilespmem:s20], [sflag:$0x4] =	stream.indirect.gather [hbm4b:s4+s14], $0x40, s21, s14, $0xb8;
	[tilespmem:$0x1F220] =	vst v63  }
0x75: {  	_ =	swait.ge [sflag:s28], $0x1400  }
0x76: {  	[sflag:s28] =	ssyncset.done $0x0  }
.Ltmp0:
0x77: {  	s21 =	sadd.s32 $0x2850, s19;
	[sflag:s28] =	ssyncadd.s32 $0xFFFFEC00;
	(pc) =	sbr.rel @p0 .LBB2_2-.Ltmp0, $4  }
0x78: {  	[spmem:s2] =	stream.indirect.scatter.add.f32 [tilespmem:s22], [sflag:$0x6], $0x40, s21, s14, $0xb8;
	[tilespmem:$0x1F220] =	vst v63  }
0x79: {  	_ =	swait.ge [sflag:s12], $0x1400  }
0x7a: {  	[sflag:s12] =	ssyncset.done $0x0  }
0x7b: {  	s19 =	sadd.s32 $0x2D0, s19;
	[sflag:s12] =	ssyncadd.s32 $0xFFFFEC00  }
0x7c: {  	[tilespmem:s22], [sflag:$0x5] =	stream.indirect.gather [hbm4b:s4+s14], $0x40, s19, s14, $0xb8;
	[tilespmem:$0x1F220] =	vst v63  }
0x7d: {  	_ =	swait.ge [sflag:s23], $0x1400  }
0x7e: {  	[sflag:s23] =	ssyncset.done $0x0  }
0x7f: {  	[sflag:s23] =	ssyncadd.s32 $0xFFFFEC00  }
0x80: {  	[spmem:s2] =	stream.indirect.scatter.add.f32 [tilespmem:s15], [sflag:$0x6], $0x40, s29, s14, $0xb8;
	[tilespmem:$0x1F220] =	vst v63  }
0x81: {  	_ =	swait.ge [sflag:s12], $0x1400  }
0x82: {  	[sflag:s12] =	ssyncset.done $0x0  }
0x83: {  	[sflag:s12] =	ssyncadd.s32 $0xFFFFEC00  }
0x84: {  	_ =	swait.ge [sflag:s24], $0x1400  }
0x85: {  	[sflag:s24] =	ssyncset.done $0x0  }
0x86: {  	[sflag:s24] =	ssyncadd.s32 $0xFFFFEC00  }
0x87: {  	[spmem:s2] =	stream.indirect.scatter.add.f32 [tilespmem:s16], [sflag:$0x6], $0x40, s30, s14, $0xb8;
	[tilespmem:$0x1F220] =	vst v63  }
0x88: {  	_ =	swait.ge [sflag:s12], $0x1400  }
0x89: {  	[sflag:s12] =	ssyncset.done $0x0  }
0x8a: {  	[sflag:s12] =	ssyncadd.s32 $0xFFFFEC00  }
0x8b: {  	_ =	swait.ge [sflag:s25], $0x1400  }
0x8c: {  	[sflag:s25] =	ssyncset.done $0x0  }
0x8d: {  	[sflag:s25] =	ssyncadd.s32 $0xFFFFEC00  }
0x8e: {  	[spmem:s2] =	stream.indirect.scatter.add.f32 [tilespmem:s18], [sflag:$0x6], $0x40, s31, s14, $0xb8;
	[tilespmem:$0x1F220] =	vst v63  }
0x8f: {  	_ =	swait.ge [sflag:s12], $0x1400  }
0x90: {  	[sflag:s12] =	ssyncset.done $0x0  }
0x91: {  	[sflag:s12] =	ssyncadd.s32 $0xFFFFEC00  }
0x92: {  	_ =	swait.ge [sflag:s26], $0x1400  }
0x93: {  	[sflag:s26] =	ssyncset.done $0x0  }
0x94: {  	[sflag:s26] =	ssyncadd.s32 $0xFFFFEC00  }
0x95: {  	[spmem:s2] =	stream.indirect.scatter.add.f32 [tilespmem:s20], [sflag:$0x6], $0x40, s0, s14, $0xb8;
	[tilespmem:$0x1F220] =	vst v63  }
0x96: {  	_ =	swait.ge [sflag:s12], $0x1400  }
0x97: {  	[sflag:s12] =	ssyncset.done $0x0  }
0x98: {  	[sflag:s12] =	ssyncadd.s32 $0xFFFFEC00  }
0x99: {  	_ =	swait.ge [sflag:s28], $0x1400  }
0x9a: {  	[sflag:s28] =	ssyncset.done $0x0  }
0x9b: {  	[sflag:s28] =	ssyncadd.s32 $0xFFFFEC00  }
0x9c: {  	[spmem:s2] =	stream.indirect.scatter.add.f32 [tilespmem:s22], [sflag:$0x6], $0x40, s1, s14, $0xb8;
	[tilespmem:$0x1F220] =	vst v63  }
0x9d: {  	_ =	swait.ge [sflag:s12], $0x1400  }
0x9e: {  	[sflag:s12] =	ssyncset.done $0x0  }
0x9f: {  	[sflag:s12] =	ssyncadd.s32 $0xFFFFEC00  }
0xa0: {  	[bflag:$0x0] =	sbarrier.arrive $0xFFFF  }
0xa1: {  	[tilespmem:s11], [sflag:$0x6] =	stream.linear.gather [spmem:s6], $0xA000, $0x38;
	[tilespmem:$0x1F220] =	vst v63  }
0xa2: {  	s13 =	sadd.s32 $0x1, s13;
	_ =	swait.ge [sflag:s12], $0xA000  }
0xa3: {  	p0 =	sne.s32 s13, s10;
	[sflag:s12] =	ssyncset.done $0x0  }
.Ltmp1:
0xa4: {  	[sflag:s12] =	ssyncadd.s32 $0xFFFF6000;
	(pc) =	sbr.rel @p0 .LBB2_1-.Ltmp1, $4  }
0xa5: {  	[hbm4b:s9+s3] =	stream.linear.scatter [tilespmem:s11], [sflag:$0x6], $0xA000, $0x38;
	[tilespmem:$0x1F220] =	vst v63  }
0xa6: {  	_ =	swait.ge [sflag:s12], $0xA000  }
0xa7: {  	[sflag:s12] =	ssyncset.done $0x0  }
0xa8: {  	[sflag:s12] =	ssyncadd.s32 $0xFFFF6000  }
0xa9: {  	_ =	sfence.sel $0x180000  }
0xaa: {  	[bflag:$0x0] =	sbarrier.arrive $0xFFFF  }
0xab: {  	_ =	strace $0x9000004D  }
0xac: {  	s0 =	stileid.u32;
	[bflag:$0x2] =	sbarrier.arrive $0xFFFF  }
0xad: {  	p0 =	sne.s32 s0, $0x0;
	s0 =	rddreg [dreg:$0x3]  }
0xae: {  	s0 =	sadd.s32 @!p0 $0x100000, s0  }
0xaf: {  	[sflag:s0] =	ssyncadd.tile.s32 @!p0 $0x1;
	_ =	shalt  }
.Lfunc_end2:
_tile_overlayer_lowered:
.L_overlay_start_2:
0xb0: {  	(tag) =	ssettag $0x2  }
0xb1: {  	s0 =	rddreg [dreg:$0x0];
	s2 =	stileid.u32  }
0xb2: {  	s1 =	rddreg [dreg:$0x1];
	p0 =	sne.s32 s2, $0x0  }
0xb3: {  	s3 =	rddreg [dreg:$0x2];
	[bflag:$0x3] =	sbarrier.arrive $0xFFFF;
	s2 =	simm.s32 @!p0 $0x1C06  }
0xb4: {  	[timem:s3], [sflag:s2] =	dma.local @!p0 [hbm:s0], s1  }
0xb5: {  	s0 =	simm.s32 @!p0 $0x6  }
0xb6: {  	_ =	swait.ge @!p0 [sflag:s0], s1  }
0xb7: {  	s1 =	ssub.s32 @!p0 $0x0, s1;
	[sflag:s0] =	ssyncset.done @!p0 $0x0  }
0xb8: {  	[sflag:s0] =	ssyncadd.s32 @!p0 s1  }
0xb9: {  	[bflag:$0x3] =	sbarrier.arrive $0xFFFF  }
0xba: {  	_ =	shalt  }

// kernel: kernel.22.cloned.1.call-start
scs
__scs_entry_jumppad:
0x0: {  	(pc) =	sbr.rel $0x88, $3  }
0x1: {  	(tag) =	ssettag $0x0;
	lr =	simm.s32 $0x1  }
0x2: {  	[smem:$0x3F95] =	sst lr;
	_ =	strace $0xD0000000  }
0x3: {  	_ = 	snop  }
0x4: {  	_ = 	snop  }
0x5: {  	_ = 	snop  }
0x6: {  	_ = 	snop  }
0x7: {  	_ = 	snop  }
__scs_overlays_trampoline_lowered:
0x8: {  	[smem:$0x3FA4] =	sst s0  }
0x9: {  	[smem:$0x3FA5] =	sst s1  }
0xa: {  	[smem:$0x3FA6] =	sst s2  }
0xb: {  	[smem:$0x3FA7] =	sst s3  }
0xc: {  	[smem:$0x3FA8] =	sst s4  }
0xd: {  	[smem:$0x3FA9] =	sst s5  }
0xe: {  	[smem:$0x3FAA] =	sst s6  }
0xf: {  	[smem:$0x3FAB] =	sst s7  }
0x10: {  	[smem:$0x3FAC] =	sst s8  }
0x11: {  	[smem:$0x3FAD] =	sst s9;
	s0 =	simm.s32 @!p0 $0x0  }
0x12: {  	s1 =	sld [smem:$0x3F93];
	s0 =	simm.s32 @p0 $0x1  }
0x13: {  	[smem:$0x3FAE] =	sst s0;
	s0 =	simm.s32 @!p1 $0x0  }
0x14: {  	s2 =	sld [smem:$0x3F92];
	s0 =	simm.s32 @p1 $0x1  }
0x15: {  	[smem:$0x3FAF] =	sst s0;
	s0 =	simm.s32 @!p2 $0x0  }
0x16: {  	s3 =	sld [smem:$0x3FDB];
	s0 =	simm.s32 @p2 $0x1  }
0x17: {  	s4 =	simm.s32 $0x1BF5;
	[smem:$0x3FB1] =	sst s0  }
0x18: {  	s0 =	sld [smem:$0x3F94];
	_ =	swait.ge [sflag:s4], $0x0  }
0x19: {  	s7 =	sld [smem:$0x3F95]  }
0x1a: {  	s8 =	sadd.s32 $0xFFFFE003, lr  }
0x1b: {  	s9 =	sadd.s32 $0xFFFFFEF7, lr;
	s5 =	simm.s32 $0xFFFFFFFF;
	p2 =	slt.u32 s8, $0xFFFFF086  }
0x1c: {  	p1 =	slt.u32 s9, $0xF7A;
	s5 =	simm.s32 @!p2 $0x0  }
0x1d: {  	s5 =	simm.s32 @p1 $0x1;
	p0 =	seq.s32 s7, s2  }
0x1e: {  	s7 =	smul.u32 @!p0 $0xF7A, s2;
	p2 =	seq.s32 @!p0 s5, $0x0  }
0x1f: {  	s9 =	smul.u32 $0xF7A, s1;
	s8 =	simm.s32 @!p0 $0x1BF5;
	p2 =	por !p2, p0  }
0x20: {  	[sflag:s8] =	ssyncset.s32 @!p0 $0xFFFFF086;
	s6 =	sadd.s32 @!p0 s3, s7;
	s7 =	simm.s32 @!p0 $0x108  }
0x21: {  	s3 =	sadd.s32 s3, s9;
	s6 =	sadd.s32 @!p0 $0x88, s6;
	s7 =	simm.s32 @p2 $0x1082  }
0x22: {  	[simem:s7], [sflag:s8] =	dma.local @!p0 [hbm:s6], $0xF7A  }
0x23: {  	s9 =	sor.u32 $0xD0000000, s2;
	s6 =	simm.s32 $0x108;
	_ =	swait.ge @!p0 [sflag:s8], $0x0  }
0x24: {  	s3 =	sadd.s32 $0x88, s3;
	s6 =	simm.s32 @!p1 $0x1082;
	[sflag:s4] =	ssyncset.s32 $0xFFFFF086  }
0x25: {  	[simem:s6], [sflag:s4] =	dma.local [hbm:s3], $0xF7A  }
0x26: {  	[smem:$0x3F95] =	sst s1;
	(tag) =	ssettag s2;
	_ =	strace s9  }
0x27: {  	s1 =	sld [smem:$0x3FA5]  }
0x28: {  	s2 =	sld [smem:$0x3FA6]  }
0x29: {  	s4 =	sld [smem:$0x3FA8]  }
0x2a: {  	p0 =	seq.s32 s5, $0x0;
	s5 =	sld [smem:$0x3FA9]  }
0x2b: {  	s6 =	sld [smem:$0x3FAA]  }
0x2c: {  	s7 =	sld [smem:$0x3FAB]  }
0x2d: {  	s3 =	simm.s32 $0x108;
	s8 =	sld [smem:$0x3FAC]  }
0x2e: {  	s3 =	simm.s32 @!p0 $0x1082;
	s9 =	sld [smem:$0x3FAD]  }
0x2f: {  	lr =	sadd.s32 s0, s3;
	s0 =	sld [smem:$0x3FA4]  }
0x30: {  	s3 =	sld [smem:$0x3FA7]  }
0x31: {  	[smem:$0x3FB0] =	sst s10  }
0x32: {  	s10 =	sld [smem:$0x3FAE];
	_ =	sdelay $0x3  }
0x33: {  	p0 =	seq.s32 s10, $0x1;
	s10 =	sld [smem:$0x3FB0];
	_ =	sdelay $0x3  }
0x34: {  	[smem:$0x3FB0] =	sst s10  }
0x35: {  	s10 =	sld [smem:$0x3FAF];
	_ =	sdelay $0x3  }
0x36: {  	p1 =	seq.s32 s10, $0x1;
	s10 =	sld [smem:$0x3FB0];
	_ =	sdelay $0x3  }
0x37: {  	[smem:$0x3FB0] =	sst s10  }
0x38: {  	s10 =	sld [smem:$0x3FB1]  }
0x39: {  	_ = 	snop;
	(pc) =	sbr.ind lr, $3  }
0x3a: {  	_ = 	snop  }
0x3b: {  	_ = 	snop  }
0x3c: {  	p2 =	seq.s32 s10, $0x1;
	s10 =	sld [smem:$0x3FB0]  }
0x3d: {  	_ =	shalt  }
0x3e: {  	_ =	shalt  }
0x3f: {  	_ =	shalt  }
0x40: {  	_ =	shalt  }
0x41: {  	_ =	shalt  }
0x42: {  	_ =	shalt  }
0x43: {  	_ =	shalt  }
0x44: {  	_ =	shalt  }
0x45: {  	_ =	shalt  }
0x46: {  	_ =	shalt  }
0x47: {  	_ =	shalt  }
0x48: {  	_ =	shalt  }
0x49: {  	_ =	shalt  }
0x4a: {  	_ =	shalt  }
0x4b: {  	_ =	shalt  }
0x4c: {  	_ =	shalt  }
0x4d: {  	_ =	shalt  }
0x4e: {  	_ =	shalt  }
0x4f: {  	_ =	shalt  }
0x50: {  	_ =	shalt  }
0x51: {  	_ =	shalt  }
0x52: {  	_ =	shalt  }
0x53: {  	_ =	shalt  }
0x54: {  	_ =	shalt  }
0x55: {  	_ =	shalt  }
0x56: {  	_ =	shalt  }
0x57: {  	_ =	shalt  }
0x58: {  	_ =	shalt  }
0x59: {  	_ =	shalt  }
0x5a: {  	_ =	shalt  }
0x5b: {  	_ =	shalt  }
0x5c: {  	_ =	shalt  }
0x5d: {  	_ =	shalt  }
0x5e: {  	_ =	shalt  }
0x5f: {  	_ =	shalt  }
0x60: {  	_ =	shalt  }
0x61: {  	_ =	shalt  }
0x62: {  	_ =	shalt  }
0x63: {  	_ =	shalt  }
0x64: {  	_ =	shalt  }
0x65: {  	_ =	shalt  }
0x66: {  	_ =	shalt  }
0x67: {  	_ =	shalt  }
0x68: {  	_ =	shalt  }
0x69: {  	_ =	shalt  }
0x6a: {  	_ =	shalt  }
0x6b: {  	_ =	shalt  }
0x6c: {  	_ =	shalt  }
0x6d: {  	_ =	shalt  }
0x6e: {  	_ =	shalt  }
0x6f: {  	_ =	shalt  }
0x70: {  	_ =	shalt  }
0x71: {  	_ =	shalt  }
0x72: {  	_ =	shalt  }
0x73: {  	_ =	shalt  }
0x74: {  	_ =	shalt  }
0x75: {  	_ =	shalt  }
0x76: {  	_ =	shalt  }
0x77: {  	_ =	shalt  }
0x78: {  	_ =	shalt  }
0x79: {  	_ =	shalt  }
0x7a: {  	_ =	shalt  }
0x7b: {  	_ =	shalt  }
0x7c: {  	_ =	shalt  }
0x7d: {  	_ =	shalt  }
0x7e: {  	_ =	shalt  }
0x7f: {  	_ =	shalt  }
0x80: {  	_ =	shalt  }
0x81: {  	_ =	shalt  }
0x82: {  	_ =	shalt  }
0x83: {  	_ =	shalt  }
0x84: {  	_ =	shalt  }
0x85: {  	_ =	shalt  }
0x86: {  	_ =	shalt  }
0x87: {  	_ =	shalt  }
.Lfunc_end0:
.L_simem_size_0:
called_computation.3_lowered:
.L_overlay_start_0:
0x88: {  	s2 =	sld [smem:$0x3FD9]  }
0x89: {  	s3 =	sld [smem:$0x3FFE];
	_ =	sdelay $0x1  }
0x8a: {  	s1 =	srdreg.scid  }
0x8b: {  	s0 =	sand.u32 $0x1, s1  }
0x8c: {  	s14 =	sshll.u32 s0, $0xA;
	s2 =	sadd.s32 s3, s2  }
0x8d: {  	s2 =	sadd.s32 s2, s14  }
0x8e: {  	[smem:$0x3FBC] =	sst s2  }
0x8f: {  	_ = 	snop  }
0x90: {  	s2 =	sld [smem:$0x3FD0];
	_ =	sdelay $0x2  }
0x91: {  	s15 =	simm.s32 $0xA;
	s4 =	simm.s32 $0x10  }
0x92: {  	[smem:s4], [sflag:s15] =	dma.local [hbm:s2], $0x1  }
0x93: {  	_ =	swait.eq [sflag:s15], $0x1  }
0x94: {  	[sflag:s15] =	ssyncset.done $0x0  }
0x95: {  	[sflag:s15] =	ssyncadd.s32 $0xFFFFFFFF  }
0x96: {  	s16 =	sld [smem:$0x11];
	(tm) =	ssettm $0x1  }
0x97: {  	s17 =	sld [smem:$0x3FFB];
	_ =	sdelay $0x3  }
0x98: {  	_ =	strace s17  }
0x99: {  	s3 =	sld [smem:$0x3FFC];
	_ =	sdelay $0x3  }
0x9a: {  	_ =	strace s3  }
0x9b: {  	s3 =	sld [smem:$0x3FFD];
	_ =	sdelay $0x3  }
0x9c: {  	_ =	strace s3  }
0x9d: {  	_ =	strace $0x8FFFFFFF  }
0x9e: {  	s18 =	sld [smem:$0x3FDB];
	_ =	sdelay $0x1  }
0x9f: {  	s19 =	simm.s32 $_scs_section_size  }
0xa0: {  	s5 =	simm.s32 $_size__tile_overlayer_lowered;
	s6 =	simm.s32 $_tile_overlayer_lowered  }
0xa1: {  	s22 =	simm.s32 $0x1BFF;
	s21 =	sshll.u32 s6, $0x1;
	s3 =	sadd.s32 s19, s18  }
0xa2: {  	s7 =	simm.s32 $0x0;
	s20 =	sshll.u32 s5, $0x1;
	s5 =	sadd.s32 s21, s3  }
0xa3: {  	[timem:s7], [sflag:s22] =	dma.local [hbm:s5], s20  }
0xa4: {  	_ =	swait.ge [sflag:s22], s20  }
0xa5: {  	s4 =	ssub.s32 $0x0, s20;
	[sflag:s22] =	ssyncset.done $0x0  }
0xa6: {  	[sflag:s22] =	ssyncadd.s32 s4;
	_ =	sdelay $0x1  }
0xa7: {  	s23 =	simm.s32 $0x1B8B  }
0xa8: {  	_ =	swait.ge [sflag:s23], $0x1  }
0xa9: {  	[sflag:s23] =	ssyncset.done $0x0  }
0xaa: {  	s25 =	simm.s32 $0x1B8E;
	s24 =	sld [smem:$0x3FFE];
	[sflag:s23] =	ssyncadd.s32 $0xFFFFFFFF  }
0xab: {  	s26 =	simm.s32 $execute0_lowered;
	[smem:$0x3FD2] =	sst s25  }
0xac: {  	s5 =	sshll.u32 s26, $0x1;
	_ =	strace $0x8000004F;
	[dreg:$0x1] =	wrdreg $0xFFFFFFFF  }
0xad: {  	s28 =	simm.s32 $_size_execute0_lowered;
	s3 =	sadd.s32 s3, s5;
	[dreg:$0x0] =	wrdreg $0x0  }
0xae: {  	s5 =	sshll.u32 s28, $0x1;
	[dreg:$0x2] =	wrdreg s3  }
0xaf: {  	[dreg:$0x3] =	wrdreg s5  }
0xb0: {  	[dreg:$0x4] =	wrdreg $0xC0  }
0xb1: {  	_ =	task [dreg:s7], $0x5FFFF  }
0xb2: {  	[dreg:$0x1] =	wrdreg $0xFFFFFFFF  }
0xb3: {  	[dreg:$0x0] =	wrdreg $0x60  }
0xb4: {  	[dreg:$0x2] =	wrdreg s24  }
0xb5: {  	[dreg:$0x3] =	wrdreg s16  }
0xb6: {  	[dreg:$0x4] =	wrdreg $0xEE200  }
0xb7: {  	[dreg:$0x5] =	wrdreg $0x9  }
0xb8: {  	_ =	task.clear_ibuf [dreg:s7], $0x6FFFF;
	_ =	strace $0x9000004F  }
0xb9: {  	s29 =	simm.s32 $0x9;
	_ =	strace $0x80000051  }
0xba: {  	_ =	swait.ge [sflag:s29], $0x1  }
0xbb: {  	[sflag:s29] =	ssyncadd.s32 $0xFFFFFFFF  }
0xbc: {  	_ =	strace $0x90000051  }
0xbd: {  	_ =	sfence  }
0xbe: {  	s30 =	sld [smem:$0x0];
	_ =	sdelay $0x2  }
0xbf: {  	s31 =	sshll.u32 s1, $0xD;
	s1 =	sshrl.u32 s1, $0x2  }
0xc0: {  	s3 =	sand.u32 $0x4000, s31;
	s1 =	sadd.s32 s1, s30  }
0xc1: {  	s0 =	sor.u32 s3, s0;
	s1 =	sshll.u32 s1, $0x11  }
0xc2: {  	s0 =	sor.u32 s1, s0  }
0xc3: {  	s0 =	sadd.s32 $0x8F2B, s0  }
0xc4: {  	[sflag:s0] =	ssyncadd.remote.s32 $0x1  }
0xc5: {  	_ =	sfence.sel $0xFFFF  }
0xc6: {  	[dreg:$0x0] =	wrdreg $0xFFFFFFFF;
	(pc) =	sbr.abs _section_cstart, $3  }
0xc7: {  	[dreg:$0x1] =	wrdreg $0xFFFFFFFF  }
0xc8: {  	_ =	task.clear_ibuf [dreg:s7], $0x2FFFF;
	_ =	strace $0x9FFFFFFF  }
0xc9: {  	(tm) =	ssettm $0x7FFFFFFF  }
tec
execute0_lowered:
.L_overlay_start_1:
0x0: {  	(tag) =	ssettag $0x1  }
0x1: {  	s0 =	rddreg [dreg:$0x0]  }
0x2: {  	s1 =	srdreg.scid;
	s9 =	rddreg [dreg:$0x1]  }
0x3: {  	s2 =	rddreg [dreg:$0x2];
	s8 =	stileid.u32;
	s3 =	simm.s32 $0x0  }
0x4: {  	s14 =	simm.s32 $0x50;
	s15 =	simm.s32 $0x18E20;
	s16 =	simm.s32 $0x1A220  }
0x5: {  	s18 =	simm.s32 $0x1B620;
	s20 =	simm.s32 $0x1CA20;
	s22 =	simm.s32 $0x1DE20  }
0x6: {  	s23 =	simm.s32 $0x1;
	s24 =	simm.s32 $0x2;
	s28 =	simm.s32 $0x5  }
0x7: {  	s29 =	simm.s32 $0x4C90;
	s30 =	simm.s32 $0x4CE0;
	s31 =	simm.s32 $0x4D30  }
0x8: {  	s13 =	simm.s32 $0x0;
	s1 =	sand.u32 $0x1, s1;
	[smem:$0x7FF] =	sst s3  }
0x9: {  	s6 =	smul.u32 $0xA000, s8;
	s4 =	sshll.u32 s1, $0x4;
	_ =	strace $0x80000050  }
0xa: {  	s7 =	ssub.s32 $0x2, s1;
	s1 =	smul.u32 $0x14000, s1;
	s4 =	sor.u32 s8, s4  }
0xb: {  	s8 =	smul.u32 $0x1400, s8;
	s10 =	sshrl.u32 s6, $0x3;
	s11 =	sshrl.u32 s7, $0x1  }
0xc: {  	s6 =	sadd.s32 s6, s2;
	s5 =	smul.u32 $0x4E2, s4;
	s4 =	sadd.s32 $0x17E00, s0  }
0xd: {  	s25 =	ssub.s32 s7, s11;
	s11 =	simm.s32 $0x4E20;
	s26 =	sadd.s32 s8, s1  }
0xe: {  	s1 =	simm.s32 $0x4DD0;
	s12 =	sadd.s32 s5, s0;
	s0 =	sadd.s32 s10, s0  }
0xf: {  	s9 =	sadd.s32 s9, s26;
	s10 =	smax.u32 s25, $0x1;
	s25 =	simm.s32 $0x3  }
0x10: {  	s26 =	simm.s32 $0x4;
	s5 =	sadd.s32 $0x2B800, s0;
	s7 =	sadd.s32 $0x4200, s12  }
0x11: {  	s8 =	sadd.s32 $0xE000, s12;
	s12 =	simm.s32 $0x6;
	s0 =	simm.s32 $0x4D80  }
.LBB2_1:
0x12: {  	[tilespmem:s11], [sflag:$0x6] =	stream.linear.gather [hbm4b:s5+s3], $0xA000, $0x38;
	[tilespmem:$0x1F220] =	vst v63  }
0x13: {  	_ =	swait.ge [sflag:s12], $0xA000  }
0x14: {  	[sflag:s12] =	ssyncset.done $0x0  }
0x15: {  	[sflag:s12] =	ssyncadd.s32 $0xFFFF6000  }
0x16: {  	[spmem:s6] =	stream.linear.scatter [tilespmem:s11], [sflag:$0x6], $0xA000, $0x38;
	[tilespmem:$0x1F220] =	vst v63  }
0x17: {  	_ =	swait.ge [sflag:s12], $0xA000  }
0x18: {  	[sflag:s12] =	ssyncset.done $0x0  }
0x19: {  	[sflag:s12] =	ssyncadd.s32 $0xFFFF6000  }
0x1a: {  	[tilespmem:s3], [sflag:$0x6] =	stream.linear.gather [hbm4b:s7+s3], $0x2710, $0x38;
	[tilespmem:$0x1F220] =	vst v63  }
0x1b: {  	_ =	swait.ge [sflag:s12], $0x2710  }
0x1c: {  	[sflag:s12] =	ssyncset.done $0x0  }
0x1d: {  	s17 =	simm.s32 $0x2710;
	[sflag:s12] =	ssyncadd.s32 $0xFFFFD8F0  }
0x1e: {  	[tilespmem:s17], [sflag:$0x6] =	stream.linear.gather [hbm4b:s8+s3], $0x2710, $0x38;
	[tilespmem:$0x1F220] =	vst v63  }
0x1f: {  	_ =	swait.ge [sflag:s12], $0x2710  }
0x20: {  	[sflag:s12] =	ssyncset.done $0x0  }
0x21: {  	[sflag:s12] =	ssyncadd.s32 $0xFFFFD8F0  }
0x22: {  	[bflag:$0x0] =	sbarrier.arrive $0xFFFF  }
0x23: {  	[tilespmem:s15], [sflag:$0x1] =	stream.indirect.gather [hbm4b:s4+s14], $0x40, s3, s14, $0xb8;
	[tilespmem:$0x1F220] =	vst v63  }
0x24: {  	_ = 	snop  }
0x25: {  	[tilespmem:s16], [sflag:$0x2] =	stream.indirect.gather [hbm4b:s4+s14], $0x40, s14, s14, $0xb8;
	[tilespmem:$0x1F220] =	vst v63  }
0x26: {  	s19 =	simm.s32 $0xA0  }
0x27: {  	[tilespmem:s18], [sflag:$0x3] =	stream.indirect.gather [hbm4b:s4+s14], $0x40, s19, s14, $0xb8;
	[tilespmem:$0x1F220] =	vst v63  }
0x28: {  	s21 =	simm.s32 $0xF0  }
0x29: {  	[tilespmem:s20], [sflag:$0x4] =	stream.indirect.gather [hbm4b:s4+s14], $0x40, s21, s14, $0xb8;
	[tilespmem:$0x1F220] =	vst v63  }
0x2a: {  	s19 =	simm.s32 $0x140  }
0x2b: {  	[tilespmem:s22], [sflag:$0x5] =	stream.indirect.gather [hbm4b:s4+s14], $0x40, s19, s14, $0xb8;
	[tilespmem:$0x1F220] =	vst v63  }
0x2c: {  	_ =	swait.ge [sflag:s23], $0x1400  }
0x2d: {  	[sflag:s23] =	ssyncset.done $0x0  }
0x2e: {  	s21 =	simm.s32 $0x2710;
	[sflag:s23] =	ssyncadd.s32 $0xFFFFEC00  }
0x2f: {  	[spmem:s2] =	stream.indirect.scatter.add.f32 [tilespmem:s15], [sflag:$0x6], $0x40, s21, s14, $0xb8;
	[tilespmem:$0x1F220] =	vst v63  }
0x30: {  	_ =	swait.ge [sflag:s12], $0x1400  }
0x31: {  	[sflag:s12] =	ssyncset.done $0x0  }
0x32: {  	s19 =	simm.s32 $0x190;
	[sflag:s12] =	ssyncadd.s32 $0xFFFFEC00  }
0x33: {  	[tilespmem:s15], [sflag:$0x1] =	stream.indirect.gather [hbm4b:s4+s14], $0x40, s19, s14, $0xb8;
	[tilespmem:$0x1F220] =	vst v63  }
0x34: {  	_ =	swait.ge [sflag:s24], $0x1400  }
0x35: {  	[sflag:s24] =	ssyncset.done $0x0  }
0x36: {  	s21 =	simm.s32 $0x2760;
	[sflag:s24] =	ssyncadd.s32 $0xFFFFEC00  }
0x37: {  	[spmem:s2] =	stream.indirect.scatter.add.f32 [tilespmem:s16], [sflag:$0x6], $0x40, s21, s14, $0xb8;
	[tilespmem:$0x1F220] =	vst v63  }
0x38: {  	_ =	swait.ge [sflag:s12], $0x1400  }
0x39: {  	[sflag:s12] =	ssyncset.done $0x0  }
0x3a: {  	s19 =	simm.s32 $0x1E0;
	[sflag:s12] =	ssyncadd.s32 $0xFFFFEC00  }
0x3b: {  	[tilespmem:s16], [sflag:$0x2] =	stream.indirect.gather [hbm4b:s4+s14], $0x40, s19, s14, $0xb8;
	[tilespmem:$0x1F220] =	vst v63  }
0x3c: {  	_ =	swait.ge [sflag:s25], $0x1400  }
0x3d: {  	[sflag:s25] =	ssyncset.done $0x0  }
0x3e: {  	s21 =	simm.s32 $0x27B0;
	[sflag:s25] =	ssyncadd.s32 $0xFFFFEC00  }
0x3f: {  	[spmem:s2] =	stream.indirect.scatter.add.f32 [tilespmem:s18], [sflag:$0x6], $0x40, s21, s14, $0xb8;
	[tilespmem:$0x1F220] =	vst v63  }
0x40: {  	_ =	swait.ge [sflag:s12], $0x1400  }
0x41: {  	[sflag:s12] =	ssyncset.done $0x0  }
0x42: {  	s19 =	simm.s32 $0x230;
	[sflag:s12] =	ssyncadd.s32 $0xFFFFEC00  }
0x43: {  	[tilespmem:s18], [sflag:$0x3] =	stream.indirect.gather [hbm4b:s4+s14], $0x40, s19, s14, $0xb8;
	[tilespmem:$0x1F220] =	vst v63  }
0x44: {  	_ =	swait.ge [sflag:s26], $0x1400  }
0x45: {  	[sflag:s26] =	ssyncset.done $0x0  }
0x46: {  	s21 =	simm.s32 $0x2800;
	[sflag:s26] =	ssyncadd.s32 $0xFFFFEC00  }
0x47: {  	[spmem:s2] =	stream.indirect.scatter.add.f32 [tilespmem:s20], [sflag:$0x6], $0x40, s21, s14, $0xb8;
	[tilespmem:$0x1F220] =	vst v63  }
0x48: {  	_ =	swait.ge [sflag:s12], $0x1400  }
0x49: {  	[sflag:s12] =	ssyncset.done $0x0  }
0x4a: {  	s19 =	simm.s32 $0x280;
	[sflag:s12] =	ssyncadd.s32 $0xFFFFEC00  }
0x4b: {  	[tilespmem:s20], [sflag:$0x4] =	stream.indirect.gather [hbm4b:s4+s14], $0x40, s19, s14, $0xb8;
	[tilespmem:$0x1F220] =	vst v63  }
0x4c: {  	_ =	swait.ge [sflag:s28], $0x1400  }
0x4d: {  	[sflag:s28] =	ssyncset.done $0x0  }
0x4e: {  	s21 =	simm.s32 $0x2850;
	[sflag:s28] =	ssyncadd.s32 $0xFFFFEC00  }
0x4f: {  	[spmem:s2] =	stream.indirect.scatter.add.f32 [tilespmem:s22], [sflag:$0x6], $0x40, s21, s14, $0xb8;
	[tilespmem:$0x1F220] =	vst v63  }
0x50: {  	_ =	swait.ge [sflag:s12], $0x1400  }
0x51: {  	[sflag:s12] =	ssyncset.done $0x0  }
0x52: {  	s17 =	simm.s32 $0x640;
	s19 =	simm.s32 $0x2D0;
	[sflag:s12] =	ssyncadd.s32 $0xFFFFEC00  }
.LBB2_2:
0x53: {  	[tilespmem:s22], [sflag:$0x5] =	stream.indirect.gather [hbm4b:s4+s14], $0x40, s19, s14, $0xb8;
	[tilespmem:$0x1F220] =	vst v63  }
0x54: {  	s19 =	smov.u32 s17  }
0x55: {  	p0 =	sne.s32 s17, $0x8FC0;
	s17 =	sadd.s32 $0x640, s17;
	_ =	swait.ge [sflag:s23], $0x1400  }
0x56: {  	s19 =	sshra.s32 s19, $0x2;
	[sflag:s23] =	ssyncset.done $0x0  }
0x57: {  	s21 =	sadd.s32 $0x2710, s19;
	[sflag:s23] =	ssyncadd.s32 $0xFFFFEC00  }
0x58: {  	[spmem:s2] =	stream.indirect.scatter.add.f32 [tilespmem:s15], [sflag:$0x6], $0x40, s21, s14, $0xb8;
	[tilespmem:$0x1F220] =	vst v63  }
0x59: {  	_ =	swait.ge [sflag:s12], $0x1400  }
0x5a: {  	[sflag:s12] =	ssyncset.done $0x0  }
0x5b: {  	s21 =	sadd.s32 $0x190, s19;
	[sflag:s12] =	ssyncadd.s32 $0xFFFFEC00  }
0x5c: {  	[tilespmem:s15], [sflag:$0x1] =	stream.indirect.gather [hbm4b:s4+s14], $0x40, s21, s14, $0xb8;
	[tilespmem:$0x1F220] =	vst v63  }
0x5d: {  	_ =	swait.ge [sflag:s24], $0x1400  }
0x5e: {  	[sflag:s24] =	ssyncset.done $0x0  }
0x5f: {  	s21 =	sadd.s32 $0x2760, s19;
	[sflag:s24] =	ssyncadd.s32 $0xFFFFEC00  }
0x60: {  	[spmem:s2] =	stream.indirect.scatter.add.f32 [tilespmem:s16], [sflag:$0x6], $0x40, s21, s14, $0xb8;
	[tilespmem:$0x1F220] =	vst v63  }
0x61: {  	_ =	swait.ge [sflag:s12], $0x1400  }
0x62: {  	[sflag:s12] =	ssyncset.done $0x0  }
0x63: {  	s21 =	sadd.s32 $0x1E0, s19;
	[sflag:s12] =	ssyncadd.s32 $0xFFFFEC00  }
0x64: {  	[tilespmem:s16], [sflag:$0x2] =	stream.indirect.gather [hbm4b:s4+s14], $0x40, s21, s14, $0xb8;
	[tilespmem:$0x1F220] =	vst v63  }
0x65: {  	_ =	swait.ge [sflag:s25], $0x1400  }
0x66: {  	[sflag:s25] =	ssyncset.done $0x0  }
0x67: {  	s21 =	sadd.s32 $0x27B0, s19;
	[sflag:s25] =	ssyncadd.s32 $0xFFFFEC00  }
0x68: {  	[spmem:s2] =	stream.indirect.scatter.add.f32 [tilespmem:s18], [sflag:$0x6], $0x40, s21, s14, $0xb8;
	[tilespmem:$0x1F220] =	vst v63  }
0x69: {  	_ =	swait.ge [sflag:s12], $0x1400  }
0x6a: {  	[sflag:s12] =	ssyncset.done $0x0  }
0x6b: {  	s21 =	sadd.s32 $0x230, s19;
	[sflag:s12] =	ssyncadd.s32 $0xFFFFEC00  }
0x6c: {  	[tilespmem:s18], [sflag:$0x3] =	stream.indirect.gather [hbm4b:s4+s14], $0x40, s21, s14, $0xb8;
	[tilespmem:$0x1F220] =	vst v63  }
0x6d: {  	_ =	swait.ge [sflag:s26], $0x1400  }
0x6e: {  	[sflag:s26] =	ssyncset.done $0x0  }
0x6f: {  	s21 =	sadd.s32 $0x2800, s19;
	[sflag:s26] =	ssyncadd.s32 $0xFFFFEC00  }
0x70: {  	[spmem:s2] =	stream.indirect.scatter.add.f32 [tilespmem:s20], [sflag:$0x6], $0x40, s21, s14, $0xb8;
	[tilespmem:$0x1F220] =	vst v63  }
0x71: {  	_ =	swait.ge [sflag:s12], $0x1400  }
0x72: {  	[sflag:s12] =	ssyncset.done $0x0  }
0x73: {  	s21 =	sadd.s32 $0x280, s19;
	[sflag:s12] =	ssyncadd.s32 $0xFFFFEC00  }
0x74: {  	[tilespmem:s20], [sflag:$0x4] =	stream.indirect.gather [hbm4b:s4+s14], $0x40, s21, s14, $0xb8;
	[tilespmem:$0x1F220] =	vst v63  }
0x75: {  	_ =	swait.ge [sflag:s28], $0x1400  }
0x76: {  	[sflag:s28] =	ssyncset.done $0x0  }
.Ltmp0:
0x77: {  	s21 =	sadd.s32 $0x2850, s19;
	[sflag:s28] =	ssyncadd.s32 $0xFFFFEC00;
	(pc) =	sbr.rel @p0 .LBB2_2-.Ltmp0, $4  }
0x78: {  	[spmem:s2] =	stream.indirect.scatter.add.f32 [tilespmem:s22], [sflag:$0x6], $0x40, s21, s14, $0xb8;
	[tilespmem:$0x1F220] =	vst v63  }
0x79: {  	_ =	swait.ge [sflag:s12], $0x1400  }
0x7a: {  	[sflag:s12] =	ssyncset.done $0x0  }
0x7b: {  	s19 =	sadd.s32 $0x2D0, s19;
	[sflag:s12] =	ssyncadd.s32 $0xFFFFEC00  }
0x7c: {  	[tilespmem:s22], [sflag:$0x5] =	stream.indirect.gather [hbm4b:s4+s14], $0x40, s19, s14, $0xb8;
	[tilespmem:$0x1F220] =	vst v63  }
0x7d: {  	_ =	swait.ge [sflag:s23], $0x1400  }
0x7e: {  	[sflag:s23] =	ssyncset.done $0x0  }
0x7f: {  	[sflag:s23] =	ssyncadd.s32 $0xFFFFEC00  }
0x80: {  	[spmem:s2] =	stream.indirect.scatter.add.f32 [tilespmem:s15], [sflag:$0x6], $0x40, s29, s14, $0xb8;
	[tilespmem:$0x1F220] =	vst v63  }
0x81: {  	_ =	swait.ge [sflag:s12], $0x1400  }
0x82: {  	[sflag:s12] =	ssyncset.done $0x0  }
0x83: {  	[sflag:s12] =	ssyncadd.s32 $0xFFFFEC00  }
0x84: {  	_ =	swait.ge [sflag:s24], $0x1400  }
0x85: {  	[sflag:s24] =	ssyncset.done $0x0  }
0x86: {  	[sflag:s24] =	ssyncadd.s32 $0xFFFFEC00  }
0x87: {  	[spmem:s2] =	stream.indirect.scatter.add.f32 [tilespmem:s16], [sflag:$0x6], $0x40, s30, s14, $0xb8;
	[tilespmem:$0x1F220] =	vst v63  }
0x88: {  	_ =	swait.ge [sflag:s12], $0x1400  }
0x89: {  	[sflag:s12] =	ssyncset.done $0x0  }
0x8a: {  	[sflag:s12] =	ssyncadd.s32 $0xFFFFEC00  }
0x8b: {  	_ =	swait.ge [sflag:s25], $0x1400  }
0x8c: {  	[sflag:s25] =	ssyncset.done $0x0  }
0x8d: {  	[sflag:s25] =	ssyncadd.s32 $0xFFFFEC00  }
0x8e: {  	[spmem:s2] =	stream.indirect.scatter.add.f32 [tilespmem:s18], [sflag:$0x6], $0x40, s31, s14, $0xb8;
	[tilespmem:$0x1F220] =	vst v63  }
0x8f: {  	_ =	swait.ge [sflag:s12], $0x1400  }
0x90: {  	[sflag:s12] =	ssyncset.done $0x0  }
0x91: {  	[sflag:s12] =	ssyncadd.s32 $0xFFFFEC00  }
0x92: {  	_ =	swait.ge [sflag:s26], $0x1400  }
0x93: {  	[sflag:s26] =	ssyncset.done $0x0  }
0x94: {  	[sflag:s26] =	ssyncadd.s32 $0xFFFFEC00  }
0x95: {  	[spmem:s2] =	stream.indirect.scatter.add.f32 [tilespmem:s20], [sflag:$0x6], $0x40, s0, s14, $0xb8;
	[tilespmem:$0x1F220] =	vst v63  }
0x96: {  	_ =	swait.ge [sflag:s12], $0x1400  }
0x97: {  	[sflag:s12] =	ssyncset.done $0x0  }
0x98: {  	[sflag:s12] =	ssyncadd.s32 $0xFFFFEC00  }
0x99: {  	_ =	swait.ge [sflag:s28], $0x1400  }
0x9a: {  	[sflag:s28] =	ssyncset.done $0x0  }
0x9b: {  	[sflag:s28] =	ssyncadd.s32 $0xFFFFEC00  }
0x9c: {  	[spmem:s2] =	stream.indirect.scatter.add.f32 [tilespmem:s22], [sflag:$0x6], $0x40, s1, s14, $0xb8;
	[tilespmem:$0x1F220] =	vst v63  }
0x9d: {  	_ =	swait.ge [sflag:s12], $0x1400  }
0x9e: {  	[sflag:s12] =	ssyncset.done $0x0  }
0x9f: {  	[sflag:s12] =	ssyncadd.s32 $0xFFFFEC00  }
0xa0: {  	[bflag:$0x0] =	sbarrier.arrive $0xFFFF  }
0xa1: {  	[tilespmem:s11], [sflag:$0x6] =	stream.linear.gather [spmem:s6], $0xA000, $0x38;
	[tilespmem:$0x1F220] =	vst v63  }
0xa2: {  	s13 =	sadd.s32 $0x1, s13;
	_ =	swait.ge [sflag:s12], $0xA000  }
0xa3: {  	p0 =	sne.s32 s13, s10;
	[sflag:s12] =	ssyncset.done $0x0  }
.Ltmp1:
0xa4: {  	[sflag:s12] =	ssyncadd.s32 $0xFFFF6000;
	(pc) =	sbr.rel @p0 .LBB2_1-.Ltmp1, $4  }
0xa5: {  	[hbm4b:s9+s3] =	stream.linear.scatter [tilespmem:s11], [sflag:$0x6], $0xA000, $0x38;
	[tilespmem:$0x1F220] =	vst v63  }
0xa6: {  	_ =	swait.ge [sflag:s12], $0xA000  }
0xa7: {  	[sflag:s12] =	ssyncset.done $0x0  }
0xa8: {  	[sflag:s12] =	ssyncadd.s32 $0xFFFF6000  }
0xa9: {  	_ =	sfence.sel $0x180000  }
0xaa: {  	[bflag:$0x0] =	sbarrier.arrive $0xFFFF  }
0xab: {  	_ =	strace $0x90000050  }
0xac: {  	s0 =	stileid.u32;
	[bflag:$0x2] =	sbarrier.arrive $0xFFFF  }
0xad: {  	p0 =	sne.s32 s0, $0x0;
	s0 =	rddreg [dreg:$0x3]  }
0xae: {  	s0 =	sadd.s32 @!p0 $0x100000, s0  }
0xaf: {  	[sflag:s0] =	ssyncadd.tile.s32 @!p0 $0x1;
	_ =	shalt  }
.Lfunc_end2:
_tile_overlayer_lowered:
.L_overlay_start_2:
0xb0: {  	(tag) =	ssettag $0x2  }
0xb1: {  	s0 =	rddreg [dreg:$0x0];
	s2 =	stileid.u32  }
0xb2: {  	s1 =	rddreg [dreg:$0x1];
	p0 =	sne.s32 s2, $0x0  }
0xb3: {  	s3 =	rddreg [dreg:$0x2];
	[bflag:$0x3] =	sbarrier.arrive $0xFFFF;
	s2 =	simm.s32 @!p0 $0x1C06  }
0xb4: {  	[timem:s3], [sflag:s2] =	dma.local @!p0 [hbm:s0], s1  }
0xb5: {  	s0 =	simm.s32 @!p0 $0x6  }
0xb6: {  	_ =	swait.ge @!p0 [sflag:s0], s1  }
0xb7: {  	s1 =	ssub.s32 @!p0 $0x0, s1;
	[sflag:s0] =	ssyncset.done @!p0 $0x0  }
0xb8: {  	[sflag:s0] =	ssyncadd.s32 @!p0 s1  }
0xb9: {  	[bflag:$0x3] =	sbarrier.arrive $0xFFFF  }
0xba: {  	_ =	shalt  }

// kernel: kernel.25.cloned.1.call-start
scs
__scs_entry_jumppad:
0x0: {  	(pc) =	sbr.rel $0x88, $3  }
0x1: {  	(tag) =	ssettag $0x0;
	lr =	simm.s32 $0x1  }
0x2: {  	[smem:$0x3F95] =	sst lr;
	_ =	strace $0xD0000000  }
0x3: {  	_ = 	snop  }
0x4: {  	_ = 	snop  }
0x5: {  	_ = 	snop  }
0x6: {  	_ = 	snop  }
0x7: {  	_ = 	snop  }
__scs_overlays_trampoline_lowered:
0x8: {  	[smem:$0x3FA4] =	sst s0  }
0x9: {  	[smem:$0x3FA5] =	sst s1  }
0xa: {  	[smem:$0x3FA6] =	sst s2  }
0xb: {  	[smem:$0x3FA7] =	sst s3  }
0xc: {  	[smem:$0x3FA8] =	sst s4  }
0xd: {  	[smem:$0x3FA9] =	sst s5  }
0xe: {  	[smem:$0x3FAA] =	sst s6  }
0xf: {  	[smem:$0x3FAB] =	sst s7  }
0x10: {  	[smem:$0x3FAC] =	sst s8  }
0x11: {  	[smem:$0x3FAD] =	sst s9;
	s0 =	simm.s32 @!p0 $0x0  }
0x12: {  	s1 =	sld [smem:$0x3F93];
	s0 =	simm.s32 @p0 $0x1  }
0x13: {  	[smem:$0x3FAE] =	sst s0;
	s0 =	simm.s32 @!p1 $0x0  }
0x14: {  	s2 =	sld [smem:$0x3F92];
	s0 =	simm.s32 @p1 $0x1  }
0x15: {  	[smem:$0x3FAF] =	sst s0;
	s0 =	simm.s32 @!p2 $0x0  }
0x16: {  	s3 =	sld [smem:$0x3FDB];
	s0 =	simm.s32 @p2 $0x1  }
0x17: {  	s4 =	simm.s32 $0x1BF5;
	[smem:$0x3FB1] =	sst s0  }
0x18: {  	s0 =	sld [smem:$0x3F94];
	_ =	swait.ge [sflag:s4], $0x0  }
0x19: {  	s7 =	sld [smem:$0x3F95]  }
0x1a: {  	s8 =	sadd.s32 $0xFFFFE003, lr  }
0x1b: {  	s9 =	sadd.s32 $0xFFFFFEF7, lr;
	s5 =	simm.s32 $0xFFFFFFFF;
	p2 =	slt.u32 s8, $0xFFFFF086  }
0x1c: {  	p1 =	slt.u32 s9, $0xF7A;
	s5 =	simm.s32 @!p2 $0x0  }
0x1d: {  	s5 =	simm.s32 @p1 $0x1;
	p0 =	seq.s32 s7, s2  }
0x1e: {  	s7 =	smul.u32 @!p0 $0xF7A, s2;
	p2 =	seq.s32 @!p0 s5, $0x0  }
0x1f: {  	s9 =	smul.u32 $0xF7A, s1;
	s8 =	simm.s32 @!p0 $0x1BF5;
	p2 =	por !p2, p0  }
0x20: {  	[sflag:s8] =	ssyncset.s32 @!p0 $0xFFFFF086;
	s6 =	sadd.s32 @!p0 s3, s7;
	s7 =	simm.s32 @!p0 $0x108  }
0x21: {  	s3 =	sadd.s32 s3, s9;
	s6 =	sadd.s32 @!p0 $0x88, s6;
	s7 =	simm.s32 @p2 $0x1082  }
0x22: {  	[simem:s7], [sflag:s8] =	dma.local @!p0 [hbm:s6], $0xF7A  }
0x23: {  	s9 =	sor.u32 $0xD0000000, s2;
	s6 =	simm.s32 $0x108;
	_ =	swait.ge @!p0 [sflag:s8], $0x0  }
0x24: {  	s3 =	sadd.s32 $0x88, s3;
	s6 =	simm.s32 @!p1 $0x1082;
	[sflag:s4] =	ssyncset.s32 $0xFFFFF086  }
0x25: {  	[simem:s6], [sflag:s4] =	dma.local [hbm:s3], $0xF7A  }
0x26: {  	[smem:$0x3F95] =	sst s1;
	(tag) =	ssettag s2;
	_ =	strace s9  }
0x27: {  	s1 =	sld [smem:$0x3FA5]  }
0x28: {  	s2 =	sld [smem:$0x3FA6]  }
0x29: {  	s4 =	sld [smem:$0x3FA8]  }
0x2a: {  	p0 =	seq.s32 s5, $0x0;
	s5 =	sld [smem:$0x3FA9]  }
0x2b: {  	s6 =	sld [smem:$0x3FAA]  }
0x2c: {  	s7 =	sld [smem:$0x3FAB]  }
0x2d: {  	s3 =	simm.s32 $0x108;
	s8 =	sld [smem:$0x3FAC]  }
0x2e: {  	s3 =	simm.s32 @!p0 $0x1082;
	s9 =	sld [smem:$0x3FAD]  }
0x2f: {  	lr =	sadd.s32 s0, s3;
	s0 =	sld [smem:$0x3FA4]  }
0x30: {  	s3 =	sld [smem:$0x3FA7]  }
0x31: {  	[smem:$0x3FB0] =	sst s10  }
0x32: {  	s10 =	sld [smem:$0x3FAE];
	_ =	sdelay $0x3  }
0x33: {  	p0 =	seq.s32 s10, $0x1;
	s10 =	sld [smem:$0x3FB0];
	_ =	sdelay $0x3  }
0x34: {  	[smem:$0x3FB0] =	sst s10  }
0x35: {  	s10 =	sld [smem:$0x3FAF];
	_ =	sdelay $0x3  }
0x36: {  	p1 =	seq.s32 s10, $0x1;
	s10 =	sld [smem:$0x3FB0];
	_ =	sdelay $0x3  }
0x37: {  	[smem:$0x3FB0] =	sst s10  }
0x38: {  	s10 =	sld [smem:$0x3FB1]  }
0x39: {  	_ = 	snop;
	(pc) =	sbr.ind lr, $3  }
0x3a: {  	_ = 	snop  }
0x3b: {  	_ = 	snop  }
0x3c: {  	p2 =	seq.s32 s10, $0x1;
	s10 =	sld [smem:$0x3FB0]  }
0x3d: {  	_ =	shalt  }
0x3e: {  	_ =	shalt  }
0x3f: {  	_ =	shalt  }
0x40: {  	_ =	shalt  }
0x41: {  	_ =	shalt  }
0x42: {  	_ =	shalt  }
0x43: {  	_ =	shalt  }
0x44: {  	_ =	shalt  }
0x45: {  	_ =	shalt  }
0x46: {  	_ =	shalt  }
0x47: {  	_ =	shalt  }
0x48: {  	_ =	shalt  }
0x49: {  	_ =	shalt  }
0x4a: {  	_ =	shalt  }
0x4b: {  	_ =	shalt  }
0x4c: {  	_ =	shalt  }
0x4d: {  	_ =	shalt  }
0x4e: {  	_ =	shalt  }
0x4f: {  	_ =	shalt  }
0x50: {  	_ =	shalt  }
0x51: {  	_ =	shalt  }
0x52: {  	_ =	shalt  }
0x53: {  	_ =	shalt  }
0x54: {  	_ =	shalt  }
0x55: {  	_ =	shalt  }
0x56: {  	_ =	shalt  }
0x57: {  	_ =	shalt  }
0x58: {  	_ =	shalt  }
0x59: {  	_ =	shalt  }
0x5a: {  	_ =	shalt  }
0x5b: {  	_ =	shalt  }
0x5c: {  	_ =	shalt  }
0x5d: {  	_ =	shalt  }
0x5e: {  	_ =	shalt  }
0x5f: {  	_ =	shalt  }
0x60: {  	_ =	shalt  }
0x61: {  	_ =	shalt  }
0x62: {  	_ =	shalt  }
0x63: {  	_ =	shalt  }
0x64: {  	_ =	shalt  }
0x65: {  	_ =	shalt  }
0x66: {  	_ =	shalt  }
0x67: {  	_ =	shalt  }
0x68: {  	_ =	shalt  }
0x69: {  	_ =	shalt  }
0x6a: {  	_ =	shalt  }
0x6b: {  	_ =	shalt  }
0x6c: {  	_ =	shalt  }
0x6d: {  	_ =	shalt  }
0x6e: {  	_ =	shalt  }
0x6f: {  	_ =	shalt  }
0x70: {  	_ =	shalt  }
0x71: {  	_ =	shalt  }
0x72: {  	_ =	shalt  }
0x73: {  	_ =	shalt  }
0x74: {  	_ =	shalt  }
0x75: {  	_ =	shalt  }
0x76: {  	_ =	shalt  }
0x77: {  	_ =	shalt  }
0x78: {  	_ =	shalt  }
0x79: {  	_ =	shalt  }
0x7a: {  	_ =	shalt  }
0x7b: {  	_ =	shalt  }
0x7c: {  	_ =	shalt  }
0x7d: {  	_ =	shalt  }
0x7e: {  	_ =	shalt  }
0x7f: {  	_ =	shalt  }
0x80: {  	_ =	shalt  }
0x81: {  	_ =	shalt  }
0x82: {  	_ =	shalt  }
0x83: {  	_ =	shalt  }
0x84: {  	_ =	shalt  }
0x85: {  	_ =	shalt  }
0x86: {  	_ =	shalt  }
0x87: {  	_ =	shalt  }
.Lfunc_end0:
.L_simem_size_0:
called_computation.4_lowered:
.L_overlay_start_0:
0x88: {  	s2 =	sld [smem:$0x3FD9]  }
0x89: {  	s3 =	sld [smem:$0x3FFE];
	_ =	sdelay $0x1  }
0x8a: {  	s1 =	srdreg.scid  }
0x8b: {  	s0 =	sand.u32 $0x1, s1  }
0x8c: {  	s16 =	sshll.u32 s0, $0xA;
	s2 =	sadd.s32 s3, s2  }
0x8d: {  	s2 =	sadd.s32 s2, s16  }
0x8e: {  	[smem:$0x3FBC] =	sst s2  }
0x8f: {  	_ = 	snop  }
0x90: {  	(tm) =	ssettm $0x1  }
0x91: {  	s17 =	sld [smem:$0x3FFB];
	_ =	sdelay $0x3  }
0x92: {  	_ =	strace s17  }
0x93: {  	s2 =	sld [smem:$0x3FFC];
	_ =	sdelay $0x3  }
0x94: {  	_ =	strace s2  }
0x95: {  	s2 =	sld [smem:$0x3FFD];
	_ =	sdelay $0x3  }
0x96: {  	_ =	strace s2  }
0x97: {  	_ =	strace $0x8FFFFFFF  }
0x98: {  	s18 =	sld [smem:$0x3FDB];
	_ =	sdelay $0x1  }
0x99: {  	s19 =	simm.s32 $_scs_section_size  }
0x9a: {  	s4 =	simm.s32 $_size__tile_overlayer_lowered;
	s5 =	simm.s32 $_tile_overlayer_lowered  }
0x9b: {  	s22 =	simm.s32 $0x1BFF;
	s21 =	sshll.u32 s5, $0x1;
	s2 =	sadd.s32 s19, s18  }
0x9c: {  	s6 =	simm.s32 $0x0;
	s20 =	sshll.u32 s4, $0x1;
	s4 =	sadd.s32 s21, s2  }
0x9d: {  	[timem:s6], [sflag:s22] =	dma.local [hbm:s4], s20  }
0x9e: {  	_ =	swait.ge [sflag:s22], s20  }
0x9f: {  	s3 =	ssub.s32 $0x0, s20;
	[sflag:s22] =	ssyncset.done $0x0  }
0xa0: {  	[sflag:s22] =	ssyncadd.s32 s3;
	_ =	sdelay $0x1  }
0xa1: {  	s23 =	simm.s32 $0x1B8B  }
0xa2: {  	_ =	swait.ge [sflag:s23], $0x1  }
0xa3: {  	[sflag:s23] =	ssyncset.done $0x0  }
0xa4: {  	s25 =	simm.s32 $0x1B8E;
	s24 =	sld [smem:$0x3FFE];
	[sflag:s23] =	ssyncadd.s32 $0xFFFFFFFF  }
0xa5: {  	s26 =	simm.s32 $execute0_lowered;
	[smem:$0x3FD2] =	sst s25  }
0xa6: {  	s4 =	sshll.u32 s26, $0x1;
	_ =	strace $0x80000052;
	[dreg:$0x1] =	wrdreg $0xFFFFFFFF  }
0xa7: {  	s28 =	simm.s32 $_size_execute0_lowered;
	s2 =	sadd.s32 s2, s4;
	[dreg:$0x0] =	wrdreg $0x0  }
0xa8: {  	s4 =	sshll.u32 s28, $0x1;
	[dreg:$0x2] =	wrdreg s2  }
0xa9: {  	[dreg:$0x3] =	wrdreg s4  }
0xaa: {  	[dreg:$0x4] =	wrdreg $0xC0  }
0xab: {  	_ =	task [dreg:s6], $0x5FFFF  }
0xac: {  	[dreg:$0x1] =	wrdreg $0xFFFFFFFF  }
0xad: {  	[dreg:$0x0] =	wrdreg $0x60  }
0xae: {  	[dreg:$0x2] =	wrdreg s24  }
0xaf: {  	[dreg:$0x3] =	wrdreg $0xEE200  }
0xb0: {  	[dreg:$0x4] =	wrdreg $0x9  }
0xb1: {  	_ =	task.clear_ibuf [dreg:s6], $0x5FFFF;
	_ =	strace $0x90000052  }
0xb2: {  	s29 =	simm.s32 $0x9;
	_ =	strace $0x80000054  }
0xb3: {  	_ =	swait.ge [sflag:s29], $0x1  }
0xb4: {  	[sflag:s29] =	ssyncadd.s32 $0xFFFFFFFF  }
0xb5: {  	_ =	strace $0x90000054  }
0xb6: {  	_ =	sfence  }
0xb7: {  	s30 =	sld [smem:$0x0];
	_ =	sdelay $0x2  }
0xb8: {  	s31 =	sshll.u32 s1, $0xD;
	s1 =	sshrl.u32 s1, $0x2  }
0xb9: {  	s3 =	sand.u32 $0x4000, s31;
	s1 =	sadd.s32 s1, s30  }
0xba: {  	s0 =	sor.u32 s3, s0;
	s1 =	sshll.u32 s1, $0x11  }
0xbb: {  	s0 =	sor.u32 s1, s0  }
0xbc: {  	s0 =	sadd.s32 $0x8F2B, s0  }
0xbd: {  	[sflag:s0] =	ssyncadd.remote.s32 $0x1  }
0xbe: {  	_ =	sfence.sel $0xFFFF  }
0xbf: {  	[dreg:$0x0] =	wrdreg $0xFFFFFFFF;
	(pc) =	sbr.abs _section_cstart, $3  }
0xc0: {  	[dreg:$0x1] =	wrdreg $0xFFFFFFFF  }
0xc1: {  	_ =	task.clear_ibuf [dreg:s6], $0x2FFFF;
	_ =	strace $0x9FFFFFFF  }
0xc2: {  	(tm) =	ssettm $0x7FFFFFFF  }
0xc3: {  	_ =	shalt  }
tec
execute0_lowered:
.L_overlay_start_1:
0x0: {  	(tag) =	ssettag $0x1  }
0x1: {  	s0 =	srdreg.scid  }
0x2: {  	s4 =	stileid.u32;
	s5 =	rddreg [dreg:$0x0]  }
0x3: {  	s2 =	rddreg [dreg:$0x1];
	s3 =	simm.s32 $0x0;
	s11 =	simm.s32 $0x4E20  }
0x4: {  	s12 =	simm.s32 $0x6;
	s14 =	simm.s32 $0x50;
	s15 =	simm.s32 $0x18E20  }
0x5: {  	s16 =	simm.s32 $0x1A220;
	s18 =	simm.s32 $0x1B620;
	s20 =	simm.s32 $0x1CA20  }
0x6: {  	s22 =	simm.s32 $0x1DE20;
	s23 =	simm.s32 $0x1;
	s28 =	simm.s32 $0x5  }
0x7: {  	s29 =	simm.s32 $0x4C90;
	s30 =	simm.s32 $0x4CE0;
	s31 =	simm.s32 $0x4D30  }
0x8: {  	s13 =	simm.s32 $0x0;
	s0 =	sand.u32 $0x1, s0;
	s6 =	smul.u32 $0xA000, s4  }
0x9: {  	s7 =	smul.u32 $0x1400, s4;
	[smem:$0x7FF] =	sst s3;
	s1 =	sshll.u32 s0, $0x4  }
0xa: {  	s8 =	smul.u32 $0x14000, s0;
	_ =	strace $0x80000053;
	s0 =	ssub.s32 $0x2, s0  }
0xb: {  	s1 =	sor.u32 s4, s1;
	s4 =	sadd.s32 $0x17E00, s5;
	s9 =	sshrl.u32 s6, $0x3  }
0xc: {  	s26 =	sshrl.u32 s0, $0x1;
	s6 =	sadd.s32 s6, s2;
	s1 =	smul.u32 $0x4E2, s1  }
0xd: {  	s7 =	sadd.s32 s7, s8;
	s24 =	sadd.s32 s9, s5;
	s0 =	ssub.s32 s0, s26  }
0xe: {  	s26 =	simm.s32 $0x4;
	s25 =	sadd.s32 s7, s5;
	s10 =	smax.u32 s0, $0x1  }
0xf: {  	s0 =	simm.s32 $0x4DD0;
	s1 =	sadd.s32 s1, s5;
	s5 =	sadd.s32 $0x2B800, s24  }
0x10: {  	s9 =	sadd.s32 $0x3F800, s25;
	s24 =	simm.s32 $0x2;
	s25 =	simm.s32 $0x3  }
0x11: {  	s7 =	sadd.s32 $0x4200, s1;
	s8 =	sadd.s32 $0xE000, s1;
	s1 =	simm.s32 $0x4D80  }
.LBB2_1:
0x12: {  	[tilespmem:s11], [sflag:$0x6] =	stream.linear.gather [hbm4b:s5+s3], $0xA000, $0x38;
	[tilespmem:$0x1F220] =	vst v63  }
0x13: {  	_ =	swait.ge [sflag:s12], $0xA000  }
0x14: {  	[sflag:s12] =	ssyncset.done $0x0  }
0x15: {  	[sflag:s12] =	ssyncadd.s32 $0xFFFF6000  }
0x16: {  	[spmem:s6] =	stream.linear.scatter [tilespmem:s11], [sflag:$0x6], $0xA000, $0x38;
	[tilespmem:$0x1F220] =	vst v63  }
0x17: {  	_ =	swait.ge [sflag:s12], $0xA000  }
0x18: {  	[sflag:s12] =	ssyncset.done $0x0  }
0x19: {  	[sflag:s12] =	ssyncadd.s32 $0xFFFF6000  }
0x1a: {  	[tilespmem:s3], [sflag:$0x6] =	stream.linear.gather [hbm4b:s7+s3], $0x2710, $0x38;
	[tilespmem:$0x1F220] =	vst v63  }
0x1b: {  	_ =	swait.ge [sflag:s12], $0x2710  }
0x1c: {  	[sflag:s12] =	ssyncset.done $0x0  }
0x1d: {  	s17 =	simm.s32 $0x2710;
	[sflag:s12] =	ssyncadd.s32 $0xFFFFD8F0  }
0x1e: {  	[tilespmem:s17], [sflag:$0x6] =	stream.linear.gather [hbm4b:s8+s3], $0x2710, $0x38;
	[tilespmem:$0x1F220] =	vst v63  }
0x1f: {  	_ =	swait.ge [sflag:s12], $0x2710  }
0x20: {  	[sflag:s12] =	ssyncset.done $0x0  }
0x21: {  	[sflag:s12] =	ssyncadd.s32 $0xFFFFD8F0  }
0x22: {  	[bflag:$0x0] =	sbarrier.arrive $0xFFFF  }
0x23: {  	[tilespmem:s15], [sflag:$0x1] =	stream.indirect.gather [hbm4b:s4+s14], $0x40, s3, s14, $0xb8;
	[tilespmem:$0x1F220] =	vst v63  }
0x24: {  	_ = 	snop  }
0x25: {  	[tilespmem:s16], [sflag:$0x2] =	stream.indirect.gather [hbm4b:s4+s14], $0x40, s14, s14, $0xb8;
	[tilespmem:$0x1F220] =	vst v63  }
0x26: {  	s19 =	simm.s32 $0xA0  }
0x27: {  	[tilespmem:s18], [sflag:$0x3] =	stream.indirect.gather [hbm4b:s4+s14], $0x40, s19, s14, $0xb8;
	[tilespmem:$0x1F220] =	vst v63  }
0x28: {  	s21 =	simm.s32 $0xF0  }
0x29: {  	[tilespmem:s20], [sflag:$0x4] =	stream.indirect.gather [hbm4b:s4+s14], $0x40, s21, s14, $0xb8;
	[tilespmem:$0x1F220] =	vst v63  }
0x2a: {  	s19 =	simm.s32 $0x140  }
0x2b: {  	[tilespmem:s22], [sflag:$0x5] =	stream.indirect.gather [hbm4b:s4+s14], $0x40, s19, s14, $0xb8;
	[tilespmem:$0x1F220] =	vst v63  }
0x2c: {  	_ =	swait.ge [sflag:s23], $0x1400  }
0x2d: {  	[sflag:s23] =	ssyncset.done $0x0  }
0x2e: {  	s21 =	simm.s32 $0x2710;
	[sflag:s23] =	ssyncadd.s32 $0xFFFFEC00  }
0x2f: {  	[spmem:s2] =	stream.indirect.scatter.add.f32 [tilespmem:s15], [sflag:$0x6], $0x40, s21, s14, $0xb8;
	[tilespmem:$0x1F220] =	vst v63  }
0x30: {  	_ =	swait.ge [sflag:s12], $0x1400  }
0x31: {  	[sflag:s12] =	ssyncset.done $0x0  }
0x32: {  	s19 =	simm.s32 $0x190;
	[sflag:s12] =	ssyncadd.s32 $0xFFFFEC00  }
0x33: {  	[tilespmem:s15], [sflag:$0x1] =	stream.indirect.gather [hbm4b:s4+s14], $0x40, s19, s14, $0xb8;
	[tilespmem:$0x1F220] =	vst v63  }
0x34: {  	_ =	swait.ge [sflag:s24], $0x1400  }
0x35: {  	[sflag:s24] =	ssyncset.done $0x0  }
0x36: {  	s21 =	simm.s32 $0x2760;
	[sflag:s24] =	ssyncadd.s32 $0xFFFFEC00  }
0x37: {  	[spmem:s2] =	stream.indirect.scatter.add.f32 [tilespmem:s16], [sflag:$0x6], $0x40, s21, s14, $0xb8;
	[tilespmem:$0x1F220] =	vst v63  }
0x38: {  	_ =	swait.ge [sflag:s12], $0x1400  }
0x39: {  	[sflag:s12] =	ssyncset.done $0x0  }
0x3a: {  	s19 =	simm.s32 $0x1E0;
	[sflag:s12] =	ssyncadd.s32 $0xFFFFEC00  }
0x3b: {  	[tilespmem:s16], [sflag:$0x2] =	stream.indirect.gather [hbm4b:s4+s14], $0x40, s19, s14, $0xb8;
	[tilespmem:$0x1F220] =	vst v63  }
0x3c: {  	_ =	swait.ge [sflag:s25], $0x1400  }
0x3d: {  	[sflag:s25] =	ssyncset.done $0x0  }
0x3e: {  	s21 =	simm.s32 $0x27B0;
	[sflag:s25] =	ssyncadd.s32 $0xFFFFEC00  }
0x3f: {  	[spmem:s2] =	stream.indirect.scatter.add.f32 [tilespmem:s18], [sflag:$0x6], $0x40, s21, s14, $0xb8;
	[tilespmem:$0x1F220] =	vst v63  }
0x40: {  	_ =	swait.ge [sflag:s12], $0x1400  }
0x41: {  	[sflag:s12] =	ssyncset.done $0x0  }
0x42: {  	s19 =	simm.s32 $0x230;
	[sflag:s12] =	ssyncadd.s32 $0xFFFFEC00  }
0x43: {  	[tilespmem:s18], [sflag:$0x3] =	stream.indirect.gather [hbm4b:s4+s14], $0x40, s19, s14, $0xb8;
	[tilespmem:$0x1F220] =	vst v63  }
0x44: {  	_ =	swait.ge [sflag:s26], $0x1400  }
0x45: {  	[sflag:s26] =	ssyncset.done $0x0  }
0x46: {  	s21 =	simm.s32 $0x2800;
	[sflag:s26] =	ssyncadd.s32 $0xFFFFEC00  }
0x47: {  	[spmem:s2] =	stream.indirect.scatter.add.f32 [tilespmem:s20], [sflag:$0x6], $0x40, s21, s14, $0xb8;
	[tilespmem:$0x1F220] =	vst v63  }
0x48: {  	_ =	swait.ge [sflag:s12], $0x1400  }
0x49: {  	[sflag:s12] =	ssyncset.done $0x0  }
0x4a: {  	s19 =	simm.s32 $0x280;
	[sflag:s12] =	ssyncadd.s32 $0xFFFFEC00  }
0x4b: {  	[tilespmem:s20], [sflag:$0x4] =	stream.indirect.gather [hbm4b:s4+s14], $0x40, s19, s14, $0xb8;
	[tilespmem:$0x1F220] =	vst v63  }
0x4c: {  	_ =	swait.ge [sflag:s28], $0x1400  }
0x4d: {  	[sflag:s28] =	ssyncset.done $0x0  }
0x4e: {  	s21 =	simm.s32 $0x2850;
	[sflag:s28] =	ssyncadd.s32 $0xFFFFEC00  }
0x4f: {  	[spmem:s2] =	stream.indirect.scatter.add.f32 [tilespmem:s22], [sflag:$0x6], $0x40, s21, s14, $0xb8;
	[tilespmem:$0x1F220] =	vst v63  }
0x50: {  	_ =	swait.ge [sflag:s12], $0x1400  }
0x51: {  	[sflag:s12] =	ssyncset.done $0x0  }
0x52: {  	s17 =	simm.s32 $0x640;
	s19 =	simm.s32 $0x2D0;
	[sflag:s12] =	ssyncadd.s32 $0xFFFFEC00  }
.LBB2_2:
0x53: {  	[tilespmem:s22], [sflag:$0x5] =	stream.indirect.gather [hbm4b:s4+s14], $0x40, s19, s14, $0xb8;
	[tilespmem:$0x1F220] =	vst v63  }
0x54: {  	s19 =	smov.u32 s17  }
0x55: {  	p0 =	sne.s32 s17, $0x8FC0;
	s17 =	sadd.s32 $0x640, s17;
	_ =	swait.ge [sflag:s23], $0x1400  }
0x56: {  	s19 =	sshra.s32 s19, $0x2;
	[sflag:s23] =	ssyncset.done $0x0  }
0x57: {  	s21 =	sadd.s32 $0x2710, s19;
	[sflag:s23] =	ssyncadd.s32 $0xFFFFEC00  }
0x58: {  	[spmem:s2] =	stream.indirect.scatter.add.f32 [tilespmem:s15], [sflag:$0x6], $0x40, s21, s14, $0xb8;
	[tilespmem:$0x1F220] =	vst v63  }
0x59: {  	_ =	swait.ge [sflag:s12], $0x1400  }
0x5a: {  	[sflag:s12] =	ssyncset.done $0x0  }
0x5b: {  	s21 =	sadd.s32 $0x190, s19;
	[sflag:s12] =	ssyncadd.s32 $0xFFFFEC00  }
0x5c: {  	[tilespmem:s15], [sflag:$0x1] =	stream.indirect.gather [hbm4b:s4+s14], $0x40, s21, s14, $0xb8;
	[tilespmem:$0x1F220] =	vst v63  }
0x5d: {  	_ =	swait.ge [sflag:s24], $0x1400  }
0x5e: {  	[sflag:s24] =	ssyncset.done $0x0  }
0x5f: {  	s21 =	sadd.s32 $0x2760, s19;
	[sflag:s24] =	ssyncadd.s32 $0xFFFFEC00  }
0x60: {  	[spmem:s2] =	stream.indirect.scatter.add.f32 [tilespmem:s16], [sflag:$0x6], $0x40, s21, s14, $0xb8;
	[tilespmem:$0x1F220] =	vst v63  }
0x61: {  	_ =	swait.ge [sflag:s12], $0x1400  }
0x62: {  	[sflag:s12] =	ssyncset.done $0x0  }
0x63: {  	s21 =	sadd.s32 $0x1E0, s19;
	[sflag:s12] =	ssyncadd.s32 $0xFFFFEC00  }
0x64: {  	[tilespmem:s16], [sflag:$0x2] =	stream.indirect.gather [hbm4b:s4+s14], $0x40, s21, s14, $0xb8;
	[tilespmem:$0x1F220] =	vst v63  }
0x65: {  	_ =	swait.ge [sflag:s25], $0x1400  }
0x66: {  	[sflag:s25] =	ssyncset.done $0x0  }
0x67: {  	s21 =	sadd.s32 $0x27B0, s19;
	[sflag:s25] =	ssyncadd.s32 $0xFFFFEC00  }
0x68: {  	[spmem:s2] =	stream.indirect.scatter.add.f32 [tilespmem:s18], [sflag:$0x6], $0x40, s21, s14, $0xb8;
	[tilespmem:$0x1F220] =	vst v63  }
0x69: {  	_ =	swait.ge [sflag:s12], $0x1400  }
0x6a: {  	[sflag:s12] =	ssyncset.done $0x0  }
0x6b: {  	s21 =	sadd.s32 $0x230, s19;
	[sflag:s12] =	ssyncadd.s32 $0xFFFFEC00  }
0x6c: {  	[tilespmem:s18], [sflag:$0x3] =	stream.indirect.gather [hbm4b:s4+s14], $0x40, s21, s14, $0xb8;
	[tilespmem:$0x1F220] =	vst v63  }
0x6d: {  	_ =	swait.ge [sflag:s26], $0x1400  }
0x6e: {  	[sflag:s26] =	ssyncset.done $0x0  }
0x6f: {  	s21 =	sadd.s32 $0x2800, s19;
	[sflag:s26] =	ssyncadd.s32 $0xFFFFEC00  }
0x70: {  	[spmem:s2] =	stream.indirect.scatter.add.f32 [tilespmem:s20], [sflag:$0x6], $0x40, s21, s14, $0xb8;
	[tilespmem:$0x1F220] =	vst v63  }
0x71: {  	_ =	swait.ge [sflag:s12], $0x1400  }
0x72: {  	[sflag:s12] =	ssyncset.done $0x0  }
0x73: {  	s21 =	sadd.s32 $0x280, s19;
	[sflag:s12] =	ssyncadd.s32 $0xFFFFEC00  }
0x74: {  	[tilespmem:s20], [sflag:$0x4] =	stream.indirect.gather [hbm4b:s4+s14], $0x40, s21, s14, $0xb8;
	[tilespmem:$0x1F220] =	vst v63  }
0x75: {  	_ =	swait.ge [sflag:s28], $0x1400  }
0x76: {  	[sflag:s28] =	ssyncset.done $0x0  }
.Ltmp0:
0x77: {  	s21 =	sadd.s32 $0x2850, s19;
	[sflag:s28] =	ssyncadd.s32 $0xFFFFEC00;
	(pc) =	sbr.rel @p0 .LBB2_2-.Ltmp0, $4  }
0x78: {  	[spmem:s2] =	stream.indirect.scatter.add.f32 [tilespmem:s22], [sflag:$0x6], $0x40, s21, s14, $0xb8;
	[tilespmem:$0x1F220] =	vst v63  }
0x79: {  	_ =	swait.ge [sflag:s12], $0x1400  }
0x7a: {  	[sflag:s12] =	ssyncset.done $0x0  }
0x7b: {  	s19 =	sadd.s32 $0x2D0, s19;
	[sflag:s12] =	ssyncadd.s32 $0xFFFFEC00  }
0x7c: {  	[tilespmem:s22], [sflag:$0x5] =	stream.indirect.gather [hbm4b:s4+s14], $0x40, s19, s14, $0xb8;
	[tilespmem:$0x1F220] =	vst v63  }
0x7d: {  	_ =	swait.ge [sflag:s23], $0x1400  }
0x7e: {  	[sflag:s23] =	ssyncset.done $0x0  }
0x7f: {  	[sflag:s23] =	ssyncadd.s32 $0xFFFFEC00  }
0x80: {  	[spmem:s2] =	stream.indirect.scatter.add.f32 [tilespmem:s15], [sflag:$0x6], $0x40, s29, s14, $0xb8;
	[tilespmem:$0x1F220] =	vst v63  }
0x81: {  	_ =	swait.ge [sflag:s12], $0x1400  }
0x82: {  	[sflag:s12] =	ssyncset.done $0x0  }
0x83: {  	[sflag:s12] =	ssyncadd.s32 $0xFFFFEC00  }
0x84: {  	_ =	swait.ge [sflag:s24], $0x1400  }
0x85: {  	[sflag:s24] =	ssyncset.done $0x0  }
0x86: {  	[sflag:s24] =	ssyncadd.s32 $0xFFFFEC00  }
0x87: {  	[spmem:s2] =	stream.indirect.scatter.add.f32 [tilespmem:s16], [sflag:$0x6], $0x40, s30, s14, $0xb8;
	[tilespmem:$0x1F220] =	vst v63  }
0x88: {  	_ =	swait.ge [sflag:s12], $0x1400  }
0x89: {  	[sflag:s12] =	ssyncset.done $0x0  }
0x8a: {  	[sflag:s12] =	ssyncadd.s32 $0xFFFFEC00  }
0x8b: {  	_ =	swait.ge [sflag:s25], $0x1400  }
0x8c: {  	[sflag:s25] =	ssyncset.done $0x0  }
0x8d: {  	[sflag:s25] =	ssyncadd.s32 $0xFFFFEC00  }
0x8e: {  	[spmem:s2] =	stream.indirect.scatter.add.f32 [tilespmem:s18], [sflag:$0x6], $0x40, s31, s14, $0xb8;
	[tilespmem:$0x1F220] =	vst v63  }
0x8f: {  	_ =	swait.ge [sflag:s12], $0x1400  }
0x90: {  	[sflag:s12] =	ssyncset.done $0x0  }
0x91: {  	[sflag:s12] =	ssyncadd.s32 $0xFFFFEC00  }
0x92: {  	_ =	swait.ge [sflag:s26], $0x1400  }
0x93: {  	[sflag:s26] =	ssyncset.done $0x0  }
0x94: {  	[sflag:s26] =	ssyncadd.s32 $0xFFFFEC00  }
0x95: {  	[spmem:s2] =	stream.indirect.scatter.add.f32 [tilespmem:s20], [sflag:$0x6], $0x40, s1, s14, $0xb8;
	[tilespmem:$0x1F220] =	vst v63  }
0x96: {  	_ =	swait.ge [sflag:s12], $0x1400  }
0x97: {  	[sflag:s12] =	ssyncset.done $0x0  }
0x98: {  	[sflag:s12] =	ssyncadd.s32 $0xFFFFEC00  }
0x99: {  	_ =	swait.ge [sflag:s28], $0x1400  }
0x9a: {  	[sflag:s28] =	ssyncset.done $0x0  }
0x9b: {  	[sflag:s28] =	ssyncadd.s32 $0xFFFFEC00  }
0x9c: {  	[spmem:s2] =	stream.indirect.scatter.add.f32 [tilespmem:s22], [sflag:$0x6], $0x40, s0, s14, $0xb8;
	[tilespmem:$0x1F220] =	vst v63  }
0x9d: {  	_ =	swait.ge [sflag:s12], $0x1400  }
0x9e: {  	[sflag:s12] =	ssyncset.done $0x0  }
0x9f: {  	[sflag:s12] =	ssyncadd.s32 $0xFFFFEC00  }
0xa0: {  	[bflag:$0x0] =	sbarrier.arrive $0xFFFF  }
0xa1: {  	[tilespmem:s11], [sflag:$0x6] =	stream.linear.gather [spmem:s6], $0xA000, $0x38;
	[tilespmem:$0x1F220] =	vst v63  }
0xa2: {  	s13 =	sadd.s32 $0x1, s13;
	_ =	swait.ge [sflag:s12], $0xA000  }
0xa3: {  	p0 =	sne.s32 s13, s10;
	[sflag:s12] =	ssyncset.done $0x0  }
.Ltmp1:
0xa4: {  	[sflag:s12] =	ssyncadd.s32 $0xFFFF6000;
	(pc) =	sbr.rel @p0 .LBB2_1-.Ltmp1, $4  }
0xa5: {  	[hbm4b:s9+s3] =	stream.linear.scatter [tilespmem:s11], [sflag:$0x6], $0xA000, $0x38;
	[tilespmem:$0x1F220] =	vst v63  }
0xa6: {  	_ =	swait.ge [sflag:s12], $0xA000  }
0xa7: {  	[sflag:s12] =	ssyncset.done $0x0  }
0xa8: {  	[sflag:s12] =	ssyncadd.s32 $0xFFFF6000  }
0xa9: {  	_ =	sfence.sel $0x180000  }
0xaa: {  	[bflag:$0x0] =	sbarrier.arrive $0xFFFF  }
0xab: {  	_ =	strace $0x90000053  }
0xac: {  	s0 =	stileid.u32;
	[bflag:$0x2] =	sbarrier.arrive $0xFFFF  }
0xad: {  	p0 =	sne.s32 s0, $0x0;
	s0 =	rddreg [dreg:$0x2]  }
0xae: {  	s0 =	sadd.s32 @!p0 $0x100000, s0  }
0xaf: {  	[sflag:s0] =	ssyncadd.tile.s32 @!p0 $0x1;
	_ =	shalt  }
.Lfunc_end2:
_tile_overlayer_lowered:
.L_overlay_start_2:
0xb0: {  	(tag) =	ssettag $0x2  }
0xb1: {  	s0 =	rddreg [dreg:$0x0];
	s2 =	stileid.u32  }
0xb2: {  	s1 =	rddreg [dreg:$0x1];
	p0 =	sne.s32 s2, $0x0  }
0xb3: {  	s3 =	rddreg [dreg:$0x2];
	[bflag:$0x3] =	sbarrier.arrive $0xFFFF;
	s2 =	simm.s32 @!p0 $0x1C06  }
0xb4: {  	[timem:s3], [sflag:s2] =	dma.local @!p0 [hbm:s0], s1  }
0xb5: {  	s0 =	simm.s32 @!p0 $0x6  }
0xb6: {  	_ =	swait.ge @!p0 [sflag:s0], s1  }
0xb7: {  	s1 =	ssub.s32 @!p0 $0x0, s1;
	[sflag:s0] =	ssyncset.done @!p0 $0x0  }
0xb8: {  	[sflag:s0] =	ssyncadd.s32 @!p0 s1  }
0xb9: {  	[bflag:$0x3] =	sbarrier.arrive $0xFFFF  }
0xba: {  	_ =	shalt  }

</sc_bundles>
